<compile_context>
chip_gen: v7x
topology: tpu7x:2x2x1
jax: 0.10.2.dev20260603
libtpu: 0.0.44.dev20260713+nightly
codegen_flags: <defaults>
</compile_context>

<pallas_src>
import functools

import jax
import jax.numpy as jnp
from jax import lax
from jax.experimental import pallas as pl
from jax.experimental.pallas import tpu as pltpu
from jax.experimental.pallas import tpu_sc as plsc

N = 10000
E = 320000
D = 128
DE = 16

NC = 2
NS = 16
NW = NC * NS
EPT = E // NW
CH = 80
NCHUNK = EPT // CH
ZR = 624
ZTAIL = N - NS * ZR


def _sc_msg_body(h_hbm, ep_hbm, src_hbm, dst_hbm, zero_hbm, out_hbm,
                 shared,
                 srcb0, srcb1, srcb2, srcb3,
                 dstb0, dstb1, dstb2, dstb3,
                 rows0, rows1, epb0, epb1,
                 gsem0, gsem1, esem0, esem1,
                 isrc0, isrc1, isrc2, isrc3,
                 idst0, idst1, idst2, idst3):
  c = lax.axis_index("c")
  s = lax.axis_index("s")
  wid = s * NC + c
  srcb = (srcb0, srcb1, srcb2, srcb3)
  dstb = (dstb0, dstb1, dstb2, dstb3)
  rows = (rows0, rows1)
  epb = (epb0, epb1)
  gsem = (gsem0, gsem1)
  esem = (esem0, esem1)
  isrc = (isrc0, isrc1, isrc2, isrc3)
  idst = (idst0, idst1, idst2, idst3)

  pltpu.sync_copy(zero_hbm.at[pl.ds(s * ZR, ZR)],
                  shared.at[pl.ds(s * ZR, ZR)])

  @pl.when(s == NS - 1)
  def _zero_tail():
    pltpu.sync_copy(zero_hbm.at[pl.ds(NS * ZR, ZTAIL)],
                    shared.at[pl.ds(NS * ZR, ZTAIL)])
  plsc.subcore_barrier()

  base = wid * EPT

  def fetch_idx(chunk, q):
    pltpu.async_copy(src_hbm.at[wid, chunk], srcb[q], isrc[q])
    pltpu.async_copy(dst_hbm.at[wid, chunk], dstb[q], idst[q])

  def fetch_data(chunk, b, q):
    pltpu.make_async_copy(src_hbm.at[wid, chunk], srcb[q], isrc[q]).wait()
    pltpu.async_copy(h_hbm.at[srcb[q]], rows[b], gsem[b])
    pltpu.async_copy(ep_hbm.at[pl.ds(base + chunk * CH, CH)], epb[b], esem[b])

  fetch_idx(0, 0)
  fetch_idx(1, 1)
  fetch_data(0, 0, 0)

  def quad(i, carry):
    k = i * 4
    for u in range(4):
      chunk = k + u
      b = u % 2
      q = u

      @pl.when(chunk < NCHUNK)
      def _step():
        @pl.when(chunk + 2 < NCHUNK)
        def _next_idx():
          fetch_idx(chunk + 2, (q + 2) % 4)

        pltpu.make_async_copy(h_hbm.at[srcb[q]], rows[b], gsem[b]).wait()
        pltpu.make_async_copy(ep_hbm.at[pl.ds(0, CH)], epb[b], esem[b]).wait()

        @pl.when(chunk + 1 < NCHUNK)
        def _next_data():
          fetch_data(chunk + 1, 1 - b, (q + 1) % 4)

        def edge(e, carry2):
          for j in range(D // 16):
            sl = pl.ds(j * 16, 16)
            rows[b][e, sl] = jnp.maximum(rows[b][e, sl] + epb[b][e, sl], 0.0)
          return carry2

        lax.fori_loop(0, CH, edge, 0)
        pltpu.make_async_copy(dst_hbm.at[wid, chunk], dstb[q], idst[q]).wait()
        pltpu.sync_copy(rows[b], shared.at[dstb[q]], add=True)
    return carry

  lax.fori_loop(0, (NCHUNK + 3) // 4, quad, 0)
  plsc.subcore_barrier()
  pltpu.sync_copy(shared.at[pl.ds(s * ZR, ZR)],
                  out_hbm.at[c, pl.ds(s * ZR, ZR)])

  @pl.when(s == NS - 1)
  def _dump_tail():
    pltpu.sync_copy(shared.at[pl.ds(NS * ZR, ZTAIL)],
                    out_hbm.at[c, pl.ds(NS * ZR, ZTAIL)])


_sc_msg = pl.kernel(
    _sc_msg_body,
    out_type=jax.ShapeDtypeStruct((NC, N, D), jnp.float32),
    mesh=plsc.VectorSubcoreMesh(core_axis_name="c", subcore_axis_name="s"),
    scratch_types=[
        pltpu.VMEM_SHARED((N, D), jnp.float32),
        pltpu.VMEM((CH,), jnp.int32),
        pltpu.VMEM((CH,), jnp.int32),
        pltpu.VMEM((CH,), jnp.int32),
        pltpu.VMEM((CH,), jnp.int32),
        pltpu.VMEM((CH,), jnp.int32),
        pltpu.VMEM((CH,), jnp.int32),
        pltpu.VMEM((CH,), jnp.int32),
        pltpu.VMEM((CH,), jnp.int32),
        pltpu.VMEM((CH, D), jnp.float32),
        pltpu.VMEM((CH, D), jnp.float32),
        pltpu.VMEM((CH, D), jnp.float32),
        pltpu.VMEM((CH, D), jnp.float32),
        pltpu.SemaphoreType.DMA,
        pltpu.SemaphoreType.DMA,
        pltpu.SemaphoreType.DMA,
        pltpu.SemaphoreType.DMA,
        pltpu.SemaphoreType.DMA,
        pltpu.SemaphoreType.DMA,
        pltpu.SemaphoreType.DMA,
        pltpu.SemaphoreType.DMA,
        pltpu.SemaphoreType.DMA,
        pltpu.SemaphoreType.DMA,
        pltpu.SemaphoreType.DMA,
        pltpu.SemaphoreType.DMA,
    ],
)


def _eproj_body(attr_ref, we_ref, out_ref):
  out_ref[...] = jnp.dot(attr_ref[...], we_ref[...],
                         preferred_element_type=jnp.float32)


def _eproj(attr, We):
  BE = 4000
  return pl.pallas_call(
      _eproj_body,
      grid=(E // BE,),
      in_specs=[
          pl.BlockSpec((BE, DE), lambda i: (i, 0)),
          pl.BlockSpec((DE, D), lambda i: (0, 0)),
      ],
      out_specs=pl.BlockSpec((BE, D), lambda i: (i, 0)),
      out_shape=jax.ShapeDtypeStruct((E, D), jnp.float32),
  )(attr, We)


def _dense_body(h_ref, p_ref, ws_ref, wn_ref, b_ref, g_ref, beta_ref,
                out_ref):
  agg = p_ref[0] + p_ref[1]
  y = (jnp.dot(h_ref[...], ws_ref[...], preferred_element_type=jnp.float32)
       + jnp.dot(agg, wn_ref[...], preferred_element_type=jnp.float32)
       + b_ref[...])
  mu = jnp.mean(y, axis=-1, keepdims=True)
  var = jnp.mean((y - mu) * (y - mu), axis=-1, keepdims=True)
  y = (y - mu) * lax.rsqrt(var + 1e-5) * g_ref[...] + beta_ref[...]
  out_ref[...] = jnp.maximum(y, 0.0)


def _dense(h, parts, Ws, Wn, b, g, beta):
  BN = 1000
  return pl.pallas_call(
      _dense_body,
      grid=(N // BN,),
      in_specs=[
          pl.BlockSpec((BN, D), lambda i: (i, 0)),
          pl.BlockSpec((NC, BN, D), lambda i: (0, i, 0)),
          pl.BlockSpec((D, D), lambda i: (0, 0)),
          pl.BlockSpec((D, D), lambda i: (0, 0)),
          pl.BlockSpec((1, D), lambda i: (0, 0)),
          pl.BlockSpec((1, D), lambda i: (0, 0)),
          pl.BlockSpec((1, D), lambda i: (0, 0)),
      ],
      out_specs=pl.BlockSpec((BN, D), lambda i: (i, 0)),
      out_shape=jax.ShapeDtypeStruct((N, D), jnp.float32),
  )(h, parts, Ws, Wn, b.reshape(1, D), g.reshape(1, D), beta.reshape(1, D))


def _dense_final_body(h_ref, p_ref, ws_ref, wn_ref, b_ref, out_ref):
  agg = p_ref[0] + p_ref[1]
  out_ref[...] = (
      jnp.dot(h_ref[...], ws_ref[...], preferred_element_type=jnp.float32)
      + jnp.dot(agg, wn_ref[...], preferred_element_type=jnp.float32)
      + b_ref[...])


def _dense_final(h, parts, Ws, Wn, b):
  BN = 1000
  return pl.pallas_call(
      _dense_final_body,
      grid=(N // BN,),
      in_specs=[
          pl.BlockSpec((BN, D), lambda i: (i, 0)),
          pl.BlockSpec((NC, BN, D), lambda i: (0, i, 0)),
          pl.BlockSpec((D, D), lambda i: (0, 0)),
          pl.BlockSpec((D, D), lambda i: (0, 0)),
          pl.BlockSpec((1, D), lambda i: (0, 0)),
      ],
      out_specs=pl.BlockSpec((BN, D), lambda i: (i, 0)),
      out_shape=jax.ShapeDtypeStruct((N, D), jnp.float32),
  )(h, parts, Ws, Wn, b.reshape(1, D))


def kernel(x, edge_index, env_edge_attr, act_edge_attr,
           Ws0, Wn0, We0, b0, Ws1, Wn1, We1, b1, Ws2, Wn2, We2, b2,
           g0, beta0, g1, beta1):
  src3 = edge_index[0].reshape(NW, NCHUNK, CH)
  dst3 = edge_index[1].reshape(NW, NCHUNK, CH)
  zeros = jnp.zeros((N, D), jnp.float32)

  ep0 = _eproj(env_edge_attr, We0)
  ep1 = _eproj(act_edge_attr, We1)
  ep2 = _eproj(act_edge_attr, We2)

  parts = _sc_msg(x, ep0, src3, dst3, zeros)
  h1 = _dense(x, parts, Ws0, Wn0, b0, g0, beta0)
  parts = _sc_msg(h1, ep1, src3, dst3, zeros)
  h2 = _dense(h1, parts, Ws1, Wn1, b1, g1, beta1)
  parts = _sc_msg(h2, ep2, src3, dst3, zeros)
  return _dense_final(h2, parts, Ws2, Wn2, b2)

# --- scband reference (transcript-rebuilt; emitter-appended) ---
"""Pipeline reference for scband-action-net-1185410973787 (READ-ONLY COPY).

The authoritative reference and input builder live on the scoring server;
editing this copy changes nothing except your own understanding.
"""

import jax, jax.numpy as jnp
import numpy as np

N = 10000
E = 320000
D = 128
DE = 16
L = 3


def _xavier(key, shape):
    a = float(np.sqrt(6.0 / (shape[0] + shape[1])))
    return jax.random.uniform(key, shape, jnp.float32, -a, a)


def setup_inputs(seed: int = 0) -> dict:
    key = jax.random.key(seed)
    ks = jax.random.split(key, 32)
    inp = {}
    inp['x'] = jax.random.normal(ks[0], (N, D), dtype=jnp.float32)
    inp['edge_index'] = jax.random.randint(ks[1], (2, E), 0, N, dtype=jnp.int32)
    inp['env_edge_attr'] = jax.random.normal(ks[2], (E, DE), dtype=jnp.float32)
    inp['act_edge_attr'] = jax.random.normal(ks[3], (E, DE), dtype=jnp.float32)
    ki = 4
    for i in range(L):
        inp[f'Ws{i}'] = _xavier(ks[ki], (D, D)); ki += 1
        inp[f'Wn{i}'] = _xavier(ks[ki], (D, D)); ki += 1
        inp[f'We{i}'] = _xavier(ks[ki], (DE, D)); ki += 1
        inp[f'b{i}'] = jnp.zeros((D,), dtype=jnp.float32)
    for i in range(L - 1):
        inp[f'g{i}'] = jnp.ones((D,), dtype=jnp.float32)
        inp[f'beta{i}'] = jnp.zeros((D,), dtype=jnp.float32)
    return inp


def _layer(x, edge_attr, Ws, Wn, We, b, src, dst):
    # GINE-style message passing with edge features:
    # msg = relu(x[src] + edge_attr @ We); agg = segment_sum(msg @ Wn, dst)
    msg = jax.nn.relu(x[src] + edge_attr @ We)
    agg = jax.ops.segment_sum(msg @ Wn, dst, num_segments=N)
    return x @ Ws + agg + b


def _layernorm(h, g, beta):
    mu = jnp.mean(h, axis=-1, keepdims=True)
    var = jnp.var(h, axis=-1, keepdims=True)
    return (h - mu) / jnp.sqrt(var + 1e-5) * g + beta


def reference(x, edge_index, env_edge_attr, act_edge_attr,
              Ws0, Wn0, We0, b0, Ws1, Wn1, We1, b1, Ws2, Wn2, We2, b2,
              g0, beta0, g1, beta1):
    src = edge_index[0]
    dst = edge_index[1]
    edge_attrs = [env_edge_attr, act_edge_attr, act_edge_attr]
    params = [(Ws0, Wn0, We0, b0), (Ws1, Wn1, We1, b1), (Ws2, Wn2, We2, b2)]
    norms = [(g0, beta0), (g1, beta1)]
    h = x
    for i in range(L - 1):
        Ws, Wn, We, b = params[i]
        h = _layer(h, edge_attrs[i], Ws, Wn, We, b, src, dst)
        h = _layernorm(h, norms[i][0], norms[i][1])
        # dropout is identity in eval mode
        h = jax.nn.relu(h)
    Ws, Wn, We, b = params[L - 1]
    h = _layer(h, edge_attrs[L - 1], Ws, Wn, We, b, src, dst)
    return h

if __name__ == "__main__":
    import jax
    _d = setup_inputs()
    print(jax.jit(kernel)(*tuple(_d.values())))

</pallas_src>

<mosaic_0001>
#map = affine_map<(d0, d1) -> (0, 0)>
#map1 = affine_map<(d0, d1) -> (0, 0, 0)>
module attributes {stable_mosaic.version = 14 : i64} {
  func.func @_sc_msg_body(%arg0: i32, %arg1: i32, %arg2: memref<10000x128xf32, #tpu.memory_space<hbm>>, %arg3: memref<320000x128xf32, #tpu.memory_space<hbm>>, %arg4: memref<32x125x80xi32, #tpu.memory_space<hbm>>, %arg5: memref<32x125x80xi32, #tpu.memory_space<hbm>>, %arg6: memref<10000x128xf32, #tpu.memory_space<hbm>>, %arg7: memref<2x10000x128xf32, #tpu.memory_space<hbm>>, %arg8: memref<10000x128xf32, #tpu.memory_space<vmem_shared>>, %arg9: memref<80xi32, #tpu.memory_space<vmem>>, %arg10: memref<80xi32, #tpu.memory_space<vmem>>, %arg11: memref<80xi32, #tpu.memory_space<vmem>>, %arg12: memref<80xi32, #tpu.memory_space<vmem>>, %arg13: memref<80xi32, #tpu.memory_space<vmem>>, %arg14: memref<80xi32, #tpu.memory_space<vmem>>, %arg15: memref<80xi32, #tpu.memory_space<vmem>>, %arg16: memref<80xi32, #tpu.memory_space<vmem>>, %arg17: memref<80x128xf32, #tpu.memory_space<vmem>>, %arg18: memref<80x128xf32, #tpu.memory_space<vmem>>, %arg19: memref<80x128xf32, #tpu.memory_space<vmem>>, %arg20: memref<80x128xf32, #tpu.memory_space<vmem>>, %arg21: memref<!tpu.dma_semaphore, #tpu.memory_space<semaphore_mem>>, %arg22: memref<!tpu.dma_semaphore, #tpu.memory_space<semaphore_mem>>, %arg23: memref<!tpu.dma_semaphore, #tpu.memory_space<semaphore_mem>>, %arg24: memref<!tpu.dma_semaphore, #tpu.memory_space<semaphore_mem>>, %arg25: memref<!tpu.dma_semaphore, #tpu.memory_space<semaphore_mem>>, %arg26: memref<!tpu.dma_semaphore, #tpu.memory_space<semaphore_mem>>, %arg27: memref<!tpu.dma_semaphore, #tpu.memory_space<semaphore_mem>>, %arg28: memref<!tpu.dma_semaphore, #tpu.memory_space<semaphore_mem>>, %arg29: memref<!tpu.dma_semaphore, #tpu.memory_space<semaphore_mem>>, %arg30: memref<!tpu.dma_semaphore, #tpu.memory_space<semaphore_mem>>, %arg31: memref<!tpu.dma_semaphore, #tpu.memory_space<semaphore_mem>>, %arg32: memref<!tpu.dma_semaphore, #tpu.memory_space<semaphore_mem>>) attributes {dimension_semantics = [#tpu.dimension_semantics<core_parallel>, #tpu.dimension_semantics<subcore_parallel>], iteration_bounds = array<i64: 2, 16>, scalar_prefetch = 0 : i64, scratch_operands = 25 : i64, tpu.core_type = #tpu.core_type<sc_vector_subcore>, window_params = [{transform_indices = #map}, {transform_indices = #map}, {transform_indices = #map1}, {transform_indices = #map1}, {transform_indices = #map}, {transform_indices = #map1}]} {
    %mul3A = arith.constant 2 : i32
    %mul3A_0 = arith.muli %arg1, %mul3A : i32
    %add3A = arith.addi %mul3A_0, %arg0 : i32
    %mul3A_1 = arith.constant 624 : i32
    %mul3A_2 = arith.muli %arg1, %mul3A_1 : i32
    %mul3A_3 = arith.constant 624 : i32
    %mul3A_4 = arith.muli %arg1, %mul3A_3 : i32
    "tpu.region"() ({
      %run_scoped3A = tpu.sem_alloc : memref<!tpu.dma_semaphore, #tpu.memory_space<semaphore_mem>>
      %dma_start3A_66 = arith.constant 0 : i32
      %dma_start3A_67 = tpu.memref_slice %arg8[%mul3A_4, %dma_start3A_66] : memref<10000x128xf32, #tpu.memory_space<vmem_shared>> -> memref<624x128xf32, #tpu.memory_space<vmem_shared>>
      %dma_start3A_68 = arith.constant 0 : i32
      %dma_start3A_69 = tpu.memref_slice %arg6[%mul3A_2, %dma_start3A_68] : memref<10000x128xf32, #tpu.memory_space<hbm>> -> memref<624x128xf32, #tpu.memory_space<hbm>>
      tpu.enqueue_dma source(%dma_start3A_69 : memref<624x128xf32, #tpu.memory_space<hbm>>) target(%dma_start3A_67 : memref<624x128xf32, #tpu.memory_space<vmem_shared>>) target_semaphore(%run_scoped3A : memref<!tpu.dma_semaphore, #tpu.memory_space<semaphore_mem>>)
      %dma_wait3A_70 = arith.constant 0 : i32
      %dma_wait3A_71 = tpu.memref_slice %arg8[%mul3A_4, %dma_wait3A_70] : memref<10000x128xf32, #tpu.memory_space<vmem_shared>> -> memref<624x128xf32, #tpu.memory_space<vmem_shared>>
      %dma_wait3A_72 = arith.constant 0 : i32
      %dma_wait3A_73 = tpu.memref_slice %arg6[%mul3A_2, %dma_wait3A_72] : memref<10000x128xf32, #tpu.memory_space<hbm>> -> memref<624x128xf32, #tpu.memory_space<hbm>>
      tpu.wait_dma2 semaphore(%run_scoped3A : memref<!tpu.dma_semaphore, #tpu.memory_space<semaphore_mem>>) src(%dma_wait3A_73 : memref<624x128xf32, #tpu.memory_space<hbm>>) dst(%dma_wait3A_71 : memref<624x128xf32, #tpu.memory_space<vmem_shared>>)
      tpu.yield
    }) : () -> ()
    %eq3A = arith.constant 15 : i32
    %eq3A_5 = arith.cmpi eq, %arg1, %eq3A : i32
    %convert_element_type3A = arith.extui %eq3A_5 : i1 to i32
    %cond3A = arith.constant 0 : i32
    %cond3A_6 = arith.cmpi ne, %convert_element_type3A, %cond3A : i32
    scf.if %cond3A_6 {
      "tpu.region"() ({
        %run_scoped3A = tpu.sem_alloc : memref<!tpu.dma_semaphore, #tpu.memory_space<semaphore_mem>>
        %dma_start3A_66 = arith.constant 9984 : i32
        %dma_start3A_67 = arith.constant 0 : i32
        %dma_start3A_68 = tpu.memref_slice %arg8[%dma_start3A_66, %dma_start3A_67] : memref<10000x128xf32, #tpu.memory_space<vmem_shared>> -> memref<16x128xf32, #tpu.memory_space<vmem_shared>>
        %dma_start3A_69 = arith.constant 9984 : i32
        %dma_start3A_70 = arith.constant 0 : i32
        %dma_start3A_71 = tpu.memref_slice %arg6[%dma_start3A_69, %dma_start3A_70] : memref<10000x128xf32, #tpu.memory_space<hbm>> -> memref<16x128xf32, #tpu.memory_space<hbm>>
        tpu.enqueue_dma source(%dma_start3A_71 : memref<16x128xf32, #tpu.memory_space<hbm>>) target(%dma_start3A_68 : memref<16x128xf32, #tpu.memory_space<vmem_shared>>) target_semaphore(%run_scoped3A : memref<!tpu.dma_semaphore, #tpu.memory_space<semaphore_mem>>)
        %dma_wait3A_72 = arith.constant 9984 : i32
        %dma_wait3A_73 = arith.constant 0 : i32
        %dma_wait3A_74 = tpu.memref_slice %arg8[%dma_wait3A_72, %dma_wait3A_73] : memref<10000x128xf32, #tpu.memory_space<vmem_shared>> -> memref<16x128xf32, #tpu.memory_space<vmem_shared>>
        %dma_wait3A_75 = arith.constant 9984 : i32
        %dma_wait3A_76 = arith.constant 0 : i32
        %dma_wait3A_77 = tpu.memref_slice %arg6[%dma_wait3A_75, %dma_wait3A_76] : memref<10000x128xf32, #tpu.memory_space<hbm>> -> memref<16x128xf32, #tpu.memory_space<hbm>>
        tpu.wait_dma2 semaphore(%run_scoped3A : memref<!tpu.dma_semaphore, #tpu.memory_space<semaphore_mem>>) src(%dma_wait3A_77 : memref<16x128xf32, #tpu.memory_space<hbm>>) dst(%dma_wait3A_74 : memref<16x128xf32, #tpu.memory_space<vmem_shared>>)
        tpu.yield
      }) : () -> ()
    } else {
    }
    %barrier3A = arith.constant 0 : index
    tpu.barrier barrier_id(%barrier3A)
    %mul3A_7 = arith.constant 10000 : i32
    %mul3A_8 = arith.muli %add3A, %mul3A_7 : i32
    %dma_start3A = arith.constant 0 : i32
    %dma_start3A_9 = arith.constant 0 : i32
    %dma_start3A_10 = tpu.memref_slice %arg4[%add3A, %dma_start3A, %dma_start3A_9] : memref<32x125x80xi32, #tpu.memory_space<hbm>> -> memref<1x1x80xi32, #tpu.memory_space<hbm>>
    %dma_start3A_11 = tpu.memref_squeeze %dma_start3A_10 : memref<1x1x80xi32, #tpu.memory_space<hbm>> -> memref<80xi32, #tpu.memory_space<hbm>>
    %dma_start3A_12 = arith.constant 0 : i32
    %dma_start3A_13 = tpu.memref_slice %arg4[%add3A, %dma_start3A, %dma_start3A_12] : memref<32x125x80xi32, #tpu.memory_space<hbm>> -> memref<1x1x80xi32, #tpu.memory_space<hbm>>
    %dma_start3A_14 = tpu.memref_squeeze %dma_start3A_13 : memref<1x1x80xi32, #tpu.memory_space<hbm>> -> memref<80xi32, #tpu.memory_space<hbm>>
    tpu.enqueue_dma source(%dma_start3A_14 : memref<80xi32, #tpu.memory_space<hbm>>) target(%arg9 : memref<80xi32, #tpu.memory_space<vmem>>) target_semaphore(%arg25 : memref<!tpu.dma_semaphore, #tpu.memory_space<semaphore_mem>>)
    %dma_start3A_15 = arith.constant 0 : i32
    %dma_start3A_16 = arith.constant 0 : i32
    %dma_start3A_17 = tpu.memref_slice %arg5[%add3A, %dma_start3A_15, %dma_start3A_16] : memref<32x125x80xi32, #tpu.memory_space<hbm>> -> memref<1x1x80xi32, #tpu.memory_space<hbm>>
    %dma_start3A_18 = tpu.memref_squeeze %dma_start3A_17 : memref<1x1x80xi32, #tpu.memory_space<hbm>> -> memref<80xi32, #tpu.memory_space<hbm>>
    %dma_start3A_19 = arith.constant 0 : i32
    %dma_start3A_20 = tpu.memref_slice %arg5[%add3A, %dma_start3A_15, %dma_start3A_19] : memref<32x125x80xi32, #tpu.memory_space<hbm>> -> memref<1x1x80xi32, #tpu.memory_space<hbm>>
    %dma_start3A_21 = tpu.memref_squeeze %dma_start3A_20 : memref<1x1x80xi32, #tpu.memory_space<hbm>> -> memref<80xi32, #tpu.memory_space<hbm>>
    tpu.enqueue_dma source(%dma_start3A_21 : memref<80xi32, #tpu.memory_space<hbm>>) target(%arg13 : memref<80xi32, #tpu.memory_space<vmem>>) target_semaphore(%arg29 : memref<!tpu.dma_semaphore, #tpu.memory_space<semaphore_mem>>)
    %dma_start3A_22 = arith.constant 1 : i32
    %dma_start3A_23 = arith.constant 0 : i32
    %dma_start3A_24 = tpu.memref_slice %arg4[%add3A, %dma_start3A_22, %dma_start3A_23] : memref<32x125x80xi32, #tpu.memory_space<hbm>> -> memref<1x1x80xi32, #tpu.memory_space<hbm>>
    %dma_start3A_25 = tpu.memref_squeeze %dma_start3A_24 : memref<1x1x80xi32, #tpu.memory_space<hbm>> -> memref<80xi32, #tpu.memory_space<hbm>>
    %dma_start3A_26 = arith.constant 0 : i32
    %dma_start3A_27 = tpu.memref_slice %arg4[%add3A, %dma_start3A_22, %dma_start3A_26] : memref<32x125x80xi32, #tpu.memory_space<hbm>> -> memref<1x1x80xi32, #tpu.memory_space<hbm>>
    %dma_start3A_28 = tpu.memref_squeeze %dma_start3A_27 : memref<1x1x80xi32, #tpu.memory_space<hbm>> -> memref<80xi32, #tpu.memory_space<hbm>>
    tpu.enqueue_dma source(%dma_start3A_28 : memref<80xi32, #tpu.memory_space<hbm>>) target(%arg10 : memref<80xi32, #tpu.memory_space<vmem>>) target_semaphore(%arg26 : memref<!tpu.dma_semaphore, #tpu.memory_space<semaphore_mem>>)
    %dma_start3A_29 = arith.constant 1 : i32
    %dma_start3A_30 = arith.constant 0 : i32
    %dma_start3A_31 = tpu.memref_slice %arg5[%add3A, %dma_start3A_29, %dma_start3A_30] : memref<32x125x80xi32, #tpu.memory_space<hbm>> -> memref<1x1x80xi32, #tpu.memory_space<hbm>>
    %dma_start3A_32 = tpu.memref_squeeze %dma_start3A_31 : memref<1x1x80xi32, #tpu.memory_space<hbm>> -> memref<80xi32, #tpu.memory_space<hbm>>
    %dma_start3A_33 = arith.constant 0 : i32
    %dma_start3A_34 = tpu.memref_slice %arg5[%add3A, %dma_start3A_29, %dma_start3A_33] : memref<32x125x80xi32, #tpu.memory_space<hbm>> -> memref<1x1x80xi32, #tpu.memory_space<hbm>>
    %dma_start3A_35 = tpu.memref_squeeze %dma_start3A_34 : memref<1x1x80xi32, #tpu.memory_space<hbm>> -> memref<80xi32, #tpu.memory_space<hbm>>
    tpu.enqueue_dma source(%dma_start3A_35 : memref<80xi32, #tpu.memory_space<hbm>>) target(%arg14 : memref<80xi32, #tpu.memory_space<vmem>>) target_semaphore(%arg30 : memref<!tpu.dma_semaphore, #tpu.memory_space<semaphore_mem>>)
    %dma_wait3A = arith.constant 0 : i32
    %dma_wait3A_36 = arith.constant 0 : i32
    %dma_wait3A_37 = tpu.memref_slice %arg4[%add3A, %dma_wait3A, %dma_wait3A_36] : memref<32x125x80xi32, #tpu.memory_space<hbm>> -> memref<1x1x80xi32, #tpu.memory_space<hbm>>
    %dma_wait3A_38 = tpu.memref_squeeze %dma_wait3A_37 : memref<1x1x80xi32, #tpu.memory_space<hbm>> -> memref<80xi32, #tpu.memory_space<hbm>>
    %dma_wait3A_39 = arith.constant 0 : i32
    %dma_wait3A_40 = tpu.memref_slice %arg4[%add3A, %dma_wait3A, %dma_wait3A_39] : memref<32x125x80xi32, #tpu.memory_space<hbm>> -> memref<1x1x80xi32, #tpu.memory_space<hbm>>
    %dma_wait3A_41 = tpu.memref_squeeze %dma_wait3A_40 : memref<1x1x80xi32, #tpu.memory_space<hbm>> -> memref<80xi32, #tpu.memory_space<hbm>>
    tpu.wait_dma2 semaphore(%arg25 : memref<!tpu.dma_semaphore, #tpu.memory_space<semaphore_mem>>) src(%dma_wait3A_41 : memref<80xi32, #tpu.memory_space<hbm>>) dst(%arg9 : memref<80xi32, #tpu.memory_space<vmem>>)
    %dma_start3A_42 = arith.constant 0 : i32
    %dma_start3A_43 = arith.constant 0 : i32
    %dma_start3A_44 = tpu.memref_slice %arg2[%dma_start3A_42, %dma_start3A_43] : memref<10000x128xf32, #tpu.memory_space<hbm>> -> memref<10000x128xf32, #tpu.memory_space<hbm>>
    tpu.enqueue_indirect_dma source(%dma_start3A_44 : memref<10000x128xf32, #tpu.memory_space<hbm>>) target(%arg17 : memref<80x128xf32, #tpu.memory_space<vmem>>) offsets(%arg9 : memref<80xi32, #tpu.memory_space<vmem>>) semaphore(%arg21 : memref<!tpu.dma_semaphore, #tpu.memory_space<semaphore_mem>>)
    %add3A_45 = arith.constant 0 : i32
    %add3A_46 = arith.addi %mul3A_8, %add3A_45 : i32
    %dma_start3A_47 = arith.constant 0 : i32
    %dma_start3A_48 = tpu.memref_slice %arg3[%add3A_46, %dma_start3A_47] : memref<320000x128xf32, #tpu.memory_space<hbm>> -> memref<80x128xf32, #tpu.memory_space<hbm>>
    %dma_start3A_49 = arith.constant 0 : i32
    %dma_start3A_50 = tpu.memref_slice %arg3[%add3A_46, %dma_start3A_49] : memref<320000x128xf32, #tpu.memory_space<hbm>> -> memref<80x128xf32, #tpu.memory_space<hbm>>
    tpu.enqueue_dma source(%dma_start3A_50 : memref<80x128xf32, #tpu.memory_space<hbm>>) target(%arg19 : memref<80x128xf32, #tpu.memory_space<vmem>>) target_semaphore(%arg23 : memref<!tpu.dma_semaphore, #tpu.memory_space<semaphore_mem>>)
    %scan3A = arith.constant 0 : i32
    %scan3A_51 = arith.constant 0 : i32
    %scan3A_52 = arith.constant 32 : i32
    %scan3A_53 = arith.addi %scan3A_51, %scan3A_52 : i32
    %scan3A_54 = arith.constant 1 : i32
    scf.for %scan3A_66 = %scan3A_51 to %scan3A_53 step %scan3A_54  : i32 {
      %mul3A_67 = arith.constant 4 : i32
      %mul3A_68 = arith.muli %scan3A_66, %mul3A_67 : i32
      %add3A_69 = arith.constant 0 : i32
      %add3A_70 = arith.addi %mul3A_68, %add3A_69 : i32
      %lt3A = arith.constant 125 : i32
      %lt3A_71 = arith.cmpi slt, %add3A_70, %lt3A : i32
      %convert_element_type3A_72 = arith.extui %lt3A_71 : i1 to i32
      %cond3A_73 = arith.constant 0 : i32
      %cond3A_74 = arith.cmpi ne, %convert_element_type3A_72, %cond3A_73 : i32
      scf.if %cond3A_74 {
        %add3A_96 = arith.constant 2 : i32
        %add3A_97 = arith.addi %add3A_70, %add3A_96 : i32
        %lt3A_98 = arith.constant 125 : i32
        %lt3A_99 = arith.cmpi slt, %add3A_97, %lt3A_98 : i32
        %convert_element_type3A_100 = arith.extui %lt3A_99 : i1 to i32
        %cond3A_101 = arith.constant 0 : i32
        %cond3A_102 = arith.cmpi ne, %convert_element_type3A_100, %cond3A_101 : i32
        scf.if %cond3A_102 {
          %add3A_131 = arith.constant 2 : i32
          %add3A_132 = arith.addi %add3A_70, %add3A_131 : i32
          %dma_start3A_133 = arith.constant 0 : i32
          %dma_start3A_134 = tpu.memref_slice %arg4[%add3A, %add3A_132, %dma_start3A_133] : memref<32x125x80xi32, #tpu.memory_space<hbm>> -> memref<1x1x80xi32, #tpu.memory_space<hbm>>
          %dma_start3A_135 = tpu.memref_squeeze %dma_start3A_134 : memref<1x1x80xi32, #tpu.memory_space<hbm>> -> memref<80xi32, #tpu.memory_space<hbm>>
          %dma_start3A_136 = arith.constant 0 : i32
          %dma_start3A_137 = tpu.memref_slice %arg4[%add3A, %add3A_132, %dma_start3A_136] : memref<32x125x80xi32, #tpu.memory_space<hbm>> -> memref<1x1x80xi32, #tpu.memory_space<hbm>>
          %dma_start3A_138 = tpu.memref_squeeze %dma_start3A_137 : memref<1x1x80xi32, #tpu.memory_space<hbm>> -> memref<80xi32, #tpu.memory_space<hbm>>
          tpu.enqueue_dma source(%dma_start3A_138 : memref<80xi32, #tpu.memory_space<hbm>>) target(%arg11 : memref<80xi32, #tpu.memory_space<vmem>>) target_semaphore(%arg27 : memref<!tpu.dma_semaphore, #tpu.memory_space<semaphore_mem>>)
          %dma_start3A_139 = arith.constant 0 : i32
          %dma_start3A_140 = tpu.memref_slice %arg5[%add3A, %add3A_132, %dma_start3A_139] : memref<32x125x80xi32, #tpu.memory_space<hbm>> -> memref<1x1x80xi32, #tpu.memory_space<hbm>>
          %dma_start3A_141 = tpu.memref_squeeze %dma_start3A_140 : memref<1x1x80xi32, #tpu.memory_space<hbm>> -> memref<80xi32, #tpu.memory_space<hbm>>
          %dma_start3A_142 = arith.constant 0 : i32
          %dma_start3A_143 = tpu.memref_slice %arg5[%add3A, %add3A_132, %dma_start3A_142] : memref<32x125x80xi32, #tpu.memory_space<hbm>> -> memref<1x1x80xi32, #tpu.memory_space<hbm>>
          %dma_start3A_144 = tpu.memref_squeeze %dma_start3A_143 : memref<1x1x80xi32, #tpu.memory_space<hbm>> -> memref<80xi32, #tpu.memory_space<hbm>>
          tpu.enqueue_dma source(%dma_start3A_144 : memref<80xi32, #tpu.memory_space<hbm>>) target(%arg15 : memref<80xi32, #tpu.memory_space<vmem>>) target_semaphore(%arg31 : memref<!tpu.dma_semaphore, #tpu.memory_space<semaphore_mem>>)
        } else {
        }
        %dma_wait3A_103 = arith.constant 0 : i32
        %dma_wait3A_104 = arith.constant 0 : i32
        %dma_wait3A_105 = tpu.memref_slice %arg2[%dma_wait3A_103, %dma_wait3A_104] : memref<10000x128xf32, #tpu.memory_space<hbm>> -> memref<10000x128xf32, #tpu.memory_space<hbm>>
        tpu.wait_indirect_dma semaphore(%arg21 : memref<!tpu.dma_semaphore, #tpu.memory_space<semaphore_mem>>) src(%dma_wait3A_105 : memref<10000x128xf32, #tpu.memory_space<hbm>>) dst(%arg17 : memref<80x128xf32, #tpu.memory_space<vmem>>)
        %dma_wait3A_106 = arith.constant 0 : i32
        %dma_wait3A_107 = arith.constant 0 : i32
        %dma_wait3A_108 = tpu.memref_slice %arg3[%dma_wait3A_106, %dma_wait3A_107] : memref<320000x128xf32, #tpu.memory_space<hbm>> -> memref<80x128xf32, #tpu.memory_space<hbm>>
        %dma_wait3A_109 = arith.constant 0 : i32
        %dma_wait3A_110 = arith.constant 0 : i32
        %dma_wait3A_111 = tpu.memref_slice %arg3[%dma_wait3A_109, %dma_wait3A_110] : memref<320000x128xf32, #tpu.memory_space<hbm>> -> memref<80x128xf32, #tpu.memory_space<hbm>>
        tpu.wait_dma2 semaphore(%arg23 : memref<!tpu.dma_semaphore, #tpu.memory_space<semaphore_mem>>) src(%dma_wait3A_111 : memref<80x128xf32, #tpu.memory_space<hbm>>) dst(%arg19 : memref<80x128xf32, #tpu.memory_space<vmem>>)
        %add3A_112 = arith.constant 1 : i32
        %add3A_113 = arith.addi %add3A_70, %add3A_112 : i32
        %lt3A_114 = arith.constant 125 : i32
        %lt3A_115 = arith.cmpi slt, %add3A_113, %lt3A_114 : i32
        %convert_element_type3A_116 = arith.extui %lt3A_115 : i1 to i32
        %cond3A_117 = arith.constant 0 : i32
        %cond3A_118 = arith.cmpi ne, %convert_element_type3A_116, %cond3A_117 : i32
        scf.if %cond3A_118 {
          %add3A_131 = arith.constant 1 : i32
          %add3A_132 = arith.addi %add3A_70, %add3A_131 : i32
          %dma_wait3A_133 = arith.constant 0 : i32
          %dma_wait3A_134 = tpu.memref_slice %arg4[%add3A, %add3A_132, %dma_wait3A_133] : memref<32x125x80xi32, #tpu.memory_space<hbm>> -> memref<1x1x80xi32, #tpu.memory_space<hbm>>
          %dma_wait3A_135 = tpu.memref_squeeze %dma_wait3A_134 : memref<1x1x80xi32, #tpu.memory_space<hbm>> -> memref<80xi32, #tpu.memory_space<hbm>>
          %dma_wait3A_136 = arith.constant 0 : i32
          %dma_wait3A_137 = tpu.memref_slice %arg4[%add3A, %add3A_132, %dma_wait3A_136] : memref<32x125x80xi32, #tpu.memory_space<hbm>> -> memref<1x1x80xi32, #tpu.memory_space<hbm>>
          %dma_wait3A_138 = tpu.memref_squeeze %dma_wait3A_137 : memref<1x1x80xi32, #tpu.memory_space<hbm>> -> memref<80xi32, #tpu.memory_space<hbm>>
          tpu.wait_dma2 semaphore(%arg26 : memref<!tpu.dma_semaphore, #tpu.memory_space<semaphore_mem>>) src(%dma_wait3A_138 : memref<80xi32, #tpu.memory_space<hbm>>) dst(%arg10 : memref<80xi32, #tpu.memory_space<vmem>>)
          %dma_start3A_139 = arith.constant 0 : i32
          %dma_start3A_140 = arith.constant 0 : i32
          %dma_start3A_141 = tpu.memref_slice %arg2[%dma_start3A_139, %dma_start3A_140] : memref<10000x128xf32, #tpu.memory_space<hbm>> -> memref<10000x128xf32, #tpu.memory_space<hbm>>
          tpu.enqueue_indirect_dma source(%dma_start3A_141 : memref<10000x128xf32, #tpu.memory_space<hbm>>) target(%arg18 : memref<80x128xf32, #tpu.memory_space<vmem>>) offsets(%arg10 : memref<80xi32, #tpu.memory_space<vmem>>) semaphore(%arg22 : memref<!tpu.dma_semaphore, #tpu.memory_space<semaphore_mem>>)
          %mul3A_142 = arith.constant 80 : i32
          %mul3A_143 = arith.muli %add3A_132, %mul3A_142 : i32
          %add3A_144 = arith.addi %mul3A_8, %mul3A_143 : i32
          %dma_start3A_145 = arith.constant 0 : i32
          %dma_start3A_146 = tpu.memref_slice %arg3[%add3A_144, %dma_start3A_145] : memref<320000x128xf32, #tpu.memory_space<hbm>> -> memref<80x128xf32, #tpu.memory_space<hbm>>
          %dma_start3A_147 = arith.constant 0 : i32
          %dma_start3A_148 = tpu.memref_slice %arg3[%add3A_144, %dma_start3A_147] : memref<320000x128xf32, #tpu.memory_space<hbm>> -> memref<80x128xf32, #tpu.memory_space<hbm>>
          tpu.enqueue_dma source(%dma_start3A_148 : memref<80x128xf32, #tpu.memory_space<hbm>>) target(%arg20 : memref<80x128xf32, #tpu.memory_space<vmem>>) target_semaphore(%arg24 : memref<!tpu.dma_semaphore, #tpu.memory_space<semaphore_mem>>)
        } else {
        }
        %scan3A_119 = arith.constant 0 : i32
        %scan3A_120 = arith.constant 0 : i32
        %scan3A_121 = arith.constant 80 : i32
        %scan3A_122 = arith.addi %scan3A_120, %scan3A_121 : i32
        %scan3A_123 = arith.constant 1 : i32
        scf.for %scan3A_131 = %scan3A_120 to %scan3A_122 step %scan3A_123  : i32 {
          %get3A = arith.index_cast %scan3A_131 : i32 to index
          %get3A_132 = arith.constant 0 : index
          %get3A_133 = tpu.vector_load %arg17[%get3A, %get3A_132] {strides = array<i32>} : memref<80x128xf32, #tpu.memory_space<vmem>>, vector<1x16xf32>,
          %get3A_134 = vector.shape_cast %get3A_133 : vector<1x16xf32> to vector<16xf32>
          %get3A_135 = arith.index_cast %scan3A_131 : i32 to index
          %get3A_136 = arith.constant 0 : index
          %get3A_137 = tpu.vector_load %arg19[%get3A_135, %get3A_136] {strides = array<i32>} : memref<80x128xf32, #tpu.memory_space<vmem>>, vector<1x16xf32>,
          %get3A_138 = vector.shape_cast %get3A_137 : vector<1x16xf32> to vector<16xf32>
          %add3A_139 = arith.addf %get3A_134, %get3A_138 : vector<16xf32>
          %max3A = arith.constant 0.000000e+00 : f32
          %max3A_140 = vector.broadcast %max3A : f32 to vector<16xf32>
          %max3A_141 = arith.maximumf %add3A_139, %max3A_140 : vector<16xf32>
          %swap3A = arith.index_cast %scan3A_131 : i32 to index
          %swap3A_142 = arith.constant 0 : index
          %swap3A_143 = tpu.vector_load %arg17[%swap3A, %swap3A_142] {strides = array<i32>} : memref<80x128xf32, #tpu.memory_space<vmem>>, vector<1x16xf32>,
          %swap3A_144 = vector.shape_cast %swap3A_143 : vector<1x16xf32> to vector<16xf32>
          %swap3A_145 = vector.shape_cast %max3A_141 : vector<16xf32> to vector<1x16xf32>
          tpu.vector_store %arg17[%swap3A, %swap3A_142], %swap3A_145 {strides = array<i32>} : memref<80x128xf32, #tpu.memory_space<vmem>>, vector<1x16xf32>,
          %get3A_146 = arith.index_cast %scan3A_131 : i32 to index
          %get3A_147 = arith.constant 16 : index
          %get3A_148 = tpu.vector_load %arg17[%get3A_146, %get3A_147] {strides = array<i32>} : memref<80x128xf32, #tpu.memory_space<vmem>>, vector<1x16xf32>,
          %get3A_149 = vector.shape_cast %get3A_148 : vector<1x16xf32> to vector<16xf32>
          %get3A_150 = arith.index_cast %scan3A_131 : i32 to index
          %get3A_151 = arith.constant 16 : index
          %get3A_152 = tpu.vector_load %arg19[%get3A_150, %get3A_151] {strides = array<i32>} : memref<80x128xf32, #tpu.memory_space<vmem>>, vector<1x16xf32>,
          %get3A_153 = vector.shape_cast %get3A_152 : vector<1x16xf32> to vector<16xf32>
          %add3A_154 = arith.addf %get3A_149, %get3A_153 : vector<16xf32>
          %max3A_155 = arith.constant 0.000000e+00 : f32
          %max3A_156 = vector.broadcast %max3A_155 : f32 to vector<16xf32>
          %max3A_157 = arith.maximumf %add3A_154, %max3A_156 : vector<16xf32>
          %swap3A_158 = arith.index_cast %scan3A_131 : i32 to index
          %swap3A_159 = arith.constant 16 : index
          %swap3A_160 = tpu.vector_load %arg17[%swap3A_158, %swap3A_159] {strides = array<i32>} : memref<80x128xf32, #tpu.memory_space<vmem>>, vector<1x16xf32>,
          %swap3A_161 = vector.shape_cast %swap3A_160 : vector<1x16xf32> to vector<16xf32>
          %swap3A_162 = vector.shape_cast %max3A_157 : vector<16xf32> to vector<1x16xf32>
          tpu.vector_store %arg17[%swap3A_158, %swap3A_159], %swap3A_162 {strides = array<i32>} : memref<80x128xf32, #tpu.memory_space<vmem>>, vector<1x16xf32>,
          %get3A_163 = arith.index_cast %scan3A_131 : i32 to index
          %get3A_164 = arith.constant 32 : index
          %get3A_165 = tpu.vector_load %arg17[%get3A_163, %get3A_164] {strides = array<i32>} : memref<80x128xf32, #tpu.memory_space<vmem>>, vector<1x16xf32>,
          %get3A_166 = vector.shape_cast %get3A_165 : vector<1x16xf32> to vector<16xf32>
          %get3A_167 = arith.index_cast %scan3A_131 : i32 to index
          %get3A_168 = arith.constant 32 : index
          %get3A_169 = tpu.vector_load %arg19[%get3A_167, %get3A_168] {strides = array<i32>} : memref<80x128xf32, #tpu.memory_space<vmem>>, vector<1x16xf32>,
          %get3A_170 = vector.shape_cast %get3A_169 : vector<1x16xf32> to vector<16xf32>
          %add3A_171 = arith.addf %get3A_166, %get3A_170 : vector<16xf32>
          %max3A_172 = arith.constant 0.000000e+00 : f32
          %max3A_173 = vector.broadcast %max3A_172 : f32 to vector<16xf32>
          %max3A_174 = arith.maximumf %add3A_171, %max3A_173 : vector<16xf32>
          %swap3A_175 = arith.index_cast %scan3A_131 : i32 to index
          %swap3A_176 = arith.constant 32 : index
          %swap3A_177 = tpu.vector_load %arg17[%swap3A_175, %swap3A_176] {strides = array<i32>} : memref<80x128xf32, #tpu.memory_space<vmem>>, vector<1x16xf32>,
          %swap3A_178 = vector.shape_cast %swap3A_177 : vector<1x16xf32> to vector<16xf32>
          %swap3A_179 = vector.shape_cast %max3A_174 : vector<16xf32> to vector<1x16xf32>
          tpu.vector_store %arg17[%swap3A_175, %swap3A_176], %swap3A_179 {strides = array<i32>} : memref<80x128xf32, #tpu.memory_space<vmem>>, vector<1x16xf32>,
          %get3A_180 = arith.index_cast %scan3A_131 : i32 to index
          %get3A_181 = arith.constant 48 : index
          %get3A_182 = tpu.vector_load %arg17[%get3A_180, %get3A_181] {strides = array<i32>} : memref<80x128xf32, #tpu.memory_space<vmem>>, vector<1x16xf32>,
          %get3A_183 = vector.shape_cast %get3A_182 : vector<1x16xf32> to vector<16xf32>
          %get3A_184 = arith.index_cast %scan3A_131 : i32 to index
          %get3A_185 = arith.constant 48 : index
          %get3A_186 = tpu.vector_load %arg19[%get3A_184, %get3A_185] {strides = array<i32>} : memref<80x128xf32, #tpu.memory_space<vmem>>, vector<1x16xf32>,
          %get3A_187 = vector.shape_cast %get3A_186 : vector<1x16xf32> to vector<16xf32>
          %add3A_188 = arith.addf %get3A_183, %get3A_187 : vector<16xf32>
          %max3A_189 = arith.constant 0.000000e+00 : f32
          %max3A_190 = vector.broadcast %max3A_189 : f32 to vector<16xf32>
          %max3A_191 = arith.maximumf %add3A_188, %max3A_190 : vector<16xf32>
          %swap3A_192 = arith.index_cast %scan3A_131 : i32 to index
          %swap3A_193 = arith.constant 48 : index
          %swap3A_194 = tpu.vector_load %arg17[%swap3A_192, %swap3A_193] {strides = array<i32>} : memref<80x128xf32, #tpu.memory_space<vmem>>, vector<1x16xf32>,
          %swap3A_195 = vector.shape_cast %swap3A_194 : vector<1x16xf32> to vector<16xf32>
          %swap3A_196 = vector.shape_cast %max3A_191 : vector<16xf32> to vector<1x16xf32>
          tpu.vector_store %arg17[%swap3A_192, %swap3A_193], %swap3A_196 {strides = array<i32>} : memref<80x128xf32, #tpu.memory_space<vmem>>, vector<1x16xf32>,
          %get3A_197 = arith.index_cast %scan3A_131 : i32 to index
          %get3A_198 = arith.constant 64 : index
          %get3A_199 = tpu.vector_load %arg17[%get3A_197, %get3A_198] {strides = array<i32>} : memref<80x128xf32, #tpu.memory_space<vmem>>, vector<1x16xf32>,
          %get3A_200 = vector.shape_cast %get3A_199 : vector<1x16xf32> to vector<16xf32>
          %get3A_201 = arith.index_cast %scan3A_131 : i32 to index
          %get3A_202 = arith.constant 64 : index
          %get3A_203 = tpu.vector_load %arg19[%get3A_201, %get3A_202] {strides = array<i32>} : memref<80x128xf32, #tpu.memory_space<vmem>>, vector<1x16xf32>,
          %get3A_204 = vector.shape_cast %get3A_203 : vector<1x16xf32> to vector<16xf32>
          %add3A_205 = arith.addf %get3A_200, %get3A_204 : vector<16xf32>
          %max3A_206 = arith.constant 0.000000e+00 : f32
          %max3A_207 = vector.broadcast %max3A_206 : f32 to vector<16xf32>
          %max3A_208 = arith.maximumf %add3A_205, %max3A_207 : vector<16xf32>
          %swap3A_209 = arith.index_cast %scan3A_131 : i32 to index
          %swap3A_210 = arith.constant 64 : index
          %swap3A_211 = tpu.vector_load %arg17[%swap3A_209, %swap3A_210] {strides = array<i32>} : memref<80x128xf32, #tpu.memory_space<vmem>>, vector<1x16xf32>,
          %swap3A_212 = vector.shape_cast %swap3A_211 : vector<1x16xf32> to vector<16xf32>
          %swap3A_213 = vector.shape_cast %max3A_208 : vector<16xf32> to vector<1x16xf32>
          tpu.vector_store %arg17[%swap3A_209, %swap3A_210], %swap3A_213 {strides = array<i32>} : memref<80x128xf32, #tpu.memory_space<vmem>>, vector<1x16xf32>,
          %get3A_214 = arith.index_cast %scan3A_131 : i32 to index
          %get3A_215 = arith.constant 80 : index
          %get3A_216 = tpu.vector_load %arg17[%get3A_214, %get3A_215] {strides = array<i32>} : memref<80x128xf32, #tpu.memory_space<vmem>>, vector<1x16xf32>,
          %get3A_217 = vector.shape_cast %get3A_216 : vector<1x16xf32> to vector<16xf32>
          %get3A_218 = arith.index_cast %scan3A_131 : i32 to index
          %get3A_219 = arith.constant 80 : index
          %get3A_220 = tpu.vector_load %arg19[%get3A_218, %get3A_219] {strides = array<i32>} : memref<80x128xf32, #tpu.memory_space<vmem>>, vector<1x16xf32>,
          %get3A_221 = vector.shape_cast %get3A_220 : vector<1x16xf32> to vector<16xf32>
          %add3A_222 = arith.addf %get3A_217, %get3A_221 : vector<16xf32>
          %max3A_223 = arith.constant 0.000000e+00 : f32
          %max3A_224 = vector.broadcast %max3A_223 : f32 to vector<16xf32>
          %max3A_225 = arith.maximumf %add3A_222, %max3A_224 : vector<16xf32>
          %swap3A_226 = arith.index_cast %scan3A_131 : i32 to index
          %swap3A_227 = arith.constant 80 : index
          %swap3A_228 = tpu.vector_load %arg17[%swap3A_226, %swap3A_227] {strides = array<i32>} : memref<80x128xf32, #tpu.memory_space<vmem>>, vector<1x16xf32>,
          %swap3A_229 = vector.shape_cast %swap3A_228 : vector<1x16xf32> to vector<16xf32>
          %swap3A_230 = vector.shape_cast %max3A_225 : vector<16xf32> to vector<1x16xf32>
          tpu.vector_store %arg17[%swap3A_226, %swap3A_227], %swap3A_230 {strides = array<i32>} : memref<80x128xf32, #tpu.memory_space<vmem>>, vector<1x16xf32>,
          %get3A_231 = arith.index_cast %scan3A_131 : i32 to index
          %get3A_232 = arith.constant 96 : index
          %get3A_233 = tpu.vector_load %arg17[%get3A_231, %get3A_232] {strides = array<i32>} : memref<80x128xf32, #tpu.memory_space<vmem>>, vector<1x16xf32>,
          %get3A_234 = vector.shape_cast %get3A_233 : vector<1x16xf32> to vector<16xf32>
          %get3A_235 = arith.index_cast %scan3A_131 : i32 to index
          %get3A_236 = arith.constant 96 : index
          %get3A_237 = tpu.vector_load %arg19[%get3A_235, %get3A_236] {strides = array<i32>} : memref<80x128xf32, #tpu.memory_space<vmem>>, vector<1x16xf32>,
          %get3A_238 = vector.shape_cast %get3A_237 : vector<1x16xf32> to vector<16xf32>
          %add3A_239 = arith.addf %get3A_234, %get3A_238 : vector<16xf32>
          %max3A_240 = arith.constant 0.000000e+00 : f32
          %max3A_241 = vector.broadcast %max3A_240 : f32 to vector<16xf32>
          %max3A_242 = arith.maximumf %add3A_239, %max3A_241 : vector<16xf32>
          %swap3A_243 = arith.index_cast %scan3A_131 : i32 to index
          %swap3A_244 = arith.constant 96 : index
          %swap3A_245 = tpu.vector_load %arg17[%swap3A_243, %swap3A_244] {strides = array<i32>} : memref<80x128xf32, #tpu.memory_space<vmem>>, vector<1x16xf32>,
          %swap3A_246 = vector.shape_cast %swap3A_245 : vector<1x16xf32> to vector<16xf32>
          %swap3A_247 = vector.shape_cast %max3A_242 : vector<16xf32> to vector<1x16xf32>
          tpu.vector_store %arg17[%swap3A_243, %swap3A_244], %swap3A_247 {strides = array<i32>} : memref<80x128xf32, #tpu.memory_space<vmem>>, vector<1x16xf32>,
          %get3A_248 = arith.index_cast %scan3A_131 : i32 to index
          %get3A_249 = arith.constant 112 : index
          %get3A_250 = tpu.vector_load %arg17[%get3A_248, %get3A_249] {strides = array<i32>} : memref<80x128xf32, #tpu.memory_space<vmem>>, vector<1x16xf32>,
          %get3A_251 = vector.shape_cast %get3A_250 : vector<1x16xf32> to vector<16xf32>
          %get3A_252 = arith.index_cast %scan3A_131 : i32 to index
          %get3A_253 = arith.constant 112 : index
          %get3A_254 = tpu.vector_load %arg19[%get3A_252, %get3A_253] {strides = array<i32>} : memref<80x128xf32, #tpu.memory_space<vmem>>, vector<1x16xf32>,
          %get3A_255 = vector.shape_cast %get3A_254 : vector<1x16xf32> to vector<16xf32>
          %add3A_256 = arith.addf %get3A_251, %get3A_255 : vector<16xf32>
          %max3A_257 = arith.constant 0.000000e+00 : f32
          %max3A_258 = vector.broadcast %max3A_257 : f32 to vector<16xf32>
          %max3A_259 = arith.maximumf %add3A_256, %max3A_258 : vector<16xf32>
          %swap3A_260 = arith.index_cast %scan3A_131 : i32 to index
          %swap3A_261 = arith.constant 112 : index
          %swap3A_262 = tpu.vector_load %arg17[%swap3A_260, %swap3A_261] {strides = array<i32>} : memref<80x128xf32, #tpu.memory_space<vmem>>, vector<1x16xf32>,
          %swap3A_263 = vector.shape_cast %swap3A_262 : vector<1x16xf32> to vector<16xf32>
          %swap3A_264 = vector.shape_cast %max3A_259 : vector<16xf32> to vector<1x16xf32>
          tpu.vector_store %arg17[%swap3A_260, %swap3A_261], %swap3A_264 {strides = array<i32>} : memref<80x128xf32, #tpu.memory_space<vmem>>, vector<1x16xf32>,
        }
        %scan3A_124 = arith.constant 80 : i32
        %dma_wait3A_125 = arith.constant 0 : i32
        %dma_wait3A_126 = tpu.memref_slice %arg5[%add3A, %add3A_70, %dma_wait3A_125] : memref<32x125x80xi32, #tpu.memory_space<hbm>> -> memref<1x1x80xi32, #tpu.memory_space<hbm>>
        %dma_wait3A_127 = tpu.memref_squeeze %dma_wait3A_126 : memref<1x1x80xi32, #tpu.memory_space<hbm>> -> memref<80xi32, #tpu.memory_space<hbm>>
        %dma_wait3A_128 = arith.constant 0 : i32
        %dma_wait3A_129 = tpu.memref_slice %arg5[%add3A, %add3A_70, %dma_wait3A_128] : memref<32x125x80xi32, #tpu.memory_space<hbm>> -> memref<1x1x80xi32, #tpu.memory_space<hbm>>
        %dma_wait3A_130 = tpu.memref_squeeze %dma_wait3A_129 : memref<1x1x80xi32, #tpu.memory_space<hbm>> -> memref<80xi32, #tpu.memory_space<hbm>>
        tpu.wait_dma2 semaphore(%arg29 : memref<!tpu.dma_semaphore, #tpu.memory_space<semaphore_mem>>) src(%dma_wait3A_130 : memref<80xi32, #tpu.memory_space<hbm>>) dst(%arg13 : memref<80xi32, #tpu.memory_space<vmem>>)
        "tpu.region"() ({
          %run_scoped3A = tpu.sem_alloc : memref<!tpu.dma_semaphore, #tpu.memory_space<semaphore_mem>>
          %dma_start3A_131 = arith.constant 0 : i32
          %dma_start3A_132 = arith.constant 0 : i32
          %dma_start3A_133 = tpu.memref_slice %arg8[%dma_start3A_131, %dma_start3A_132] : memref<10000x128xf32, #tpu.memory_space<vmem_shared>> -> memref<10000x128xf32, #tpu.memory_space<vmem_shared>>
          tpu.enqueue_indirect_dma source(%arg17 : memref<80x128xf32, #tpu.memory_space<vmem>>) target(%dma_start3A_133 : memref<10000x128xf32, #tpu.memory_space<vmem_shared>>) offsets(%arg13 : memref<80xi32, #tpu.memory_space<vmem>>) semaphore(%run_scoped3A : memref<!tpu.dma_semaphore, #tpu.memory_space<semaphore_mem>>) {add = true}
          %dma_wait3A_134 = arith.constant 0 : i32
          %dma_wait3A_135 = arith.constant 0 : i32
          %dma_wait3A_136 = tpu.memref_slice %arg8[%dma_wait3A_134, %dma_wait3A_135] : memref<10000x128xf32, #tpu.memory_space<vmem_shared>> -> memref<10000x128xf32, #tpu.memory_space<vmem_shared>>
          tpu.wait_indirect_dma semaphore(%run_scoped3A : memref<!tpu.dma_semaphore, #tpu.memory_space<semaphore_mem>>) src(%arg17 : memref<80x128xf32, #tpu.memory_space<vmem>>) dst(%dma_wait3A_136 : memref<10000x128xf32, #tpu.memory_space<vmem_shared>>)
          tpu.yield
        }) : () -> ()
      } else {
      }
      %add3A_75 = arith.constant 1 : i32
      %add3A_76 = arith.addi %mul3A_68, %add3A_75 : i32
      %lt3A_77 = arith.constant 125 : i32
      %lt3A_78 = arith.cmpi slt, %add3A_76, %lt3A_77 : i32
      %convert_element_type3A_79 = arith.extui %lt3A_78 : i1 to i32
      %cond3A_80 = arith.constant 0 : i32
      %cond3A_81 = arith.cmpi ne, %convert_element_type3A_79, %cond3A_80 : i32
      scf.if %cond3A_81 {
        %add3A_96 = arith.constant 2 : i32
        %add3A_97 = arith.addi %add3A_76, %add3A_96 : i32
        %lt3A_98 = arith.constant 125 : i32
        %lt3A_99 = arith.cmpi slt, %add3A_97, %lt3A_98 : i32
        %convert_element_type3A_100 = arith.extui %lt3A_99 : i1 to i32
        %cond3A_101 = arith.constant 0 : i32
        %cond3A_102 = arith.cmpi ne, %convert_element_type3A_100, %cond3A_101 : i32
        scf.if %cond3A_102 {
          %add3A_131 = arith.constant 2 : i32
          %add3A_132 = arith.addi %add3A_76, %add3A_131 : i32
          %dma_start3A_133 = arith.constant 0 : i32
          %dma_start3A_134 = tpu.memref_slice %arg4[%add3A, %add3A_132, %dma_start3A_133] : memref<32x125x80xi32, #tpu.memory_space<hbm>> -> memref<1x1x80xi32, #tpu.memory_space<hbm>>
          %dma_start3A_135 = tpu.memref_squeeze %dma_start3A_134 : memref<1x1x80xi32, #tpu.memory_space<hbm>> -> memref<80xi32, #tpu.memory_space<hbm>>
          %dma_start3A_136 = arith.constant 0 : i32
          %dma_start3A_137 = tpu.memref_slice %arg4[%add3A, %add3A_132, %dma_start3A_136] : memref<32x125x80xi32, #tpu.memory_space<hbm>> -> memref<1x1x80xi32, #tpu.memory_space<hbm>>
          %dma_start3A_138 = tpu.memref_squeeze %dma_start3A_137 : memref<1x1x80xi32, #tpu.memory_space<hbm>> -> memref<80xi32, #tpu.memory_space<hbm>>
          tpu.enqueue_dma source(%dma_start3A_138 : memref<80xi32, #tpu.memory_space<hbm>>) target(%arg12 : memref<80xi32, #tpu.memory_space<vmem>>) target_semaphore(%arg28 : memref<!tpu.dma_semaphore, #tpu.memory_space<semaphore_mem>>)
          %dma_start3A_139 = arith.constant 0 : i32
          %dma_start3A_140 = tpu.memref_slice %arg5[%add3A, %add3A_132, %dma_start3A_139] : memref<32x125x80xi32, #tpu.memory_space<hbm>> -> memref<1x1x80xi32, #tpu.memory_space<hbm>>
          %dma_start3A_141 = tpu.memref_squeeze %dma_start3A_140 : memref<1x1x80xi32, #tpu.memory_space<hbm>> -> memref<80xi32, #tpu.memory_space<hbm>>
          %dma_start3A_142 = arith.constant 0 : i32
          %dma_start3A_143 = tpu.memref_slice %arg5[%add3A, %add3A_132, %dma_start3A_142] : memref<32x125x80xi32, #tpu.memory_space<hbm>> -> memref<1x1x80xi32, #tpu.memory_space<hbm>>
          %dma_start3A_144 = tpu.memref_squeeze %dma_start3A_143 : memref<1x1x80xi32, #tpu.memory_space<hbm>> -> memref<80xi32, #tpu.memory_space<hbm>>
          tpu.enqueue_dma source(%dma_start3A_144 : memref<80xi32, #tpu.memory_space<hbm>>) target(%arg16 : memref<80xi32, #tpu.memory_space<vmem>>) target_semaphore(%arg32 : memref<!tpu.dma_semaphore, #tpu.memory_space<semaphore_mem>>)
        } else {
        }
        %dma_wait3A_103 = arith.constant 0 : i32
        %dma_wait3A_104 = arith.constant 0 : i32
        %dma_wait3A_105 = tpu.memref_slice %arg2[%dma_wait3A_103, %dma_wait3A_104] : memref<10000x128xf32, #tpu.memory_space<hbm>> -> memref<10000x128xf32, #tpu.memory_space<hbm>>
        tpu.wait_indirect_dma semaphore(%arg22 : memref<!tpu.dma_semaphore, #tpu.memory_space<semaphore_mem>>) src(%dma_wait3A_105 : memref<10000x128xf32, #tpu.memory_space<hbm>>) dst(%arg18 : memref<80x128xf32, #tpu.memory_space<vmem>>)
        %dma_wait3A_106 = arith.constant 0 : i32
        %dma_wait3A_107 = arith.constant 0 : i32
        %dma_wait3A_108 = tpu.memref_slice %arg3[%dma_wait3A_106, %dma_wait3A_107] : memref<320000x128xf32, #tpu.memory_space<hbm>> -> memref<80x128xf32, #tpu.memory_space<hbm>>
        %dma_wait3A_109 = arith.constant 0 : i32
        %dma_wait3A_110 = arith.constant 0 : i32
        %dma_wait3A_111 = tpu.memref_slice %arg3[%dma_wait3A_109, %dma_wait3A_110] : memref<320000x128xf32, #tpu.memory_space<hbm>> -> memref<80x128xf32, #tpu.memory_space<hbm>>
        tpu.wait_dma2 semaphore(%arg24 : memref<!tpu.dma_semaphore, #tpu.memory_space<semaphore_mem>>) src(%dma_wait3A_111 : memref<80x128xf32, #tpu.memory_space<hbm>>) dst(%arg20 : memref<80x128xf32, #tpu.memory_space<vmem>>)
        %add3A_112 = arith.constant 1 : i32
        %add3A_113 = arith.addi %add3A_76, %add3A_112 : i32
        %lt3A_114 = arith.constant 125 : i32
        %lt3A_115 = arith.cmpi slt, %add3A_113, %lt3A_114 : i32
        %convert_element_type3A_116 = arith.extui %lt3A_115 : i1 to i32
        %cond3A_117 = arith.constant 0 : i32
        %cond3A_118 = arith.cmpi ne, %convert_element_type3A_116, %cond3A_117 : i32
        scf.if %cond3A_118 {
          %add3A_131 = arith.constant 1 : i32
          %add3A_132 = arith.addi %add3A_76, %add3A_131 : i32
          %dma_wait3A_133 = arith.constant 0 : i32
          %dma_wait3A_134 = tpu.memref_slice %arg4[%add3A, %add3A_132, %dma_wait3A_133] : memref<32x125x80xi32, #tpu.memory_space<hbm>> -> memref<1x1x80xi32, #tpu.memory_space<hbm>>
          %dma_wait3A_135 = tpu.memref_squeeze %dma_wait3A_134 : memref<1x1x80xi32, #tpu.memory_space<hbm>> -> memref<80xi32, #tpu.memory_space<hbm>>
          %dma_wait3A_136 = arith.constant 0 : i32
          %dma_wait3A_137 = tpu.memref_slice %arg4[%add3A, %add3A_132, %dma_wait3A_136] : memref<32x125x80xi32, #tpu.memory_space<hbm>> -> memref<1x1x80xi32, #tpu.memory_space<hbm>>
          %dma_wait3A_138 = tpu.memref_squeeze %dma_wait3A_137 : memref<1x1x80xi32, #tpu.memory_space<hbm>> -> memref<80xi32, #tpu.memory_space<hbm>>
          tpu.wait_dma2 semaphore(%arg27 : memref<!tpu.dma_semaphore, #tpu.memory_space<semaphore_mem>>) src(%dma_wait3A_138 : memref<80xi32, #tpu.memory_space<hbm>>) dst(%arg11 : memref<80xi32, #tpu.memory_space<vmem>>)
          %dma_start3A_139 = arith.constant 0 : i32
          %dma_start3A_140 = arith.constant 0 : i32
          %dma_start3A_141 = tpu.memref_slice %arg2[%dma_start3A_139, %dma_start3A_140] : memref<10000x128xf32, #tpu.memory_space<hbm>> -> memref<10000x128xf32, #tpu.memory_space<hbm>>
          tpu.enqueue_indirect_dma source(%dma_start3A_141 : memref<10000x128xf32, #tpu.memory_space<hbm>>) target(%arg17 : memref<80x128xf32, #tpu.memory_space<vmem>>) offsets(%arg11 : memref<80xi32, #tpu.memory_space<vmem>>) semaphore(%arg21 : memref<!tpu.dma_semaphore, #tpu.memory_space<semaphore_mem>>)
          %mul3A_142 = arith.constant 80 : i32
          %mul3A_143 = arith.muli %add3A_132, %mul3A_142 : i32
          %add3A_144 = arith.addi %mul3A_8, %mul3A_143 : i32
          %dma_start3A_145 = arith.constant 0 : i32
          %dma_start3A_146 = tpu.memref_slice %arg3[%add3A_144, %dma_start3A_145] : memref<320000x128xf32, #tpu.memory_space<hbm>> -> memref<80x128xf32, #tpu.memory_space<hbm>>
          %dma_start3A_147 = arith.constant 0 : i32
          %dma_start3A_148 = tpu.memref_slice %arg3[%add3A_144, %dma_start3A_147] : memref<320000x128xf32, #tpu.memory_space<hbm>> -> memref<80x128xf32, #tpu.memory_space<hbm>>
          tpu.enqueue_dma source(%dma_start3A_148 : memref<80x128xf32, #tpu.memory_space<hbm>>) target(%arg19 : memref<80x128xf32, #tpu.memory_space<vmem>>) target_semaphore(%arg23 : memref<!tpu.dma_semaphore, #tpu.memory_space<semaphore_mem>>)
        } else {
        }
        %scan3A_119 = arith.constant 0 : i32
        %scan3A_120 = arith.constant 0 : i32
        %scan3A_121 = arith.constant 80 : i32
        %scan3A_122 = arith.addi %scan3A_120, %scan3A_121 : i32
        %scan3A_123 = arith.constant 1 : i32
        scf.for %scan3A_131 = %scan3A_120 to %scan3A_122 step %scan3A_123  : i32 {
          %get3A = arith.index_cast %scan3A_131 : i32 to index
          %get3A_132 = arith.constant 0 : index
          %get3A_133 = tpu.vector_load %arg18[%get3A, %get3A_132] {strides = array<i32>} : memref<80x128xf32, #tpu.memory_space<vmem>>, vector<1x16xf32>,
          %get3A_134 = vector.shape_cast %get3A_133 : vector<1x16xf32> to vector<16xf32>
          %get3A_135 = arith.index_cast %scan3A_131 : i32 to index
          %get3A_136 = arith.constant 0 : index
          %get3A_137 = tpu.vector_load %arg20[%get3A_135, %get3A_136] {strides = array<i32>} : memref<80x128xf32, #tpu.memory_space<vmem>>, vector<1x16xf32>,
          %get3A_138 = vector.shape_cast %get3A_137 : vector<1x16xf32> to vector<16xf32>
          %add3A_139 = arith.addf %get3A_134, %get3A_138 : vector<16xf32>
          %max3A = arith.constant 0.000000e+00 : f32
          %max3A_140 = vector.broadcast %max3A : f32 to vector<16xf32>
          %max3A_141 = arith.maximumf %add3A_139, %max3A_140 : vector<16xf32>
          %swap3A = arith.index_cast %scan3A_131 : i32 to index
          %swap3A_142 = arith.constant 0 : index
          %swap3A_143 = tpu.vector_load %arg18[%swap3A, %swap3A_142] {strides = array<i32>} : memref<80x128xf32, #tpu.memory_space<vmem>>, vector<1x16xf32>,
          %swap3A_144 = vector.shape_cast %swap3A_143 : vector<1x16xf32> to vector<16xf32>
          %swap3A_145 = vector.shape_cast %max3A_141 : vector<16xf32> to vector<1x16xf32>
          tpu.vector_store %arg18[%swap3A, %swap3A_142], %swap3A_145 {strides = array<i32>} : memref<80x128xf32, #tpu.memory_space<vmem>>, vector<1x16xf32>,
          %get3A_146 = arith.index_cast %scan3A_131 : i32 to index
          %get3A_147 = arith.constant 16 : index
          %get3A_148 = tpu.vector_load %arg18[%get3A_146, %get3A_147] {strides = array<i32>} : memref<80x128xf32, #tpu.memory_space<vmem>>, vector<1x16xf32>,
          %get3A_149 = vector.shape_cast %get3A_148 : vector<1x16xf32> to vector<16xf32>
          %get3A_150 = arith.index_cast %scan3A_131 : i32 to index
          %get3A_151 = arith.constant 16 : index
          %get3A_152 = tpu.vector_load %arg20[%get3A_150, %get3A_151] {strides = array<i32>} : memref<80x128xf32, #tpu.memory_space<vmem>>, vector<1x16xf32>,
          %get3A_153 = vector.shape_cast %get3A_152 : vector<1x16xf32> to vector<16xf32>
          %add3A_154 = arith.addf %get3A_149, %get3A_153 : vector<16xf32>
          %max3A_155 = arith.constant 0.000000e+00 : f32
          %max3A_156 = vector.broadcast %max3A_155 : f32 to vector<16xf32>
          %max3A_157 = arith.maximumf %add3A_154, %max3A_156 : vector<16xf32>
          %swap3A_158 = arith.index_cast %scan3A_131 : i32 to index
          %swap3A_159 = arith.constant 16 : index
          %swap3A_160 = tpu.vector_load %arg18[%swap3A_158, %swap3A_159] {strides = array<i32>} : memref<80x128xf32, #tpu.memory_space<vmem>>, vector<1x16xf32>,
          %swap3A_161 = vector.shape_cast %swap3A_160 : vector<1x16xf32> to vector<16xf32>
          %swap3A_162 = vector.shape_cast %max3A_157 : vector<16xf32> to vector<1x16xf32>
          tpu.vector_store %arg18[%swap3A_158, %swap3A_159], %swap3A_162 {strides = array<i32>} : memref<80x128xf32, #tpu.memory_space<vmem>>, vector<1x16xf32>,
          %get3A_163 = arith.index_cast %scan3A_131 : i32 to index
          %get3A_164 = arith.constant 32 : index
          %get3A_165 = tpu.vector_load %arg18[%get3A_163, %get3A_164] {strides = array<i32>} : memref<80x128xf32, #tpu.memory_space<vmem>>, vector<1x16xf32>,
          %get3A_166 = vector.shape_cast %get3A_165 : vector<1x16xf32> to vector<16xf32>
          %get3A_167 = arith.index_cast %scan3A_131 : i32 to index
          %get3A_168 = arith.constant 32 : index
          %get3A_169 = tpu.vector_load %arg20[%get3A_167, %get3A_168] {strides = array<i32>} : memref<80x128xf32, #tpu.memory_space<vmem>>, vector<1x16xf32>,
          %get3A_170 = vector.shape_cast %get3A_169 : vector<1x16xf32> to vector<16xf32>
          %add3A_171 = arith.addf %get3A_166, %get3A_170 : vector<16xf32>
          %max3A_172 = arith.constant 0.000000e+00 : f32
          %max3A_173 = vector.broadcast %max3A_172 : f32 to vector<16xf32>
          %max3A_174 = arith.maximumf %add3A_171, %max3A_173 : vector<16xf32>
          %swap3A_175 = arith.index_cast %scan3A_131 : i32 to index
          %swap3A_176 = arith.constant 32 : index
          %swap3A_177 = tpu.vector_load %arg18[%swap3A_175, %swap3A_176] {strides = array<i32>} : memref<80x128xf32, #tpu.memory_space<vmem>>, vector<1x16xf32>,
          %swap3A_178 = vector.shape_cast %swap3A_177 : vector<1x16xf32> to vector<16xf32>
          %swap3A_179 = vector.shape_cast %max3A_174 : vector<16xf32> to vector<1x16xf32>
          tpu.vector_store %arg18[%swap3A_175, %swap3A_176], %swap3A_179 {strides = array<i32>} : memref<80x128xf32, #tpu.memory_space<vmem>>, vector<1x16xf32>,
          %get3A_180 = arith.index_cast %scan3A_131 : i32 to index
          %get3A_181 = arith.constant 48 : index
          %get3A_182 = tpu.vector_load %arg18[%get3A_180, %get3A_181] {strides = array<i32>} : memref<80x128xf32, #tpu.memory_space<vmem>>, vector<1x16xf32>,
          %get3A_183 = vector.shape_cast %get3A_182 : vector<1x16xf32> to vector<16xf32>
          %get3A_184 = arith.index_cast %scan3A_131 : i32 to index
          %get3A_185 = arith.constant 48 : index
          %get3A_186 = tpu.vector_load %arg20[%get3A_184, %get3A_185] {strides = array<i32>} : memref<80x128xf32, #tpu.memory_space<vmem>>, vector<1x16xf32>,
          %get3A_187 = vector.shape_cast %get3A_186 : vector<1x16xf32> to vector<16xf32>
          %add3A_188 = arith.addf %get3A_183, %get3A_187 : vector<16xf32>
          %max3A_189 = arith.constant 0.000000e+00 : f32
          %max3A_190 = vector.broadcast %max3A_189 : f32 to vector<16xf32>
          %max3A_191 = arith.maximumf %add3A_188, %max3A_190 : vector<16xf32>
          %swap3A_192 = arith.index_cast %scan3A_131 : i32 to index
          %swap3A_193 = arith.constant 48 : index
          %swap3A_194 = tpu.vector_load %arg18[%swap3A_192, %swap3A_193] {strides = array<i32>} : memref<80x128xf32, #tpu.memory_space<vmem>>, vector<1x16xf32>,
          %swap3A_195 = vector.shape_cast %swap3A_194 : vector<1x16xf32> to vector<16xf32>
          %swap3A_196 = vector.shape_cast %max3A_191 : vector<16xf32> to vector<1x16xf32>
          tpu.vector_store %arg18[%swap3A_192, %swap3A_193], %swap3A_196 {strides = array<i32>} : memref<80x128xf32, #tpu.memory_space<vmem>>, vector<1x16xf32>,
          %get3A_197 = arith.index_cast %scan3A_131 : i32 to index
          %get3A_198 = arith.constant 64 : index
          %get3A_199 = tpu.vector_load %arg18[%get3A_197, %get3A_198] {strides = array<i32>} : memref<80x128xf32, #tpu.memory_space<vmem>>, vector<1x16xf32>,
          %get3A_200 = vector.shape_cast %get3A_199 : vector<1x16xf32> to vector<16xf32>
          %get3A_201 = arith.index_cast %scan3A_131 : i32 to index
          %get3A_202 = arith.constant 64 : index
          %get3A_203 = tpu.vector_load %arg20[%get3A_201, %get3A_202] {strides = array<i32>} : memref<80x128xf32, #tpu.memory_space<vmem>>, vector<1x16xf32>,
          %get3A_204 = vector.shape_cast %get3A_203 : vector<1x16xf32> to vector<16xf32>
          %add3A_205 = arith.addf %get3A_200, %get3A_204 : vector<16xf32>
          %max3A_206 = arith.constant 0.000000e+00 : f32
          %max3A_207 = vector.broadcast %max3A_206 : f32 to vector<16xf32>
          %max3A_208 = arith.maximumf %add3A_205, %max3A_207 : vector<16xf32>
          %swap3A_209 = arith.index_cast %scan3A_131 : i32 to index
          %swap3A_210 = arith.constant 64 : index
          %swap3A_211 = tpu.vector_load %arg18[%swap3A_209, %swap3A_210] {strides = array<i32>} : memref<80x128xf32, #tpu.memory_space<vmem>>, vector<1x16xf32>,
          %swap3A_212 = vector.shape_cast %swap3A_211 : vector<1x16xf32> to vector<16xf32>
          %swap3A_213 = vector.shape_cast %max3A_208 : vector<16xf32> to vector<1x16xf32>
          tpu.vector_store %arg18[%swap3A_209, %swap3A_210], %swap3A_213 {strides = array<i32>} : memref<80x128xf32, #tpu.memory_space<vmem>>, vector<1x16xf32>,
          %get3A_214 = arith.index_cast %scan3A_131 : i32 to index
          %get3A_215 = arith.constant 80 : index
          %get3A_216 = tpu.vector_load %arg18[%get3A_214, %get3A_215] {strides = array<i32>} : memref<80x128xf32, #tpu.memory_space<vmem>>, vector<1x16xf32>,
          %get3A_217 = vector.shape_cast %get3A_216 : vector<1x16xf32> to vector<16xf32>
          %get3A_218 = arith.index_cast %scan3A_131 : i32 to index
          %get3A_219 = arith.constant 80 : index
          %get3A_220 = tpu.vector_load %arg20[%get3A_218, %get3A_219] {strides = array<i32>} : memref<80x128xf32, #tpu.memory_space<vmem>>, vector<1x16xf32>,
          %get3A_221 = vector.shape_cast %get3A_220 : vector<1x16xf32> to vector<16xf32>
          %add3A_222 = arith.addf %get3A_217, %get3A_221 : vector<16xf32>
          %max3A_223 = arith.constant 0.000000e+00 : f32
          %max3A_224 = vector.broadcast %max3A_223 : f32 to vector<16xf32>
          %max3A_225 = arith.maximumf %add3A_222, %max3A_224 : vector<16xf32>
          %swap3A_226 = arith.index_cast %scan3A_131 : i32 to index
          %swap3A_227 = arith.constant 80 : index
          %swap3A_228 = tpu.vector_load %arg18[%swap3A_226, %swap3A_227] {strides = array<i32>} : memref<80x128xf32, #tpu.memory_space<vmem>>, vector<1x16xf32>,
          %swap3A_229 = vector.shape_cast %swap3A_228 : vector<1x16xf32> to vector<16xf32>
          %swap3A_230 = vector.shape_cast %max3A_225 : vector<16xf32> to vector<1x16xf32>
          tpu.vector_store %arg18[%swap3A_226, %swap3A_227], %swap3A_230 {strides = array<i32>} : memref<80x128xf32, #tpu.memory_space<vmem>>, vector<1x16xf32>,
          %get3A_231 = arith.index_cast %scan3A_131 : i32 to index
          %get3A_232 = arith.constant 96 : index
          %get3A_233 = tpu.vector_load %arg18[%get3A_231, %get3A_232] {strides = array<i32>} : memref<80x128xf32, #tpu.memory_space<vmem>>, vector<1x16xf32>,
          %get3A_234 = vector.shape_cast %get3A_233 : vector<1x16xf32> to vector<16xf32>
          %get3A_235 = arith.index_cast %scan3A_131 : i32 to index
          %get3A_236 = arith.constant 96 : index
          %get3A_237 = tpu.vector_load %arg20[%get3A_235, %get3A_236] {strides = array<i32>} : memref<80x128xf32, #tpu.memory_space<vmem>>, vector<1x16xf32>,
          %get3A_238 = vector.shape_cast %get3A_237 : vector<1x16xf32> to vector<16xf32>
          %add3A_239 = arith.addf %get3A_234, %get3A_238 : vector<16xf32>
          %max3A_240 = arith.constant 0.000000e+00 : f32
          %max3A_241 = vector.broadcast %max3A_240 : f32 to vector<16xf32>
          %max3A_242 = arith.maximumf %add3A_239, %max3A_241 : vector<16xf32>
          %swap3A_243 = arith.index_cast %scan3A_131 : i32 to index
          %swap3A_244 = arith.constant 96 : index
          %swap3A_245 = tpu.vector_load %arg18[%swap3A_243, %swap3A_244] {strides = array<i32>} : memref<80x128xf32, #tpu.memory_space<vmem>>, vector<1x16xf32>,
          %swap3A_246 = vector.shape_cast %swap3A_245 : vector<1x16xf32> to vector<16xf32>
          %swap3A_247 = vector.shape_cast %max3A_242 : vector<16xf32> to vector<1x16xf32>
          tpu.vector_store %arg18[%swap3A_243, %swap3A_244], %swap3A_247 {strides = array<i32>} : memref<80x128xf32, #tpu.memory_space<vmem>>, vector<1x16xf32>,
          %get3A_248 = arith.index_cast %scan3A_131 : i32 to index
          %get3A_249 = arith.constant 112 : index
          %get3A_250 = tpu.vector_load %arg18[%get3A_248, %get3A_249] {strides = array<i32>} : memref<80x128xf32, #tpu.memory_space<vmem>>, vector<1x16xf32>,
          %get3A_251 = vector.shape_cast %get3A_250 : vector<1x16xf32> to vector<16xf32>
          %get3A_252 = arith.index_cast %scan3A_131 : i32 to index
          %get3A_253 = arith.constant 112 : index
          %get3A_254 = tpu.vector_load %arg20[%get3A_252, %get3A_253] {strides = array<i32>} : memref<80x128xf32, #tpu.memory_space<vmem>>, vector<1x16xf32>,
          %get3A_255 = vector.shape_cast %get3A_254 : vector<1x16xf32> to vector<16xf32>
          %add3A_256 = arith.addf %get3A_251, %get3A_255 : vector<16xf32>
          %max3A_257 = arith.constant 0.000000e+00 : f32
          %max3A_258 = vector.broadcast %max3A_257 : f32 to vector<16xf32>
          %max3A_259 = arith.maximumf %add3A_256, %max3A_258 : vector<16xf32>
          %swap3A_260 = arith.index_cast %scan3A_131 : i32 to index
          %swap3A_261 = arith.constant 112 : index
          %swap3A_262 = tpu.vector_load %arg18[%swap3A_260, %swap3A_261] {strides = array<i32>} : memref<80x128xf32, #tpu.memory_space<vmem>>, vector<1x16xf32>,
          %swap3A_263 = vector.shape_cast %swap3A_262 : vector<1x16xf32> to vector<16xf32>
          %swap3A_264 = vector.shape_cast %max3A_259 : vector<16xf32> to vector<1x16xf32>
          tpu.vector_store %arg18[%swap3A_260, %swap3A_261], %swap3A_264 {strides = array<i32>} : memref<80x128xf32, #tpu.memory_space<vmem>>, vector<1x16xf32>,
        }
        %scan3A_124 = arith.constant 80 : i32
        %dma_wait3A_125 = arith.constant 0 : i32
        %dma_wait3A_126 = tpu.memref_slice %arg5[%add3A, %add3A_76, %dma_wait3A_125] : memref<32x125x80xi32, #tpu.memory_space<hbm>> -> memref<1x1x80xi32, #tpu.memory_space<hbm>>
        %dma_wait3A_127 = tpu.memref_squeeze %dma_wait3A_126 : memref<1x1x80xi32, #tpu.memory_space<hbm>> -> memref<80xi32, #tpu.memory_space<hbm>>
        %dma_wait3A_128 = arith.constant 0 : i32
        %dma_wait3A_129 = tpu.memref_slice %arg5[%add3A, %add3A_76, %dma_wait3A_128] : memref<32x125x80xi32, #tpu.memory_space<hbm>> -> memref<1x1x80xi32, #tpu.memory_space<hbm>>
        %dma_wait3A_130 = tpu.memref_squeeze %dma_wait3A_129 : memref<1x1x80xi32, #tpu.memory_space<hbm>> -> memref<80xi32, #tpu.memory_space<hbm>>
        tpu.wait_dma2 semaphore(%arg30 : memref<!tpu.dma_semaphore, #tpu.memory_space<semaphore_mem>>) src(%dma_wait3A_130 : memref<80xi32, #tpu.memory_space<hbm>>) dst(%arg14 : memref<80xi32, #tpu.memory_space<vmem>>)
        "tpu.region"() ({
          %run_scoped3A = tpu.sem_alloc : memref<!tpu.dma_semaphore, #tpu.memory_space<semaphore_mem>>
          %dma_start3A_131 = arith.constant 0 : i32
          %dma_start3A_132 = arith.constant 0 : i32
          %dma_start3A_133 = tpu.memref_slice %arg8[%dma_start3A_131, %dma_start3A_132] : memref<10000x128xf32, #tpu.memory_space<vmem_shared>> -> memref<10000x128xf32, #tpu.memory_space<vmem_shared>>
          tpu.enqueue_indirect_dma source(%arg18 : memref<80x128xf32, #tpu.memory_space<vmem>>) target(%dma_start3A_133 : memref<10000x128xf32, #tpu.memory_space<vmem_shared>>) offsets(%arg14 : memref<80xi32, #tpu.memory_space<vmem>>) semaphore(%run_scoped3A : memref<!tpu.dma_semaphore, #tpu.memory_space<semaphore_mem>>) {add = true}
          %dma_wait3A_134 = arith.constant 0 : i32
          %dma_wait3A_135 = arith.constant 0 : i32
          %dma_wait3A_136 = tpu.memref_slice %arg8[%dma_wait3A_134, %dma_wait3A_135] : memref<10000x128xf32, #tpu.memory_space<vmem_shared>> -> memref<10000x128xf32, #tpu.memory_space<vmem_shared>>
          tpu.wait_indirect_dma semaphore(%run_scoped3A : memref<!tpu.dma_semaphore, #tpu.memory_space<semaphore_mem>>) src(%arg18 : memref<80x128xf32, #tpu.memory_space<vmem>>) dst(%dma_wait3A_136 : memref<10000x128xf32, #tpu.memory_space<vmem_shared>>)
          tpu.yield
        }) : () -> ()
      } else {
      }
      %add3A_82 = arith.constant 2 : i32
      %add3A_83 = arith.addi %mul3A_68, %add3A_82 : i32
      %lt3A_84 = arith.constant 125 : i32
      %lt3A_85 = arith.cmpi slt, %add3A_83, %lt3A_84 : i32
      %convert_element_type3A_86 = arith.extui %lt3A_85 : i1 to i32
      %cond3A_87 = arith.constant 0 : i32
      %cond3A_88 = arith.cmpi ne, %convert_element_type3A_86, %cond3A_87 : i32
      scf.if %cond3A_88 {
        %add3A_96 = arith.constant 2 : i32
        %add3A_97 = arith.addi %add3A_83, %add3A_96 : i32
        %lt3A_98 = arith.constant 125 : i32
        %lt3A_99 = arith.cmpi slt, %add3A_97, %lt3A_98 : i32
        %convert_element_type3A_100 = arith.extui %lt3A_99 : i1 to i32
        %cond3A_101 = arith.constant 0 : i32
        %cond3A_102 = arith.cmpi ne, %convert_element_type3A_100, %cond3A_101 : i32
        scf.if %cond3A_102 {
          %add3A_131 = arith.constant 2 : i32
          %add3A_132 = arith.addi %add3A_83, %add3A_131 : i32
          %dma_start3A_133 = arith.constant 0 : i32
          %dma_start3A_134 = tpu.memref_slice %arg4[%add3A, %add3A_132, %dma_start3A_133] : memref<32x125x80xi32, #tpu.memory_space<hbm>> -> memref<1x1x80xi32, #tpu.memory_space<hbm>>
          %dma_start3A_135 = tpu.memref_squeeze %dma_start3A_134 : memref<1x1x80xi32, #tpu.memory_space<hbm>> -> memref<80xi32, #tpu.memory_space<hbm>>
          %dma_start3A_136 = arith.constant 0 : i32
          %dma_start3A_137 = tpu.memref_slice %arg4[%add3A, %add3A_132, %dma_start3A_136] : memref<32x125x80xi32, #tpu.memory_space<hbm>> -> memref<1x1x80xi32, #tpu.memory_space<hbm>>
          %dma_start3A_138 = tpu.memref_squeeze %dma_start3A_137 : memref<1x1x80xi32, #tpu.memory_space<hbm>> -> memref<80xi32, #tpu.memory_space<hbm>>
          tpu.enqueue_dma source(%dma_start3A_138 : memref<80xi32, #tpu.memory_space<hbm>>) target(%arg9 : memref<80xi32, #tpu.memory_space<vmem>>) target_semaphore(%arg25 : memref<!tpu.dma_semaphore, #tpu.memory_space<semaphore_mem>>)
          %dma_start3A_139 = arith.constant 0 : i32
          %dma_start3A_140 = tpu.memref_slice %arg5[%add3A, %add3A_132, %dma_start3A_139] : memref<32x125x80xi32, #tpu.memory_space<hbm>> -> memref<1x1x80xi32, #tpu.memory_space<hbm>>
          %dma_start3A_141 = tpu.memref_squeeze %dma_start3A_140 : memref<1x1x80xi32, #tpu.memory_space<hbm>> -> memref<80xi32, #tpu.memory_space<hbm>>
          %dma_start3A_142 = arith.constant 0 : i32
          %dma_start3A_143 = tpu.memref_slice %arg5[%add3A, %add3A_132, %dma_start3A_142] : memref<32x125x80xi32, #tpu.memory_space<hbm>> -> memref<1x1x80xi32, #tpu.memory_space<hbm>>
          %dma_start3A_144 = tpu.memref_squeeze %dma_start3A_143 : memref<1x1x80xi32, #tpu.memory_space<hbm>> -> memref<80xi32, #tpu.memory_space<hbm>>
          tpu.enqueue_dma source(%dma_start3A_144 : memref<80xi32, #tpu.memory_space<hbm>>) target(%arg13 : memref<80xi32, #tpu.memory_space<vmem>>) target_semaphore(%arg29 : memref<!tpu.dma_semaphore, #tpu.memory_space<semaphore_mem>>)
        } else {
        }
        %dma_wait3A_103 = arith.constant 0 : i32
        %dma_wait3A_104 = arith.constant 0 : i32
        %dma_wait3A_105 = tpu.memref_slice %arg2[%dma_wait3A_103, %dma_wait3A_104] : memref<10000x128xf32, #tpu.memory_space<hbm>> -> memref<10000x128xf32, #tpu.memory_space<hbm>>
        tpu.wait_indirect_dma semaphore(%arg21 : memref<!tpu.dma_semaphore, #tpu.memory_space<semaphore_mem>>) src(%dma_wait3A_105 : memref<10000x128xf32, #tpu.memory_space<hbm>>) dst(%arg17 : memref<80x128xf32, #tpu.memory_space<vmem>>)
        %dma_wait3A_106 = arith.constant 0 : i32
        %dma_wait3A_107 = arith.constant 0 : i32
        %dma_wait3A_108 = tpu.memref_slice %arg3[%dma_wait3A_106, %dma_wait3A_107] : memref<320000x128xf32, #tpu.memory_space<hbm>> -> memref<80x128xf32, #tpu.memory_space<hbm>>
        %dma_wait3A_109 = arith.constant 0 : i32
        %dma_wait3A_110 = arith.constant 0 : i32
        %dma_wait3A_111 = tpu.memref_slice %arg3[%dma_wait3A_109, %dma_wait3A_110] : memref<320000x128xf32, #tpu.memory_space<hbm>> -> memref<80x128xf32, #tpu.memory_space<hbm>>
        tpu.wait_dma2 semaphore(%arg23 : memref<!tpu.dma_semaphore, #tpu.memory_space<semaphore_mem>>) src(%dma_wait3A_111 : memref<80x128xf32, #tpu.memory_space<hbm>>) dst(%arg19 : memref<80x128xf32, #tpu.memory_space<vmem>>)
        %add3A_112 = arith.constant 1 : i32
        %add3A_113 = arith.addi %add3A_83, %add3A_112 : i32
        %lt3A_114 = arith.constant 125 : i32
        %lt3A_115 = arith.cmpi slt, %add3A_113, %lt3A_114 : i32
        %convert_element_type3A_116 = arith.extui %lt3A_115 : i1 to i32
        %cond3A_117 = arith.constant 0 : i32
        %cond3A_118 = arith.cmpi ne, %convert_element_type3A_116, %cond3A_117 : i32
        scf.if %cond3A_118 {
          %add3A_131 = arith.constant 1 : i32
          %add3A_132 = arith.addi %add3A_83, %add3A_131 : i32
          %dma_wait3A_133 = arith.constant 0 : i32
          %dma_wait3A_134 = tpu.memref_slice %arg4[%add3A, %add3A_132, %dma_wait3A_133] : memref<32x125x80xi32, #tpu.memory_space<hbm>> -> memref<1x1x80xi32, #tpu.memory_space<hbm>>
          %dma_wait3A_135 = tpu.memref_squeeze %dma_wait3A_134 : memref<1x1x80xi32, #tpu.memory_space<hbm>> -> memref<80xi32, #tpu.memory_space<hbm>>
          %dma_wait3A_136 = arith.constant 0 : i32
          %dma_wait3A_137 = tpu.memref_slice %arg4[%add3A, %add3A_132, %dma_wait3A_136] : memref<32x125x80xi32, #tpu.memory_space<hbm>> -> memref<1x1x80xi32, #tpu.memory_space<hbm>>
          %dma_wait3A_138 = tpu.memref_squeeze %dma_wait3A_137 : memref<1x1x80xi32, #tpu.memory_space<hbm>> -> memref<80xi32, #tpu.memory_space<hbm>>
          tpu.wait_dma2 semaphore(%arg28 : memref<!tpu.dma_semaphore, #tpu.memory_space<semaphore_mem>>) src(%dma_wait3A_138 : memref<80xi32, #tpu.memory_space<hbm>>) dst(%arg12 : memref<80xi32, #tpu.memory_space<vmem>>)
          %dma_start3A_139 = arith.constant 0 : i32
          %dma_start3A_140 = arith.constant 0 : i32
          %dma_start3A_141 = tpu.memref_slice %arg2[%dma_start3A_139, %dma_start3A_140] : memref<10000x128xf32, #tpu.memory_space<hbm>> -> memref<10000x128xf32, #tpu.memory_space<hbm>>
          tpu.enqueue_indirect_dma source(%dma_start3A_141 : memref<10000x128xf32, #tpu.memory_space<hbm>>) target(%arg18 : memref<80x128xf32, #tpu.memory_space<vmem>>) offsets(%arg12 : memref<80xi32, #tpu.memory_space<vmem>>) semaphore(%arg22 : memref<!tpu.dma_semaphore, #tpu.memory_space<semaphore_mem>>)
          %mul3A_142 = arith.constant 80 : i32
          %mul3A_143 = arith.muli %add3A_132, %mul3A_142 : i32
          %add3A_144 = arith.addi %mul3A_8, %mul3A_143 : i32
          %dma_start3A_145 = arith.constant 0 : i32
          %dma_start3A_146 = tpu.memref_slice %arg3[%add3A_144, %dma_start3A_145] : memref<320000x128xf32, #tpu.memory_space<hbm>> -> memref<80x128xf32, #tpu.memory_space<hbm>>
          %dma_start3A_147 = arith.constant 0 : i32
          %dma_start3A_148 = tpu.memref_slice %arg3[%add3A_144, %dma_start3A_147] : memref<320000x128xf32, #tpu.memory_space<hbm>> -> memref<80x128xf32, #tpu.memory_space<hbm>>
          tpu.enqueue_dma source(%dma_start3A_148 : memref<80x128xf32, #tpu.memory_space<hbm>>) target(%arg20 : memref<80x128xf32, #tpu.memory_space<vmem>>) target_semaphore(%arg24 : memref<!tpu.dma_semaphore, #tpu.memory_space<semaphore_mem>>)
        } else {
        }
        %scan3A_119 = arith.constant 0 : i32
        %scan3A_120 = arith.constant 0 : i32
        %scan3A_121 = arith.constant 80 : i32
        %scan3A_122 = arith.addi %scan3A_120, %scan3A_121 : i32
        %scan3A_123 = arith.constant 1 : i32
        scf.for %scan3A_131 = %scan3A_120 to %scan3A_122 step %scan3A_123  : i32 {
          %get3A = arith.index_cast %scan3A_131 : i32 to index
          %get3A_132 = arith.constant 0 : index
          %get3A_133 = tpu.vector_load %arg17[%get3A, %get3A_132] {strides = array<i32>} : memref<80x128xf32, #tpu.memory_space<vmem>>, vector<1x16xf32>,
          %get3A_134 = vector.shape_cast %get3A_133 : vector<1x16xf32> to vector<16xf32>
          %get3A_135 = arith.index_cast %scan3A_131 : i32 to index
          %get3A_136 = arith.constant 0 : index
          %get3A_137 = tpu.vector_load %arg19[%get3A_135, %get3A_136] {strides = array<i32>} : memref<80x128xf32, #tpu.memory_space<vmem>>, vector<1x16xf32>,
          %get3A_138 = vector.shape_cast %get3A_137 : vector<1x16xf32> to vector<16xf32>
          %add3A_139 = arith.addf %get3A_134, %get3A_138 : vector<16xf32>
          %max3A = arith.constant 0.000000e+00 : f32
          %max3A_140 = vector.broadcast %max3A : f32 to vector<16xf32>
          %max3A_141 = arith.maximumf %add3A_139, %max3A_140 : vector<16xf32>
          %swap3A = arith.index_cast %scan3A_131 : i32 to index
          %swap3A_142 = arith.constant 0 : index
          %swap3A_143 = tpu.vector_load %arg17[%swap3A, %swap3A_142] {strides = array<i32>} : memref<80x128xf32, #tpu.memory_space<vmem>>, vector<1x16xf32>,
          %swap3A_144 = vector.shape_cast %swap3A_143 : vector<1x16xf32> to vector<16xf32>
          %swap3A_145 = vector.shape_cast %max3A_141 : vector<16xf32> to vector<1x16xf32>
          tpu.vector_store %arg17[%swap3A, %swap3A_142], %swap3A_145 {strides = array<i32>} : memref<80x128xf32, #tpu.memory_space<vmem>>, vector<1x16xf32>,
          %get3A_146 = arith.index_cast %scan3A_131 : i32 to index
          %get3A_147 = arith.constant 16 : index
          %get3A_148 = tpu.vector_load %arg17[%get3A_146, %get3A_147] {strides = array<i32>} : memref<80x128xf32, #tpu.memory_space<vmem>>, vector<1x16xf32>,
          %get3A_149 = vector.shape_cast %get3A_148 : vector<1x16xf32> to vector<16xf32>
          %get3A_150 = arith.index_cast %scan3A_131 : i32 to index
          %get3A_151 = arith.constant 16 : index
          %get3A_152 = tpu.vector_load %arg19[%get3A_150, %get3A_151] {strides = array<i32>} : memref<80x128xf32, #tpu.memory_space<vmem>>, vector<1x16xf32>,
          %get3A_153 = vector.shape_cast %get3A_152 : vector<1x16xf32> to vector<16xf32>
          %add3A_154 = arith.addf %get3A_149, %get3A_153 : vector<16xf32>
          %max3A_155 = arith.constant 0.000000e+00 : f32
          %max3A_156 = vector.broadcast %max3A_155 : f32 to vector<16xf32>
          %max3A_157 = arith.maximumf %add3A_154, %max3A_156 : vector<16xf32>
          %swap3A_158 = arith.index_cast %scan3A_131 : i32 to index
          %swap3A_159 = arith.constant 16 : index
          %swap3A_160 = tpu.vector_load %arg17[%swap3A_158, %swap3A_159] {strides = array<i32>} : memref<80x128xf32, #tpu.memory_space<vmem>>, vector<1x16xf32>,
          %swap3A_161 = vector.shape_cast %swap3A_160 : vector<1x16xf32> to vector<16xf32>
          %swap3A_162 = vector.shape_cast %max3A_157 : vector<16xf32> to vector<1x16xf32>
          tpu.vector_store %arg17[%swap3A_158, %swap3A_159], %swap3A_162 {strides = array<i32>} : memref<80x128xf32, #tpu.memory_space<vmem>>, vector<1x16xf32>,
          %get3A_163 = arith.index_cast %scan3A_131 : i32 to index
          %get3A_164 = arith.constant 32 : index
          %get3A_165 = tpu.vector_load %arg17[%get3A_163, %get3A_164] {strides = array<i32>} : memref<80x128xf32, #tpu.memory_space<vmem>>, vector<1x16xf32>,
          %get3A_166 = vector.shape_cast %get3A_165 : vector<1x16xf32> to vector<16xf32>
          %get3A_167 = arith.index_cast %scan3A_131 : i32 to index
          %get3A_168 = arith.constant 32 : index
          %get3A_169 = tpu.vector_load %arg19[%get3A_167, %get3A_168] {strides = array<i32>} : memref<80x128xf32, #tpu.memory_space<vmem>>, vector<1x16xf32>,
          %get3A_170 = vector.shape_cast %get3A_169 : vector<1x16xf32> to vector<16xf32>
          %add3A_171 = arith.addf %get3A_166, %get3A_170 : vector<16xf32>
          %max3A_172 = arith.constant 0.000000e+00 : f32
          %max3A_173 = vector.broadcast %max3A_172 : f32 to vector<16xf32>
          %max3A_174 = arith.maximumf %add3A_171, %max3A_173 : vector<16xf32>
          %swap3A_175 = arith.index_cast %scan3A_131 : i32 to index
          %swap3A_176 = arith.constant 32 : index
          %swap3A_177 = tpu.vector_load %arg17[%swap3A_175, %swap3A_176] {strides = array<i32>} : memref<80x128xf32, #tpu.memory_space<vmem>>, vector<1x16xf32>,
          %swap3A_178 = vector.shape_cast %swap3A_177 : vector<1x16xf32> to vector<16xf32>
          %swap3A_179 = vector.shape_cast %max3A_174 : vector<16xf32> to vector<1x16xf32>
          tpu.vector_store %arg17[%swap3A_175, %swap3A_176], %swap3A_179 {strides = array<i32>} : memref<80x128xf32, #tpu.memory_space<vmem>>, vector<1x16xf32>,
          %get3A_180 = arith.index_cast %scan3A_131 : i32 to index
          %get3A_181 = arith.constant 48 : index
          %get3A_182 = tpu.vector_load %arg17[%get3A_180, %get3A_181] {strides = array<i32>} : memref<80x128xf32, #tpu.memory_space<vmem>>, vector<1x16xf32>,
          %get3A_183 = vector.shape_cast %get3A_182 : vector<1x16xf32> to vector<16xf32>
          %get3A_184 = arith.index_cast %scan3A_131 : i32 to index
          %get3A_185 = arith.constant 48 : index
          %get3A_186 = tpu.vector_load %arg19[%get3A_184, %get3A_185] {strides = array<i32>} : memref<80x128xf32, #tpu.memory_space<vmem>>, vector<1x16xf32>,
          %get3A_187 = vector.shape_cast %get3A_186 : vector<1x16xf32> to vector<16xf32>
          %add3A_188 = arith.addf %get3A_183, %get3A_187 : vector<16xf32>
          %max3A_189 = arith.constant 0.000000e+00 : f32
          %max3A_190 = vector.broadcast %max3A_189 : f32 to vector<16xf32>
          %max3A_191 = arith.maximumf %add3A_188, %max3A_190 : vector<16xf32>
          %swap3A_192 = arith.index_cast %scan3A_131 : i32 to index
          %swap3A_193 = arith.constant 48 : index
          %swap3A_194 = tpu.vector_load %arg17[%swap3A_192, %swap3A_193] {strides = array<i32>} : memref<80x128xf32, #tpu.memory_space<vmem>>, vector<1x16xf32>,
          %swap3A_195 = vector.shape_cast %swap3A_194 : vector<1x16xf32> to vector<16xf32>
          %swap3A_196 = vector.shape_cast %max3A_191 : vector<16xf32> to vector<1x16xf32>
          tpu.vector_store %arg17[%swap3A_192, %swap3A_193], %swap3A_196 {strides = array<i32>} : memref<80x128xf32, #tpu.memory_space<vmem>>, vector<1x16xf32>,
          %get3A_197 = arith.index_cast %scan3A_131 : i32 to index
          %get3A_198 = arith.constant 64 : index
          %get3A_199 = tpu.vector_load %arg17[%get3A_197, %get3A_198] {strides = array<i32>} : memref<80x128xf32, #tpu.memory_space<vmem>>, vector<1x16xf32>,
          %get3A_200 = vector.shape_cast %get3A_199 : vector<1x16xf32> to vector<16xf32>
          %get3A_201 = arith.index_cast %scan3A_131 : i32 to index
          %get3A_202 = arith.constant 64 : index
          %get3A_203 = tpu.vector_load %arg19[%get3A_201, %get3A_202] {strides = array<i32>} : memref<80x128xf32, #tpu.memory_space<vmem>>, vector<1x16xf32>,
          %get3A_204 = vector.shape_cast %get3A_203 : vector<1x16xf32> to vector<16xf32>
          %add3A_205 = arith.addf %get3A_200, %get3A_204 : vector<16xf32>
          %max3A_206 = arith.constant 0.000000e+00 : f32
          %max3A_207 = vector.broadcast %max3A_206 : f32 to vector<16xf32>
          %max3A_208 = arith.maximumf %add3A_205, %max3A_207 : vector<16xf32>
          %swap3A_209 = arith.index_cast %scan3A_131 : i32 to index
          %swap3A_210 = arith.constant 64 : index
          %swap3A_211 = tpu.vector_load %arg17[%swap3A_209, %swap3A_210] {strides = array<i32>} : memref<80x128xf32, #tpu.memory_space<vmem>>, vector<1x16xf32>,
          %swap3A_212 = vector.shape_cast %swap3A_211 : vector<1x16xf32> to vector<16xf32>
          %swap3A_213 = vector.shape_cast %max3A_208 : vector<16xf32> to vector<1x16xf32>
          tpu.vector_store %arg17[%swap3A_209, %swap3A_210], %swap3A_213 {strides = array<i32>} : memref<80x128xf32, #tpu.memory_space<vmem>>, vector<1x16xf32>,
          %get3A_214 = arith.index_cast %scan3A_131 : i32 to index
          %get3A_215 = arith.constant 80 : index
          %get3A_216 = tpu.vector_load %arg17[%get3A_214, %get3A_215] {strides = array<i32>} : memref<80x128xf32, #tpu.memory_space<vmem>>, vector<1x16xf32>,
          %get3A_217 = vector.shape_cast %get3A_216 : vector<1x16xf32> to vector<16xf32>
          %get3A_218 = arith.index_cast %scan3A_131 : i32 to index
          %get3A_219 = arith.constant 80 : index
          %get3A_220 = tpu.vector_load %arg19[%get3A_218, %get3A_219] {strides = array<i32>} : memref<80x128xf32, #tpu.memory_space<vmem>>, vector<1x16xf32>,
          %get3A_221 = vector.shape_cast %get3A_220 : vector<1x16xf32> to vector<16xf32>
          %add3A_222 = arith.addf %get3A_217, %get3A_221 : vector<16xf32>
          %max3A_223 = arith.constant 0.000000e+00 : f32
          %max3A_224 = vector.broadcast %max3A_223 : f32 to vector<16xf32>
          %max3A_225 = arith.maximumf %add3A_222, %max3A_224 : vector<16xf32>
          %swap3A_226 = arith.index_cast %scan3A_131 : i32 to index
          %swap3A_227 = arith.constant 80 : index
          %swap3A_228 = tpu.vector_load %arg17[%swap3A_226, %swap3A_227] {strides = array<i32>} : memref<80x128xf32, #tpu.memory_space<vmem>>, vector<1x16xf32>,
          %swap3A_229 = vector.shape_cast %swap3A_228 : vector<1x16xf32> to vector<16xf32>
          %swap3A_230 = vector.shape_cast %max3A_225 : vector<16xf32> to vector<1x16xf32>
          tpu.vector_store %arg17[%swap3A_226, %swap3A_227], %swap3A_230 {strides = array<i32>} : memref<80x128xf32, #tpu.memory_space<vmem>>, vector<1x16xf32>,
          %get3A_231 = arith.index_cast %scan3A_131 : i32 to index
          %get3A_232 = arith.constant 96 : index
          %get3A_233 = tpu.vector_load %arg17[%get3A_231, %get3A_232] {strides = array<i32>} : memref<80x128xf32, #tpu.memory_space<vmem>>, vector<1x16xf32>,
          %get3A_234 = vector.shape_cast %get3A_233 : vector<1x16xf32> to vector<16xf32>
          %get3A_235 = arith.index_cast %scan3A_131 : i32 to index
          %get3A_236 = arith.constant 96 : index
          %get3A_237 = tpu.vector_load %arg19[%get3A_235, %get3A_236] {strides = array<i32>} : memref<80x128xf32, #tpu.memory_space<vmem>>, vector<1x16xf32>,
          %get3A_238 = vector.shape_cast %get3A_237 : vector<1x16xf32> to vector<16xf32>
          %add3A_239 = arith.addf %get3A_234, %get3A_238 : vector<16xf32>
          %max3A_240 = arith.constant 0.000000e+00 : f32
          %max3A_241 = vector.broadcast %max3A_240 : f32 to vector<16xf32>
          %max3A_242 = arith.maximumf %add3A_239, %max3A_241 : vector<16xf32>
          %swap3A_243 = arith.index_cast %scan3A_131 : i32 to index
          %swap3A_244 = arith.constant 96 : index
          %swap3A_245 = tpu.vector_load %arg17[%swap3A_243, %swap3A_244] {strides = array<i32>} : memref<80x128xf32, #tpu.memory_space<vmem>>, vector<1x16xf32>,
          %swap3A_246 = vector.shape_cast %swap3A_245 : vector<1x16xf32> to vector<16xf32>
          %swap3A_247 = vector.shape_cast %max3A_242 : vector<16xf32> to vector<1x16xf32>
          tpu.vector_store %arg17[%swap3A_243, %swap3A_244], %swap3A_247 {strides = array<i32>} : memref<80x128xf32, #tpu.memory_space<vmem>>, vector<1x16xf32>,
          %get3A_248 = arith.index_cast %scan3A_131 : i32 to index
          %get3A_249 = arith.constant 112 : index
          %get3A_250 = tpu.vector_load %arg17[%get3A_248, %get3A_249] {strides = array<i32>} : memref<80x128xf32, #tpu.memory_space<vmem>>, vector<1x16xf32>,
          %get3A_251 = vector.shape_cast %get3A_250 : vector<1x16xf32> to vector<16xf32>
          %get3A_252 = arith.index_cast %scan3A_131 : i32 to index
          %get3A_253 = arith.constant 112 : index
          %get3A_254 = tpu.vector_load %arg19[%get3A_252, %get3A_253] {strides = array<i32>} : memref<80x128xf32, #tpu.memory_space<vmem>>, vector<1x16xf32>,
          %get3A_255 = vector.shape_cast %get3A_254 : vector<1x16xf32> to vector<16xf32>
          %add3A_256 = arith.addf %get3A_251, %get3A_255 : vector<16xf32>
          %max3A_257 = arith.constant 0.000000e+00 : f32
          %max3A_258 = vector.broadcast %max3A_257 : f32 to vector<16xf32>
          %max3A_259 = arith.maximumf %add3A_256, %max3A_258 : vector<16xf32>
          %swap3A_260 = arith.index_cast %scan3A_131 : i32 to index
          %swap3A_261 = arith.constant 112 : index
          %swap3A_262 = tpu.vector_load %arg17[%swap3A_260, %swap3A_261] {strides = array<i32>} : memref<80x128xf32, #tpu.memory_space<vmem>>, vector<1x16xf32>,
          %swap3A_263 = vector.shape_cast %swap3A_262 : vector<1x16xf32> to vector<16xf32>
          %swap3A_264 = vector.shape_cast %max3A_259 : vector<16xf32> to vector<1x16xf32>
          tpu.vector_store %arg17[%swap3A_260, %swap3A_261], %swap3A_264 {strides = array<i32>} : memref<80x128xf32, #tpu.memory_space<vmem>>, vector<1x16xf32>,
        }
        %scan3A_124 = arith.constant 80 : i32
        %dma_wait3A_125 = arith.constant 0 : i32
        %dma_wait3A_126 = tpu.memref_slice %arg5[%add3A, %add3A_83, %dma_wait3A_125] : memref<32x125x80xi32, #tpu.memory_space<hbm>> -> memref<1x1x80xi32, #tpu.memory_space<hbm>>
        %dma_wait3A_127 = tpu.memref_squeeze %dma_wait3A_126 : memref<1x1x80xi32, #tpu.memory_space<hbm>> -> memref<80xi32, #tpu.memory_space<hbm>>
        %dma_wait3A_128 = arith.constant 0 : i32
        %dma_wait3A_129 = tpu.memref_slice %arg5[%add3A, %add3A_83, %dma_wait3A_128] : memref<32x125x80xi32, #tpu.memory_space<hbm>> -> memref<1x1x80xi32, #tpu.memory_space<hbm>>
        %dma_wait3A_130 = tpu.memref_squeeze %dma_wait3A_129 : memref<1x1x80xi32, #tpu.memory_space<hbm>> -> memref<80xi32, #tpu.memory_space<hbm>>
        tpu.wait_dma2 semaphore(%arg31 : memref<!tpu.dma_semaphore, #tpu.memory_space<semaphore_mem>>) src(%dma_wait3A_130 : memref<80xi32, #tpu.memory_space<hbm>>) dst(%arg15 : memref<80xi32, #tpu.memory_space<vmem>>)
        "tpu.region"() ({
          %run_scoped3A = tpu.sem_alloc : memref<!tpu.dma_semaphore, #tpu.memory_space<semaphore_mem>>
          %dma_start3A_131 = arith.constant 0 : i32
          %dma_start3A_132 = arith.constant 0 : i32
          %dma_start3A_133 = tpu.memref_slice %arg8[%dma_start3A_131, %dma_start3A_132] : memref<10000x128xf32, #tpu.memory_space<vmem_shared>> -> memref<10000x128xf32, #tpu.memory_space<vmem_shared>>
          tpu.enqueue_indirect_dma source(%arg17 : memref<80x128xf32, #tpu.memory_space<vmem>>) target(%dma_start3A_133 : memref<10000x128xf32, #tpu.memory_space<vmem_shared>>) offsets(%arg15 : memref<80xi32, #tpu.memory_space<vmem>>) semaphore(%run_scoped3A : memref<!tpu.dma_semaphore, #tpu.memory_space<semaphore_mem>>) {add = true}
          %dma_wait3A_134 = arith.constant 0 : i32
          %dma_wait3A_135 = arith.constant 0 : i32
          %dma_wait3A_136 = tpu.memref_slice %arg8[%dma_wait3A_134, %dma_wait3A_135] : memref<10000x128xf32, #tpu.memory_space<vmem_shared>> -> memref<10000x128xf32, #tpu.memory_space<vmem_shared>>
          tpu.wait_indirect_dma semaphore(%run_scoped3A : memref<!tpu.dma_semaphore, #tpu.memory_space<semaphore_mem>>) src(%arg17 : memref<80x128xf32, #tpu.memory_space<vmem>>) dst(%dma_wait3A_136 : memref<10000x128xf32, #tpu.memory_space<vmem_shared>>)
          tpu.yield
        }) : () -> ()
      } else {
      }
      %add3A_89 = arith.constant 3 : i32
      %add3A_90 = arith.addi %mul3A_68, %add3A_89 : i32
      %lt3A_91 = arith.constant 125 : i32
      %lt3A_92 = arith.cmpi slt, %add3A_90, %lt3A_91 : i32
      %convert_element_type3A_93 = arith.extui %lt3A_92 : i1 to i32
      %cond3A_94 = arith.constant 0 : i32
      %cond3A_95 = arith.cmpi ne, %convert_element_type3A_93, %cond3A_94 : i32
      scf.if %cond3A_95 {
        %add3A_96 = arith.constant 2 : i32
        %add3A_97 = arith.addi %add3A_90, %add3A_96 : i32
        %lt3A_98 = arith.constant 125 : i32
        %lt3A_99 = arith.cmpi slt, %add3A_97, %lt3A_98 : i32
        %convert_element_type3A_100 = arith.extui %lt3A_99 : i1 to i32
        %cond3A_101 = arith.constant 0 : i32
        %cond3A_102 = arith.cmpi ne, %convert_element_type3A_100, %cond3A_101 : i32
        scf.if %cond3A_102 {
          %add3A_131 = arith.constant 2 : i32
          %add3A_132 = arith.addi %add3A_90, %add3A_131 : i32
          %dma_start3A_133 = arith.constant 0 : i32
          %dma_start3A_134 = tpu.memref_slice %arg4[%add3A, %add3A_132, %dma_start3A_133] : memref<32x125x80xi32, #tpu.memory_space<hbm>> -> memref<1x1x80xi32, #tpu.memory_space<hbm>>
          %dma_start3A_135 = tpu.memref_squeeze %dma_start3A_134 : memref<1x1x80xi32, #tpu.memory_space<hbm>> -> memref<80xi32, #tpu.memory_space<hbm>>
          %dma_start3A_136 = arith.constant 0 : i32
          %dma_start3A_137 = tpu.memref_slice %arg4[%add3A, %add3A_132, %dma_start3A_136] : memref<32x125x80xi32, #tpu.memory_space<hbm>> -> memref<1x1x80xi32, #tpu.memory_space<hbm>>
          %dma_start3A_138 = tpu.memref_squeeze %dma_start3A_137 : memref<1x1x80xi32, #tpu.memory_space<hbm>> -> memref<80xi32, #tpu.memory_space<hbm>>
          tpu.enqueue_dma source(%dma_start3A_138 : memref<80xi32, #tpu.memory_space<hbm>>) target(%arg10 : memref<80xi32, #tpu.memory_space<vmem>>) target_semaphore(%arg26 : memref<!tpu.dma_semaphore, #tpu.memory_space<semaphore_mem>>)
          %dma_start3A_139 = arith.constant 0 : i32
          %dma_start3A_140 = tpu.memref_slice %arg5[%add3A, %add3A_132, %dma_start3A_139] : memref<32x125x80xi32, #tpu.memory_space<hbm>> -> memref<1x1x80xi32, #tpu.memory_space<hbm>>
          %dma_start3A_141 = tpu.memref_squeeze %dma_start3A_140 : memref<1x1x80xi32, #tpu.memory_space<hbm>> -> memref<80xi32, #tpu.memory_space<hbm>>
          %dma_start3A_142 = arith.constant 0 : i32
          %dma_start3A_143 = tpu.memref_slice %arg5[%add3A, %add3A_132, %dma_start3A_142] : memref<32x125x80xi32, #tpu.memory_space<hbm>> -> memref<1x1x80xi32, #tpu.memory_space<hbm>>
          %dma_start3A_144 = tpu.memref_squeeze %dma_start3A_143 : memref<1x1x80xi32, #tpu.memory_space<hbm>> -> memref<80xi32, #tpu.memory_space<hbm>>
          tpu.enqueue_dma source(%dma_start3A_144 : memref<80xi32, #tpu.memory_space<hbm>>) target(%arg14 : memref<80xi32, #tpu.memory_space<vmem>>) target_semaphore(%arg30 : memref<!tpu.dma_semaphore, #tpu.memory_space<semaphore_mem>>)
        } else {
        }
        %dma_wait3A_103 = arith.constant 0 : i32
        %dma_wait3A_104 = arith.constant 0 : i32
        %dma_wait3A_105 = tpu.memref_slice %arg2[%dma_wait3A_103, %dma_wait3A_104] : memref<10000x128xf32, #tpu.memory_space<hbm>> -> memref<10000x128xf32, #tpu.memory_space<hbm>>
        tpu.wait_indirect_dma semaphore(%arg22 : memref<!tpu.dma_semaphore, #tpu.memory_space<semaphore_mem>>) src(%dma_wait3A_105 : memref<10000x128xf32, #tpu.memory_space<hbm>>) dst(%arg18 : memref<80x128xf32, #tpu.memory_space<vmem>>)
        %dma_wait3A_106 = arith.constant 0 : i32
        %dma_wait3A_107 = arith.constant 0 : i32
        %dma_wait3A_108 = tpu.memref_slice %arg3[%dma_wait3A_106, %dma_wait3A_107] : memref<320000x128xf32, #tpu.memory_space<hbm>> -> memref<80x128xf32, #tpu.memory_space<hbm>>
        %dma_wait3A_109 = arith.constant 0 : i32
        %dma_wait3A_110 = arith.constant 0 : i32
        %dma_wait3A_111 = tpu.memref_slice %arg3[%dma_wait3A_109, %dma_wait3A_110] : memref<320000x128xf32, #tpu.memory_space<hbm>> -> memref<80x128xf32, #tpu.memory_space<hbm>>
        tpu.wait_dma2 semaphore(%arg24 : memref<!tpu.dma_semaphore, #tpu.memory_space<semaphore_mem>>) src(%dma_wait3A_111 : memref<80x128xf32, #tpu.memory_space<hbm>>) dst(%arg20 : memref<80x128xf32, #tpu.memory_space<vmem>>)
        %add3A_112 = arith.constant 1 : i32
        %add3A_113 = arith.addi %add3A_90, %add3A_112 : i32
        %lt3A_114 = arith.constant 125 : i32
        %lt3A_115 = arith.cmpi slt, %add3A_113, %lt3A_114 : i32
        %convert_element_type3A_116 = arith.extui %lt3A_115 : i1 to i32
        %cond3A_117 = arith.constant 0 : i32
        %cond3A_118 = arith.cmpi ne, %convert_element_type3A_116, %cond3A_117 : i32
        scf.if %cond3A_118 {
          %add3A_131 = arith.constant 1 : i32
          %add3A_132 = arith.addi %add3A_90, %add3A_131 : i32
          %dma_wait3A_133 = arith.constant 0 : i32
          %dma_wait3A_134 = tpu.memref_slice %arg4[%add3A, %add3A_132, %dma_wait3A_133] : memref<32x125x80xi32, #tpu.memory_space<hbm>> -> memref<1x1x80xi32, #tpu.memory_space<hbm>>
          %dma_wait3A_135 = tpu.memref_squeeze %dma_wait3A_134 : memref<1x1x80xi32, #tpu.memory_space<hbm>> -> memref<80xi32, #tpu.memory_space<hbm>>
          %dma_wait3A_136 = arith.constant 0 : i32
          %dma_wait3A_137 = tpu.memref_slice %arg4[%add3A, %add3A_132, %dma_wait3A_136] : memref<32x125x80xi32, #tpu.memory_space<hbm>> -> memref<1x1x80xi32, #tpu.memory_space<hbm>>
          %dma_wait3A_138 = tpu.memref_squeeze %dma_wait3A_137 : memref<1x1x80xi32, #tpu.memory_space<hbm>> -> memref<80xi32, #tpu.memory_space<hbm>>
          tpu.wait_dma2 semaphore(%arg25 : memref<!tpu.dma_semaphore, #tpu.memory_space<semaphore_mem>>) src(%dma_wait3A_138 : memref<80xi32, #tpu.memory_space<hbm>>) dst(%arg9 : memref<80xi32, #tpu.memory_space<vmem>>)
          %dma_start3A_139 = arith.constant 0 : i32
          %dma_start3A_140 = arith.constant 0 : i32
          %dma_start3A_141 = tpu.memref_slice %arg2[%dma_start3A_139, %dma_start3A_140] : memref<10000x128xf32, #tpu.memory_space<hbm>> -> memref<10000x128xf32, #tpu.memory_space<hbm>>
          tpu.enqueue_indirect_dma source(%dma_start3A_141 : memref<10000x128xf32, #tpu.memory_space<hbm>>) target(%arg17 : memref<80x128xf32, #tpu.memory_space<vmem>>) offsets(%arg9 : memref<80xi32, #tpu.memory_space<vmem>>) semaphore(%arg21 : memref<!tpu.dma_semaphore, #tpu.memory_space<semaphore_mem>>)
          %mul3A_142 = arith.constant 80 : i32
          %mul3A_143 = arith.muli %add3A_132, %mul3A_142 : i32
          %add3A_144 = arith.addi %mul3A_8, %mul3A_143 : i32
          %dma_start3A_145 = arith.constant 0 : i32
          %dma_start3A_146 = tpu.memref_slice %arg3[%add3A_144, %dma_start3A_145] : memref<320000x128xf32, #tpu.memory_space<hbm>> -> memref<80x128xf32, #tpu.memory_space<hbm>>
          %dma_start3A_147 = arith.constant 0 : i32
          %dma_start3A_148 = tpu.memref_slice %arg3[%add3A_144, %dma_start3A_147] : memref<320000x128xf32, #tpu.memory_space<hbm>> -> memref<80x128xf32, #tpu.memory_space<hbm>>
          tpu.enqueue_dma source(%dma_start3A_148 : memref<80x128xf32, #tpu.memory_space<hbm>>) target(%arg19 : memref<80x128xf32, #tpu.memory_space<vmem>>) target_semaphore(%arg23 : memref<!tpu.dma_semaphore, #tpu.memory_space<semaphore_mem>>)
        } else {
        }
        %scan3A_119 = arith.constant 0 : i32
        %scan3A_120 = arith.constant 0 : i32
        %scan3A_121 = arith.constant 80 : i32
        %scan3A_122 = arith.addi %scan3A_120, %scan3A_121 : i32
        %scan3A_123 = arith.constant 1 : i32
        scf.for %scan3A_131 = %scan3A_120 to %scan3A_122 step %scan3A_123  : i32 {
          %get3A = arith.index_cast %scan3A_131 : i32 to index
          %get3A_132 = arith.constant 0 : index
          %get3A_133 = tpu.vector_load %arg18[%get3A, %get3A_132] {strides = array<i32>} : memref<80x128xf32, #tpu.memory_space<vmem>>, vector<1x16xf32>,
          %get3A_134 = vector.shape_cast %get3A_133 : vector<1x16xf32> to vector<16xf32>
          %get3A_135 = arith.index_cast %scan3A_131 : i32 to index
          %get3A_136 = arith.constant 0 : index
          %get3A_137 = tpu.vector_load %arg20[%get3A_135, %get3A_136] {strides = array<i32>} : memref<80x128xf32, #tpu.memory_space<vmem>>, vector<1x16xf32>,
          %get3A_138 = vector.shape_cast %get3A_137 : vector<1x16xf32> to vector<16xf32>
          %add3A_139 = arith.addf %get3A_134, %get3A_138 : vector<16xf32>
          %max3A = arith.constant 0.000000e+00 : f32
          %max3A_140 = vector.broadcast %max3A : f32 to vector<16xf32>
          %max3A_141 = arith.maximumf %add3A_139, %max3A_140 : vector<16xf32>
          %swap3A = arith.index_cast %scan3A_131 : i32 to index
          %swap3A_142 = arith.constant 0 : index
          %swap3A_143 = tpu.vector_load %arg18[%swap3A, %swap3A_142] {strides = array<i32>} : memref<80x128xf32, #tpu.memory_space<vmem>>, vector<1x16xf32>,
          %swap3A_144 = vector.shape_cast %swap3A_143 : vector<1x16xf32> to vector<16xf32>
          %swap3A_145 = vector.shape_cast %max3A_141 : vector<16xf32> to vector<1x16xf32>
          tpu.vector_store %arg18[%swap3A, %swap3A_142], %swap3A_145 {strides = array<i32>} : memref<80x128xf32, #tpu.memory_space<vmem>>, vector<1x16xf32>,
          %get3A_146 = arith.index_cast %scan3A_131 : i32 to index
          %get3A_147 = arith.constant 16 : index
          %get3A_148 = tpu.vector_load %arg18[%get3A_146, %get3A_147] {strides = array<i32>} : memref<80x128xf32, #tpu.memory_space<vmem>>, vector<1x16xf32>,
          %get3A_149 = vector.shape_cast %get3A_148 : vector<1x16xf32> to vector<16xf32>
          %get3A_150 = arith.index_cast %scan3A_131 : i32 to index
          %get3A_151 = arith.constant 16 : index
          %get3A_152 = tpu.vector_load %arg20[%get3A_150, %get3A_151] {strides = array<i32>} : memref<80x128xf32, #tpu.memory_space<vmem>>, vector<1x16xf32>,
          %get3A_153 = vector.shape_cast %get3A_152 : vector<1x16xf32> to vector<16xf32>
          %add3A_154 = arith.addf %get3A_149, %get3A_153 : vector<16xf32>
          %max3A_155 = arith.constant 0.000000e+00 : f32
          %max3A_156 = vector.broadcast %max3A_155 : f32 to vector<16xf32>
          %max3A_157 = arith.maximumf %add3A_154, %max3A_156 : vector<16xf32>
          %swap3A_158 = arith.index_cast %scan3A_131 : i32 to index
          %swap3A_159 = arith.constant 16 : index
          %swap3A_160 = tpu.vector_load %arg18[%swap3A_158, %swap3A_159] {strides = array<i32>} : memref<80x128xf32, #tpu.memory_space<vmem>>, vector<1x16xf32>,
          %swap3A_161 = vector.shape_cast %swap3A_160 : vector<1x16xf32> to vector<16xf32>
          %swap3A_162 = vector.shape_cast %max3A_157 : vector<16xf32> to vector<1x16xf32>
          tpu.vector_store %arg18[%swap3A_158, %swap3A_159], %swap3A_162 {strides = array<i32>} : memref<80x128xf32, #tpu.memory_space<vmem>>, vector<1x16xf32>,
          %get3A_163 = arith.index_cast %scan3A_131 : i32 to index
          %get3A_164 = arith.constant 32 : index
          %get3A_165 = tpu.vector_load %arg18[%get3A_163, %get3A_164] {strides = array<i32>} : memref<80x128xf32, #tpu.memory_space<vmem>>, vector<1x16xf32>,
          %get3A_166 = vector.shape_cast %get3A_165 : vector<1x16xf32> to vector<16xf32>
          %get3A_167 = arith.index_cast %scan3A_131 : i32 to index
          %get3A_168 = arith.constant 32 : index
          %get3A_169 = tpu.vector_load %arg20[%get3A_167, %get3A_168] {strides = array<i32>} : memref<80x128xf32, #tpu.memory_space<vmem>>, vector<1x16xf32>,
          %get3A_170 = vector.shape_cast %get3A_169 : vector<1x16xf32> to vector<16xf32>
          %add3A_171 = arith.addf %get3A_166, %get3A_170 : vector<16xf32>
          %max3A_172 = arith.constant 0.000000e+00 : f32
          %max3A_173 = vector.broadcast %max3A_172 : f32 to vector<16xf32>
          %max3A_174 = arith.maximumf %add3A_171, %max3A_173 : vector<16xf32>
          %swap3A_175 = arith.index_cast %scan3A_131 : i32 to index
          %swap3A_176 = arith.constant 32 : index
          %swap3A_177 = tpu.vector_load %arg18[%swap3A_175, %swap3A_176] {strides = array<i32>} : memref<80x128xf32, #tpu.memory_space<vmem>>, vector<1x16xf32>,
          %swap3A_178 = vector.shape_cast %swap3A_177 : vector<1x16xf32> to vector<16xf32>
          %swap3A_179 = vector.shape_cast %max3A_174 : vector<16xf32> to vector<1x16xf32>
          tpu.vector_store %arg18[%swap3A_175, %swap3A_176], %swap3A_179 {strides = array<i32>} : memref<80x128xf32, #tpu.memory_space<vmem>>, vector<1x16xf32>,
          %get3A_180 = arith.index_cast %scan3A_131 : i32 to index
          %get3A_181 = arith.constant 48 : index
          %get3A_182 = tpu.vector_load %arg18[%get3A_180, %get3A_181] {strides = array<i32>} : memref<80x128xf32, #tpu.memory_space<vmem>>, vector<1x16xf32>,
          %get3A_183 = vector.shape_cast %get3A_182 : vector<1x16xf32> to vector<16xf32>
          %get3A_184 = arith.index_cast %scan3A_131 : i32 to index
          %get3A_185 = arith.constant 48 : index
          %get3A_186 = tpu.vector_load %arg20[%get3A_184, %get3A_185] {strides = array<i32>} : memref<80x128xf32, #tpu.memory_space<vmem>>, vector<1x16xf32>,
          %get3A_187 = vector.shape_cast %get3A_186 : vector<1x16xf32> to vector<16xf32>
          %add3A_188 = arith.addf %get3A_183, %get3A_187 : vector<16xf32>
          %max3A_189 = arith.constant 0.000000e+00 : f32
          %max3A_190 = vector.broadcast %max3A_189 : f32 to vector<16xf32>
          %max3A_191 = arith.maximumf %add3A_188, %max3A_190 : vector<16xf32>
          %swap3A_192 = arith.index_cast %scan3A_131 : i32 to index
          %swap3A_193 = arith.constant 48 : index
          %swap3A_194 = tpu.vector_load %arg18[%swap3A_192, %swap3A_193] {strides = array<i32>} : memref<80x128xf32, #tpu.memory_space<vmem>>, vector<1x16xf32>,
          %swap3A_195 = vector.shape_cast %swap3A_194 : vector<1x16xf32> to vector<16xf32>
          %swap3A_196 = vector.shape_cast %max3A_191 : vector<16xf32> to vector<1x16xf32>
          tpu.vector_store %arg18[%swap3A_192, %swap3A_193], %swap3A_196 {strides = array<i32>} : memref<80x128xf32, #tpu.memory_space<vmem>>, vector<1x16xf32>,
          %get3A_197 = arith.index_cast %scan3A_131 : i32 to index
          %get3A_198 = arith.constant 64 : index
          %get3A_199 = tpu.vector_load %arg18[%get3A_197, %get3A_198] {strides = array<i32>} : memref<80x128xf32, #tpu.memory_space<vmem>>, vector<1x16xf32>,
          %get3A_200 = vector.shape_cast %get3A_199 : vector<1x16xf32> to vector<16xf32>
          %get3A_201 = arith.index_cast %scan3A_131 : i32 to index
          %get3A_202 = arith.constant 64 : index
          %get3A_203 = tpu.vector_load %arg20[%get3A_201, %get3A_202] {strides = array<i32>} : memref<80x128xf32, #tpu.memory_space<vmem>>, vector<1x16xf32>,
          %get3A_204 = vector.shape_cast %get3A_203 : vector<1x16xf32> to vector<16xf32>
          %add3A_205 = arith.addf %get3A_200, %get3A_204 : vector<16xf32>
          %max3A_206 = arith.constant 0.000000e+00 : f32
          %max3A_207 = vector.broadcast %max3A_206 : f32 to vector<16xf32>
          %max3A_208 = arith.maximumf %add3A_205, %max3A_207 : vector<16xf32>
          %swap3A_209 = arith.index_cast %scan3A_131 : i32 to index
          %swap3A_210 = arith.constant 64 : index
          %swap3A_211 = tpu.vector_load %arg18[%swap3A_209, %swap3A_210] {strides = array<i32>} : memref<80x128xf32, #tpu.memory_space<vmem>>, vector<1x16xf32>,
          %swap3A_212 = vector.shape_cast %swap3A_211 : vector<1x16xf32> to vector<16xf32>
          %swap3A_213 = vector.shape_cast %max3A_208 : vector<16xf32> to vector<1x16xf32>
          tpu.vector_store %arg18[%swap3A_209, %swap3A_210], %swap3A_213 {strides = array<i32>} : memref<80x128xf32, #tpu.memory_space<vmem>>, vector<1x16xf32>,
          %get3A_214 = arith.index_cast %scan3A_131 : i32 to index
          %get3A_215 = arith.constant 80 : index
          %get3A_216 = tpu.vector_load %arg18[%get3A_214, %get3A_215] {strides = array<i32>} : memref<80x128xf32, #tpu.memory_space<vmem>>, vector<1x16xf32>,
          %get3A_217 = vector.shape_cast %get3A_216 : vector<1x16xf32> to vector<16xf32>
          %get3A_218 = arith.index_cast %scan3A_131 : i32 to index
          %get3A_219 = arith.constant 80 : index
          %get3A_220 = tpu.vector_load %arg20[%get3A_218, %get3A_219] {strides = array<i32>} : memref<80x128xf32, #tpu.memory_space<vmem>>, vector<1x16xf32>,
          %get3A_221 = vector.shape_cast %get3A_220 : vector<1x16xf32> to vector<16xf32>
          %add3A_222 = arith.addf %get3A_217, %get3A_221 : vector<16xf32>
          %max3A_223 = arith.constant 0.000000e+00 : f32
          %max3A_224 = vector.broadcast %max3A_223 : f32 to vector<16xf32>
          %max3A_225 = arith.maximumf %add3A_222, %max3A_224 : vector<16xf32>
          %swap3A_226 = arith.index_cast %scan3A_131 : i32 to index
          %swap3A_227 = arith.constant 80 : index
          %swap3A_228 = tpu.vector_load %arg18[%swap3A_226, %swap3A_227] {strides = array<i32>} : memref<80x128xf32, #tpu.memory_space<vmem>>, vector<1x16xf32>,
          %swap3A_229 = vector.shape_cast %swap3A_228 : vector<1x16xf32> to vector<16xf32>
          %swap3A_230 = vector.shape_cast %max3A_225 : vector<16xf32> to vector<1x16xf32>
          tpu.vector_store %arg18[%swap3A_226, %swap3A_227], %swap3A_230 {strides = array<i32>} : memref<80x128xf32, #tpu.memory_space<vmem>>, vector<1x16xf32>,
          %get3A_231 = arith.index_cast %scan3A_131 : i32 to index
          %get3A_232 = arith.constant 96 : index
          %get3A_233 = tpu.vector_load %arg18[%get3A_231, %get3A_232] {strides = array<i32>} : memref<80x128xf32, #tpu.memory_space<vmem>>, vector<1x16xf32>,
          %get3A_234 = vector.shape_cast %get3A_233 : vector<1x16xf32> to vector<16xf32>
          %get3A_235 = arith.index_cast %scan3A_131 : i32 to index
          %get3A_236 = arith.constant 96 : index
          %get3A_237 = tpu.vector_load %arg20[%get3A_235, %get3A_236] {strides = array<i32>} : memref<80x128xf32, #tpu.memory_space<vmem>>, vector<1x16xf32>,
          %get3A_238 = vector.shape_cast %get3A_237 : vector<1x16xf32> to vector<16xf32>
          %add3A_239 = arith.addf %get3A_234, %get3A_238 : vector<16xf32>
          %max3A_240 = arith.constant 0.000000e+00 : f32
          %max3A_241 = vector.broadcast %max3A_240 : f32 to vector<16xf32>
          %max3A_242 = arith.maximumf %add3A_239, %max3A_241 : vector<16xf32>
          %swap3A_243 = arith.index_cast %scan3A_131 : i32 to index
          %swap3A_244 = arith.constant 96 : index
          %swap3A_245 = tpu.vector_load %arg18[%swap3A_243, %swap3A_244] {strides = array<i32>} : memref<80x128xf32, #tpu.memory_space<vmem>>, vector<1x16xf32>,
          %swap3A_246 = vector.shape_cast %swap3A_245 : vector<1x16xf32> to vector<16xf32>
          %swap3A_247 = vector.shape_cast %max3A_242 : vector<16xf32> to vector<1x16xf32>
          tpu.vector_store %arg18[%swap3A_243, %swap3A_244], %swap3A_247 {strides = array<i32>} : memref<80x128xf32, #tpu.memory_space<vmem>>, vector<1x16xf32>,
          %get3A_248 = arith.index_cast %scan3A_131 : i32 to index
          %get3A_249 = arith.constant 112 : index
          %get3A_250 = tpu.vector_load %arg18[%get3A_248, %get3A_249] {strides = array<i32>} : memref<80x128xf32, #tpu.memory_space<vmem>>, vector<1x16xf32>,
          %get3A_251 = vector.shape_cast %get3A_250 : vector<1x16xf32> to vector<16xf32>
          %get3A_252 = arith.index_cast %scan3A_131 : i32 to index
          %get3A_253 = arith.constant 112 : index
          %get3A_254 = tpu.vector_load %arg20[%get3A_252, %get3A_253] {strides = array<i32>} : memref<80x128xf32, #tpu.memory_space<vmem>>, vector<1x16xf32>,
          %get3A_255 = vector.shape_cast %get3A_254 : vector<1x16xf32> to vector<16xf32>
          %add3A_256 = arith.addf %get3A_251, %get3A_255 : vector<16xf32>
          %max3A_257 = arith.constant 0.000000e+00 : f32
          %max3A_258 = vector.broadcast %max3A_257 : f32 to vector<16xf32>
          %max3A_259 = arith.maximumf %add3A_256, %max3A_258 : vector<16xf32>
          %swap3A_260 = arith.index_cast %scan3A_131 : i32 to index
          %swap3A_261 = arith.constant 112 : index
          %swap3A_262 = tpu.vector_load %arg18[%swap3A_260, %swap3A_261] {strides = array<i32>} : memref<80x128xf32, #tpu.memory_space<vmem>>, vector<1x16xf32>,
          %swap3A_263 = vector.shape_cast %swap3A_262 : vector<1x16xf32> to vector<16xf32>
          %swap3A_264 = vector.shape_cast %max3A_259 : vector<16xf32> to vector<1x16xf32>
          tpu.vector_store %arg18[%swap3A_260, %swap3A_261], %swap3A_264 {strides = array<i32>} : memref<80x128xf32, #tpu.memory_space<vmem>>, vector<1x16xf32>,
        }
        %scan3A_124 = arith.constant 80 : i32
        %dma_wait3A_125 = arith.constant 0 : i32
        %dma_wait3A_126 = tpu.memref_slice %arg5[%add3A, %add3A_90, %dma_wait3A_125] : memref<32x125x80xi32, #tpu.memory_space<hbm>> -> memref<1x1x80xi32, #tpu.memory_space<hbm>>
        %dma_wait3A_127 = tpu.memref_squeeze %dma_wait3A_126 : memref<1x1x80xi32, #tpu.memory_space<hbm>> -> memref<80xi32, #tpu.memory_space<hbm>>
        %dma_wait3A_128 = arith.constant 0 : i32
        %dma_wait3A_129 = tpu.memref_slice %arg5[%add3A, %add3A_90, %dma_wait3A_128] : memref<32x125x80xi32, #tpu.memory_space<hbm>> -> memref<1x1x80xi32, #tpu.memory_space<hbm>>
        %dma_wait3A_130 = tpu.memref_squeeze %dma_wait3A_129 : memref<1x1x80xi32, #tpu.memory_space<hbm>> -> memref<80xi32, #tpu.memory_space<hbm>>
        tpu.wait_dma2 semaphore(%arg32 : memref<!tpu.dma_semaphore, #tpu.memory_space<semaphore_mem>>) src(%dma_wait3A_130 : memref<80xi32, #tpu.memory_space<hbm>>) dst(%arg16 : memref<80xi32, #tpu.memory_space<vmem>>)
        "tpu.region"() ({
          %run_scoped3A = tpu.sem_alloc : memref<!tpu.dma_semaphore, #tpu.memory_space<semaphore_mem>>
          %dma_start3A_131 = arith.constant 0 : i32
          %dma_start3A_132 = arith.constant 0 : i32
          %dma_start3A_133 = tpu.memref_slice %arg8[%dma_start3A_131, %dma_start3A_132] : memref<10000x128xf32, #tpu.memory_space<vmem_shared>> -> memref<10000x128xf32, #tpu.memory_space<vmem_shared>>
          tpu.enqueue_indirect_dma source(%arg18 : memref<80x128xf32, #tpu.memory_space<vmem>>) target(%dma_start3A_133 : memref<10000x128xf32, #tpu.memory_space<vmem_shared>>) offsets(%arg16 : memref<80xi32, #tpu.memory_space<vmem>>) semaphore(%run_scoped3A : memref<!tpu.dma_semaphore, #tpu.memory_space<semaphore_mem>>) {add = true}
          %dma_wait3A_134 = arith.constant 0 : i32
          %dma_wait3A_135 = arith.constant 0 : i32
          %dma_wait3A_136 = tpu.memref_slice %arg8[%dma_wait3A_134, %dma_wait3A_135] : memref<10000x128xf32, #tpu.memory_space<vmem_shared>> -> memref<10000x128xf32, #tpu.memory_space<vmem_shared>>
          tpu.wait_indirect_dma semaphore(%run_scoped3A : memref<!tpu.dma_semaphore, #tpu.memory_space<semaphore_mem>>) src(%arg18 : memref<80x128xf32, #tpu.memory_space<vmem>>) dst(%dma_wait3A_136 : memref<10000x128xf32, #tpu.memory_space<vmem_shared>>)
          tpu.yield
        }) : () -> ()
      } else {
      }
    }
    %scan3A_55 = arith.constant 32 : i32
    %barrier3A_56 = arith.constant 0 : index
    tpu.barrier barrier_id(%barrier3A_56)
    %mul3A_57 = arith.constant 624 : i32
    %mul3A_58 = arith.muli %arg1, %mul3A_57 : i32
    %mul3A_59 = arith.constant 624 : i32
    %mul3A_60 = arith.muli %arg1, %mul3A_59 : i32
    "tpu.region"() ({
      %run_scoped3A = tpu.sem_alloc : memref<!tpu.dma_semaphore, #tpu.memory_space<semaphore_mem>>
      %dma_start3A_66 = arith.constant 0 : i32
      %dma_start3A_67 = tpu.memref_slice %arg7[%arg0, %mul3A_60, %dma_start3A_66] : memref<2x10000x128xf32, #tpu.memory_space<hbm>> -> memref<1x624x128xf32, #tpu.memory_space<hbm>>
      %dma_start3A_68 = tpu.memref_squeeze %dma_start3A_67 : memref<1x624x128xf32, #tpu.memory_space<hbm>> -> memref<624x128xf32, #tpu.memory_space<hbm>>
      %dma_start3A_69 = arith.constant 0 : i32
      %dma_start3A_70 = tpu.memref_slice %arg8[%mul3A_58, %dma_start3A_69] : memref<10000x128xf32, #tpu.memory_space<vmem_shared>> -> memref<624x128xf32, #tpu.memory_space<vmem_shared>>
      tpu.enqueue_dma source(%dma_start3A_70 : memref<624x128xf32, #tpu.memory_space<vmem_shared>>) target(%dma_start3A_68 : memref<624x128xf32, #tpu.memory_space<hbm>>) target_semaphore(%run_scoped3A : memref<!tpu.dma_semaphore, #tpu.memory_space<semaphore_mem>>)
      %dma_wait3A_71 = arith.constant 0 : i32
      %dma_wait3A_72 = tpu.memref_slice %arg7[%arg0, %mul3A_60, %dma_wait3A_71] : memref<2x10000x128xf32, #tpu.memory_space<hbm>> -> memref<1x624x128xf32, #tpu.memory_space<hbm>>
      %dma_wait3A_73 = tpu.memref_squeeze %dma_wait3A_72 : memref<1x624x128xf32, #tpu.memory_space<hbm>> -> memref<624x128xf32, #tpu.memory_space<hbm>>
      %dma_wait3A_74 = arith.constant 0 : i32
      %dma_wait3A_75 = tpu.memref_slice %arg8[%mul3A_58, %dma_wait3A_74] : memref<10000x128xf32, #tpu.memory_space<vmem_shared>> -> memref<624x128xf32, #tpu.memory_space<vmem_shared>>
      tpu.wait_dma2 semaphore(%run_scoped3A : memref<!tpu.dma_semaphore, #tpu.memory_space<semaphore_mem>>) src(%dma_wait3A_75 : memref<624x128xf32, #tpu.memory_space<vmem_shared>>) dst(%dma_wait3A_73 : memref<624x128xf32, #tpu.memory_space<hbm>>)
      tpu.yield
    }) : () -> ()
    %eq3A_61 = arith.constant 15 : i32
    %eq3A_62 = arith.cmpi eq, %arg1, %eq3A_61 : i32
    %convert_element_type3A_63 = arith.extui %eq3A_62 : i1 to i32
    %cond3A_64 = arith.constant 0 : i32
    %cond3A_65 = arith.cmpi ne, %convert_element_type3A_63, %cond3A_64 : i32
    scf.if %cond3A_65 {
      "tpu.region"() ({
        %run_scoped3A = tpu.sem_alloc : memref<!tpu.dma_semaphore, #tpu.memory_space<semaphore_mem>>
        %dma_start3A_66 = arith.constant 9984 : i32
        %dma_start3A_67 = arith.constant 0 : i32
        %dma_start3A_68 = tpu.memref_slice %arg7[%arg0, %dma_start3A_66, %dma_start3A_67] : memref<2x10000x128xf32, #tpu.memory_space<hbm>> -> memref<1x16x128xf32, #tpu.memory_space<hbm>>
        %dma_start3A_69 = tpu.memref_squeeze %dma_start3A_68 : memref<1x16x128xf32, #tpu.memory_space<hbm>> -> memref<16x128xf32, #tpu.memory_space<hbm>>
        %dma_start3A_70 = arith.constant 9984 : i32
        %dma_start3A_71 = arith.constant 0 : i32
        %dma_start3A_72 = tpu.memref_slice %arg8[%dma_start3A_70, %dma_start3A_71] : memref<10000x128xf32, #tpu.memory_space<vmem_shared>> -> memref<16x128xf32, #tpu.memory_space<vmem_shared>>
        tpu.enqueue_dma source(%dma_start3A_72 : memref<16x128xf32, #tpu.memory_space<vmem_shared>>) target(%dma_start3A_69 : memref<16x128xf32, #tpu.memory_space<hbm>>) target_semaphore(%run_scoped3A : memref<!tpu.dma_semaphore, #tpu.memory_space<semaphore_mem>>)
        %dma_wait3A_73 = arith.constant 9984 : i32
        %dma_wait3A_74 = arith.constant 0 : i32
        %dma_wait3A_75 = tpu.memref_slice %arg7[%arg0, %dma_wait3A_73, %dma_wait3A_74] : memref<2x10000x128xf32, #tpu.memory_space<hbm>> -> memref<1x16x128xf32, #tpu.memory_space<hbm>>
        %dma_wait3A_76 = tpu.memref_squeeze %dma_wait3A_75 : memref<1x16x128xf32, #tpu.memory_space<hbm>> -> memref<16x128xf32, #tpu.memory_space<hbm>>
        %dma_wait3A_77 = arith.constant 9984 : i32
        %dma_wait3A_78 = arith.constant 0 : i32
        %dma_wait3A_79 = tpu.memref_slice %arg8[%dma_wait3A_77, %dma_wait3A_78] : memref<10000x128xf32, #tpu.memory_space<vmem_shared>> -> memref<16x128xf32, #tpu.memory_space<vmem_shared>>
        tpu.wait_dma2 semaphore(%run_scoped3A : memref<!tpu.dma_semaphore, #tpu.memory_space<semaphore_mem>>) src(%dma_wait3A_79 : memref<16x128xf32, #tpu.memory_space<vmem_shared>>) dst(%dma_wait3A_76 : memref<16x128xf32, #tpu.memory_space<hbm>>)
        tpu.yield
      }) : () -> ()
    } else {
    }
    return
  }
}

#map = affine_map<(d0, d1) -> (0, 0)>
#map1 = affine_map<(d0, d1) -> (0, 0, 0)>
module attributes {stable_mosaic.version = 14 : i64} {
  func.func @_sc_msg_body(%arg0: i32, %arg1: i32, %arg2: memref<10000x128xf32, #tpu.memory_space<hbm>>, %arg3: memref<320000x128xf32, #tpu.memory_space<hbm>>, %arg4: memref<32x125x80xi32, #tpu.memory_space<hbm>>, %arg5: memref<32x125x80xi32, #tpu.memory_space<hbm>>, %arg6: memref<10000x128xf32, #tpu.memory_space<hbm>>, %arg7: memref<2x10000x128xf32, #tpu.memory_space<hbm>>, %arg8: memref<10000x128xf32, #tpu.memory_space<vmem_shared>>, %arg9: memref<80xi32, #tpu.memory_space<vmem>>, %arg10: memref<80xi32, #tpu.memory_space<vmem>>, %arg11: memref<80xi32, #tpu.memory_space<vmem>>, %arg12: memref<80xi32, #tpu.memory_space<vmem>>, %arg13: memref<80xi32, #tpu.memory_space<vmem>>, %arg14: memref<80xi32, #tpu.memory_space<vmem>>, %arg15: memref<80xi32, #tpu.memory_space<vmem>>, %arg16: memref<80xi32, #tpu.memory_space<vmem>>, %arg17: memref<80x128xf32, #tpu.memory_space<vmem>>, %arg18: memref<80x128xf32, #tpu.memory_space<vmem>>, %arg19: memref<80x128xf32, #tpu.memory_space<vmem>>, %arg20: memref<80x128xf32, #tpu.memory_space<vmem>>, %arg21: memref<!tpu.dma_semaphore, #tpu.memory_space<semaphore_mem>>, %arg22: memref<!tpu.dma_semaphore, #tpu.memory_space<semaphore_mem>>, %arg23: memref<!tpu.dma_semaphore, #tpu.memory_space<semaphore_mem>>, %arg24: memref<!tpu.dma_semaphore, #tpu.memory_space<semaphore_mem>>, %arg25: memref<!tpu.dma_semaphore, #tpu.memory_space<semaphore_mem>>, %arg26: memref<!tpu.dma_semaphore, #tpu.memory_space<semaphore_mem>>, %arg27: memref<!tpu.dma_semaphore, #tpu.memory_space<semaphore_mem>>, %arg28: memref<!tpu.dma_semaphore, #tpu.memory_space<semaphore_mem>>, %arg29: memref<!tpu.dma_semaphore, #tpu.memory_space<semaphore_mem>>, %arg30: memref<!tpu.dma_semaphore, #tpu.memory_space<semaphore_mem>>, %arg31: memref<!tpu.dma_semaphore, #tpu.memory_space<semaphore_mem>>, %arg32: memref<!tpu.dma_semaphore, #tpu.memory_space<semaphore_mem>>) attributes {dimension_semantics = [#tpu.dimension_semantics<core_parallel>, #tpu.dimension_semantics<subcore_parallel>], iteration_bounds = array<i64: 2, 16>, scalar_prefetch = 0 : i64, scratch_operands = 25 : i64, tpu.core_type = #tpu.core_type<sc_vector_subcore>, window_params = [{transform_indices = #map}, {transform_indices = #map}, {transform_indices = #map1}, {transform_indices = #map1}, {transform_indices = #map}, {transform_indices = #map1}]} {
    %mul3A = arith.constant 2 : i32
    %mul3A_0 = arith.muli %arg1, %mul3A : i32
    %add3A = arith.addi %mul3A_0, %arg0 : i32
    %mul3A_1 = arith.constant 624 : i32
    %mul3A_2 = arith.muli %arg1, %mul3A_1 : i32
    %mul3A_3 = arith.constant 624 : i32
    %mul3A_4 = arith.muli %arg1, %mul3A_3 : i32
    "tpu.region"() ({
      %run_scoped3A = tpu.sem_alloc : memref<!tpu.dma_semaphore, #tpu.memory_space<semaphore_mem>>
      %dma_start3A_66 = arith.constant 0 : i32
      %dma_start3A_67 = tpu.memref_slice %arg8[%mul3A_4, %dma_start3A_66] : memref<10000x128xf32, #tpu.memory_space<vmem_shared>> -> memref<624x128xf32, #tpu.memory_space<vmem_shared>>
      %dma_start3A_68 = arith.constant 0 : i32
      %dma_start3A_69 = tpu.memref_slice %arg6[%mul3A_2, %dma_start3A_68] : memref<10000x128xf32, #tpu.memory_space<hbm>> -> memref<624x128xf32, #tpu.memory_space<hbm>>
      tpu.enqueue_dma source(%dma_start3A_69 : memref<624x128xf32, #tpu.memory_space<hbm>>) target(%dma_start3A_67 : memref<624x128xf32, #tpu.memory_space<vmem_shared>>) target_semaphore(%run_scoped3A : memref<!tpu.dma_semaphore, #tpu.memory_space<semaphore_mem>>)
      %dma_wait3A_70 = arith.constant 0 : i32
      %dma_wait3A_71 = tpu.memref_slice %arg8[%mul3A_4, %dma_wait3A_70] : memref<10000x128xf32, #tpu.memory_space<vmem_shared>> -> memref<624x128xf32, #tpu.memory_space<vmem_shared>>
      %dma_wait3A_72 = arith.constant 0 : i32
      %dma_wait3A_73 = tpu.memref_slice %arg6[%mul3A_2, %dma_wait3A_72] : memref<10000x128xf32, #tpu.memory_space<hbm>> -> memref<624x128xf32, #tpu.memory_space<hbm>>
      tpu.wait_dma2 semaphore(%run_scoped3A : memref<!tpu.dma_semaphore, #tpu.memory_space<semaphore_mem>>) src(%dma_wait3A_73 : memref<624x128xf32, #tpu.memory_space<hbm>>) dst(%dma_wait3A_71 : memref<624x128xf32, #tpu.memory_space<vmem_shared>>)
      tpu.yield
    }) : () -> ()
    %eq3A = arith.constant 15 : i32
    %eq3A_5 = arith.cmpi eq, %arg1, %eq3A : i32
    %convert_element_type3A = arith.extui %eq3A_5 : i1 to i32
    %cond3A = arith.constant 0 : i32
    %cond3A_6 = arith.cmpi ne, %convert_element_type3A, %cond3A : i32
    scf.if %cond3A_6 {
      "tpu.region"() ({
        %run_scoped3A = tpu.sem_alloc : memref<!tpu.dma_semaphore, #tpu.memory_space<semaphore_mem>>
        %dma_start3A_66 = arith.constant 9984 : i32
        %dma_start3A_67 = arith.constant 0 : i32
        %dma_start3A_68 = tpu.memref_slice %arg8[%dma_start3A_66, %dma_start3A_67] : memref<10000x128xf32, #tpu.memory_space<vmem_shared>> -> memref<16x128xf32, #tpu.memory_space<vmem_shared>>
        %dma_start3A_69 = arith.constant 9984 : i32
        %dma_start3A_70 = arith.constant 0 : i32
        %dma_start3A_71 = tpu.memref_slice %arg6[%dma_start3A_69, %dma_start3A_70] : memref<10000x128xf32, #tpu.memory_space<hbm>> -> memref<16x128xf32, #tpu.memory_space<hbm>>
        tpu.enqueue_dma source(%dma_start3A_71 : memref<16x128xf32, #tpu.memory_space<hbm>>) target(%dma_start3A_68 : memref<16x128xf32, #tpu.memory_space<vmem_shared>>) target_semaphore(%run_scoped3A : memref<!tpu.dma_semaphore, #tpu.memory_space<semaphore_mem>>)
        %dma_wait3A_72 = arith.constant 9984 : i32
        %dma_wait3A_73 = arith.constant 0 : i32
        %dma_wait3A_74 = tpu.memref_slice %arg8[%dma_wait3A_72, %dma_wait3A_73] : memref<10000x128xf32, #tpu.memory_space<vmem_shared>> -> memref<16x128xf32, #tpu.memory_space<vmem_shared>>
        %dma_wait3A_75 = arith.constant 9984 : i32
        %dma_wait3A_76 = arith.constant 0 : i32
        %dma_wait3A_77 = tpu.memref_slice %arg6[%dma_wait3A_75, %dma_wait3A_76] : memref<10000x128xf32, #tpu.memory_space<hbm>> -> memref<16x128xf32, #tpu.memory_space<hbm>>
        tpu.wait_dma2 semaphore(%run_scoped3A : memref<!tpu.dma_semaphore, #tpu.memory_space<semaphore_mem>>) src(%dma_wait3A_77 : memref<16x128xf32, #tpu.memory_space<hbm>>) dst(%dma_wait3A_74 : memref<16x128xf32, #tpu.memory_space<vmem_shared>>)
        tpu.yield
      }) : () -> ()
    } else {
    }
    %barrier3A = arith.constant 0 : index
    tpu.barrier barrier_id(%barrier3A)
    %mul3A_7 = arith.constant 10000 : i32
    %mul3A_8 = arith.muli %add3A, %mul3A_7 : i32
    %dma_start3A = arith.constant 0 : i32
    %dma_start3A_9 = arith.constant 0 : i32
    %dma_start3A_10 = tpu.memref_slice %arg4[%add3A, %dma_start3A, %dma_start3A_9] : memref<32x125x80xi32, #tpu.memory_space<hbm>> -> memref<1x1x80xi32, #tpu.memory_space<hbm>>
    %dma_start3A_11 = tpu.memref_squeeze %dma_start3A_10 : memref<1x1x80xi32, #tpu.memory_space<hbm>> -> memref<80xi32, #tpu.memory_space<hbm>>
    %dma_start3A_12 = arith.constant 0 : i32
    %dma_start3A_13 = tpu.memref_slice %arg4[%add3A, %dma_start3A, %dma_start3A_12] : memref<32x125x80xi32, #tpu.memory_space<hbm>> -> memref<1x1x80xi32, #tpu.memory_space<hbm>>
    %dma_start3A_14 = tpu.memref_squeeze %dma_start3A_13 : memref<1x1x80xi32, #tpu.memory_space<hbm>> -> memref<80xi32, #tpu.memory_space<hbm>>
    tpu.enqueue_dma source(%dma_start3A_14 : memref<80xi32, #tpu.memory_space<hbm>>) target(%arg9 : memref<80xi32, #tpu.memory_space<vmem>>) target_semaphore(%arg25 : memref<!tpu.dma_semaphore, #tpu.memory_space<semaphore_mem>>)
    %dma_start3A_15 = arith.constant 0 : i32
    %dma_start3A_16 = arith.constant 0 : i32
    %dma_start3A_17 = tpu.memref_slice %arg5[%add3A, %dma_start3A_15, %dma_start3A_16] : memref<32x125x80xi32, #tpu.memory_space<hbm>> -> memref<1x1x80xi32, #tpu.memory_space<hbm>>
    %dma_start3A_18 = tpu.memref_squeeze %dma_start3A_17 : memref<1x1x80xi32, #tpu.memory_space<hbm>> -> memref<80xi32, #tpu.memory_space<hbm>>
    %dma_start3A_19 = arith.constant 0 : i32
    %dma_start3A_20 = tpu.memref_slice %arg5[%add3A, %dma_start3A_15, %dma_start3A_19] : memref<32x125x80xi32, #tpu.memory_space<hbm>> -> memref<1x1x80xi32, #tpu.memory_space<hbm>>
    %dma_start3A_21 = tpu.memref_squeeze %dma_start3A_20 : memref<1x1x80xi32, #tpu.memory_space<hbm>> -> memref<80xi32, #tpu.memory_space<hbm>>
    tpu.enqueue_dma source(%dma_start3A_21 : memref<80xi32, #tpu.memory_space<hbm>>) target(%arg13 : memref<80xi32, #tpu.memory_space<vmem>>) target_semaphore(%arg29 : memref<!tpu.dma_semaphore, #tpu.memory_space<semaphore_mem>>)
    %dma_start3A_22 = arith.constant 1 : i32
    %dma_start3A_23 = arith.constant 0 : i32
    %dma_start3A_24 = tpu.memref_slice %arg4[%add3A, %dma_start3A_22, %dma_start3A_23] : memref<32x125x80xi32, #tpu.memory_space<hbm>> -> memref<1x1x80xi32, #tpu.memory_space<hbm>>
    %dma_start3A_25 = tpu.memref_squeeze %dma_start3A_24 : memref<1x1x80xi32, #tpu.memory_space<hbm>> -> memref<80xi32, #tpu.memory_space<hbm>>
    %dma_start3A_26 = arith.constant 0 : i32
    %dma_start3A_27 = tpu.memref_slice %arg4[%add3A, %dma_start3A_22, %dma_start3A_26] : memref<32x125x80xi32, #tpu.memory_space<hbm>> -> memref<1x1x80xi32, #tpu.memory_space<hbm>>
    %dma_start3A_28 = tpu.memref_squeeze %dma_start3A_27 : memref<1x1x80xi32, #tpu.memory_space<hbm>> -> memref<80xi32, #tpu.memory_space<hbm>>
    tpu.enqueue_dma source(%dma_start3A_28 : memref<80xi32, #tpu.memory_space<hbm>>) target(%arg10 : memref<80xi32, #tpu.memory_space<vmem>>) target_semaphore(%arg26 : memref<!tpu.dma_semaphore, #tpu.memory_space<semaphore_mem>>)
    %dma_start3A_29 = arith.constant 1 : i32
    %dma_start3A_30 = arith.constant 0 : i32
    %dma_start3A_31 = tpu.memref_slice %arg5[%add3A, %dma_start3A_29, %dma_start3A_30] : memref<32x125x80xi32, #tpu.memory_space<hbm>> -> memref<1x1x80xi32, #tpu.memory_space<hbm>>
    %dma_start3A_32 = tpu.memref_squeeze %dma_start3A_31 : memref<1x1x80xi32, #tpu.memory_space<hbm>> -> memref<80xi32, #tpu.memory_space<hbm>>
    %dma_start3A_33 = arith.constant 0 : i32
    %dma_start3A_34 = tpu.memref_slice %arg5[%add3A, %dma_start3A_29, %dma_start3A_33] : memref<32x125x80xi32, #tpu.memory_space<hbm>> -> memref<1x1x80xi32, #tpu.memory_space<hbm>>
    %dma_start3A_35 = tpu.memref_squeeze %dma_start3A_34 : memref<1x1x80xi32, #tpu.memory_space<hbm>> -> memref<80xi32, #tpu.memory_space<hbm>>
    tpu.enqueue_dma source(%dma_start3A_35 : memref<80xi32, #tpu.memory_space<hbm>>) target(%arg14 : memref<80xi32, #tpu.memory_space<vmem>>) target_semaphore(%arg30 : memref<!tpu.dma_semaphore, #tpu.memory_space<semaphore_mem>>)
    %dma_wait3A = arith.constant 0 : i32
    %dma_wait3A_36 = arith.constant 0 : i32
    %dma_wait3A_37 = tpu.memref_slice %arg4[%add3A, %dma_wait3A, %dma_wait3A_36] : memref<32x125x80xi32, #tpu.memory_space<hbm>> -> memref<1x1x80xi32, #tpu.memory_space<hbm>>
    %dma_wait3A_38 = tpu.memref_squeeze %dma_wait3A_37 : memref<1x1x80xi32, #tpu.memory_space<hbm>> -> memref<80xi32, #tpu.memory_space<hbm>>
    %dma_wait3A_39 = arith.constant 0 : i32
    %dma_wait3A_40 = tpu.memref_slice %arg4[%add3A, %dma_wait3A, %dma_wait3A_39] : memref<32x125x80xi32, #tpu.memory_space<hbm>> -> memref<1x1x80xi32, #tpu.memory_space<hbm>>
    %dma_wait3A_41 = tpu.memref_squeeze %dma_wait3A_40 : memref<1x1x80xi32, #tpu.memory_space<hbm>> -> memref<80xi32, #tpu.memory_space<hbm>>
    tpu.wait_dma2 semaphore(%arg25 : memref<!tpu.dma_semaphore, #tpu.memory_space<semaphore_mem>>) src(%dma_wait3A_41 : memref<80xi32, #tpu.memory_space<hbm>>) dst(%arg9 : memref<80xi32, #tpu.memory_space<vmem>>)
    %dma_start3A_42 = arith.constant 0 : i32
    %dma_start3A_43 = arith.constant 0 : i32
    %dma_start3A_44 = tpu.memref_slice %arg2[%dma_start3A_42, %dma_start3A_43] : memref<10000x128xf32, #tpu.memory_space<hbm>> -> memref<10000x128xf32, #tpu.memory_space<hbm>>
    tpu.enqueue_indirect_dma source(%dma_start3A_44 : memref<10000x128xf32, #tpu.memory_space<hbm>>) target(%arg17 : memref<80x128xf32, #tpu.memory_space<vmem>>) offsets(%arg9 : memref<80xi32, #tpu.memory_space<vmem>>) semaphore(%arg21 : memref<!tpu.dma_semaphore, #tpu.memory_space<semaphore_mem>>)
    %add3A_45 = arith.constant 0 : i32
    %add3A_46 = arith.addi %mul3A_8, %add3A_45 : i32
    %dma_start3A_47 = arith.constant 0 : i32
    %dma_start3A_48 = tpu.memref_slice %arg3[%add3A_46, %dma_start3A_47] : memref<320000x128xf32, #tpu.memory_space<hbm>> -> memref<80x128xf32, #tpu.memory_space<hbm>>
    %dma_start3A_49 = arith.constant 0 : i32
    %dma_start3A_50 = tpu.memref_slice %arg3[%add3A_46, %dma_start3A_49] : memref<320000x128xf32, #tpu.memory_space<hbm>> -> memref<80x128xf32, #tpu.memory_space<hbm>>
    tpu.enqueue_dma source(%dma_start3A_50 : memref<80x128xf32, #tpu.memory_space<hbm>>) target(%arg19 : memref<80x128xf32, #tpu.memory_space<vmem>>) target_semaphore(%arg23 : memref<!tpu.dma_semaphore, #tpu.memory_space<semaphore_mem>>)
    %scan3A = arith.constant 0 : i32
    %scan3A_51 = arith.constant 0 : i32
    %scan3A_52 = arith.constant 32 : i32
    %scan3A_53 = arith.addi %scan3A_51, %scan3A_52 : i32
    %scan3A_54 = arith.constant 1 : i32
    scf.for %scan3A_66 = %scan3A_51 to %scan3A_53 step %scan3A_54  : i32 {
      %mul3A_67 = arith.constant 4 : i32
      %mul3A_68 = arith.muli %scan3A_66, %mul3A_67 : i32
      %add3A_69 = arith.constant 0 : i32
      %add3A_70 = arith.addi %mul3A_68, %add3A_69 : i32
      %lt3A = arith.constant 125 : i32
      %lt3A_71 = arith.cmpi slt, %add3A_70, %lt3A : i32
      %convert_element_type3A_72 = arith.extui %lt3A_71 : i1 to i32
      %cond3A_73 = arith.constant 0 : i32
      %cond3A_74 = arith.cmpi ne, %convert_element_type3A_72, %cond3A_73 : i32
      scf.if %cond3A_74 {
        %add3A_96 = arith.constant 2 : i32
        %add3A_97 = arith.addi %add3A_70, %add3A_96 : i32
        %lt3A_98 = arith.constant 125 : i32
        %lt3A_99 = arith.cmpi slt, %add3A_97, %lt3A_98 : i32
        %convert_element_type3A_100 = arith.extui %lt3A_99 : i1 to i32
        %cond3A_101 = arith.constant 0 : i32
        %cond3A_102 = arith.cmpi ne, %convert_element_type3A_100, %cond3A_101 : i32
        scf.if %cond3A_102 {
          %add3A_131 = arith.constant 2 : i32
          %add3A_132 = arith.addi %add3A_70, %add3A_131 : i32
          %dma_start3A_133 = arith.constant 0 : i32
          %dma_start3A_134 = tpu.memref_slice %arg4[%add3A, %add3A_132, %dma_start3A_133] : memref<32x125x80xi32, #tpu.memory_space<hbm>> -> memref<1x1x80xi32, #tpu.memory_space<hbm>>
          %dma_start3A_135 = tpu.memref_squeeze %dma_start3A_134 : memref<1x1x80xi32, #tpu.memory_space<hbm>> -> memref<80xi32, #tpu.memory_space<hbm>>
          %dma_start3A_136 = arith.constant 0 : i32
          %dma_start3A_137 = tpu.memref_slice %arg4[%add3A, %add3A_132, %dma_start3A_136] : memref<32x125x80xi32, #tpu.memory_space<hbm>> -> memref<1x1x80xi32, #tpu.memory_space<hbm>>
          %dma_start3A_138 = tpu.memref_squeeze %dma_start3A_137 : memref<1x1x80xi32, #tpu.memory_space<hbm>> -> memref<80xi32, #tpu.memory_space<hbm>>
          tpu.enqueue_dma source(%dma_start3A_138 : memref<80xi32, #tpu.memory_space<hbm>>) target(%arg11 : memref<80xi32, #tpu.memory_space<vmem>>) target_semaphore(%arg27 : memref<!tpu.dma_semaphore, #tpu.memory_space<semaphore_mem>>)
          %dma_start3A_139 = arith.constant 0 : i32
          %dma_start3A_140 = tpu.memref_slice %arg5[%add3A, %add3A_132, %dma_start3A_139] : memref<32x125x80xi32, #tpu.memory_space<hbm>> -> memref<1x1x80xi32, #tpu.memory_space<hbm>>
          %dma_start3A_141 = tpu.memref_squeeze %dma_start3A_140 : memref<1x1x80xi32, #tpu.memory_space<hbm>> -> memref<80xi32, #tpu.memory_space<hbm>>
          %dma_start3A_142 = arith.constant 0 : i32
          %dma_start3A_143 = tpu.memref_slice %arg5[%add3A, %add3A_132, %dma_start3A_142] : memref<32x125x80xi32, #tpu.memory_space<hbm>> -> memref<1x1x80xi32, #tpu.memory_space<hbm>>
          %dma_start3A_144 = tpu.memref_squeeze %dma_start3A_143 : memref<1x1x80xi32, #tpu.memory_space<hbm>> -> memref<80xi32, #tpu.memory_space<hbm>>
          tpu.enqueue_dma source(%dma_start3A_144 : memref<80xi32, #tpu.memory_space<hbm>>) target(%arg15 : memref<80xi32, #tpu.memory_space<vmem>>) target_semaphore(%arg31 : memref<!tpu.dma_semaphore, #tpu.memory_space<semaphore_mem>>)
        } else {
        }
        %dma_wait3A_103 = arith.constant 0 : i32
        %dma_wait3A_104 = arith.constant 0 : i32
        %dma_wait3A_105 = tpu.memref_slice %arg2[%dma_wait3A_103, %dma_wait3A_104] : memref<10000x128xf32, #tpu.memory_space<hbm>> -> memref<10000x128xf32, #tpu.memory_space<hbm>>
        tpu.wait_indirect_dma semaphore(%arg21 : memref<!tpu.dma_semaphore, #tpu.memory_space<semaphore_mem>>) src(%dma_wait3A_105 : memref<10000x128xf32, #tpu.memory_space<hbm>>) dst(%arg17 : memref<80x128xf32, #tpu.memory_space<vmem>>)
        %dma_wait3A_106 = arith.constant 0 : i32
        %dma_wait3A_107 = arith.constant 0 : i32
        %dma_wait3A_108 = tpu.memref_slice %arg3[%dma_wait3A_106, %dma_wait3A_107] : memref<320000x128xf32, #tpu.memory_space<hbm>> -> memref<80x128xf32, #tpu.memory_space<hbm>>
        %dma_wait3A_109 = arith.constant 0 : i32
        %dma_wait3A_110 = arith.constant 0 : i32
        %dma_wait3A_111 = tpu.memref_slice %arg3[%dma_wait3A_109, %dma_wait3A_110] : memref<320000x128xf32, #tpu.memory_space<hbm>> -> memref<80x128xf32, #tpu.memory_space<hbm>>
        tpu.wait_dma2 semaphore(%arg23 : memref<!tpu.dma_semaphore, #tpu.memory_space<semaphore_mem>>) src(%dma_wait3A_111 : memref<80x128xf32, #tpu.memory_space<hbm>>) dst(%arg19 : memref<80x128xf32, #tpu.memory_space<vmem>>)
        %add3A_112 = arith.constant 1 : i32
        %add3A_113 = arith.addi %add3A_70, %add3A_112 : i32
        %lt3A_114 = arith.constant 125 : i32
        %lt3A_115 = arith.cmpi slt, %add3A_113, %lt3A_114 : i32
        %convert_element_type3A_116 = arith.extui %lt3A_115 : i1 to i32
        %cond3A_117 = arith.constant 0 : i32
        %cond3A_118 = arith.cmpi ne, %convert_element_type3A_116, %cond3A_117 : i32
        scf.if %cond3A_118 {
          %add3A_131 = arith.constant 1 : i32
          %add3A_132 = arith.addi %add3A_70, %add3A_131 : i32
          %dma_wait3A_133 = arith.constant 0 : i32
          %dma_wait3A_134 = tpu.memref_slice %arg4[%add3A, %add3A_132, %dma_wait3A_133] : memref<32x125x80xi32, #tpu.memory_space<hbm>> -> memref<1x1x80xi32, #tpu.memory_space<hbm>>
          %dma_wait3A_135 = tpu.memref_squeeze %dma_wait3A_134 : memref<1x1x80xi32, #tpu.memory_space<hbm>> -> memref<80xi32, #tpu.memory_space<hbm>>
          %dma_wait3A_136 = arith.constant 0 : i32
          %dma_wait3A_137 = tpu.memref_slice %arg4[%add3A, %add3A_132, %dma_wait3A_136] : memref<32x125x80xi32, #tpu.memory_space<hbm>> -> memref<1x1x80xi32, #tpu.memory_space<hbm>>
          %dma_wait3A_138 = tpu.memref_squeeze %dma_wait3A_137 : memref<1x1x80xi32, #tpu.memory_space<hbm>> -> memref<80xi32, #tpu.memory_space<hbm>>
          tpu.wait_dma2 semaphore(%arg26 : memref<!tpu.dma_semaphore, #tpu.memory_space<semaphore_mem>>) src(%dma_wait3A_138 : memref<80xi32, #tpu.memory_space<hbm>>) dst(%arg10 : memref<80xi32, #tpu.memory_space<vmem>>)
          %dma_start3A_139 = arith.constant 0 : i32
          %dma_start3A_140 = arith.constant 0 : i32
          %dma_start3A_141 = tpu.memref_slice %arg2[%dma_start3A_139, %dma_start3A_140] : memref<10000x128xf32, #tpu.memory_space<hbm>> -> memref<10000x128xf32, #tpu.memory_space<hbm>>
          tpu.enqueue_indirect_dma source(%dma_start3A_141 : memref<10000x128xf32, #tpu.memory_space<hbm>>) target(%arg18 : memref<80x128xf32, #tpu.memory_space<vmem>>) offsets(%arg10 : memref<80xi32, #tpu.memory_space<vmem>>) semaphore(%arg22 : memref<!tpu.dma_semaphore, #tpu.memory_space<semaphore_mem>>)
          %mul3A_142 = arith.constant 80 : i32
          %mul3A_143 = arith.muli %add3A_132, %mul3A_142 : i32
          %add3A_144 = arith.addi %mul3A_8, %mul3A_143 : i32
          %dma_start3A_145 = arith.constant 0 : i32
          %dma_start3A_146 = tpu.memref_slice %arg3[%add3A_144, %dma_start3A_145] : memref<320000x128xf32, #tpu.memory_space<hbm>> -> memref<80x128xf32, #tpu.memory_space<hbm>>
          %dma_start3A_147 = arith.constant 0 : i32
          %dma_start3A_148 = tpu.memref_slice %arg3[%add3A_144, %dma_start3A_147] : memref<320000x128xf32, #tpu.memory_space<hbm>> -> memref<80x128xf32, #tpu.memory_space<hbm>>
          tpu.enqueue_dma source(%dma_start3A_148 : memref<80x128xf32, #tpu.memory_space<hbm>>) target(%arg20 : memref<80x128xf32, #tpu.memory_space<vmem>>) target_semaphore(%arg24 : memref<!tpu.dma_semaphore, #tpu.memory_space<semaphore_mem>>)
        } else {
        }
        %scan3A_119 = arith.constant 0 : i32
        %scan3A_120 = arith.constant 0 : i32
        %scan3A_121 = arith.constant 80 : i32
        %scan3A_122 = arith.addi %scan3A_120, %scan3A_121 : i32
        %scan3A_123 = arith.constant 1 : i32
        scf.for %scan3A_131 = %scan3A_120 to %scan3A_122 step %scan3A_123  : i32 {
          %get3A = arith.index_cast %scan3A_131 : i32 to index
          %get3A_132 = arith.constant 0 : index
          %get3A_133 = tpu.vector_load %arg17[%get3A, %get3A_132] {strides = array<i32>} : memref<80x128xf32, #tpu.memory_space<vmem>>, vector<1x16xf32>,
          %get3A_134 = vector.shape_cast %get3A_133 : vector<1x16xf32> to vector<16xf32>
          %get3A_135 = arith.index_cast %scan3A_131 : i32 to index
          %get3A_136 = arith.constant 0 : index
          %get3A_137 = tpu.vector_load %arg19[%get3A_135, %get3A_136] {strides = array<i32>} : memref<80x128xf32, #tpu.memory_space<vmem>>, vector<1x16xf32>,
          %get3A_138 = vector.shape_cast %get3A_137 : vector<1x16xf32> to vector<16xf32>
          %add3A_139 = arith.addf %get3A_134, %get3A_138 : vector<16xf32>
          %max3A = arith.constant 0.000000e+00 : f32
          %max3A_140 = vector.broadcast %max3A : f32 to vector<16xf32>
          %max3A_141 = arith.maximumf %add3A_139, %max3A_140 : vector<16xf32>
          %swap3A = arith.index_cast %scan3A_131 : i32 to index
          %swap3A_142 = arith.constant 0 : index
          %swap3A_143 = tpu.vector_load %arg17[%swap3A, %swap3A_142] {strides = array<i32>} : memref<80x128xf32, #tpu.memory_space<vmem>>, vector<1x16xf32>,
          %swap3A_144 = vector.shape_cast %swap3A_143 : vector<1x16xf32> to vector<16xf32>
          %swap3A_145 = vector.shape_cast %max3A_141 : vector<16xf32> to vector<1x16xf32>
          tpu.vector_store %arg17[%swap3A, %swap3A_142], %swap3A_145 {strides = array<i32>} : memref<80x128xf32, #tpu.memory_space<vmem>>, vector<1x16xf32>,
          %get3A_146 = arith.index_cast %scan3A_131 : i32 to index
          %get3A_147 = arith.constant 16 : index
          %get3A_148 = tpu.vector_load %arg17[%get3A_146, %get3A_147] {strides = array<i32>} : memref<80x128xf32, #tpu.memory_space<vmem>>, vector<1x16xf32>,
          %get3A_149 = vector.shape_cast %get3A_148 : vector<1x16xf32> to vector<16xf32>
          %get3A_150 = arith.index_cast %scan3A_131 : i32 to index
          %get3A_151 = arith.constant 16 : index
          %get3A_152 = tpu.vector_load %arg19[%get3A_150, %get3A_151] {strides = array<i32>} : memref<80x128xf32, #tpu.memory_space<vmem>>, vector<1x16xf32>,
          %get3A_153 = vector.shape_cast %get3A_152 : vector<1x16xf32> to vector<16xf32>
          %add3A_154 = arith.addf %get3A_149, %get3A_153 : vector<16xf32>
          %max3A_155 = arith.constant 0.000000e+00 : f32
          %max3A_156 = vector.broadcast %max3A_155 : f32 to vector<16xf32>
          %max3A_157 = arith.maximumf %add3A_154, %max3A_156 : vector<16xf32>
          %swap3A_158 = arith.index_cast %scan3A_131 : i32 to index
          %swap3A_159 = arith.constant 16 : index
          %swap3A_160 = tpu.vector_load %arg17[%swap3A_158, %swap3A_159] {strides = array<i32>} : memref<80x128xf32, #tpu.memory_space<vmem>>, vector<1x16xf32>,
          %swap3A_161 = vector.shape_cast %swap3A_160 : vector<1x16xf32> to vector<16xf32>
          %swap3A_162 = vector.shape_cast %max3A_157 : vector<16xf32> to vector<1x16xf32>
          tpu.vector_store %arg17[%swap3A_158, %swap3A_159], %swap3A_162 {strides = array<i32>} : memref<80x128xf32, #tpu.memory_space<vmem>>, vector<1x16xf32>,
          %get3A_163 = arith.index_cast %scan3A_131 : i32 to index
          %get3A_164 = arith.constant 32 : index
          %get3A_165 = tpu.vector_load %arg17[%get3A_163, %get3A_164] {strides = array<i32>} : memref<80x128xf32, #tpu.memory_space<vmem>>, vector<1x16xf32>,
          %get3A_166 = vector.shape_cast %get3A_165 : vector<1x16xf32> to vector<16xf32>
          %get3A_167 = arith.index_cast %scan3A_131 : i32 to index
          %get3A_168 = arith.constant 32 : index
          %get3A_169 = tpu.vector_load %arg19[%get3A_167, %get3A_168] {strides = array<i32>} : memref<80x128xf32, #tpu.memory_space<vmem>>, vector<1x16xf32>,
          %get3A_170 = vector.shape_cast %get3A_169 : vector<1x16xf32> to vector<16xf32>
          %add3A_171 = arith.addf %get3A_166, %get3A_170 : vector<16xf32>
          %max3A_172 = arith.constant 0.000000e+00 : f32
          %max3A_173 = vector.broadcast %max3A_172 : f32 to vector<16xf32>
          %max3A_174 = arith.maximumf %add3A_171, %max3A_173 : vector<16xf32>
          %swap3A_175 = arith.index_cast %scan3A_131 : i32 to index
          %swap3A_176 = arith.constant 32 : index
          %swap3A_177 = tpu.vector_load %arg17[%swap3A_175, %swap3A_176] {strides = array<i32>} : memref<80x128xf32, #tpu.memory_space<vmem>>, vector<1x16xf32>,
          %swap3A_178 = vector.shape_cast %swap3A_177 : vector<1x16xf32> to vector<16xf32>
          %swap3A_179 = vector.shape_cast %max3A_174 : vector<16xf32> to vector<1x16xf32>
          tpu.vector_store %arg17[%swap3A_175, %swap3A_176], %swap3A_179 {strides = array<i32>} : memref<80x128xf32, #tpu.memory_space<vmem>>, vector<1x16xf32>,
          %get3A_180 = arith.index_cast %scan3A_131 : i32 to index
          %get3A_181 = arith.constant 48 : index
          %get3A_182 = tpu.vector_load %arg17[%get3A_180, %get3A_181] {strides = array<i32>} : memref<80x128xf32, #tpu.memory_space<vmem>>, vector<1x16xf32>,
          %get3A_183 = vector.shape_cast %get3A_182 : vector<1x16xf32> to vector<16xf32>
          %get3A_184 = arith.index_cast %scan3A_131 : i32 to index
          %get3A_185 = arith.constant 48 : index
          %get3A_186 = tpu.vector_load %arg19[%get3A_184, %get3A_185] {strides = array<i32>} : memref<80x128xf32, #tpu.memory_space<vmem>>, vector<1x16xf32>,
          %get3A_187 = vector.shape_cast %get3A_186 : vector<1x16xf32> to vector<16xf32>
          %add3A_188 = arith.addf %get3A_183, %get3A_187 : vector<16xf32>
          %max3A_189 = arith.constant 0.000000e+00 : f32
          %max3A_190 = vector.broadcast %max3A_189 : f32 to vector<16xf32>
          %max3A_191 = arith.maximumf %add3A_188, %max3A_190 : vector<16xf32>
          %swap3A_192 = arith.index_cast %scan3A_131 : i32 to index
          %swap3A_193 = arith.constant 48 : index
          %swap3A_194 = tpu.vector_load %arg17[%swap3A_192, %swap3A_193] {strides = array<i32>} : memref<80x128xf32, #tpu.memory_space<vmem>>, vector<1x16xf32>,
          %swap3A_195 = vector.shape_cast %swap3A_194 : vector<1x16xf32> to vector<16xf32>
          %swap3A_196 = vector.shape_cast %max3A_191 : vector<16xf32> to vector<1x16xf32>
          tpu.vector_store %arg17[%swap3A_192, %swap3A_193], %swap3A_196 {strides = array<i32>} : memref<80x128xf32, #tpu.memory_space<vmem>>, vector<1x16xf32>,
          %get3A_197 = arith.index_cast %scan3A_131 : i32 to index
          %get3A_198 = arith.constant 64 : index
          %get3A_199 = tpu.vector_load %arg17[%get3A_197, %get3A_198] {strides = array<i32>} : memref<80x128xf32, #tpu.memory_space<vmem>>, vector<1x16xf32>,
          %get3A_200 = vector.shape_cast %get3A_199 : vector<1x16xf32> to vector<16xf32>
          %get3A_201 = arith.index_cast %scan3A_131 : i32 to index
          %get3A_202 = arith.constant 64 : index
          %get3A_203 = tpu.vector_load %arg19[%get3A_201, %get3A_202] {strides = array<i32>} : memref<80x128xf32, #tpu.memory_space<vmem>>, vector<1x16xf32>,
          %get3A_204 = vector.shape_cast %get3A_203 : vector<1x16xf32> to vector<16xf32>
          %add3A_205 = arith.addf %get3A_200, %get3A_204 : vector<16xf32>
          %max3A_206 = arith.constant 0.000000e+00 : f32
          %max3A_207 = vector.broadcast %max3A_206 : f32 to vector<16xf32>
          %max3A_208 = arith.maximumf %add3A_205, %max3A_207 : vector<16xf32>
          %swap3A_209 = arith.index_cast %scan3A_131 : i32 to index
          %swap3A_210 = arith.constant 64 : index
          %swap3A_211 = tpu.vector_load %arg17[%swap3A_209, %swap3A_210] {strides = array<i32>} : memref<80x128xf32, #tpu.memory_space<vmem>>, vector<1x16xf32>,
          %swap3A_212 = vector.shape_cast %swap3A_211 : vector<1x16xf32> to vector<16xf32>
          %swap3A_213 = vector.shape_cast %max3A_208 : vector<16xf32> to vector<1x16xf32>
          tpu.vector_store %arg17[%swap3A_209, %swap3A_210], %swap3A_213 {strides = array<i32>} : memref<80x128xf32, #tpu.memory_space<vmem>>, vector<1x16xf32>,
          %get3A_214 = arith.index_cast %scan3A_131 : i32 to index
          %get3A_215 = arith.constant 80 : index
          %get3A_216 = tpu.vector_load %arg17[%get3A_214, %get3A_215] {strides = array<i32>} : memref<80x128xf32, #tpu.memory_space<vmem>>, vector<1x16xf32>,
          %get3A_217 = vector.shape_cast %get3A_216 : vector<1x16xf32> to vector<16xf32>
          %get3A_218 = arith.index_cast %scan3A_131 : i32 to index
          %get3A_219 = arith.constant 80 : index
          %get3A_220 = tpu.vector_load %arg19[%get3A_218, %get3A_219] {strides = array<i32>} : memref<80x128xf32, #tpu.memory_space<vmem>>, vector<1x16xf32>,
          %get3A_221 = vector.shape_cast %get3A_220 : vector<1x16xf32> to vector<16xf32>
          %add3A_222 = arith.addf %get3A_217, %get3A_221 : vector<16xf32>
          %max3A_223 = arith.constant 0.000000e+00 : f32
          %max3A_224 = vector.broadcast %max3A_223 : f32 to vector<16xf32>
          %max3A_225 = arith.maximumf %add3A_222, %max3A_224 : vector<16xf32>
          %swap3A_226 = arith.index_cast %scan3A_131 : i32 to index
          %swap3A_227 = arith.constant 80 : index
          %swap3A_228 = tpu.vector_load %arg17[%swap3A_226, %swap3A_227] {strides = array<i32>} : memref<80x128xf32, #tpu.memory_space<vmem>>, vector<1x16xf32>,
          %swap3A_229 = vector.shape_cast %swap3A_228 : vector<1x16xf32> to vector<16xf32>
          %swap3A_230 = vector.shape_cast %max3A_225 : vector<16xf32> to vector<1x16xf32>
          tpu.vector_store %arg17[%swap3A_226, %swap3A_227], %swap3A_230 {strides = array<i32>} : memref<80x128xf32, #tpu.memory_space<vmem>>, vector<1x16xf32>,
          %get3A_231 = arith.index_cast %scan3A_131 : i32 to index
          %get3A_232 = arith.constant 96 : index
          %get3A_233 = tpu.vector_load %arg17[%get3A_231, %get3A_232] {strides = array<i32>} : memref<80x128xf32, #tpu.memory_space<vmem>>, vector<1x16xf32>,
          %get3A_234 = vector.shape_cast %get3A_233 : vector<1x16xf32> to vector<16xf32>
          %get3A_235 = arith.index_cast %scan3A_131 : i32 to index
          %get3A_236 = arith.constant 96 : index
          %get3A_237 = tpu.vector_load %arg19[%get3A_235, %get3A_236] {strides = array<i32>} : memref<80x128xf32, #tpu.memory_space<vmem>>, vector<1x16xf32>,
          %get3A_238 = vector.shape_cast %get3A_237 : vector<1x16xf32> to vector<16xf32>
          %add3A_239 = arith.addf %get3A_234, %get3A_238 : vector<16xf32>
          %max3A_240 = arith.constant 0.000000e+00 : f32
          %max3A_241 = vector.broadcast %max3A_240 : f32 to vector<16xf32>
          %max3A_242 = arith.maximumf %add3A_239, %max3A_241 : vector<16xf32>
          %swap3A_243 = arith.index_cast %scan3A_131 : i32 to index
          %swap3A_244 = arith.constant 96 : index
          %swap3A_245 = tpu.vector_load %arg17[%swap3A_243, %swap3A_244] {strides = array<i32>} : memref<80x128xf32, #tpu.memory_space<vmem>>, vector<1x16xf32>,
          %swap3A_246 = vector.shape_cast %swap3A_245 : vector<1x16xf32> to vector<16xf32>
          %swap3A_247 = vector.shape_cast %max3A_242 : vector<16xf32> to vector<1x16xf32>
          tpu.vector_store %arg17[%swap3A_243, %swap3A_244], %swap3A_247 {strides = array<i32>} : memref<80x128xf32, #tpu.memory_space<vmem>>, vector<1x16xf32>,
          %get3A_248 = arith.index_cast %scan3A_131 : i32 to index
          %get3A_249 = arith.constant 112 : index
          %get3A_250 = tpu.vector_load %arg17[%get3A_248, %get3A_249] {strides = array<i32>} : memref<80x128xf32, #tpu.memory_space<vmem>>, vector<1x16xf32>,
          %get3A_251 = vector.shape_cast %get3A_250 : vector<1x16xf32> to vector<16xf32>
          %get3A_252 = arith.index_cast %scan3A_131 : i32 to index
          %get3A_253 = arith.constant 112 : index
          %get3A_254 = tpu.vector_load %arg19[%get3A_252, %get3A_253] {strides = array<i32>} : memref<80x128xf32, #tpu.memory_space<vmem>>, vector<1x16xf32>,
          %get3A_255 = vector.shape_cast %get3A_254 : vector<1x16xf32> to vector<16xf32>
          %add3A_256 = arith.addf %get3A_251, %get3A_255 : vector<16xf32>
          %max3A_257 = arith.constant 0.000000e+00 : f32
          %max3A_258 = vector.broadcast %max3A_257 : f32 to vector<16xf32>
          %max3A_259 = arith.maximumf %add3A_256, %max3A_258 : vector<16xf32>
          %swap3A_260 = arith.index_cast %scan3A_131 : i32 to index
          %swap3A_261 = arith.constant 112 : index
          %swap3A_262 = tpu.vector_load %arg17[%swap3A_260, %swap3A_261] {strides = array<i32>} : memref<80x128xf32, #tpu.memory_space<vmem>>, vector<1x16xf32>,
          %swap3A_263 = vector.shape_cast %swap3A_262 : vector<1x16xf32> to vector<16xf32>
          %swap3A_264 = vector.shape_cast %max3A_259 : vector<16xf32> to vector<1x16xf32>
          tpu.vector_store %arg17[%swap3A_260, %swap3A_261], %swap3A_264 {strides = array<i32>} : memref<80x128xf32, #tpu.memory_space<vmem>>, vector<1x16xf32>,
        }
        %scan3A_124 = arith.constant 80 : i32
        %dma_wait3A_125 = arith.constant 0 : i32
        %dma_wait3A_126 = tpu.memref_slice %arg5[%add3A, %add3A_70, %dma_wait3A_125] : memref<32x125x80xi32, #tpu.memory_space<hbm>> -> memref<1x1x80xi32, #tpu.memory_space<hbm>>
        %dma_wait3A_127 = tpu.memref_squeeze %dma_wait3A_126 : memref<1x1x80xi32, #tpu.memory_space<hbm>> -> memref<80xi32, #tpu.memory_space<hbm>>
        %dma_wait3A_128 = arith.constant 0 : i32
        %dma_wait3A_129 = tpu.memref_slice %arg5[%add3A, %add3A_70, %dma_wait3A_128] : memref<32x125x80xi32, #tpu.memory_space<hbm>> -> memref<1x1x80xi32, #tpu.memory_space<hbm>>
        %dma_wait3A_130 = tpu.memref_squeeze %dma_wait3A_129 : memref<1x1x80xi32, #tpu.memory_space<hbm>> -> memref<80xi32, #tpu.memory_space<hbm>>
        tpu.wait_dma2 semaphore(%arg29 : memref<!tpu.dma_semaphore, #tpu.memory_space<semaphore_mem>>) src(%dma_wait3A_130 : memref<80xi32, #tpu.memory_space<hbm>>) dst(%arg13 : memref<80xi32, #tpu.memory_space<vmem>>)
        "tpu.region"() ({
          %run_scoped3A = tpu.sem_alloc : memref<!tpu.dma_semaphore, #tpu.memory_space<semaphore_mem>>
          %dma_start3A_131 = arith.constant 0 : i32
          %dma_start3A_132 = arith.constant 0 : i32
          %dma_start3A_133 = tpu.memref_slice %arg8[%dma_start3A_131, %dma_start3A_132] : memref<10000x128xf32, #tpu.memory_space<vmem_shared>> -> memref<10000x128xf32, #tpu.memory_space<vmem_shared>>
          tpu.enqueue_indirect_dma source(%arg17 : memref<80x128xf32, #tpu.memory_space<vmem>>) target(%dma_start3A_133 : memref<10000x128xf32, #tpu.memory_space<vmem_shared>>) offsets(%arg13 : memref<80xi32, #tpu.memory_space<vmem>>) semaphore(%run_scoped3A : memref<!tpu.dma_semaphore, #tpu.memory_space<semaphore_mem>>) {add = true}
          %dma_wait3A_134 = arith.constant 0 : i32
          %dma_wait3A_135 = arith.constant 0 : i32
          %dma_wait3A_136 = tpu.memref_slice %arg8[%dma_wait3A_134, %dma_wait3A_135] : memref<10000x128xf32, #tpu.memory_space<vmem_shared>> -> memref<10000x128xf32, #tpu.memory_space<vmem_shared>>
          tpu.wait_indirect_dma semaphore(%run_scoped3A : memref<!tpu.dma_semaphore, #tpu.memory_space<semaphore_mem>>) src(%arg17 : memref<80x128xf32, #tpu.memory_space<vmem>>) dst(%dma_wait3A_136 : memref<10000x128xf32, #tpu.memory_space<vmem_shared>>)
          tpu.yield
        }) : () -> ()
      } else {
      }
      %add3A_75 = arith.constant 1 : i32
      %add3A_76 = arith.addi %mul3A_68, %add3A_75 : i32
      %lt3A_77 = arith.constant 125 : i32
      %lt3A_78 = arith.cmpi slt, %add3A_76, %lt3A_77 : i32
      %convert_element_type3A_79 = arith.extui %lt3A_78 : i1 to i32
      %cond3A_80 = arith.constant 0 : i32
      %cond3A_81 = arith.cmpi ne, %convert_element_type3A_79, %cond3A_80 : i32
      scf.if %cond3A_81 {
        %add3A_96 = arith.constant 2 : i32
        %add3A_97 = arith.addi %add3A_76, %add3A_96 : i32
        %lt3A_98 = arith.constant 125 : i32
        %lt3A_99 = arith.cmpi slt, %add3A_97, %lt3A_98 : i32
        %convert_element_type3A_100 = arith.extui %lt3A_99 : i1 to i32
        %cond3A_101 = arith.constant 0 : i32
        %cond3A_102 = arith.cmpi ne, %convert_element_type3A_100, %cond3A_101 : i32
        scf.if %cond3A_102 {
          %add3A_131 = arith.constant 2 : i32
          %add3A_132 = arith.addi %add3A_76, %add3A_131 : i32
          %dma_start3A_133 = arith.constant 0 : i32
          %dma_start3A_134 = tpu.memref_slice %arg4[%add3A, %add3A_132, %dma_start3A_133] : memref<32x125x80xi32, #tpu.memory_space<hbm>> -> memref<1x1x80xi32, #tpu.memory_space<hbm>>
          %dma_start3A_135 = tpu.memref_squeeze %dma_start3A_134 : memref<1x1x80xi32, #tpu.memory_space<hbm>> -> memref<80xi32, #tpu.memory_space<hbm>>
          %dma_start3A_136 = arith.constant 0 : i32
          %dma_start3A_137 = tpu.memref_slice %arg4[%add3A, %add3A_132, %dma_start3A_136] : memref<32x125x80xi32, #tpu.memory_space<hbm>> -> memref<1x1x80xi32, #tpu.memory_space<hbm>>
          %dma_start3A_138 = tpu.memref_squeeze %dma_start3A_137 : memref<1x1x80xi32, #tpu.memory_space<hbm>> -> memref<80xi32, #tpu.memory_space<hbm>>
          tpu.enqueue_dma source(%dma_start3A_138 : memref<80xi32, #tpu.memory_space<hbm>>) target(%arg12 : memref<80xi32, #tpu.memory_space<vmem>>) target_semaphore(%arg28 : memref<!tpu.dma_semaphore, #tpu.memory_space<semaphore_mem>>)
          %dma_start3A_139 = arith.constant 0 : i32
          %dma_start3A_140 = tpu.memref_slice %arg5[%add3A, %add3A_132, %dma_start3A_139] : memref<32x125x80xi32, #tpu.memory_space<hbm>> -> memref<1x1x80xi32, #tpu.memory_space<hbm>>
          %dma_start3A_141 = tpu.memref_squeeze %dma_start3A_140 : memref<1x1x80xi32, #tpu.memory_space<hbm>> -> memref<80xi32, #tpu.memory_space<hbm>>
          %dma_start3A_142 = arith.constant 0 : i32
          %dma_start3A_143 = tpu.memref_slice %arg5[%add3A, %add3A_132, %dma_start3A_142] : memref<32x125x80xi32, #tpu.memory_space<hbm>> -> memref<1x1x80xi32, #tpu.memory_space<hbm>>
          %dma_start3A_144 = tpu.memref_squeeze %dma_start3A_143 : memref<1x1x80xi32, #tpu.memory_space<hbm>> -> memref<80xi32, #tpu.memory_space<hbm>>
          tpu.enqueue_dma source(%dma_start3A_144 : memref<80xi32, #tpu.memory_space<hbm>>) target(%arg16 : memref<80xi32, #tpu.memory_space<vmem>>) target_semaphore(%arg32 : memref<!tpu.dma_semaphore, #tpu.memory_space<semaphore_mem>>)
        } else {
        }
        %dma_wait3A_103 = arith.constant 0 : i32
        %dma_wait3A_104 = arith.constant 0 : i32
        %dma_wait3A_105 = tpu.memref_slice %arg2[%dma_wait3A_103, %dma_wait3A_104] : memref<10000x128xf32, #tpu.memory_space<hbm>> -> memref<10000x128xf32, #tpu.memory_space<hbm>>
        tpu.wait_indirect_dma semaphore(%arg22 : memref<!tpu.dma_semaphore, #tpu.memory_space<semaphore_mem>>) src(%dma_wait3A_105 : memref<10000x128xf32, #tpu.memory_space<hbm>>) dst(%arg18 : memref<80x128xf32, #tpu.memory_space<vmem>>)
        %dma_wait3A_106 = arith.constant 0 : i32
        %dma_wait3A_107 = arith.constant 0 : i32
        %dma_wait3A_108 = tpu.memref_slice %arg3[%dma_wait3A_106, %dma_wait3A_107] : memref<320000x128xf32, #tpu.memory_space<hbm>> -> memref<80x128xf32, #tpu.memory_space<hbm>>
        %dma_wait3A_109 = arith.constant 0 : i32
        %dma_wait3A_110 = arith.constant 0 : i32
        %dma_wait3A_111 = tpu.memref_slice %arg3[%dma_wait3A_109, %dma_wait3A_110] : memref<320000x128xf32, #tpu.memory_space<hbm>> -> memref<80x128xf32, #tpu.memory_space<hbm>>
        tpu.wait_dma2 semaphore(%arg24 : memref<!tpu.dma_semaphore, #tpu.memory_space<semaphore_mem>>) src(%dma_wait3A_111 : memref<80x128xf32, #tpu.memory_space<hbm>>) dst(%arg20 : memref<80x128xf32, #tpu.memory_space<vmem>>)
        %add3A_112 = arith.constant 1 : i32
        %add3A_113 = arith.addi %add3A_76, %add3A_112 : i32
        %lt3A_114 = arith.constant 125 : i32
        %lt3A_115 = arith.cmpi slt, %add3A_113, %lt3A_114 : i32
        %convert_element_type3A_116 = arith.extui %lt3A_115 : i1 to i32
        %cond3A_117 = arith.constant 0 : i32
        %cond3A_118 = arith.cmpi ne, %convert_element_type3A_116, %cond3A_117 : i32
        scf.if %cond3A_118 {
          %add3A_131 = arith.constant 1 : i32
          %add3A_132 = arith.addi %add3A_76, %add3A_131 : i32
          %dma_wait3A_133 = arith.constant 0 : i32
          %dma_wait3A_134 = tpu.memref_slice %arg4[%add3A, %add3A_132, %dma_wait3A_133] : memref<32x125x80xi32, #tpu.memory_space<hbm>> -> memref<1x1x80xi32, #tpu.memory_space<hbm>>
          %dma_wait3A_135 = tpu.memref_squeeze %dma_wait3A_134 : memref<1x1x80xi32, #tpu.memory_space<hbm>> -> memref<80xi32, #tpu.memory_space<hbm>>
          %dma_wait3A_136 = arith.constant 0 : i32
          %dma_wait3A_137 = tpu.memref_slice %arg4[%add3A, %add3A_132, %dma_wait3A_136] : memref<32x125x80xi32, #tpu.memory_space<hbm>> -> memref<1x1x80xi32, #tpu.memory_space<hbm>>
          %dma_wait3A_138 = tpu.memref_squeeze %dma_wait3A_137 : memref<1x1x80xi32, #tpu.memory_space<hbm>> -> memref<80xi32, #tpu.memory_space<hbm>>
          tpu.wait_dma2 semaphore(%arg27 : memref<!tpu.dma_semaphore, #tpu.memory_space<semaphore_mem>>) src(%dma_wait3A_138 : memref<80xi32, #tpu.memory_space<hbm>>) dst(%arg11 : memref<80xi32, #tpu.memory_space<vmem>>)
          %dma_start3A_139 = arith.constant 0 : i32
          %dma_start3A_140 = arith.constant 0 : i32
          %dma_start3A_141 = tpu.memref_slice %arg2[%dma_start3A_139, %dma_start3A_140] : memref<10000x128xf32, #tpu.memory_space<hbm>> -> memref<10000x128xf32, #tpu.memory_space<hbm>>
          tpu.enqueue_indirect_dma source(%dma_start3A_141 : memref<10000x128xf32, #tpu.memory_space<hbm>>) target(%arg17 : memref<80x128xf32, #tpu.memory_space<vmem>>) offsets(%arg11 : memref<80xi32, #tpu.memory_space<vmem>>) semaphore(%arg21 : memref<!tpu.dma_semaphore, #tpu.memory_space<semaphore_mem>>)
          %mul3A_142 = arith.constant 80 : i32
          %mul3A_143 = arith.muli %add3A_132, %mul3A_142 : i32
          %add3A_144 = arith.addi %mul3A_8, %mul3A_143 : i32
          %dma_start3A_145 = arith.constant 0 : i32
          %dma_start3A_146 = tpu.memref_slice %arg3[%add3A_144, %dma_start3A_145] : memref<320000x128xf32, #tpu.memory_space<hbm>> -> memref<80x128xf32, #tpu.memory_space<hbm>>
          %dma_start3A_147 = arith.constant 0 : i32
          %dma_start3A_148 = tpu.memref_slice %arg3[%add3A_144, %dma_start3A_147] : memref<320000x128xf32, #tpu.memory_space<hbm>> -> memref<80x128xf32, #tpu.memory_space<hbm>>
          tpu.enqueue_dma source(%dma_start3A_148 : memref<80x128xf32, #tpu.memory_space<hbm>>) target(%arg19 : memref<80x128xf32, #tpu.memory_space<vmem>>) target_semaphore(%arg23 : memref<!tpu.dma_semaphore, #tpu.memory_space<semaphore_mem>>)
        } else {
        }
        %scan3A_119 = arith.constant 0 : i32
        %scan3A_120 = arith.constant 0 : i32
        %scan3A_121 = arith.constant 80 : i32
        %scan3A_122 = arith.addi %scan3A_120, %scan3A_121 : i32
        %scan3A_123 = arith.constant 1 : i32
        scf.for %scan3A_131 = %scan3A_120 to %scan3A_122 step %scan3A_123  : i32 {
          %get3A = arith.index_cast %scan3A_131 : i32 to index
          %get3A_132 = arith.constant 0 : index
          %get3A_133 = tpu.vector_load %arg18[%get3A, %get3A_132] {strides = array<i32>} : memref<80x128xf32, #tpu.memory_space<vmem>>, vector<1x16xf32>,
          %get3A_134 = vector.shape_cast %get3A_133 : vector<1x16xf32> to vector<16xf32>
          %get3A_135 = arith.index_cast %scan3A_131 : i32 to index
          %get3A_136 = arith.constant 0 : index
          %get3A_137 = tpu.vector_load %arg20[%get3A_135, %get3A_136] {strides = array<i32>} : memref<80x128xf32, #tpu.memory_space<vmem>>, vector<1x16xf32>,
          %get3A_138 = vector.shape_cast %get3A_137 : vector<1x16xf32> to vector<16xf32>
          %add3A_139 = arith.addf %get3A_134, %get3A_138 : vector<16xf32>
          %max3A = arith.constant 0.000000e+00 : f32
          %max3A_140 = vector.broadcast %max3A : f32 to vector<16xf32>
          %max3A_141 = arith.maximumf %add3A_139, %max3A_140 : vector<16xf32>
          %swap3A = arith.index_cast %scan3A_131 : i32 to index
          %swap3A_142 = arith.constant 0 : index
          %swap3A_143 = tpu.vector_load %arg18[%swap3A, %swap3A_142] {strides = array<i32>} : memref<80x128xf32, #tpu.memory_space<vmem>>, vector<1x16xf32>,
          %swap3A_144 = vector.shape_cast %swap3A_143 : vector<1x16xf32> to vector<16xf32>
          %swap3A_145 = vector.shape_cast %max3A_141 : vector<16xf32> to vector<1x16xf32>
          tpu.vector_store %arg18[%swap3A, %swap3A_142], %swap3A_145 {strides = array<i32>} : memref<80x128xf32, #tpu.memory_space<vmem>>, vector<1x16xf32>,
          %get3A_146 = arith.index_cast %scan3A_131 : i32 to index
          %get3A_147 = arith.constant 16 : index
          %get3A_148 = tpu.vector_load %arg18[%get3A_146, %get3A_147] {strides = array<i32>} : memref<80x128xf32, #tpu.memory_space<vmem>>, vector<1x16xf32>,
          %get3A_149 = vector.shape_cast %get3A_148 : vector<1x16xf32> to vector<16xf32>
          %get3A_150 = arith.index_cast %scan3A_131 : i32 to index
          %get3A_151 = arith.constant 16 : index
          %get3A_152 = tpu.vector_load %arg20[%get3A_150, %get3A_151] {strides = array<i32>} : memref<80x128xf32, #tpu.memory_space<vmem>>, vector<1x16xf32>,
          %get3A_153 = vector.shape_cast %get3A_152 : vector<1x16xf32> to vector<16xf32>
          %add3A_154 = arith.addf %get3A_149, %get3A_153 : vector<16xf32>
          %max3A_155 = arith.constant 0.000000e+00 : f32
          %max3A_156 = vector.broadcast %max3A_155 : f32 to vector<16xf32>
          %max3A_157 = arith.maximumf %add3A_154, %max3A_156 : vector<16xf32>
          %swap3A_158 = arith.index_cast %scan3A_131 : i32 to index
          %swap3A_159 = arith.constant 16 : index
          %swap3A_160 = tpu.vector_load %arg18[%swap3A_158, %swap3A_159] {strides = array<i32>} : memref<80x128xf32, #tpu.memory_space<vmem>>, vector<1x16xf32>,
          %swap3A_161 = vector.shape_cast %swap3A_160 : vector<1x16xf32> to vector<16xf32>
          %swap3A_162 = vector.shape_cast %max3A_157 : vector<16xf32> to vector<1x16xf32>
          tpu.vector_store %arg18[%swap3A_158, %swap3A_159], %swap3A_162 {strides = array<i32>} : memref<80x128xf32, #tpu.memory_space<vmem>>, vector<1x16xf32>,
          %get3A_163 = arith.index_cast %scan3A_131 : i32 to index
          %get3A_164 = arith.constant 32 : index
          %get3A_165 = tpu.vector_load %arg18[%get3A_163, %get3A_164] {strides = array<i32>} : memref<80x128xf32, #tpu.memory_space<vmem>>, vector<1x16xf32>,
          %get3A_166 = vector.shape_cast %get3A_165 : vector<1x16xf32> to vector<16xf32>
          %get3A_167 = arith.index_cast %scan3A_131 : i32 to index
          %get3A_168 = arith.constant 32 : index
          %get3A_169 = tpu.vector_load %arg20[%get3A_167, %get3A_168] {strides = array<i32>} : memref<80x128xf32, #tpu.memory_space<vmem>>, vector<1x16xf32>,
          %get3A_170 = vector.shape_cast %get3A_169 : vector<1x16xf32> to vector<16xf32>
          %add3A_171 = arith.addf %get3A_166, %get3A_170 : vector<16xf32>
          %max3A_172 = arith.constant 0.000000e+00 : f32
          %max3A_173 = vector.broadcast %max3A_172 : f32 to vector<16xf32>
          %max3A_174 = arith.maximumf %add3A_171, %max3A_173 : vector<16xf32>
          %swap3A_175 = arith.index_cast %scan3A_131 : i32 to index
          %swap3A_176 = arith.constant 32 : index
          %swap3A_177 = tpu.vector_load %arg18[%swap3A_175, %swap3A_176] {strides = array<i32>} : memref<80x128xf32, #tpu.memory_space<vmem>>, vector<1x16xf32>,
          %swap3A_178 = vector.shape_cast %swap3A_177 : vector<1x16xf32> to vector<16xf32>
          %swap3A_179 = vector.shape_cast %max3A_174 : vector<16xf32> to vector<1x16xf32>
          tpu.vector_store %arg18[%swap3A_175, %swap3A_176], %swap3A_179 {strides = array<i32>} : memref<80x128xf32, #tpu.memory_space<vmem>>, vector<1x16xf32>,
          %get3A_180 = arith.index_cast %scan3A_131 : i32 to index
          %get3A_181 = arith.constant 48 : index
          %get3A_182 = tpu.vector_load %arg18[%get3A_180, %get3A_181] {strides = array<i32>} : memref<80x128xf32, #tpu.memory_space<vmem>>, vector<1x16xf32>,
          %get3A_183 = vector.shape_cast %get3A_182 : vector<1x16xf32> to vector<16xf32>
          %get3A_184 = arith.index_cast %scan3A_131 : i32 to index
          %get3A_185 = arith.constant 48 : index
          %get3A_186 = tpu.vector_load %arg20[%get3A_184, %get3A_185] {strides = array<i32>} : memref<80x128xf32, #tpu.memory_space<vmem>>, vector<1x16xf32>,
          %get3A_187 = vector.shape_cast %get3A_186 : vector<1x16xf32> to vector<16xf32>
          %add3A_188 = arith.addf %get3A_183, %get3A_187 : vector<16xf32>
          %max3A_189 = arith.constant 0.000000e+00 : f32
          %max3A_190 = vector.broadcast %max3A_189 : f32 to vector<16xf32>
          %max3A_191 = arith.maximumf %add3A_188, %max3A_190 : vector<16xf32>
          %swap3A_192 = arith.index_cast %scan3A_131 : i32 to index
          %swap3A_193 = arith.constant 48 : index
          %swap3A_194 = tpu.vector_load %arg18[%swap3A_192, %swap3A_193] {strides = array<i32>} : memref<80x128xf32, #tpu.memory_space<vmem>>, vector<1x16xf32>,
          %swap3A_195 = vector.shape_cast %swap3A_194 : vector<1x16xf32> to vector<16xf32>
          %swap3A_196 = vector.shape_cast %max3A_191 : vector<16xf32> to vector<1x16xf32>
          tpu.vector_store %arg18[%swap3A_192, %swap3A_193], %swap3A_196 {strides = array<i32>} : memref<80x128xf32, #tpu.memory_space<vmem>>, vector<1x16xf32>,
          %get3A_197 = arith.index_cast %scan3A_131 : i32 to index
          %get3A_198 = arith.constant 64 : index
          %get3A_199 = tpu.vector_load %arg18[%get3A_197, %get3A_198] {strides = array<i32>} : memref<80x128xf32, #tpu.memory_space<vmem>>, vector<1x16xf32>,
          %get3A_200 = vector.shape_cast %get3A_199 : vector<1x16xf32> to vector<16xf32>
          %get3A_201 = arith.index_cast %scan3A_131 : i32 to index
          %get3A_202 = arith.constant 64 : index
          %get3A_203 = tpu.vector_load %arg20[%get3A_201, %get3A_202] {strides = array<i32>} : memref<80x128xf32, #tpu.memory_space<vmem>>, vector<1x16xf32>,
          %get3A_204 = vector.shape_cast %get3A_203 : vector<1x16xf32> to vector<16xf32>
          %add3A_205 = arith.addf %get3A_200, %get3A_204 : vector<16xf32>
          %max3A_206 = arith.constant 0.000000e+00 : f32
          %max3A_207 = vector.broadcast %max3A_206 : f32 to vector<16xf32>
          %max3A_208 = arith.maximumf %add3A_205, %max3A_207 : vector<16xf32>
          %swap3A_209 = arith.index_cast %scan3A_131 : i32 to index
          %swap3A_210 = arith.constant 64 : index
          %swap3A_211 = tpu.vector_load %arg18[%swap3A_209, %swap3A_210] {strides = array<i32>} : memref<80x128xf32, #tpu.memory_space<vmem>>, vector<1x16xf32>,
          %swap3A_212 = vector.shape_cast %swap3A_211 : vector<1x16xf32> to vector<16xf32>
          %swap3A_213 = vector.shape_cast %max3A_208 : vector<16xf32> to vector<1x16xf32>
          tpu.vector_store %arg18[%swap3A_209, %swap3A_210], %swap3A_213 {strides = array<i32>} : memref<80x128xf32, #tpu.memory_space<vmem>>, vector<1x16xf32>,
          %get3A_214 = arith.index_cast %scan3A_131 : i32 to index
          %get3A_215 = arith.constant 80 : index
          %get3A_216 = tpu.vector_load %arg18[%get3A_214, %get3A_215] {strides = array<i32>} : memref<80x128xf32, #tpu.memory_space<vmem>>, vector<1x16xf32>,
          %get3A_217 = vector.shape_cast %get3A_216 : vector<1x16xf32> to vector<16xf32>
          %get3A_218 = arith.index_cast %scan3A_131 : i32 to index
          %get3A_219 = arith.constant 80 : index
          %get3A_220 = tpu.vector_load %arg20[%get3A_218, %get3A_219] {strides = array<i32>} : memref<80x128xf32, #tpu.memory_space<vmem>>, vector<1x16xf32>,
          %get3A_221 = vector.shape_cast %get3A_220 : vector<1x16xf32> to vector<16xf32>
          %add3A_222 = arith.addf %get3A_217, %get3A_221 : vector<16xf32>
          %max3A_223 = arith.constant 0.000000e+00 : f32
          %max3A_224 = vector.broadcast %max3A_223 : f32 to vector<16xf32>
          %max3A_225 = arith.maximumf %add3A_222, %max3A_224 : vector<16xf32>
          %swap3A_226 = arith.index_cast %scan3A_131 : i32 to index
          %swap3A_227 = arith.constant 80 : index
          %swap3A_228 = tpu.vector_load %arg18[%swap3A_226, %swap3A_227] {strides = array<i32>} : memref<80x128xf32, #tpu.memory_space<vmem>>, vector<1x16xf32>,
          %swap3A_229 = vector.shape_cast %swap3A_228 : vector<1x16xf32> to vector<16xf32>
          %swap3A_230 = vector.shape_cast %max3A_225 : vector<16xf32> to vector<1x16xf32>
          tpu.vector_store %arg18[%swap3A_226, %swap3A_227], %swap3A_230 {strides = array<i32>} : memref<80x128xf32, #tpu.memory_space<vmem>>, vector<1x16xf32>,
          %get3A_231 = arith.index_cast %scan3A_131 : i32 to index
          %get3A_232 = arith.constant 96 : index
          %get3A_233 = tpu.vector_load %arg18[%get3A_231, %get3A_232] {strides = array<i32>} : memref<80x128xf32, #tpu.memory_space<vmem>>, vector<1x16xf32>,
          %get3A_234 = vector.shape_cast %get3A_233 : vector<1x16xf32> to vector<16xf32>
          %get3A_235 = arith.index_cast %scan3A_131 : i32 to index
          %get3A_236 = arith.constant 96 : index
          %get3A_237 = tpu.vector_load %arg20[%get3A_235, %get3A_236] {strides = array<i32>} : memref<80x128xf32, #tpu.memory_space<vmem>>, vector<1x16xf32>,
          %get3A_238 = vector.shape_cast %get3A_237 : vector<1x16xf32> to vector<16xf32>
          %add3A_239 = arith.addf %get3A_234, %get3A_238 : vector<16xf32>
          %max3A_240 = arith.constant 0.000000e+00 : f32
          %max3A_241 = vector.broadcast %max3A_240 : f32 to vector<16xf32>
          %max3A_242 = arith.maximumf %add3A_239, %max3A_241 : vector<16xf32>
          %swap3A_243 = arith.index_cast %scan3A_131 : i32 to index
          %swap3A_244 = arith.constant 96 : index
          %swap3A_245 = tpu.vector_load %arg18[%swap3A_243, %swap3A_244] {strides = array<i32>} : memref<80x128xf32, #tpu.memory_space<vmem>>, vector<1x16xf32>,
          %swap3A_246 = vector.shape_cast %swap3A_245 : vector<1x16xf32> to vector<16xf32>
          %swap3A_247 = vector.shape_cast %max3A_242 : vector<16xf32> to vector<1x16xf32>
          tpu.vector_store %arg18[%swap3A_243, %swap3A_244], %swap3A_247 {strides = array<i32>} : memref<80x128xf32, #tpu.memory_space<vmem>>, vector<1x16xf32>,
          %get3A_248 = arith.index_cast %scan3A_131 : i32 to index
          %get3A_249 = arith.constant 112 : index
          %get3A_250 = tpu.vector_load %arg18[%get3A_248, %get3A_249] {strides = array<i32>} : memref<80x128xf32, #tpu.memory_space<vmem>>, vector<1x16xf32>,
          %get3A_251 = vector.shape_cast %get3A_250 : vector<1x16xf32> to vector<16xf32>
          %get3A_252 = arith.index_cast %scan3A_131 : i32 to index
          %get3A_253 = arith.constant 112 : index
          %get3A_254 = tpu.vector_load %arg20[%get3A_252, %get3A_253] {strides = array<i32>} : memref<80x128xf32, #tpu.memory_space<vmem>>, vector<1x16xf32>,
          %get3A_255 = vector.shape_cast %get3A_254 : vector<1x16xf32> to vector<16xf32>
          %add3A_256 = arith.addf %get3A_251, %get3A_255 : vector<16xf32>
          %max3A_257 = arith.constant 0.000000e+00 : f32
          %max3A_258 = vector.broadcast %max3A_257 : f32 to vector<16xf32>
          %max3A_259 = arith.maximumf %add3A_256, %max3A_258 : vector<16xf32>
          %swap3A_260 = arith.index_cast %scan3A_131 : i32 to index
          %swap3A_261 = arith.constant 112 : index
          %swap3A_262 = tpu.vector_load %arg18[%swap3A_260, %swap3A_261] {strides = array<i32>} : memref<80x128xf32, #tpu.memory_space<vmem>>, vector<1x16xf32>,
          %swap3A_263 = vector.shape_cast %swap3A_262 : vector<1x16xf32> to vector<16xf32>
          %swap3A_264 = vector.shape_cast %max3A_259 : vector<16xf32> to vector<1x16xf32>
          tpu.vector_store %arg18[%swap3A_260, %swap3A_261], %swap3A_264 {strides = array<i32>} : memref<80x128xf32, #tpu.memory_space<vmem>>, vector<1x16xf32>,
        }
        %scan3A_124 = arith.constant 80 : i32
        %dma_wait3A_125 = arith.constant 0 : i32
        %dma_wait3A_126 = tpu.memref_slice %arg5[%add3A, %add3A_76, %dma_wait3A_125] : memref<32x125x80xi32, #tpu.memory_space<hbm>> -> memref<1x1x80xi32, #tpu.memory_space<hbm>>
        %dma_wait3A_127 = tpu.memref_squeeze %dma_wait3A_126 : memref<1x1x80xi32, #tpu.memory_space<hbm>> -> memref<80xi32, #tpu.memory_space<hbm>>
        %dma_wait3A_128 = arith.constant 0 : i32
        %dma_wait3A_129 = tpu.memref_slice %arg5[%add3A, %add3A_76, %dma_wait3A_128] : memref<32x125x80xi32, #tpu.memory_space<hbm>> -> memref<1x1x80xi32, #tpu.memory_space<hbm>>
        %dma_wait3A_130 = tpu.memref_squeeze %dma_wait3A_129 : memref<1x1x80xi32, #tpu.memory_space<hbm>> -> memref<80xi32, #tpu.memory_space<hbm>>
        tpu.wait_dma2 semaphore(%arg30 : memref<!tpu.dma_semaphore, #tpu.memory_space<semaphore_mem>>) src(%dma_wait3A_130 : memref<80xi32, #tpu.memory_space<hbm>>) dst(%arg14 : memref<80xi32, #tpu.memory_space<vmem>>)
        "tpu.region"() ({
          %run_scoped3A = tpu.sem_alloc : memref<!tpu.dma_semaphore, #tpu.memory_space<semaphore_mem>>
          %dma_start3A_131 = arith.constant 0 : i32
          %dma_start3A_132 = arith.constant 0 : i32
          %dma_start3A_133 = tpu.memref_slice %arg8[%dma_start3A_131, %dma_start3A_132] : memref<10000x128xf32, #tpu.memory_space<vmem_shared>> -> memref<10000x128xf32, #tpu.memory_space<vmem_shared>>
          tpu.enqueue_indirect_dma source(%arg18 : memref<80x128xf32, #tpu.memory_space<vmem>>) target(%dma_start3A_133 : memref<10000x128xf32, #tpu.memory_space<vmem_shared>>) offsets(%arg14 : memref<80xi32, #tpu.memory_space<vmem>>) semaphore(%run_scoped3A : memref<!tpu.dma_semaphore, #tpu.memory_space<semaphore_mem>>) {add = true}
          %dma_wait3A_134 = arith.constant 0 : i32
          %dma_wait3A_135 = arith.constant 0 : i32
          %dma_wait3A_136 = tpu.memref_slice %arg8[%dma_wait3A_134, %dma_wait3A_135] : memref<10000x128xf32, #tpu.memory_space<vmem_shared>> -> memref<10000x128xf32, #tpu.memory_space<vmem_shared>>
          tpu.wait_indirect_dma semaphore(%run_scoped3A : memref<!tpu.dma_semaphore, #tpu.memory_space<semaphore_mem>>) src(%arg18 : memref<80x128xf32, #tpu.memory_space<vmem>>) dst(%dma_wait3A_136 : memref<10000x128xf32, #tpu.memory_space<vmem_shared>>)
          tpu.yield
        }) : () -> ()
      } else {
      }
      %add3A_82 = arith.constant 2 : i32
      %add3A_83 = arith.addi %mul3A_68, %add3A_82 : i32
      %lt3A_84 = arith.constant 125 : i32
      %lt3A_85 = arith.cmpi slt, %add3A_83, %lt3A_84 : i32
      %convert_element_type3A_86 = arith.extui %lt3A_85 : i1 to i32
      %cond3A_87 = arith.constant 0 : i32
      %cond3A_88 = arith.cmpi ne, %convert_element_type3A_86, %cond3A_87 : i32
      scf.if %cond3A_88 {
        %add3A_96 = arith.constant 2 : i32
        %add3A_97 = arith.addi %add3A_83, %add3A_96 : i32
        %lt3A_98 = arith.constant 125 : i32
        %lt3A_99 = arith.cmpi slt, %add3A_97, %lt3A_98 : i32
        %convert_element_type3A_100 = arith.extui %lt3A_99 : i1 to i32
        %cond3A_101 = arith.constant 0 : i32
        %cond3A_102 = arith.cmpi ne, %convert_element_type3A_100, %cond3A_101 : i32
        scf.if %cond3A_102 {
          %add3A_131 = arith.constant 2 : i32
          %add3A_132 = arith.addi %add3A_83, %add3A_131 : i32
          %dma_start3A_133 = arith.constant 0 : i32
          %dma_start3A_134 = tpu.memref_slice %arg4[%add3A, %add3A_132, %dma_start3A_133] : memref<32x125x80xi32, #tpu.memory_space<hbm>> -> memref<1x1x80xi32, #tpu.memory_space<hbm>>
          %dma_start3A_135 = tpu.memref_squeeze %dma_start3A_134 : memref<1x1x80xi32, #tpu.memory_space<hbm>> -> memref<80xi32, #tpu.memory_space<hbm>>
          %dma_start3A_136 = arith.constant 0 : i32
          %dma_start3A_137 = tpu.memref_slice %arg4[%add3A, %add3A_132, %dma_start3A_136] : memref<32x125x80xi32, #tpu.memory_space<hbm>> -> memref<1x1x80xi32, #tpu.memory_space<hbm>>
          %dma_start3A_138 = tpu.memref_squeeze %dma_start3A_137 : memref<1x1x80xi32, #tpu.memory_space<hbm>> -> memref<80xi32, #tpu.memory_space<hbm>>
          tpu.enqueue_dma source(%dma_start3A_138 : memref<80xi32, #tpu.memory_space<hbm>>) target(%arg9 : memref<80xi32, #tpu.memory_space<vmem>>) target_semaphore(%arg25 : memref<!tpu.dma_semaphore, #tpu.memory_space<semaphore_mem>>)
          %dma_start3A_139 = arith.constant 0 : i32
          %dma_start3A_140 = tpu.memref_slice %arg5[%add3A, %add3A_132, %dma_start3A_139] : memref<32x125x80xi32, #tpu.memory_space<hbm>> -> memref<1x1x80xi32, #tpu.memory_space<hbm>>
          %dma_start3A_141 = tpu.memref_squeeze %dma_start3A_140 : memref<1x1x80xi32, #tpu.memory_space<hbm>> -> memref<80xi32, #tpu.memory_space<hbm>>
          %dma_start3A_142 = arith.constant 0 : i32
          %dma_start3A_143 = tpu.memref_slice %arg5[%add3A, %add3A_132, %dma_start3A_142] : memref<32x125x80xi32, #tpu.memory_space<hbm>> -> memref<1x1x80xi32, #tpu.memory_space<hbm>>
          %dma_start3A_144 = tpu.memref_squeeze %dma_start3A_143 : memref<1x1x80xi32, #tpu.memory_space<hbm>> -> memref<80xi32, #tpu.memory_space<hbm>>
          tpu.enqueue_dma source(%dma_start3A_144 : memref<80xi32, #tpu.memory_space<hbm>>) target(%arg13 : memref<80xi32, #tpu.memory_space<vmem>>) target_semaphore(%arg29 : memref<!tpu.dma_semaphore, #tpu.memory_space<semaphore_mem>>)
        } else {
        }
        %dma_wait3A_103 = arith.constant 0 : i32
        %dma_wait3A_104 = arith.constant 0 : i32
        %dma_wait3A_105 = tpu.memref_slice %arg2[%dma_wait3A_103, %dma_wait3A_104] : memref<10000x128xf32, #tpu.memory_space<hbm>> -> memref<10000x128xf32, #tpu.memory_space<hbm>>
        tpu.wait_indirect_dma semaphore(%arg21 : memref<!tpu.dma_semaphore, #tpu.memory_space<semaphore_mem>>) src(%dma_wait3A_105 : memref<10000x128xf32, #tpu.memory_space<hbm>>) dst(%arg17 : memref<80x128xf32, #tpu.memory_space<vmem>>)
        %dma_wait3A_106 = arith.constant 0 : i32
        %dma_wait3A_107 = arith.constant 0 : i32
        %dma_wait3A_108 = tpu.memref_slice %arg3[%dma_wait3A_106, %dma_wait3A_107] : memref<320000x128xf32, #tpu.memory_space<hbm>> -> memref<80x128xf32, #tpu.memory_space<hbm>>
        %dma_wait3A_109 = arith.constant 0 : i32
        %dma_wait3A_110 = arith.constant 0 : i32
        %dma_wait3A_111 = tpu.memref_slice %arg3[%dma_wait3A_109, %dma_wait3A_110] : memref<320000x128xf32, #tpu.memory_space<hbm>> -> memref<80x128xf32, #tpu.memory_space<hbm>>
        tpu.wait_dma2 semaphore(%arg23 : memref<!tpu.dma_semaphore, #tpu.memory_space<semaphore_mem>>) src(%dma_wait3A_111 : memref<80x128xf32, #tpu.memory_space<hbm>>) dst(%arg19 : memref<80x128xf32, #tpu.memory_space<vmem>>)
        %add3A_112 = arith.constant 1 : i32
        %add3A_113 = arith.addi %add3A_83, %add3A_112 : i32
        %lt3A_114 = arith.constant 125 : i32
        %lt3A_115 = arith.cmpi slt, %add3A_113, %lt3A_114 : i32
        %convert_element_type3A_116 = arith.extui %lt3A_115 : i1 to i32
        %cond3A_117 = arith.constant 0 : i32
        %cond3A_118 = arith.cmpi ne, %convert_element_type3A_116, %cond3A_117 : i32
        scf.if %cond3A_118 {
          %add3A_131 = arith.constant 1 : i32
          %add3A_132 = arith.addi %add3A_83, %add3A_131 : i32
          %dma_wait3A_133 = arith.constant 0 : i32
          %dma_wait3A_134 = tpu.memref_slice %arg4[%add3A, %add3A_132, %dma_wait3A_133] : memref<32x125x80xi32, #tpu.memory_space<hbm>> -> memref<1x1x80xi32, #tpu.memory_space<hbm>>
          %dma_wait3A_135 = tpu.memref_squeeze %dma_wait3A_134 : memref<1x1x80xi32, #tpu.memory_space<hbm>> -> memref<80xi32, #tpu.memory_space<hbm>>
          %dma_wait3A_136 = arith.constant 0 : i32
          %dma_wait3A_137 = tpu.memref_slice %arg4[%add3A, %add3A_132, %dma_wait3A_136] : memref<32x125x80xi32, #tpu.memory_space<hbm>> -> memref<1x1x80xi32, #tpu.memory_space<hbm>>
          %dma_wait3A_138 = tpu.memref_squeeze %dma_wait3A_137 : memref<1x1x80xi32, #tpu.memory_space<hbm>> -> memref<80xi32, #tpu.memory_space<hbm>>
          tpu.wait_dma2 semaphore(%arg28 : memref<!tpu.dma_semaphore, #tpu.memory_space<semaphore_mem>>) src(%dma_wait3A_138 : memref<80xi32, #tpu.memory_space<hbm>>) dst(%arg12 : memref<80xi32, #tpu.memory_space<vmem>>)
          %dma_start3A_139 = arith.constant 0 : i32
          %dma_start3A_140 = arith.constant 0 : i32
          %dma_start3A_141 = tpu.memref_slice %arg2[%dma_start3A_139, %dma_start3A_140] : memref<10000x128xf32, #tpu.memory_space<hbm>> -> memref<10000x128xf32, #tpu.memory_space<hbm>>
          tpu.enqueue_indirect_dma source(%dma_start3A_141 : memref<10000x128xf32, #tpu.memory_space<hbm>>) target(%arg18 : memref<80x128xf32, #tpu.memory_space<vmem>>) offsets(%arg12 : memref<80xi32, #tpu.memory_space<vmem>>) semaphore(%arg22 : memref<!tpu.dma_semaphore, #tpu.memory_space<semaphore_mem>>)
          %mul3A_142 = arith.constant 80 : i32
          %mul3A_143 = arith.muli %add3A_132, %mul3A_142 : i32
          %add3A_144 = arith.addi %mul3A_8, %mul3A_143 : i32
          %dma_start3A_145 = arith.constant 0 : i32
          %dma_start3A_146 = tpu.memref_slice %arg3[%add3A_144, %dma_start3A_145] : memref<320000x128xf32, #tpu.memory_space<hbm>> -> memref<80x128xf32, #tpu.memory_space<hbm>>
          %dma_start3A_147 = arith.constant 0 : i32
          %dma_start3A_148 = tpu.memref_slice %arg3[%add3A_144, %dma_start3A_147] : memref<320000x128xf32, #tpu.memory_space<hbm>> -> memref<80x128xf32, #tpu.memory_space<hbm>>
          tpu.enqueue_dma source(%dma_start3A_148 : memref<80x128xf32, #tpu.memory_space<hbm>>) target(%arg20 : memref<80x128xf32, #tpu.memory_space<vmem>>) target_semaphore(%arg24 : memref<!tpu.dma_semaphore, #tpu.memory_space<semaphore_mem>>)
        } else {
        }
        %scan3A_119 = arith.constant 0 : i32
        %scan3A_120 = arith.constant 0 : i32
        %scan3A_121 = arith.constant 80 : i32
        %scan3A_122 = arith.addi %scan3A_120, %scan3A_121 : i32
        %scan3A_123 = arith.constant 1 : i32
        scf.for %scan3A_131 = %scan3A_120 to %scan3A_122 step %scan3A_123  : i32 {
          %get3A = arith.index_cast %scan3A_131 : i32 to index
          %get3A_132 = arith.constant 0 : index
          %get3A_133 = tpu.vector_load %arg17[%get3A, %get3A_132] {strides = array<i32>} : memref<80x128xf32, #tpu.memory_space<vmem>>, vector<1x16xf32>,
          %get3A_134 = vector.shape_cast %get3A_133 : vector<1x16xf32> to vector<16xf32>
          %get3A_135 = arith.index_cast %scan3A_131 : i32 to index
          %get3A_136 = arith.constant 0 : index
          %get3A_137 = tpu.vector_load %arg19[%get3A_135, %get3A_136] {strides = array<i32>} : memref<80x128xf32, #tpu.memory_space<vmem>>, vector<1x16xf32>,
          %get3A_138 = vector.shape_cast %get3A_137 : vector<1x16xf32> to vector<16xf32>
          %add3A_139 = arith.addf %get3A_134, %get3A_138 : vector<16xf32>
          %max3A = arith.constant 0.000000e+00 : f32
          %max3A_140 = vector.broadcast %max3A : f32 to vector<16xf32>
          %max3A_141 = arith.maximumf %add3A_139, %max3A_140 : vector<16xf32>
          %swap3A = arith.index_cast %scan3A_131 : i32 to index
          %swap3A_142 = arith.constant 0 : index
          %swap3A_143 = tpu.vector_load %arg17[%swap3A, %swap3A_142] {strides = array<i32>} : memref<80x128xf32, #tpu.memory_space<vmem>>, vector<1x16xf32>,
          %swap3A_144 = vector.shape_cast %swap3A_143 : vector<1x16xf32> to vector<16xf32>
          %swap3A_145 = vector.shape_cast %max3A_141 : vector<16xf32> to vector<1x16xf32>
          tpu.vector_store %arg17[%swap3A, %swap3A_142], %swap3A_145 {strides = array<i32>} : memref<80x128xf32, #tpu.memory_space<vmem>>, vector<1x16xf32>,
          %get3A_146 = arith.index_cast %scan3A_131 : i32 to index
          %get3A_147 = arith.constant 16 : index
          %get3A_148 = tpu.vector_load %arg17[%get3A_146, %get3A_147] {strides = array<i32>} : memref<80x128xf32, #tpu.memory_space<vmem>>, vector<1x16xf32>,
          %get3A_149 = vector.shape_cast %get3A_148 : vector<1x16xf32> to vector<16xf32>
          %get3A_150 = arith.index_cast %scan3A_131 : i32 to index
          %get3A_151 = arith.constant 16 : index
          %get3A_152 = tpu.vector_load %arg19[%get3A_150, %get3A_151] {strides = array<i32>} : memref<80x128xf32, #tpu.memory_space<vmem>>, vector<1x16xf32>,
          %get3A_153 = vector.shape_cast %get3A_152 : vector<1x16xf32> to vector<16xf32>
          %add3A_154 = arith.addf %get3A_149, %get3A_153 : vector<16xf32>
          %max3A_155 = arith.constant 0.000000e+00 : f32
          %max3A_156 = vector.broadcast %max3A_155 : f32 to vector<16xf32>
          %max3A_157 = arith.maximumf %add3A_154, %max3A_156 : vector<16xf32>
          %swap3A_158 = arith.index_cast %scan3A_131 : i32 to index
          %swap3A_159 = arith.constant 16 : index
          %swap3A_160 = tpu.vector_load %arg17[%swap3A_158, %swap3A_159] {strides = array<i32>} : memref<80x128xf32, #tpu.memory_space<vmem>>, vector<1x16xf32>,
          %swap3A_161 = vector.shape_cast %swap3A_160 : vector<1x16xf32> to vector<16xf32>
          %swap3A_162 = vector.shape_cast %max3A_157 : vector<16xf32> to vector<1x16xf32>
          tpu.vector_store %arg17[%swap3A_158, %swap3A_159], %swap3A_162 {strides = array<i32>} : memref<80x128xf32, #tpu.memory_space<vmem>>, vector<1x16xf32>,
          %get3A_163 = arith.index_cast %scan3A_131 : i32 to index
          %get3A_164 = arith.constant 32 : index
          %get3A_165 = tpu.vector_load %arg17[%get3A_163, %get3A_164] {strides = array<i32>} : memref<80x128xf32, #tpu.memory_space<vmem>>, vector<1x16xf32>,
          %get3A_166 = vector.shape_cast %get3A_165 : vector<1x16xf32> to vector<16xf32>
          %get3A_167 = arith.index_cast %scan3A_131 : i32 to index
          %get3A_168 = arith.constant 32 : index
          %get3A_169 = tpu.vector_load %arg19[%get3A_167, %get3A_168] {strides = array<i32>} : memref<80x128xf32, #tpu.memory_space<vmem>>, vector<1x16xf32>,
          %get3A_170 = vector.shape_cast %get3A_169 : vector<1x16xf32> to vector<16xf32>
          %add3A_171 = arith.addf %get3A_166, %get3A_170 : vector<16xf32>
          %max3A_172 = arith.constant 0.000000e+00 : f32
          %max3A_173 = vector.broadcast %max3A_172 : f32 to vector<16xf32>
          %max3A_174 = arith.maximumf %add3A_171, %max3A_173 : vector<16xf32>
          %swap3A_175 = arith.index_cast %scan3A_131 : i32 to index
          %swap3A_176 = arith.constant 32 : index
          %swap3A_177 = tpu.vector_load %arg17[%swap3A_175, %swap3A_176] {strides = array<i32>} : memref<80x128xf32, #tpu.memory_space<vmem>>, vector<1x16xf32>,
          %swap3A_178 = vector.shape_cast %swap3A_177 : vector<1x16xf32> to vector<16xf32>
          %swap3A_179 = vector.shape_cast %max3A_174 : vector<16xf32> to vector<1x16xf32>
          tpu.vector_store %arg17[%swap3A_175, %swap3A_176], %swap3A_179 {strides = array<i32>} : memref<80x128xf32, #tpu.memory_space<vmem>>, vector<1x16xf32>,
          %get3A_180 = arith.index_cast %scan3A_131 : i32 to index
          %get3A_181 = arith.constant 48 : index
          %get3A_182 = tpu.vector_load %arg17[%get3A_180, %get3A_181] {strides = array<i32>} : memref<80x128xf32, #tpu.memory_space<vmem>>, vector<1x16xf32>,
          %get3A_183 = vector.shape_cast %get3A_182 : vector<1x16xf32> to vector<16xf32>
          %get3A_184 = arith.index_cast %scan3A_131 : i32 to index
          %get3A_185 = arith.constant 48 : index
          %get3A_186 = tpu.vector_load %arg19[%get3A_184, %get3A_185] {strides = array<i32>} : memref<80x128xf32, #tpu.memory_space<vmem>>, vector<1x16xf32>,
          %get3A_187 = vector.shape_cast %get3A_186 : vector<1x16xf32> to vector<16xf32>
          %add3A_188 = arith.addf %get3A_183, %get3A_187 : vector<16xf32>
          %max3A_189 = arith.constant 0.000000e+00 : f32
          %max3A_190 = vector.broadcast %max3A_189 : f32 to vector<16xf32>
          %max3A_191 = arith.maximumf %add3A_188, %max3A_190 : vector<16xf32>
          %swap3A_192 = arith.index_cast %scan3A_131 : i32 to index
          %swap3A_193 = arith.constant 48 : index
          %swap3A_194 = tpu.vector_load %arg17[%swap3A_192, %swap3A_193] {strides = array<i32>} : memref<80x128xf32, #tpu.memory_space<vmem>>, vector<1x16xf32>,
          %swap3A_195 = vector.shape_cast %swap3A_194 : vector<1x16xf32> to vector<16xf32>
          %swap3A_196 = vector.shape_cast %max3A_191 : vector<16xf32> to vector<1x16xf32>
          tpu.vector_store %arg17[%swap3A_192, %swap3A_193], %swap3A_196 {strides = array<i32>} : memref<80x128xf32, #tpu.memory_space<vmem>>, vector<1x16xf32>,
          %get3A_197 = arith.index_cast %scan3A_131 : i32 to index
          %get3A_198 = arith.constant 64 : index
          %get3A_199 = tpu.vector_load %arg17[%get3A_197, %get3A_198] {strides = array<i32>} : memref<80x128xf32, #tpu.memory_space<vmem>>, vector<1x16xf32>,
          %get3A_200 = vector.shape_cast %get3A_199 : vector<1x16xf32> to vector<16xf32>
          %get3A_201 = arith.index_cast %scan3A_131 : i32 to index
          %get3A_202 = arith.constant 64 : index
          %get3A_203 = tpu.vector_load %arg19[%get3A_201, %get3A_202] {strides = array<i32>} : memref<80x128xf32, #tpu.memory_space<vmem>>, vector<1x16xf32>,
          %get3A_204 = vector.shape_cast %get3A_203 : vector<1x16xf32> to vector<16xf32>
          %add3A_205 = arith.addf %get3A_200, %get3A_204 : vector<16xf32>
          %max3A_206 = arith.constant 0.000000e+00 : f32
          %max3A_207 = vector.broadcast %max3A_206 : f32 to vector<16xf32>
          %max3A_208 = arith.maximumf %add3A_205, %max3A_207 : vector<16xf32>
          %swap3A_209 = arith.index_cast %scan3A_131 : i32 to index
          %swap3A_210 = arith.constant 64 : index
          %swap3A_211 = tpu.vector_load %arg17[%swap3A_209, %swap3A_210] {strides = array<i32>} : memref<80x128xf32, #tpu.memory_space<vmem>>, vector<1x16xf32>,
          %swap3A_212 = vector.shape_cast %swap3A_211 : vector<1x16xf32> to vector<16xf32>
          %swap3A_213 = vector.shape_cast %max3A_208 : vector<16xf32> to vector<1x16xf32>
          tpu.vector_store %arg17[%swap3A_209, %swap3A_210], %swap3A_213 {strides = array<i32>} : memref<80x128xf32, #tpu.memory_space<vmem>>, vector<1x16xf32>,
          %get3A_214 = arith.index_cast %scan3A_131 : i32 to index
          %get3A_215 = arith.constant 80 : index
          %get3A_216 = tpu.vector_load %arg17[%get3A_214, %get3A_215] {strides = array<i32>} : memref<80x128xf32, #tpu.memory_space<vmem>>, vector<1x16xf32>,
          %get3A_217 = vector.shape_cast %get3A_216 : vector<1x16xf32> to vector<16xf32>
          %get3A_218 = arith.index_cast %scan3A_131 : i32 to index
          %get3A_219 = arith.constant 80 : index
          %get3A_220 = tpu.vector_load %arg19[%get3A_218, %get3A_219] {strides = array<i32>} : memref<80x128xf32, #tpu.memory_space<vmem>>, vector<1x16xf32>,
          %get3A_221 = vector.shape_cast %get3A_220 : vector<1x16xf32> to vector<16xf32>
          %add3A_222 = arith.addf %get3A_217, %get3A_221 : vector<16xf32>
          %max3A_223 = arith.constant 0.000000e+00 : f32
          %max3A_224 = vector.broadcast %max3A_223 : f32 to vector<16xf32>
          %max3A_225 = arith.maximumf %add3A_222, %max3A_224 : vector<16xf32>
          %swap3A_226 = arith.index_cast %scan3A_131 : i32 to index
          %swap3A_227 = arith.constant 80 : index
          %swap3A_228 = tpu.vector_load %arg17[%swap3A_226, %swap3A_227] {strides = array<i32>} : memref<80x128xf32, #tpu.memory_space<vmem>>, vector<1x16xf32>,
          %swap3A_229 = vector.shape_cast %swap3A_228 : vector<1x16xf32> to vector<16xf32>
          %swap3A_230 = vector.shape_cast %max3A_225 : vector<16xf32> to vector<1x16xf32>
          tpu.vector_store %arg17[%swap3A_226, %swap3A_227], %swap3A_230 {strides = array<i32>} : memref<80x128xf32, #tpu.memory_space<vmem>>, vector<1x16xf32>,
          %get3A_231 = arith.index_cast %scan3A_131 : i32 to index
          %get3A_232 = arith.constant 96 : index
          %get3A_233 = tpu.vector_load %arg17[%get3A_231, %get3A_232] {strides = array<i32>} : memref<80x128xf32, #tpu.memory_space<vmem>>, vector<1x16xf32>,
          %get3A_234 = vector.shape_cast %get3A_233 : vector<1x16xf32> to vector<16xf32>
          %get3A_235 = arith.index_cast %scan3A_131 : i32 to index
          %get3A_236 = arith.constant 96 : index
          %get3A_237 = tpu.vector_load %arg19[%get3A_235, %get3A_236] {strides = array<i32>} : memref<80x128xf32, #tpu.memory_space<vmem>>, vector<1x16xf32>,
          %get3A_238 = vector.shape_cast %get3A_237 : vector<1x16xf32> to vector<16xf32>
          %add3A_239 = arith.addf %get3A_234, %get3A_238 : vector<16xf32>
          %max3A_240 = arith.constant 0.000000e+00 : f32
          %max3A_241 = vector.broadcast %max3A_240 : f32 to vector<16xf32>
          %max3A_242 = arith.maximumf %add3A_239, %max3A_241 : vector<16xf32>
          %swap3A_243 = arith.index_cast %scan3A_131 : i32 to index
          %swap3A_244 = arith.constant 96 : index
          %swap3A_245 = tpu.vector_load %arg17[%swap3A_243, %swap3A_244] {strides = array<i32>} : memref<80x128xf32, #tpu.memory_space<vmem>>, vector<1x16xf32>,
          %swap3A_246 = vector.shape_cast %swap3A_245 : vector<1x16xf32> to vector<16xf32>
          %swap3A_247 = vector.shape_cast %max3A_242 : vector<16xf32> to vector<1x16xf32>
          tpu.vector_store %arg17[%swap3A_243, %swap3A_244], %swap3A_247 {strides = array<i32>} : memref<80x128xf32, #tpu.memory_space<vmem>>, vector<1x16xf32>,
          %get3A_248 = arith.index_cast %scan3A_131 : i32 to index
          %get3A_249 = arith.constant 112 : index
          %get3A_250 = tpu.vector_load %arg17[%get3A_248, %get3A_249] {strides = array<i32>} : memref<80x128xf32, #tpu.memory_space<vmem>>, vector<1x16xf32>,
          %get3A_251 = vector.shape_cast %get3A_250 : vector<1x16xf32> to vector<16xf32>
          %get3A_252 = arith.index_cast %scan3A_131 : i32 to index
          %get3A_253 = arith.constant 112 : index
          %get3A_254 = tpu.vector_load %arg19[%get3A_252, %get3A_253] {strides = array<i32>} : memref<80x128xf32, #tpu.memory_space<vmem>>, vector<1x16xf32>,
          %get3A_255 = vector.shape_cast %get3A_254 : vector<1x16xf32> to vector<16xf32>
          %add3A_256 = arith.addf %get3A_251, %get3A_255 : vector<16xf32>
          %max3A_257 = arith.constant 0.000000e+00 : f32
          %max3A_258 = vector.broadcast %max3A_257 : f32 to vector<16xf32>
          %max3A_259 = arith.maximumf %add3A_256, %max3A_258 : vector<16xf32>
          %swap3A_260 = arith.index_cast %scan3A_131 : i32 to index
          %swap3A_261 = arith.constant 112 : index
          %swap3A_262 = tpu.vector_load %arg17[%swap3A_260, %swap3A_261] {strides = array<i32>} : memref<80x128xf32, #tpu.memory_space<vmem>>, vector<1x16xf32>,
          %swap3A_263 = vector.shape_cast %swap3A_262 : vector<1x16xf32> to vector<16xf32>
          %swap3A_264 = vector.shape_cast %max3A_259 : vector<16xf32> to vector<1x16xf32>
          tpu.vector_store %arg17[%swap3A_260, %swap3A_261], %swap3A_264 {strides = array<i32>} : memref<80x128xf32, #tpu.memory_space<vmem>>, vector<1x16xf32>,
        }
        %scan3A_124 = arith.constant 80 : i32
        %dma_wait3A_125 = arith.constant 0 : i32
        %dma_wait3A_126 = tpu.memref_slice %arg5[%add3A, %add3A_83, %dma_wait3A_125] : memref<32x125x80xi32, #tpu.memory_space<hbm>> -> memref<1x1x80xi32, #tpu.memory_space<hbm>>
        %dma_wait3A_127 = tpu.memref_squeeze %dma_wait3A_126 : memref<1x1x80xi32, #tpu.memory_space<hbm>> -> memref<80xi32, #tpu.memory_space<hbm>>
        %dma_wait3A_128 = arith.constant 0 : i32
        %dma_wait3A_129 = tpu.memref_slice %arg5[%add3A, %add3A_83, %dma_wait3A_128] : memref<32x125x80xi32, #tpu.memory_space<hbm>> -> memref<1x1x80xi32, #tpu.memory_space<hbm>>
        %dma_wait3A_130 = tpu.memref_squeeze %dma_wait3A_129 : memref<1x1x80xi32, #tpu.memory_space<hbm>> -> memref<80xi32, #tpu.memory_space<hbm>>
        tpu.wait_dma2 semaphore(%arg31 : memref<!tpu.dma_semaphore, #tpu.memory_space<semaphore_mem>>) src(%dma_wait3A_130 : memref<80xi32, #tpu.memory_space<hbm>>) dst(%arg15 : memref<80xi32, #tpu.memory_space<vmem>>)
        "tpu.region"() ({
          %run_scoped3A = tpu.sem_alloc : memref<!tpu.dma_semaphore, #tpu.memory_space<semaphore_mem>>
          %dma_start3A_131 = arith.constant 0 : i32
          %dma_start3A_132 = arith.constant 0 : i32
          %dma_start3A_133 = tpu.memref_slice %arg8[%dma_start3A_131, %dma_start3A_132] : memref<10000x128xf32, #tpu.memory_space<vmem_shared>> -> memref<10000x128xf32, #tpu.memory_space<vmem_shared>>
          tpu.enqueue_indirect_dma source(%arg17 : memref<80x128xf32, #tpu.memory_space<vmem>>) target(%dma_start3A_133 : memref<10000x128xf32, #tpu.memory_space<vmem_shared>>) offsets(%arg15 : memref<80xi32, #tpu.memory_space<vmem>>) semaphore(%run_scoped3A : memref<!tpu.dma_semaphore, #tpu.memory_space<semaphore_mem>>) {add = true}
          %dma_wait3A_134 = arith.constant 0 : i32
          %dma_wait3A_135 = arith.constant 0 : i32
          %dma_wait3A_136 = tpu.memref_slice %arg8[%dma_wait3A_134, %dma_wait3A_135] : memref<10000x128xf32, #tpu.memory_space<vmem_shared>> -> memref<10000x128xf32, #tpu.memory_space<vmem_shared>>
          tpu.wait_indirect_dma semaphore(%run_scoped3A : memref<!tpu.dma_semaphore, #tpu.memory_space<semaphore_mem>>) src(%arg17 : memref<80x128xf32, #tpu.memory_space<vmem>>) dst(%dma_wait3A_136 : memref<10000x128xf32, #tpu.memory_space<vmem_shared>>)
          tpu.yield
        }) : () -> ()
      } else {
      }
      %add3A_89 = arith.constant 3 : i32
      %add3A_90 = arith.addi %mul3A_68, %add3A_89 : i32
      %lt3A_91 = arith.constant 125 : i32
      %lt3A_92 = arith.cmpi slt, %add3A_90, %lt3A_91 : i32
      %convert_element_type3A_93 = arith.extui %lt3A_92 : i1 to i32
      %cond3A_94 = arith.constant 0 : i32
      %cond3A_95 = arith.cmpi ne, %convert_element_type3A_93, %cond3A_94 : i32
      scf.if %cond3A_95 {
        %add3A_96 = arith.constant 2 : i32
        %add3A_97 = arith.addi %add3A_90, %add3A_96 : i32
        %lt3A_98 = arith.constant 125 : i32
        %lt3A_99 = arith.cmpi slt, %add3A_97, %lt3A_98 : i32
        %convert_element_type3A_100 = arith.extui %lt3A_99 : i1 to i32
        %cond3A_101 = arith.constant 0 : i32
        %cond3A_102 = arith.cmpi ne, %convert_element_type3A_100, %cond3A_101 : i32
        scf.if %cond3A_102 {
          %add3A_131 = arith.constant 2 : i32
          %add3A_132 = arith.addi %add3A_90, %add3A_131 : i32
          %dma_start3A_133 = arith.constant 0 : i32
          %dma_start3A_134 = tpu.memref_slice %arg4[%add3A, %add3A_132, %dma_start3A_133] : memref<32x125x80xi32, #tpu.memory_space<hbm>> -> memref<1x1x80xi32, #tpu.memory_space<hbm>>
          %dma_start3A_135 = tpu.memref_squeeze %dma_start3A_134 : memref<1x1x80xi32, #tpu.memory_space<hbm>> -> memref<80xi32, #tpu.memory_space<hbm>>
          %dma_start3A_136 = arith.constant 0 : i32
          %dma_start3A_137 = tpu.memref_slice %arg4[%add3A, %add3A_132, %dma_start3A_136] : memref<32x125x80xi32, #tpu.memory_space<hbm>> -> memref<1x1x80xi32, #tpu.memory_space<hbm>>
          %dma_start3A_138 = tpu.memref_squeeze %dma_start3A_137 : memref<1x1x80xi32, #tpu.memory_space<hbm>> -> memref<80xi32, #tpu.memory_space<hbm>>
          tpu.enqueue_dma source(%dma_start3A_138 : memref<80xi32, #tpu.memory_space<hbm>>) target(%arg10 : memref<80xi32, #tpu.memory_space<vmem>>) target_semaphore(%arg26 : memref<!tpu.dma_semaphore, #tpu.memory_space<semaphore_mem>>)
          %dma_start3A_139 = arith.constant 0 : i32
          %dma_start3A_140 = tpu.memref_slice %arg5[%add3A, %add3A_132, %dma_start3A_139] : memref<32x125x80xi32, #tpu.memory_space<hbm>> -> memref<1x1x80xi32, #tpu.memory_space<hbm>>
          %dma_start3A_141 = tpu.memref_squeeze %dma_start3A_140 : memref<1x1x80xi32, #tpu.memory_space<hbm>> -> memref<80xi32, #tpu.memory_space<hbm>>
          %dma_start3A_142 = arith.constant 0 : i32
          %dma_start3A_143 = tpu.memref_slice %arg5[%add3A, %add3A_132, %dma_start3A_142] : memref<32x125x80xi32, #tpu.memory_space<hbm>> -> memref<1x1x80xi32, #tpu.memory_space<hbm>>
          %dma_start3A_144 = tpu.memref_squeeze %dma_start3A_143 : memref<1x1x80xi32, #tpu.memory_space<hbm>> -> memref<80xi32, #tpu.memory_space<hbm>>
          tpu.enqueue_dma source(%dma_start3A_144 : memref<80xi32, #tpu.memory_space<hbm>>) target(%arg14 : memref<80xi32, #tpu.memory_space<vmem>>) target_semaphore(%arg30 : memref<!tpu.dma_semaphore, #tpu.memory_space<semaphore_mem>>)
        } else {
        }
        %dma_wait3A_103 = arith.constant 0 : i32
        %dma_wait3A_104 = arith.constant 0 : i32
        %dma_wait3A_105 = tpu.memref_slice %arg2[%dma_wait3A_103, %dma_wait3A_104] : memref<10000x128xf32, #tpu.memory_space<hbm>> -> memref<10000x128xf32, #tpu.memory_space<hbm>>
        tpu.wait_indirect_dma semaphore(%arg22 : memref<!tpu.dma_semaphore, #tpu.memory_space<semaphore_mem>>) src(%dma_wait3A_105 : memref<10000x128xf32, #tpu.memory_space<hbm>>) dst(%arg18 : memref<80x128xf32, #tpu.memory_space<vmem>>)
        %dma_wait3A_106 = arith.constant 0 : i32
        %dma_wait3A_107 = arith.constant 0 : i32
        %dma_wait3A_108 = tpu.memref_slice %arg3[%dma_wait3A_106, %dma_wait3A_107] : memref<320000x128xf32, #tpu.memory_space<hbm>> -> memref<80x128xf32, #tpu.memory_space<hbm>>
        %dma_wait3A_109 = arith.constant 0 : i32
        %dma_wait3A_110 = arith.constant 0 : i32
        %dma_wait3A_111 = tpu.memref_slice %arg3[%dma_wait3A_109, %dma_wait3A_110] : memref<320000x128xf32, #tpu.memory_space<hbm>> -> memref<80x128xf32, #tpu.memory_space<hbm>>
        tpu.wait_dma2 semaphore(%arg24 : memref<!tpu.dma_semaphore, #tpu.memory_space<semaphore_mem>>) src(%dma_wait3A_111 : memref<80x128xf32, #tpu.memory_space<hbm>>) dst(%arg20 : memref<80x128xf32, #tpu.memory_space<vmem>>)
        %add3A_112 = arith.constant 1 : i32
        %add3A_113 = arith.addi %add3A_90, %add3A_112 : i32
        %lt3A_114 = arith.constant 125 : i32
        %lt3A_115 = arith.cmpi slt, %add3A_113, %lt3A_114 : i32
        %convert_element_type3A_116 = arith.extui %lt3A_115 : i1 to i32
        %cond3A_117 = arith.constant 0 : i32
        %cond3A_118 = arith.cmpi ne, %convert_element_type3A_116, %cond3A_117 : i32
        scf.if %cond3A_118 {
          %add3A_131 = arith.constant 1 : i32
          %add3A_132 = arith.addi %add3A_90, %add3A_131 : i32
          %dma_wait3A_133 = arith.constant 0 : i32
          %dma_wait3A_134 = tpu.memref_slice %arg4[%add3A, %add3A_132, %dma_wait3A_133] : memref<32x125x80xi32, #tpu.memory_space<hbm>> -> memref<1x1x80xi32, #tpu.memory_space<hbm>>
          %dma_wait3A_135 = tpu.memref_squeeze %dma_wait3A_134 : memref<1x1x80xi32, #tpu.memory_space<hbm>> -> memref<80xi32, #tpu.memory_space<hbm>>
          %dma_wait3A_136 = arith.constant 0 : i32
          %dma_wait3A_137 = tpu.memref_slice %arg4[%add3A, %add3A_132, %dma_wait3A_136] : memref<32x125x80xi32, #tpu.memory_space<hbm>> -> memref<1x1x80xi32, #tpu.memory_space<hbm>>
          %dma_wait3A_138 = tpu.memref_squeeze %dma_wait3A_137 : memref<1x1x80xi32, #tpu.memory_space<hbm>> -> memref<80xi32, #tpu.memory_space<hbm>>
          tpu.wait_dma2 semaphore(%arg25 : memref<!tpu.dma_semaphore, #tpu.memory_space<semaphore_mem>>) src(%dma_wait3A_138 : memref<80xi32, #tpu.memory_space<hbm>>) dst(%arg9 : memref<80xi32, #tpu.memory_space<vmem>>)
          %dma_start3A_139 = arith.constant 0 : i32
          %dma_start3A_140 = arith.constant 0 : i32
          %dma_start3A_141 = tpu.memref_slice %arg2[%dma_start3A_139, %dma_start3A_140] : memref<10000x128xf32, #tpu.memory_space<hbm>> -> memref<10000x128xf32, #tpu.memory_space<hbm>>
          tpu.enqueue_indirect_dma source(%dma_start3A_141 : memref<10000x128xf32, #tpu.memory_space<hbm>>) target(%arg17 : memref<80x128xf32, #tpu.memory_space<vmem>>) offsets(%arg9 : memref<80xi32, #tpu.memory_space<vmem>>) semaphore(%arg21 : memref<!tpu.dma_semaphore, #tpu.memory_space<semaphore_mem>>)
          %mul3A_142 = arith.constant 80 : i32
          %mul3A_143 = arith.muli %add3A_132, %mul3A_142 : i32
          %add3A_144 = arith.addi %mul3A_8, %mul3A_143 : i32
          %dma_start3A_145 = arith.constant 0 : i32
          %dma_start3A_146 = tpu.memref_slice %arg3[%add3A_144, %dma_start3A_145] : memref<320000x128xf32, #tpu.memory_space<hbm>> -> memref<80x128xf32, #tpu.memory_space<hbm>>
          %dma_start3A_147 = arith.constant 0 : i32
          %dma_start3A_148 = tpu.memref_slice %arg3[%add3A_144, %dma_start3A_147] : memref<320000x128xf32, #tpu.memory_space<hbm>> -> memref<80x128xf32, #tpu.memory_space<hbm>>
          tpu.enqueue_dma source(%dma_start3A_148 : memref<80x128xf32, #tpu.memory_space<hbm>>) target(%arg19 : memref<80x128xf32, #tpu.memory_space<vmem>>) target_semaphore(%arg23 : memref<!tpu.dma_semaphore, #tpu.memory_space<semaphore_mem>>)
        } else {
        }
        %scan3A_119 = arith.constant 0 : i32
        %scan3A_120 = arith.constant 0 : i32
        %scan3A_121 = arith.constant 80 : i32
        %scan3A_122 = arith.addi %scan3A_120, %scan3A_121 : i32
        %scan3A_123 = arith.constant 1 : i32
        scf.for %scan3A_131 = %scan3A_120 to %scan3A_122 step %scan3A_123  : i32 {
          %get3A = arith.index_cast %scan3A_131 : i32 to index
          %get3A_132 = arith.constant 0 : index
          %get3A_133 = tpu.vector_load %arg18[%get3A, %get3A_132] {strides = array<i32>} : memref<80x128xf32, #tpu.memory_space<vmem>>, vector<1x16xf32>,
          %get3A_134 = vector.shape_cast %get3A_133 : vector<1x16xf32> to vector<16xf32>
          %get3A_135 = arith.index_cast %scan3A_131 : i32 to index
          %get3A_136 = arith.constant 0 : index
          %get3A_137 = tpu.vector_load %arg20[%get3A_135, %get3A_136] {strides = array<i32>} : memref<80x128xf32, #tpu.memory_space<vmem>>, vector<1x16xf32>,
          %get3A_138 = vector.shape_cast %get3A_137 : vector<1x16xf32> to vector<16xf32>
          %add3A_139 = arith.addf %get3A_134, %get3A_138 : vector<16xf32>
          %max3A = arith.constant 0.000000e+00 : f32
          %max3A_140 = vector.broadcast %max3A : f32 to vector<16xf32>
          %max3A_141 = arith.maximumf %add3A_139, %max3A_140 : vector<16xf32>
          %swap3A = arith.index_cast %scan3A_131 : i32 to index
          %swap3A_142 = arith.constant 0 : index
          %swap3A_143 = tpu.vector_load %arg18[%swap3A, %swap3A_142] {strides = array<i32>} : memref<80x128xf32, #tpu.memory_space<vmem>>, vector<1x16xf32>,
          %swap3A_144 = vector.shape_cast %swap3A_143 : vector<1x16xf32> to vector<16xf32>
          %swap3A_145 = vector.shape_cast %max3A_141 : vector<16xf32> to vector<1x16xf32>
          tpu.vector_store %arg18[%swap3A, %swap3A_142], %swap3A_145 {strides = array<i32>} : memref<80x128xf32, #tpu.memory_space<vmem>>, vector<1x16xf32>,
          %get3A_146 = arith.index_cast %scan3A_131 : i32 to index
          %get3A_147 = arith.constant 16 : index
          %get3A_148 = tpu.vector_load %arg18[%get3A_146, %get3A_147] {strides = array<i32>} : memref<80x128xf32, #tpu.memory_space<vmem>>, vector<1x16xf32>,
          %get3A_149 = vector.shape_cast %get3A_148 : vector<1x16xf32> to vector<16xf32>
          %get3A_150 = arith.index_cast %scan3A_131 : i32 to index
          %get3A_151 = arith.constant 16 : index
          %get3A_152 = tpu.vector_load %arg20[%get3A_150, %get3A_151] {strides = array<i32>} : memref<80x128xf32, #tpu.memory_space<vmem>>, vector<1x16xf32>,
          %get3A_153 = vector.shape_cast %get3A_152 : vector<1x16xf32> to vector<16xf32>
          %add3A_154 = arith.addf %get3A_149, %get3A_153 : vector<16xf32>
          %max3A_155 = arith.constant 0.000000e+00 : f32
          %max3A_156 = vector.broadcast %max3A_155 : f32 to vector<16xf32>
          %max3A_157 = arith.maximumf %add3A_154, %max3A_156 : vector<16xf32>
          %swap3A_158 = arith.index_cast %scan3A_131 : i32 to index
          %swap3A_159 = arith.constant 16 : index
          %swap3A_160 = tpu.vector_load %arg18[%swap3A_158, %swap3A_159] {strides = array<i32>} : memref<80x128xf32, #tpu.memory_space<vmem>>, vector<1x16xf32>,
          %swap3A_161 = vector.shape_cast %swap3A_160 : vector<1x16xf32> to vector<16xf32>
          %swap3A_162 = vector.shape_cast %max3A_157 : vector<16xf32> to vector<1x16xf32>
          tpu.vector_store %arg18[%swap3A_158, %swap3A_159], %swap3A_162 {strides = array<i32>} : memref<80x128xf32, #tpu.memory_space<vmem>>, vector<1x16xf32>,
          %get3A_163 = arith.index_cast %scan3A_131 : i32 to index
          %get3A_164 = arith.constant 32 : index
          %get3A_165 = tpu.vector_load %arg18[%get3A_163, %get3A_164] {strides = array<i32>} : memref<80x128xf32, #tpu.memory_space<vmem>>, vector<1x16xf32>,
          %get3A_166 = vector.shape_cast %get3A_165 : vector<1x16xf32> to vector<16xf32>
          %get3A_167 = arith.index_cast %scan3A_131 : i32 to index
          %get3A_168 = arith.constant 32 : index
          %get3A_169 = tpu.vector_load %arg20[%get3A_167, %get3A_168] {strides = array<i32>} : memref<80x128xf32, #tpu.memory_space<vmem>>, vector<1x16xf32>,
          %get3A_170 = vector.shape_cast %get3A_169 : vector<1x16xf32> to vector<16xf32>
          %add3A_171 = arith.addf %get3A_166, %get3A_170 : vector<16xf32>
          %max3A_172 = arith.constant 0.000000e+00 : f32
          %max3A_173 = vector.broadcast %max3A_172 : f32 to vector<16xf32>
          %max3A_174 = arith.maximumf %add3A_171, %max3A_173 : vector<16xf32>
          %swap3A_175 = arith.index_cast %scan3A_131 : i32 to index
          %swap3A_176 = arith.constant 32 : index
          %swap3A_177 = tpu.vector_load %arg18[%swap3A_175, %swap3A_176] {strides = array<i32>} : memref<80x128xf32, #tpu.memory_space<vmem>>, vector<1x16xf32>,
          %swap3A_178 = vector.shape_cast %swap3A_177 : vector<1x16xf32> to vector<16xf32>
          %swap3A_179 = vector.shape_cast %max3A_174 : vector<16xf32> to vector<1x16xf32>
          tpu.vector_store %arg18[%swap3A_175, %swap3A_176], %swap3A_179 {strides = array<i32>} : memref<80x128xf32, #tpu.memory_space<vmem>>, vector<1x16xf32>,
          %get3A_180 = arith.index_cast %scan3A_131 : i32 to index
          %get3A_181 = arith.constant 48 : index
          %get3A_182 = tpu.vector_load %arg18[%get3A_180, %get3A_181] {strides = array<i32>} : memref<80x128xf32, #tpu.memory_space<vmem>>, vector<1x16xf32>,
          %get3A_183 = vector.shape_cast %get3A_182 : vector<1x16xf32> to vector<16xf32>
          %get3A_184 = arith.index_cast %scan3A_131 : i32 to index
          %get3A_185 = arith.constant 48 : index
          %get3A_186 = tpu.vector_load %arg20[%get3A_184, %get3A_185] {strides = array<i32>} : memref<80x128xf32, #tpu.memory_space<vmem>>, vector<1x16xf32>,
          %get3A_187 = vector.shape_cast %get3A_186 : vector<1x16xf32> to vector<16xf32>
          %add3A_188 = arith.addf %get3A_183, %get3A_187 : vector<16xf32>
          %max3A_189 = arith.constant 0.000000e+00 : f32
          %max3A_190 = vector.broadcast %max3A_189 : f32 to vector<16xf32>
          %max3A_191 = arith.maximumf %add3A_188, %max3A_190 : vector<16xf32>
          %swap3A_192 = arith.index_cast %scan3A_131 : i32 to index
          %swap3A_193 = arith.constant 48 : index
          %swap3A_194 = tpu.vector_load %arg18[%swap3A_192, %swap3A_193] {strides = array<i32>} : memref<80x128xf32, #tpu.memory_space<vmem>>, vector<1x16xf32>,
          %swap3A_195 = vector.shape_cast %swap3A_194 : vector<1x16xf32> to vector<16xf32>
          %swap3A_196 = vector.shape_cast %max3A_191 : vector<16xf32> to vector<1x16xf32>
          tpu.vector_store %arg18[%swap3A_192, %swap3A_193], %swap3A_196 {strides = array<i32>} : memref<80x128xf32, #tpu.memory_space<vmem>>, vector<1x16xf32>,
          %get3A_197 = arith.index_cast %scan3A_131 : i32 to index
          %get3A_198 = arith.constant 64 : index
          %get3A_199 = tpu.vector_load %arg18[%get3A_197, %get3A_198] {strides = array<i32>} : memref<80x128xf32, #tpu.memory_space<vmem>>, vector<1x16xf32>,
          %get3A_200 = vector.shape_cast %get3A_199 : vector<1x16xf32> to vector<16xf32>
          %get3A_201 = arith.index_cast %scan3A_131 : i32 to index
          %get3A_202 = arith.constant 64 : index
          %get3A_203 = tpu.vector_load %arg20[%get3A_201, %get3A_202] {strides = array<i32>} : memref<80x128xf32, #tpu.memory_space<vmem>>, vector<1x16xf32>,
          %get3A_204 = vector.shape_cast %get3A_203 : vector<1x16xf32> to vector<16xf32>
          %add3A_205 = arith.addf %get3A_200, %get3A_204 : vector<16xf32>
          %max3A_206 = arith.constant 0.000000e+00 : f32
          %max3A_207 = vector.broadcast %max3A_206 : f32 to vector<16xf32>
          %max3A_208 = arith.maximumf %add3A_205, %max3A_207 : vector<16xf32>
          %swap3A_209 = arith.index_cast %scan3A_131 : i32 to index
          %swap3A_210 = arith.constant 64 : index
          %swap3A_211 = tpu.vector_load %arg18[%swap3A_209, %swap3A_210] {strides = array<i32>} : memref<80x128xf32, #tpu.memory_space<vmem>>, vector<1x16xf32>,
          %swap3A_212 = vector.shape_cast %swap3A_211 : vector<1x16xf32> to vector<16xf32>
          %swap3A_213 = vector.shape_cast %max3A_208 : vector<16xf32> to vector<1x16xf32>
          tpu.vector_store %arg18[%swap3A_209, %swap3A_210], %swap3A_213 {strides = array<i32>} : memref<80x128xf32, #tpu.memory_space<vmem>>, vector<1x16xf32>,
          %get3A_214 = arith.index_cast %scan3A_131 : i32 to index
          %get3A_215 = arith.constant 80 : index
          %get3A_216 = tpu.vector_load %arg18[%get3A_214, %get3A_215] {strides = array<i32>} : memref<80x128xf32, #tpu.memory_space<vmem>>, vector<1x16xf32>,
          %get3A_217 = vector.shape_cast %get3A_216 : vector<1x16xf32> to vector<16xf32>
          %get3A_218 = arith.index_cast %scan3A_131 : i32 to index
          %get3A_219 = arith.constant 80 : index
          %get3A_220 = tpu.vector_load %arg20[%get3A_218, %get3A_219] {strides = array<i32>} : memref<80x128xf32, #tpu.memory_space<vmem>>, vector<1x16xf32>,
          %get3A_221 = vector.shape_cast %get3A_220 : vector<1x16xf32> to vector<16xf32>
          %add3A_222 = arith.addf %get3A_217, %get3A_221 : vector<16xf32>
          %max3A_223 = arith.constant 0.000000e+00 : f32
          %max3A_224 = vector.broadcast %max3A_223 : f32 to vector<16xf32>
          %max3A_225 = arith.maximumf %add3A_222, %max3A_224 : vector<16xf32>
          %swap3A_226 = arith.index_cast %scan3A_131 : i32 to index
          %swap3A_227 = arith.constant 80 : index
          %swap3A_228 = tpu.vector_load %arg18[%swap3A_226, %swap3A_227] {strides = array<i32>} : memref<80x128xf32, #tpu.memory_space<vmem>>, vector<1x16xf32>,
          %swap3A_229 = vector.shape_cast %swap3A_228 : vector<1x16xf32> to vector<16xf32>
          %swap3A_230 = vector.shape_cast %max3A_225 : vector<16xf32> to vector<1x16xf32>
          tpu.vector_store %arg18[%swap3A_226, %swap3A_227], %swap3A_230 {strides = array<i32>} : memref<80x128xf32, #tpu.memory_space<vmem>>, vector<1x16xf32>,
          %get3A_231 = arith.index_cast %scan3A_131 : i32 to index
          %get3A_232 = arith.constant 96 : index
          %get3A_233 = tpu.vector_load %arg18[%get3A_231, %get3A_232] {strides = array<i32>} : memref<80x128xf32, #tpu.memory_space<vmem>>, vector<1x16xf32>,
          %get3A_234 = vector.shape_cast %get3A_233 : vector<1x16xf32> to vector<16xf32>
          %get3A_235 = arith.index_cast %scan3A_131 : i32 to index
          %get3A_236 = arith.constant 96 : index
          %get3A_237 = tpu.vector_load %arg20[%get3A_235, %get3A_236] {strides = array<i32>} : memref<80x128xf32, #tpu.memory_space<vmem>>, vector<1x16xf32>,
          %get3A_238 = vector.shape_cast %get3A_237 : vector<1x16xf32> to vector<16xf32>
          %add3A_239 = arith.addf %get3A_234, %get3A_238 : vector<16xf32>
          %max3A_240 = arith.constant 0.000000e+00 : f32
          %max3A_241 = vector.broadcast %max3A_240 : f32 to vector<16xf32>
          %max3A_242 = arith.maximumf %add3A_239, %max3A_241 : vector<16xf32>
          %swap3A_243 = arith.index_cast %scan3A_131 : i32 to index
          %swap3A_244 = arith.constant 96 : index
          %swap3A_245 = tpu.vector_load %arg18[%swap3A_243, %swap3A_244] {strides = array<i32>} : memref<80x128xf32, #tpu.memory_space<vmem>>, vector<1x16xf32>,
          %swap3A_246 = vector.shape_cast %swap3A_245 : vector<1x16xf32> to vector<16xf32>
          %swap3A_247 = vector.shape_cast %max3A_242 : vector<16xf32> to vector<1x16xf32>
          tpu.vector_store %arg18[%swap3A_243, %swap3A_244], %swap3A_247 {strides = array<i32>} : memref<80x128xf32, #tpu.memory_space<vmem>>, vector<1x16xf32>,
          %get3A_248 = arith.index_cast %scan3A_131 : i32 to index
          %get3A_249 = arith.constant 112 : index
          %get3A_250 = tpu.vector_load %arg18[%get3A_248, %get3A_249] {strides = array<i32>} : memref<80x128xf32, #tpu.memory_space<vmem>>, vector<1x16xf32>,
          %get3A_251 = vector.shape_cast %get3A_250 : vector<1x16xf32> to vector<16xf32>
          %get3A_252 = arith.index_cast %scan3A_131 : i32 to index
          %get3A_253 = arith.constant 112 : index
          %get3A_254 = tpu.vector_load %arg20[%get3A_252, %get3A_253] {strides = array<i32>} : memref<80x128xf32, #tpu.memory_space<vmem>>, vector<1x16xf32>,
          %get3A_255 = vector.shape_cast %get3A_254 : vector<1x16xf32> to vector<16xf32>
          %add3A_256 = arith.addf %get3A_251, %get3A_255 : vector<16xf32>
          %max3A_257 = arith.constant 0.000000e+00 : f32
          %max3A_258 = vector.broadcast %max3A_257 : f32 to vector<16xf32>
          %max3A_259 = arith.maximumf %add3A_256, %max3A_258 : vector<16xf32>
          %swap3A_260 = arith.index_cast %scan3A_131 : i32 to index
          %swap3A_261 = arith.constant 112 : index
          %swap3A_262 = tpu.vector_load %arg18[%swap3A_260, %swap3A_261] {strides = array<i32>} : memref<80x128xf32, #tpu.memory_space<vmem>>, vector<1x16xf32>,
          %swap3A_263 = vector.shape_cast %swap3A_262 : vector<1x16xf32> to vector<16xf32>
          %swap3A_264 = vector.shape_cast %max3A_259 : vector<16xf32> to vector<1x16xf32>
          tpu.vector_store %arg18[%swap3A_260, %swap3A_261], %swap3A_264 {strides = array<i32>} : memref<80x128xf32, #tpu.memory_space<vmem>>, vector<1x16xf32>,
        }
        %scan3A_124 = arith.constant 80 : i32
        %dma_wait3A_125 = arith.constant 0 : i32
        %dma_wait3A_126 = tpu.memref_slice %arg5[%add3A, %add3A_90, %dma_wait3A_125] : memref<32x125x80xi32, #tpu.memory_space<hbm>> -> memref<1x1x80xi32, #tpu.memory_space<hbm>>
        %dma_wait3A_127 = tpu.memref_squeeze %dma_wait3A_126 : memref<1x1x80xi32, #tpu.memory_space<hbm>> -> memref<80xi32, #tpu.memory_space<hbm>>
        %dma_wait3A_128 = arith.constant 0 : i32
        %dma_wait3A_129 = tpu.memref_slice %arg5[%add3A, %add3A_90, %dma_wait3A_128] : memref<32x125x80xi32, #tpu.memory_space<hbm>> -> memref<1x1x80xi32, #tpu.memory_space<hbm>>
        %dma_wait3A_130 = tpu.memref_squeeze %dma_wait3A_129 : memref<1x1x80xi32, #tpu.memory_space<hbm>> -> memref<80xi32, #tpu.memory_space<hbm>>
        tpu.wait_dma2 semaphore(%arg32 : memref<!tpu.dma_semaphore, #tpu.memory_space<semaphore_mem>>) src(%dma_wait3A_130 : memref<80xi32, #tpu.memory_space<hbm>>) dst(%arg16 : memref<80xi32, #tpu.memory_space<vmem>>)
        "tpu.region"() ({
          %run_scoped3A = tpu.sem_alloc : memref<!tpu.dma_semaphore, #tpu.memory_space<semaphore_mem>>
          %dma_start3A_131 = arith.constant 0 : i32
          %dma_start3A_132 = arith.constant 0 : i32
          %dma_start3A_133 = tpu.memref_slice %arg8[%dma_start3A_131, %dma_start3A_132] : memref<10000x128xf32, #tpu.memory_space<vmem_shared>> -> memref<10000x128xf32, #tpu.memory_space<vmem_shared>>
          tpu.enqueue_indirect_dma source(%arg18 : memref<80x128xf32, #tpu.memory_space<vmem>>) target(%dma_start3A_133 : memref<10000x128xf32, #tpu.memory_space<vmem_shared>>) offsets(%arg16 : memref<80xi32, #tpu.memory_space<vmem>>) semaphore(%run_scoped3A : memref<!tpu.dma_semaphore, #tpu.memory_space<semaphore_mem>>) {add = true}
          %dma_wait3A_134 = arith.constant 0 : i32
          %dma_wait3A_135 = arith.constant 0 : i32
          %dma_wait3A_136 = tpu.memref_slice %arg8[%dma_wait3A_134, %dma_wait3A_135] : memref<10000x128xf32, #tpu.memory_space<vmem_shared>> -> memref<10000x128xf32, #tpu.memory_space<vmem_shared>>
          tpu.wait_indirect_dma semaphore(%run_scoped3A : memref<!tpu.dma_semaphore, #tpu.memory_space<semaphore_mem>>) src(%arg18 : memref<80x128xf32, #tpu.memory_space<vmem>>) dst(%dma_wait3A_136 : memref<10000x128xf32, #tpu.memory_space<vmem_shared>>)
          tpu.yield
        }) : () -> ()
      } else {
      }
    }
    %scan3A_55 = arith.constant 32 : i32
    %barrier3A_56 = arith.constant 0 : index
    tpu.barrier barrier_id(%barrier3A_56)
    %mul3A_57 = arith.constant 624 : i32
    %mul3A_58 = arith.muli %arg1, %mul3A_57 : i32
    %mul3A_59 = arith.constant 624 : i32
    %mul3A_60 = arith.muli %arg1, %mul3A_59 : i32
    "tpu.region"() ({
      %run_scoped3A = tpu.sem_alloc : memref<!tpu.dma_semaphore, #tpu.memory_space<semaphore_mem>>
      %dma_start3A_66 = arith.constant 0 : i32
      %dma_start3A_67 = tpu.memref_slice %arg7[%arg0, %mul3A_60, %dma_start3A_66] : memref<2x10000x128xf32, #tpu.memory_space<hbm>> -> memref<1x624x128xf32, #tpu.memory_space<hbm>>
      %dma_start3A_68 = tpu.memref_squeeze %dma_start3A_67 : memref<1x624x128xf32, #tpu.memory_space<hbm>> -> memref<624x128xf32, #tpu.memory_space<hbm>>
      %dma_start3A_69 = arith.constant 0 : i32
      %dma_start3A_70 = tpu.memref_slice %arg8[%mul3A_58, %dma_start3A_69] : memref<10000x128xf32, #tpu.memory_space<vmem_shared>> -> memref<624x128xf32, #tpu.memory_space<vmem_shared>>
      tpu.enqueue_dma source(%dma_start3A_70 : memref<624x128xf32, #tpu.memory_space<vmem_shared>>) target(%dma_start3A_68 : memref<624x128xf32, #tpu.memory_space<hbm>>) target_semaphore(%run_scoped3A : memref<!tpu.dma_semaphore, #tpu.memory_space<semaphore_mem>>)
      %dma_wait3A_71 = arith.constant 0 : i32
      %dma_wait3A_72 = tpu.memref_slice %arg7[%arg0, %mul3A_60, %dma_wait3A_71] : memref<2x10000x128xf32, #tpu.memory_space<hbm>> -> memref<1x624x128xf32, #tpu.memory_space<hbm>>
      %dma_wait3A_73 = tpu.memref_squeeze %dma_wait3A_72 : memref<1x624x128xf32, #tpu.memory_space<hbm>> -> memref<624x128xf32, #tpu.memory_space<hbm>>
      %dma_wait3A_74 = arith.constant 0 : i32
      %dma_wait3A_75 = tpu.memref_slice %arg8[%mul3A_58, %dma_wait3A_74] : memref<10000x128xf32, #tpu.memory_space<vmem_shared>> -> memref<624x128xf32, #tpu.memory_space<vmem_shared>>
      tpu.wait_dma2 semaphore(%run_scoped3A : memref<!tpu.dma_semaphore, #tpu.memory_space<semaphore_mem>>) src(%dma_wait3A_75 : memref<624x128xf32, #tpu.memory_space<vmem_shared>>) dst(%dma_wait3A_73 : memref<624x128xf32, #tpu.memory_space<hbm>>)
      tpu.yield
    }) : () -> ()
    %eq3A_61 = arith.constant 15 : i32
    %eq3A_62 = arith.cmpi eq, %arg1, %eq3A_61 : i32
    %convert_element_type3A_63 = arith.extui %eq3A_62 : i1 to i32
    %cond3A_64 = arith.constant 0 : i32
    %cond3A_65 = arith.cmpi ne, %convert_element_type3A_63, %cond3A_64 : i32
    scf.if %cond3A_65 {
      "tpu.region"() ({
        %run_scoped3A = tpu.sem_alloc : memref<!tpu.dma_semaphore, #tpu.memory_space<semaphore_mem>>
        %dma_start3A_66 = arith.constant 9984 : i32
        %dma_start3A_67 = arith.constant 0 : i32
        %dma_start3A_68 = tpu.memref_slice %arg7[%arg0, %dma_start3A_66, %dma_start3A_67] : memref<2x10000x128xf32, #tpu.memory_space<hbm>> -> memref<1x16x128xf32, #tpu.memory_space<hbm>>
        %dma_start3A_69 = tpu.memref_squeeze %dma_start3A_68 : memref<1x16x128xf32, #tpu.memory_space<hbm>> -> memref<16x128xf32, #tpu.memory_space<hbm>>
        %dma_start3A_70 = arith.constant 9984 : i32
        %dma_start3A_71 = arith.constant 0 : i32
        %dma_start3A_72 = tpu.memref_slice %arg8[%dma_start3A_70, %dma_start3A_71] : memref<10000x128xf32, #tpu.memory_space<vmem_shared>> -> memref<16x128xf32, #tpu.memory_space<vmem_shared>>
        tpu.enqueue_dma source(%dma_start3A_72 : memref<16x128xf32, #tpu.memory_space<vmem_shared>>) target(%dma_start3A_69 : memref<16x128xf32, #tpu.memory_space<hbm>>) target_semaphore(%run_scoped3A : memref<!tpu.dma_semaphore, #tpu.memory_space<semaphore_mem>>)
        %dma_wait3A_73 = arith.constant 9984 : i32
        %dma_wait3A_74 = arith.constant 0 : i32
        %dma_wait3A_75 = tpu.memref_slice %arg7[%arg0, %dma_wait3A_73, %dma_wait3A_74] : memref<2x10000x128xf32, #tpu.memory_space<hbm>> -> memref<1x16x128xf32, #tpu.memory_space<hbm>>
        %dma_wait3A_76 = tpu.memref_squeeze %dma_wait3A_75 : memref<1x16x128xf32, #tpu.memory_space<hbm>> -> memref<16x128xf32, #tpu.memory_space<hbm>>
        %dma_wait3A_77 = arith.constant 9984 : i32
        %dma_wait3A_78 = arith.constant 0 : i32
        %dma_wait3A_79 = tpu.memref_slice %arg8[%dma_wait3A_77, %dma_wait3A_78] : memref<10000x128xf32, #tpu.memory_space<vmem_shared>> -> memref<16x128xf32, #tpu.memory_space<vmem_shared>>
        tpu.wait_dma2 semaphore(%run_scoped3A : memref<!tpu.dma_semaphore, #tpu.memory_space<semaphore_mem>>) src(%dma_wait3A_79 : memref<16x128xf32, #tpu.memory_space<vmem_shared>>) dst(%dma_wait3A_76 : memref<16x128xf32, #tpu.memory_space<hbm>>)
        tpu.yield
      }) : () -> ()
    } else {
    }
    return
  }
}

#map = affine_map<(d0, d1) -> (0, 0)>
#map1 = affine_map<(d0, d1) -> (0, 0, 0)>
module attributes {stable_mosaic.version = 14 : i64} {
  func.func @_sc_msg_body(%arg0: i32, %arg1: i32, %arg2: memref<10000x128xf32, #tpu.memory_space<hbm>>, %arg3: memref<320000x128xf32, #tpu.memory_space<hbm>>, %arg4: memref<32x125x80xi32, #tpu.memory_space<hbm>>, %arg5: memref<32x125x80xi32, #tpu.memory_space<hbm>>, %arg6: memref<10000x128xf32, #tpu.memory_space<hbm>>, %arg7: memref<2x10000x128xf32, #tpu.memory_space<hbm>>, %arg8: memref<10000x128xf32, #tpu.memory_space<vmem_shared>>, %arg9: memref<80xi32, #tpu.memory_space<vmem>>, %arg10: memref<80xi32, #tpu.memory_space<vmem>>, %arg11: memref<80xi32, #tpu.memory_space<vmem>>, %arg12: memref<80xi32, #tpu.memory_space<vmem>>, %arg13: memref<80xi32, #tpu.memory_space<vmem>>, %arg14: memref<80xi32, #tpu.memory_space<vmem>>, %arg15: memref<80xi32, #tpu.memory_space<vmem>>, %arg16: memref<80xi32, #tpu.memory_space<vmem>>, %arg17: memref<80x128xf32, #tpu.memory_space<vmem>>, %arg18: memref<80x128xf32, #tpu.memory_space<vmem>>, %arg19: memref<80x128xf32, #tpu.memory_space<vmem>>, %arg20: memref<80x128xf32, #tpu.memory_space<vmem>>, %arg21: memref<!tpu.dma_semaphore, #tpu.memory_space<semaphore_mem>>, %arg22: memref<!tpu.dma_semaphore, #tpu.memory_space<semaphore_mem>>, %arg23: memref<!tpu.dma_semaphore, #tpu.memory_space<semaphore_mem>>, %arg24: memref<!tpu.dma_semaphore, #tpu.memory_space<semaphore_mem>>, %arg25: memref<!tpu.dma_semaphore, #tpu.memory_space<semaphore_mem>>, %arg26: memref<!tpu.dma_semaphore, #tpu.memory_space<semaphore_mem>>, %arg27: memref<!tpu.dma_semaphore, #tpu.memory_space<semaphore_mem>>, %arg28: memref<!tpu.dma_semaphore, #tpu.memory_space<semaphore_mem>>, %arg29: memref<!tpu.dma_semaphore, #tpu.memory_space<semaphore_mem>>, %arg30: memref<!tpu.dma_semaphore, #tpu.memory_space<semaphore_mem>>, %arg31: memref<!tpu.dma_semaphore, #tpu.memory_space<semaphore_mem>>, %arg32: memref<!tpu.dma_semaphore, #tpu.memory_space<semaphore_mem>>) attributes {dimension_semantics = [#tpu.dimension_semantics<core_parallel>, #tpu.dimension_semantics<subcore_parallel>], iteration_bounds = array<i64: 2, 16>, scalar_prefetch = 0 : i64, scratch_operands = 25 : i64, tpu.core_type = #tpu.core_type<sc_vector_subcore>, window_params = [{transform_indices = #map}, {transform_indices = #map}, {transform_indices = #map1}, {transform_indices = #map1}, {transform_indices = #map}, {transform_indices = #map1}]} {
    %mul3A = arith.constant 2 : i32
    %mul3A_0 = arith.muli %arg1, %mul3A : i32
    %add3A = arith.addi %mul3A_0, %arg0 : i32
    %mul3A_1 = arith.constant 624 : i32
    %mul3A_2 = arith.muli %arg1, %mul3A_1 : i32
    %mul3A_3 = arith.constant 624 : i32
    %mul3A_4 = arith.muli %arg1, %mul3A_3 : i32
    "tpu.region"() ({
      %run_scoped3A = tpu.sem_alloc : memref<!tpu.dma_semaphore, #tpu.memory_space<semaphore_mem>>
      %dma_start3A_66 = arith.constant 0 : i32
      %dma_start3A_67 = tpu.memref_slice %arg8[%mul3A_4, %dma_start3A_66] : memref<10000x128xf32, #tpu.memory_space<vmem_shared>> -> memref<624x128xf32, #tpu.memory_space<vmem_shared>>
      %dma_start3A_68 = arith.constant 0 : i32
      %dma_start3A_69 = tpu.memref_slice %arg6[%mul3A_2, %dma_start3A_68] : memref<10000x128xf32, #tpu.memory_space<hbm>> -> memref<624x128xf32, #tpu.memory_space<hbm>>
      tpu.enqueue_dma source(%dma_start3A_69 : memref<624x128xf32, #tpu.memory_space<hbm>>) target(%dma_start3A_67 : memref<624x128xf32, #tpu.memory_space<vmem_shared>>) target_semaphore(%run_scoped3A : memref<!tpu.dma_semaphore, #tpu.memory_space<semaphore_mem>>)
      %dma_wait3A_70 = arith.constant 0 : i32
      %dma_wait3A_71 = tpu.memref_slice %arg8[%mul3A_4, %dma_wait3A_70] : memref<10000x128xf32, #tpu.memory_space<vmem_shared>> -> memref<624x128xf32, #tpu.memory_space<vmem_shared>>
      %dma_wait3A_72 = arith.constant 0 : i32
      %dma_wait3A_73 = tpu.memref_slice %arg6[%mul3A_2, %dma_wait3A_72] : memref<10000x128xf32, #tpu.memory_space<hbm>> -> memref<624x128xf32, #tpu.memory_space<hbm>>
      tpu.wait_dma2 semaphore(%run_scoped3A : memref<!tpu.dma_semaphore, #tpu.memory_space<semaphore_mem>>) src(%dma_wait3A_73 : memref<624x128xf32, #tpu.memory_space<hbm>>) dst(%dma_wait3A_71 : memref<624x128xf32, #tpu.memory_space<vmem_shared>>)
      tpu.yield
    }) : () -> ()
    %eq3A = arith.constant 15 : i32
    %eq3A_5 = arith.cmpi eq, %arg1, %eq3A : i32
    %convert_element_type3A = arith.extui %eq3A_5 : i1 to i32
    %cond3A = arith.constant 0 : i32
    %cond3A_6 = arith.cmpi ne, %convert_element_type3A, %cond3A : i32
    scf.if %cond3A_6 {
      "tpu.region"() ({
        %run_scoped3A = tpu.sem_alloc : memref<!tpu.dma_semaphore, #tpu.memory_space<semaphore_mem>>
        %dma_start3A_66 = arith.constant 9984 : i32
        %dma_start3A_67 = arith.constant 0 : i32
        %dma_start3A_68 = tpu.memref_slice %arg8[%dma_start3A_66, %dma_start3A_67] : memref<10000x128xf32, #tpu.memory_space<vmem_shared>> -> memref<16x128xf32, #tpu.memory_space<vmem_shared>>
        %dma_start3A_69 = arith.constant 9984 : i32
        %dma_start3A_70 = arith.constant 0 : i32
        %dma_start3A_71 = tpu.memref_slice %arg6[%dma_start3A_69, %dma_start3A_70] : memref<10000x128xf32, #tpu.memory_space<hbm>> -> memref<16x128xf32, #tpu.memory_space<hbm>>
        tpu.enqueue_dma source(%dma_start3A_71 : memref<16x128xf32, #tpu.memory_space<hbm>>) target(%dma_start3A_68 : memref<16x128xf32, #tpu.memory_space<vmem_shared>>) target_semaphore(%run_scoped3A : memref<!tpu.dma_semaphore, #tpu.memory_space<semaphore_mem>>)
        %dma_wait3A_72 = arith.constant 9984 : i32
        %dma_wait3A_73 = arith.constant 0 : i32
        %dma_wait3A_74 = tpu.memref_slice %arg8[%dma_wait3A_72, %dma_wait3A_73] : memref<10000x128xf32, #tpu.memory_space<vmem_shared>> -> memref<16x128xf32, #tpu.memory_space<vmem_shared>>
        %dma_wait3A_75 = arith.constant 9984 : i32
        %dma_wait3A_76 = arith.constant 0 : i32
        %dma_wait3A_77 = tpu.memref_slice %arg6[%dma_wait3A_75, %dma_wait3A_76] : memref<10000x128xf32, #tpu.memory_space<hbm>> -> memref<16x128xf32, #tpu.memory_space<hbm>>
        tpu.wait_dma2 semaphore(%run_scoped3A : memref<!tpu.dma_semaphore, #tpu.memory_space<semaphore_mem>>) src(%dma_wait3A_77 : memref<16x128xf32, #tpu.memory_space<hbm>>) dst(%dma_wait3A_74 : memref<16x128xf32, #tpu.memory_space<vmem_shared>>)
        tpu.yield
      }) : () -> ()
    } else {
    }
    %barrier3A = arith.constant 0 : index
    tpu.barrier barrier_id(%barrier3A)
    %mul3A_7 = arith.constant 10000 : i32
    %mul3A_8 = arith.muli %add3A, %mul3A_7 : i32
    %dma_start3A = arith.constant 0 : i32
    %dma_start3A_9 = arith.constant 0 : i32
    %dma_start3A_10 = tpu.memref_slice %arg4[%add3A, %dma_start3A, %dma_start3A_9] : memref<32x125x80xi32, #tpu.memory_space<hbm>> -> memref<1x1x80xi32, #tpu.memory_space<hbm>>
    %dma_start3A_11 = tpu.memref_squeeze %dma_start3A_10 : memref<1x1x80xi32, #tpu.memory_space<hbm>> -> memref<80xi32, #tpu.memory_space<hbm>>
    %dma_start3A_12 = arith.constant 0 : i32
    %dma_start3A_13 = tpu.memref_slice %arg4[%add3A, %dma_start3A, %dma_start3A_12] : memref<32x125x80xi32, #tpu.memory_space<hbm>> -> memref<1x1x80xi32, #tpu.memory_space<hbm>>
    %dma_start3A_14 = tpu.memref_squeeze %dma_start3A_13 : memref<1x1x80xi32, #tpu.memory_space<hbm>> -> memref<80xi32, #tpu.memory_space<hbm>>
    tpu.enqueue_dma source(%dma_start3A_14 : memref<80xi32, #tpu.memory_space<hbm>>) target(%arg9 : memref<80xi32, #tpu.memory_space<vmem>>) target_semaphore(%arg25 : memref<!tpu.dma_semaphore, #tpu.memory_space<semaphore_mem>>)
    %dma_start3A_15 = arith.constant 0 : i32
    %dma_start3A_16 = arith.constant 0 : i32
    %dma_start3A_17 = tpu.memref_slice %arg5[%add3A, %dma_start3A_15, %dma_start3A_16] : memref<32x125x80xi32, #tpu.memory_space<hbm>> -> memref<1x1x80xi32, #tpu.memory_space<hbm>>
    %dma_start3A_18 = tpu.memref_squeeze %dma_start3A_17 : memref<1x1x80xi32, #tpu.memory_space<hbm>> -> memref<80xi32, #tpu.memory_space<hbm>>
    %dma_start3A_19 = arith.constant 0 : i32
    %dma_start3A_20 = tpu.memref_slice %arg5[%add3A, %dma_start3A_15, %dma_start3A_19] : memref<32x125x80xi32, #tpu.memory_space<hbm>> -> memref<1x1x80xi32, #tpu.memory_space<hbm>>
    %dma_start3A_21 = tpu.memref_squeeze %dma_start3A_20 : memref<1x1x80xi32, #tpu.memory_space<hbm>> -> memref<80xi32, #tpu.memory_space<hbm>>
    tpu.enqueue_dma source(%dma_start3A_21 : memref<80xi32, #tpu.memory_space<hbm>>) target(%arg13 : memref<80xi32, #tpu.memory_space<vmem>>) target_semaphore(%arg29 : memref<!tpu.dma_semaphore, #tpu.memory_space<semaphore_mem>>)
    %dma_start3A_22 = arith.constant 1 : i32
    %dma_start3A_23 = arith.constant 0 : i32
    %dma_start3A_24 = tpu.memref_slice %arg4[%add3A, %dma_start3A_22, %dma_start3A_23] : memref<32x125x80xi32, #tpu.memory_space<hbm>> -> memref<1x1x80xi32, #tpu.memory_space<hbm>>
    %dma_start3A_25 = tpu.memref_squeeze %dma_start3A_24 : memref<1x1x80xi32, #tpu.memory_space<hbm>> -> memref<80xi32, #tpu.memory_space<hbm>>
    %dma_start3A_26 = arith.constant 0 : i32
    %dma_start3A_27 = tpu.memref_slice %arg4[%add3A, %dma_start3A_22, %dma_start3A_26] : memref<32x125x80xi32, #tpu.memory_space<hbm>> -> memref<1x1x80xi32, #tpu.memory_space<hbm>>
    %dma_start3A_28 = tpu.memref_squeeze %dma_start3A_27 : memref<1x1x80xi32, #tpu.memory_space<hbm>> -> memref<80xi32, #tpu.memory_space<hbm>>
    tpu.enqueue_dma source(%dma_start3A_28 : memref<80xi32, #tpu.memory_space<hbm>>) target(%arg10 : memref<80xi32, #tpu.memory_space<vmem>>) target_semaphore(%arg26 : memref<!tpu.dma_semaphore, #tpu.memory_space<semaphore_mem>>)
    %dma_start3A_29 = arith.constant 1 : i32
    %dma_start3A_30 = arith.constant 0 : i32
    %dma_start3A_31 = tpu.memref_slice %arg5[%add3A, %dma_start3A_29, %dma_start3A_30] : memref<32x125x80xi32, #tpu.memory_space<hbm>> -> memref<1x1x80xi32, #tpu.memory_space<hbm>>
    %dma_start3A_32 = tpu.memref_squeeze %dma_start3A_31 : memref<1x1x80xi32, #tpu.memory_space<hbm>> -> memref<80xi32, #tpu.memory_space<hbm>>
    %dma_start3A_33 = arith.constant 0 : i32
    %dma_start3A_34 = tpu.memref_slice %arg5[%add3A, %dma_start3A_29, %dma_start3A_33] : memref<32x125x80xi32, #tpu.memory_space<hbm>> -> memref<1x1x80xi32, #tpu.memory_space<hbm>>
    %dma_start3A_35 = tpu.memref_squeeze %dma_start3A_34 : memref<1x1x80xi32, #tpu.memory_space<hbm>> -> memref<80xi32, #tpu.memory_space<hbm>>
    tpu.enqueue_dma source(%dma_start3A_35 : memref<80xi32, #tpu.memory_space<hbm>>) target(%arg14 : memref<80xi32, #tpu.memory_space<vmem>>) target_semaphore(%arg30 : memref<!tpu.dma_semaphore, #tpu.memory_space<semaphore_mem>>)
    %dma_wait3A = arith.constant 0 : i32
    %dma_wait3A_36 = arith.constant 0 : i32
    %dma_wait3A_37 = tpu.memref_slice %arg4[%add3A, %dma_wait3A, %dma_wait3A_36] : memref<32x125x80xi32, #tpu.memory_space<hbm>> -> memref<1x1x80xi32, #tpu.memory_space<hbm>>
    %dma_wait3A_38 = tpu.memref_squeeze %dma_wait3A_37 : memref<1x1x80xi32, #tpu.memory_space<hbm>> -> memref<80xi32, #tpu.memory_space<hbm>>
    %dma_wait3A_39 = arith.constant 0 : i32
    %dma_wait3A_40 = tpu.memref_slice %arg4[%add3A, %dma_wait3A, %dma_wait3A_39] : memref<32x125x80xi32, #tpu.memory_space<hbm>> -> memref<1x1x80xi32, #tpu.memory_space<hbm>>
    %dma_wait3A_41 = tpu.memref_squeeze %dma_wait3A_40 : memref<1x1x80xi32, #tpu.memory_space<hbm>> -> memref<80xi32, #tpu.memory_space<hbm>>
    tpu.wait_dma2 semaphore(%arg25 : memref<!tpu.dma_semaphore, #tpu.memory_space<semaphore_mem>>) src(%dma_wait3A_41 : memref<80xi32, #tpu.memory_space<hbm>>) dst(%arg9 : memref<80xi32, #tpu.memory_space<vmem>>)
    %dma_start3A_42 = arith.constant 0 : i32
    %dma_start3A_43 = arith.constant 0 : i32
    %dma_start3A_44 = tpu.memref_slice %arg2[%dma_start3A_42, %dma_start3A_43] : memref<10000x128xf32, #tpu.memory_space<hbm>> -> memref<10000x128xf32, #tpu.memory_space<hbm>>
    tpu.enqueue_indirect_dma source(%dma_start3A_44 : memref<10000x128xf32, #tpu.memory_space<hbm>>) target(%arg17 : memref<80x128xf32, #tpu.memory_space<vmem>>) offsets(%arg9 : memref<80xi32, #tpu.memory_space<vmem>>) semaphore(%arg21 : memref<!tpu.dma_semaphore, #tpu.memory_space<semaphore_mem>>)
    %add3A_45 = arith.constant 0 : i32
    %add3A_46 = arith.addi %mul3A_8, %add3A_45 : i32
    %dma_start3A_47 = arith.constant 0 : i32
    %dma_start3A_48 = tpu.memref_slice %arg3[%add3A_46, %dma_start3A_47] : memref<320000x128xf32, #tpu.memory_space<hbm>> -> memref<80x128xf32, #tpu.memory_space<hbm>>
    %dma_start3A_49 = arith.constant 0 : i32
    %dma_start3A_50 = tpu.memref_slice %arg3[%add3A_46, %dma_start3A_49] : memref<320000x128xf32, #tpu.memory_space<hbm>> -> memref<80x128xf32, #tpu.memory_space<hbm>>
    tpu.enqueue_dma source(%dma_start3A_50 : memref<80x128xf32, #tpu.memory_space<hbm>>) target(%arg19 : memref<80x128xf32, #tpu.memory_space<vmem>>) target_semaphore(%arg23 : memref<!tpu.dma_semaphore, #tpu.memory_space<semaphore_mem>>)
    %scan3A = arith.constant 0 : i32
    %scan3A_51 = arith.constant 0 : i32
    %scan3A_52 = arith.constant 32 : i32
    %scan3A_53 = arith.addi %scan3A_51, %scan3A_52 : i32
    %scan3A_54 = arith.constant 1 : i32
    scf.for %scan3A_66 = %scan3A_51 to %scan3A_53 step %scan3A_54  : i32 {
      %mul3A_67 = arith.constant 4 : i32
      %mul3A_68 = arith.muli %scan3A_66, %mul3A_67 : i32
      %add3A_69 = arith.constant 0 : i32
      %add3A_70 = arith.addi %mul3A_68, %add3A_69 : i32
      %lt3A = arith.constant 125 : i32
      %lt3A_71 = arith.cmpi slt, %add3A_70, %lt3A : i32
      %convert_element_type3A_72 = arith.extui %lt3A_71 : i1 to i32
      %cond3A_73 = arith.constant 0 : i32
      %cond3A_74 = arith.cmpi ne, %convert_element_type3A_72, %cond3A_73 : i32
      scf.if %cond3A_74 {
        %add3A_96 = arith.constant 2 : i32
        %add3A_97 = arith.addi %add3A_70, %add3A_96 : i32
        %lt3A_98 = arith.constant 125 : i32
        %lt3A_99 = arith.cmpi slt, %add3A_97, %lt3A_98 : i32
        %convert_element_type3A_100 = arith.extui %lt3A_99 : i1 to i32
        %cond3A_101 = arith.constant 0 : i32
        %cond3A_102 = arith.cmpi ne, %convert_element_type3A_100, %cond3A_101 : i32
        scf.if %cond3A_102 {
          %add3A_131 = arith.constant 2 : i32
          %add3A_132 = arith.addi %add3A_70, %add3A_131 : i32
          %dma_start3A_133 = arith.constant 0 : i32
          %dma_start3A_134 = tpu.memref_slice %arg4[%add3A, %add3A_132, %dma_start3A_133] : memref<32x125x80xi32, #tpu.memory_space<hbm>> -> memref<1x1x80xi32, #tpu.memory_space<hbm>>
          %dma_start3A_135 = tpu.memref_squeeze %dma_start3A_134 : memref<1x1x80xi32, #tpu.memory_space<hbm>> -> memref<80xi32, #tpu.memory_space<hbm>>
          %dma_start3A_136 = arith.constant 0 : i32
          %dma_start3A_137 = tpu.memref_slice %arg4[%add3A, %add3A_132, %dma_start3A_136] : memref<32x125x80xi32, #tpu.memory_space<hbm>> -> memref<1x1x80xi32, #tpu.memory_space<hbm>>
          %dma_start3A_138 = tpu.memref_squeeze %dma_start3A_137 : memref<1x1x80xi32, #tpu.memory_space<hbm>> -> memref<80xi32, #tpu.memory_space<hbm>>
          tpu.enqueue_dma source(%dma_start3A_138 : memref<80xi32, #tpu.memory_space<hbm>>) target(%arg11 : memref<80xi32, #tpu.memory_space<vmem>>) target_semaphore(%arg27 : memref<!tpu.dma_semaphore, #tpu.memory_space<semaphore_mem>>)
          %dma_start3A_139 = arith.constant 0 : i32
          %dma_start3A_140 = tpu.memref_slice %arg5[%add3A, %add3A_132, %dma_start3A_139] : memref<32x125x80xi32, #tpu.memory_space<hbm>> -> memref<1x1x80xi32, #tpu.memory_space<hbm>>
          %dma_start3A_141 = tpu.memref_squeeze %dma_start3A_140 : memref<1x1x80xi32, #tpu.memory_space<hbm>> -> memref<80xi32, #tpu.memory_space<hbm>>
          %dma_start3A_142 = arith.constant 0 : i32
          %dma_start3A_143 = tpu.memref_slice %arg5[%add3A, %add3A_132, %dma_start3A_142] : memref<32x125x80xi32, #tpu.memory_space<hbm>> -> memref<1x1x80xi32, #tpu.memory_space<hbm>>
          %dma_start3A_144 = tpu.memref_squeeze %dma_start3A_143 : memref<1x1x80xi32, #tpu.memory_space<hbm>> -> memref<80xi32, #tpu.memory_space<hbm>>
          tpu.enqueue_dma source(%dma_start3A_144 : memref<80xi32, #tpu.memory_space<hbm>>) target(%arg15 : memref<80xi32, #tpu.memory_space<vmem>>) target_semaphore(%arg31 : memref<!tpu.dma_semaphore, #tpu.memory_space<semaphore_mem>>)
        } else {
        }
        %dma_wait3A_103 = arith.constant 0 : i32
        %dma_wait3A_104 = arith.constant 0 : i32
        %dma_wait3A_105 = tpu.memref_slice %arg2[%dma_wait3A_103, %dma_wait3A_104] : memref<10000x128xf32, #tpu.memory_space<hbm>> -> memref<10000x128xf32, #tpu.memory_space<hbm>>
        tpu.wait_indirect_dma semaphore(%arg21 : memref<!tpu.dma_semaphore, #tpu.memory_space<semaphore_mem>>) src(%dma_wait3A_105 : memref<10000x128xf32, #tpu.memory_space<hbm>>) dst(%arg17 : memref<80x128xf32, #tpu.memory_space<vmem>>)
        %dma_wait3A_106 = arith.constant 0 : i32
        %dma_wait3A_107 = arith.constant 0 : i32
        %dma_wait3A_108 = tpu.memref_slice %arg3[%dma_wait3A_106, %dma_wait3A_107] : memref<320000x128xf32, #tpu.memory_space<hbm>> -> memref<80x128xf32, #tpu.memory_space<hbm>>
        %dma_wait3A_109 = arith.constant 0 : i32
        %dma_wait3A_110 = arith.constant 0 : i32
        %dma_wait3A_111 = tpu.memref_slice %arg3[%dma_wait3A_109, %dma_wait3A_110] : memref<320000x128xf32, #tpu.memory_space<hbm>> -> memref<80x128xf32, #tpu.memory_space<hbm>>
        tpu.wait_dma2 semaphore(%arg23 : memref<!tpu.dma_semaphore, #tpu.memory_space<semaphore_mem>>) src(%dma_wait3A_111 : memref<80x128xf32, #tpu.memory_space<hbm>>) dst(%arg19 : memref<80x128xf32, #tpu.memory_space<vmem>>)
        %add3A_112 = arith.constant 1 : i32
        %add3A_113 = arith.addi %add3A_70, %add3A_112 : i32
        %lt3A_114 = arith.constant 125 : i32
        %lt3A_115 = arith.cmpi slt, %add3A_113, %lt3A_114 : i32
        %convert_element_type3A_116 = arith.extui %lt3A_115 : i1 to i32
        %cond3A_117 = arith.constant 0 : i32
        %cond3A_118 = arith.cmpi ne, %convert_element_type3A_116, %cond3A_117 : i32
        scf.if %cond3A_118 {
          %add3A_131 = arith.constant 1 : i32
          %add3A_132 = arith.addi %add3A_70, %add3A_131 : i32
          %dma_wait3A_133 = arith.constant 0 : i32
          %dma_wait3A_134 = tpu.memref_slice %arg4[%add3A, %add3A_132, %dma_wait3A_133] : memref<32x125x80xi32, #tpu.memory_space<hbm>> -> memref<1x1x80xi32, #tpu.memory_space<hbm>>
          %dma_wait3A_135 = tpu.memref_squeeze %dma_wait3A_134 : memref<1x1x80xi32, #tpu.memory_space<hbm>> -> memref<80xi32, #tpu.memory_space<hbm>>
          %dma_wait3A_136 = arith.constant 0 : i32
          %dma_wait3A_137 = tpu.memref_slice %arg4[%add3A, %add3A_132, %dma_wait3A_136] : memref<32x125x80xi32, #tpu.memory_space<hbm>> -> memref<1x1x80xi32, #tpu.memory_space<hbm>>
          %dma_wait3A_138 = tpu.memref_squeeze %dma_wait3A_137 : memref<1x1x80xi32, #tpu.memory_space<hbm>> -> memref<80xi32, #tpu.memory_space<hbm>>
          tpu.wait_dma2 semaphore(%arg26 : memref<!tpu.dma_semaphore, #tpu.memory_space<semaphore_mem>>) src(%dma_wait3A_138 : memref<80xi32, #tpu.memory_space<hbm>>) dst(%arg10 : memref<80xi32, #tpu.memory_space<vmem>>)
          %dma_start3A_139 = arith.constant 0 : i32
          %dma_start3A_140 = arith.constant 0 : i32
          %dma_start3A_141 = tpu.memref_slice %arg2[%dma_start3A_139, %dma_start3A_140] : memref<10000x128xf32, #tpu.memory_space<hbm>> -> memref<10000x128xf32, #tpu.memory_space<hbm>>
          tpu.enqueue_indirect_dma source(%dma_start3A_141 : memref<10000x128xf32, #tpu.memory_space<hbm>>) target(%arg18 : memref<80x128xf32, #tpu.memory_space<vmem>>) offsets(%arg10 : memref<80xi32, #tpu.memory_space<vmem>>) semaphore(%arg22 : memref<!tpu.dma_semaphore, #tpu.memory_space<semaphore_mem>>)
          %mul3A_142 = arith.constant 80 : i32
          %mul3A_143 = arith.muli %add3A_132, %mul3A_142 : i32
          %add3A_144 = arith.addi %mul3A_8, %mul3A_143 : i32
          %dma_start3A_145 = arith.constant 0 : i32
          %dma_start3A_146 = tpu.memref_slice %arg3[%add3A_144, %dma_start3A_145] : memref<320000x128xf32, #tpu.memory_space<hbm>> -> memref<80x128xf32, #tpu.memory_space<hbm>>
          %dma_start3A_147 = arith.constant 0 : i32
          %dma_start3A_148 = tpu.memref_slice %arg3[%add3A_144, %dma_start3A_147] : memref<320000x128xf32, #tpu.memory_space<hbm>> -> memref<80x128xf32, #tpu.memory_space<hbm>>
          tpu.enqueue_dma source(%dma_start3A_148 : memref<80x128xf32, #tpu.memory_space<hbm>>) target(%arg20 : memref<80x128xf32, #tpu.memory_space<vmem>>) target_semaphore(%arg24 : memref<!tpu.dma_semaphore, #tpu.memory_space<semaphore_mem>>)
        } else {
        }
        %scan3A_119 = arith.constant 0 : i32
        %scan3A_120 = arith.constant 0 : i32
        %scan3A_121 = arith.constant 80 : i32
        %scan3A_122 = arith.addi %scan3A_120, %scan3A_121 : i32
        %scan3A_123 = arith.constant 1 : i32
        scf.for %scan3A_131 = %scan3A_120 to %scan3A_122 step %scan3A_123  : i32 {
          %get3A = arith.index_cast %scan3A_131 : i32 to index
          %get3A_132 = arith.constant 0 : index
          %get3A_133 = tpu.vector_load %arg17[%get3A, %get3A_132] {strides = array<i32>} : memref<80x128xf32, #tpu.memory_space<vmem>>, vector<1x16xf32>,
          %get3A_134 = vector.shape_cast %get3A_133 : vector<1x16xf32> to vector<16xf32>
          %get3A_135 = arith.index_cast %scan3A_131 : i32 to index
          %get3A_136 = arith.constant 0 : index
          %get3A_137 = tpu.vector_load %arg19[%get3A_135, %get3A_136] {strides = array<i32>} : memref<80x128xf32, #tpu.memory_space<vmem>>, vector<1x16xf32>,
          %get3A_138 = vector.shape_cast %get3A_137 : vector<1x16xf32> to vector<16xf32>
          %add3A_139 = arith.addf %get3A_134, %get3A_138 : vector<16xf32>
          %max3A = arith.constant 0.000000e+00 : f32
          %max3A_140 = vector.broadcast %max3A : f32 to vector<16xf32>
          %max3A_141 = arith.maximumf %add3A_139, %max3A_140 : vector<16xf32>
          %swap3A = arith.index_cast %scan3A_131 : i32 to index
          %swap3A_142 = arith.constant 0 : index
          %swap3A_143 = tpu.vector_load %arg17[%swap3A, %swap3A_142] {strides = array<i32>} : memref<80x128xf32, #tpu.memory_space<vmem>>, vector<1x16xf32>,
          %swap3A_144 = vector.shape_cast %swap3A_143 : vector<1x16xf32> to vector<16xf32>
          %swap3A_145 = vector.shape_cast %max3A_141 : vector<16xf32> to vector<1x16xf32>
          tpu.vector_store %arg17[%swap3A, %swap3A_142], %swap3A_145 {strides = array<i32>} : memref<80x128xf32, #tpu.memory_space<vmem>>, vector<1x16xf32>,
          %get3A_146 = arith.index_cast %scan3A_131 : i32 to index
          %get3A_147 = arith.constant 16 : index
          %get3A_148 = tpu.vector_load %arg17[%get3A_146, %get3A_147] {strides = array<i32>} : memref<80x128xf32, #tpu.memory_space<vmem>>, vector<1x16xf32>,
          %get3A_149 = vector.shape_cast %get3A_148 : vector<1x16xf32> to vector<16xf32>
          %get3A_150 = arith.index_cast %scan3A_131 : i32 to index
          %get3A_151 = arith.constant 16 : index
          %get3A_152 = tpu.vector_load %arg19[%get3A_150, %get3A_151] {strides = array<i32>} : memref<80x128xf32, #tpu.memory_space<vmem>>, vector<1x16xf32>,
          %get3A_153 = vector.shape_cast %get3A_152 : vector<1x16xf32> to vector<16xf32>
          %add3A_154 = arith.addf %get3A_149, %get3A_153 : vector<16xf32>
          %max3A_155 = arith.constant 0.000000e+00 : f32
          %max3A_156 = vector.broadcast %max3A_155 : f32 to vector<16xf32>
          %max3A_157 = arith.maximumf %add3A_154, %max3A_156 : vector<16xf32>
          %swap3A_158 = arith.index_cast %scan3A_131 : i32 to index
          %swap3A_159 = arith.constant 16 : index
          %swap3A_160 = tpu.vector_load %arg17[%swap3A_158, %swap3A_159] {strides = array<i32>} : memref<80x128xf32, #tpu.memory_space<vmem>>, vector<1x16xf32>,
          %swap3A_161 = vector.shape_cast %swap3A_160 : vector<1x16xf32> to vector<16xf32>
          %swap3A_162 = vector.shape_cast %max3A_157 : vector<16xf32> to vector<1x16xf32>
          tpu.vector_store %arg17[%swap3A_158, %swap3A_159], %swap3A_162 {strides = array<i32>} : memref<80x128xf32, #tpu.memory_space<vmem>>, vector<1x16xf32>,
          %get3A_163 = arith.index_cast %scan3A_131 : i32 to index
          %get3A_164 = arith.constant 32 : index
          %get3A_165 = tpu.vector_load %arg17[%get3A_163, %get3A_164] {strides = array<i32>} : memref<80x128xf32, #tpu.memory_space<vmem>>, vector<1x16xf32>,
          %get3A_166 = vector.shape_cast %get3A_165 : vector<1x16xf32> to vector<16xf32>
          %get3A_167 = arith.index_cast %scan3A_131 : i32 to index
          %get3A_168 = arith.constant 32 : index
          %get3A_169 = tpu.vector_load %arg19[%get3A_167, %get3A_168] {strides = array<i32>} : memref<80x128xf32, #tpu.memory_space<vmem>>, vector<1x16xf32>,
          %get3A_170 = vector.shape_cast %get3A_169 : vector<1x16xf32> to vector<16xf32>
          %add3A_171 = arith.addf %get3A_166, %get3A_170 : vector<16xf32>
          %max3A_172 = arith.constant 0.000000e+00 : f32
          %max3A_173 = vector.broadcast %max3A_172 : f32 to vector<16xf32>
          %max3A_174 = arith.maximumf %add3A_171, %max3A_173 : vector<16xf32>
          %swap3A_175 = arith.index_cast %scan3A_131 : i32 to index
          %swap3A_176 = arith.constant 32 : index
          %swap3A_177 = tpu.vector_load %arg17[%swap3A_175, %swap3A_176] {strides = array<i32>} : memref<80x128xf32, #tpu.memory_space<vmem>>, vector<1x16xf32>,
          %swap3A_178 = vector.shape_cast %swap3A_177 : vector<1x16xf32> to vector<16xf32>
          %swap3A_179 = vector.shape_cast %max3A_174 : vector<16xf32> to vector<1x16xf32>
          tpu.vector_store %arg17[%swap3A_175, %swap3A_176], %swap3A_179 {strides = array<i32>} : memref<80x128xf32, #tpu.memory_space<vmem>>, vector<1x16xf32>,
          %get3A_180 = arith.index_cast %scan3A_131 : i32 to index
          %get3A_181 = arith.constant 48 : index
          %get3A_182 = tpu.vector_load %arg17[%get3A_180, %get3A_181] {strides = array<i32>} : memref<80x128xf32, #tpu.memory_space<vmem>>, vector<1x16xf32>,
          %get3A_183 = vector.shape_cast %get3A_182 : vector<1x16xf32> to vector<16xf32>
          %get3A_184 = arith.index_cast %scan3A_131 : i32 to index
          %get3A_185 = arith.constant 48 : index
          %get3A_186 = tpu.vector_load %arg19[%get3A_184, %get3A_185] {strides = array<i32>} : memref<80x128xf32, #tpu.memory_space<vmem>>, vector<1x16xf32>,
          %get3A_187 = vector.shape_cast %get3A_186 : vector<1x16xf32> to vector<16xf32>
          %add3A_188 = arith.addf %get3A_183, %get3A_187 : vector<16xf32>
          %max3A_189 = arith.constant 0.000000e+00 : f32
          %max3A_190 = vector.broadcast %max3A_189 : f32 to vector<16xf32>
          %max3A_191 = arith.maximumf %add3A_188, %max3A_190 : vector<16xf32>
          %swap3A_192 = arith.index_cast %scan3A_131 : i32 to index
          %swap3A_193 = arith.constant 48 : index
          %swap3A_194 = tpu.vector_load %arg17[%swap3A_192, %swap3A_193] {strides = array<i32>} : memref<80x128xf32, #tpu.memory_space<vmem>>, vector<1x16xf32>,
          %swap3A_195 = vector.shape_cast %swap3A_194 : vector<1x16xf32> to vector<16xf32>
          %swap3A_196 = vector.shape_cast %max3A_191 : vector<16xf32> to vector<1x16xf32>
          tpu.vector_store %arg17[%swap3A_192, %swap3A_193], %swap3A_196 {strides = array<i32>} : memref<80x128xf32, #tpu.memory_space<vmem>>, vector<1x16xf32>,
          %get3A_197 = arith.index_cast %scan3A_131 : i32 to index
          %get3A_198 = arith.constant 64 : index
          %get3A_199 = tpu.vector_load %arg17[%get3A_197, %get3A_198] {strides = array<i32>} : memref<80x128xf32, #tpu.memory_space<vmem>>, vector<1x16xf32>,
          %get3A_200 = vector.shape_cast %get3A_199 : vector<1x16xf32> to vector<16xf32>
          %get3A_201 = arith.index_cast %scan3A_131 : i32 to index
          %get3A_202 = arith.constant 64 : index
          %get3A_203 = tpu.vector_load %arg19[%get3A_201, %get3A_202] {strides = array<i32>} : memref<80x128xf32, #tpu.memory_space<vmem>>, vector<1x16xf32>,
          %get3A_204 = vector.shape_cast %get3A_203 : vector<1x16xf32> to vector<16xf32>
          %add3A_205 = arith.addf %get3A_200, %get3A_204 : vector<16xf32>
          %max3A_206 = arith.constant 0.000000e+00 : f32
          %max3A_207 = vector.broadcast %max3A_206 : f32 to vector<16xf32>
          %max3A_208 = arith.maximumf %add3A_205, %max3A_207 : vector<16xf32>
          %swap3A_209 = arith.index_cast %scan3A_131 : i32 to index
          %swap3A_210 = arith.constant 64 : index
          %swap3A_211 = tpu.vector_load %arg17[%swap3A_209, %swap3A_210] {strides = array<i32>} : memref<80x128xf32, #tpu.memory_space<vmem>>, vector<1x16xf32>,
          %swap3A_212 = vector.shape_cast %swap3A_211 : vector<1x16xf32> to vector<16xf32>
          %swap3A_213 = vector.shape_cast %max3A_208 : vector<16xf32> to vector<1x16xf32>
          tpu.vector_store %arg17[%swap3A_209, %swap3A_210], %swap3A_213 {strides = array<i32>} : memref<80x128xf32, #tpu.memory_space<vmem>>, vector<1x16xf32>,
          %get3A_214 = arith.index_cast %scan3A_131 : i32 to index
          %get3A_215 = arith.constant 80 : index
          %get3A_216 = tpu.vector_load %arg17[%get3A_214, %get3A_215] {strides = array<i32>} : memref<80x128xf32, #tpu.memory_space<vmem>>, vector<1x16xf32>,
          %get3A_217 = vector.shape_cast %get3A_216 : vector<1x16xf32> to vector<16xf32>
          %get3A_218 = arith.index_cast %scan3A_131 : i32 to index
          %get3A_219 = arith.constant 80 : index
          %get3A_220 = tpu.vector_load %arg19[%get3A_218, %get3A_219] {strides = array<i32>} : memref<80x128xf32, #tpu.memory_space<vmem>>, vector<1x16xf32>,
          %get3A_221 = vector.shape_cast %get3A_220 : vector<1x16xf32> to vector<16xf32>
          %add3A_222 = arith.addf %get3A_217, %get3A_221 : vector<16xf32>
          %max3A_223 = arith.constant 0.000000e+00 : f32
          %max3A_224 = vector.broadcast %max3A_223 : f32 to vector<16xf32>
          %max3A_225 = arith.maximumf %add3A_222, %max3A_224 : vector<16xf32>
          %swap3A_226 = arith.index_cast %scan3A_131 : i32 to index
          %swap3A_227 = arith.constant 80 : index
          %swap3A_228 = tpu.vector_load %arg17[%swap3A_226, %swap3A_227] {strides = array<i32>} : memref<80x128xf32, #tpu.memory_space<vmem>>, vector<1x16xf32>,
          %swap3A_229 = vector.shape_cast %swap3A_228 : vector<1x16xf32> to vector<16xf32>
          %swap3A_230 = vector.shape_cast %max3A_225 : vector<16xf32> to vector<1x16xf32>
          tpu.vector_store %arg17[%swap3A_226, %swap3A_227], %swap3A_230 {strides = array<i32>} : memref<80x128xf32, #tpu.memory_space<vmem>>, vector<1x16xf32>,
          %get3A_231 = arith.index_cast %scan3A_131 : i32 to index
          %get3A_232 = arith.constant 96 : index
          %get3A_233 = tpu.vector_load %arg17[%get3A_231, %get3A_232] {strides = array<i32>} : memref<80x128xf32, #tpu.memory_space<vmem>>, vector<1x16xf32>,
          %get3A_234 = vector.shape_cast %get3A_233 : vector<1x16xf32> to vector<16xf32>
          %get3A_235 = arith.index_cast %scan3A_131 : i32 to index
          %get3A_236 = arith.constant 96 : index
          %get3A_237 = tpu.vector_load %arg19[%get3A_235, %get3A_236] {strides = array<i32>} : memref<80x128xf32, #tpu.memory_space<vmem>>, vector<1x16xf32>,
          %get3A_238 = vector.shape_cast %get3A_237 : vector<1x16xf32> to vector<16xf32>
          %add3A_239 = arith.addf %get3A_234, %get3A_238 : vector<16xf32>
          %max3A_240 = arith.constant 0.000000e+00 : f32
          %max3A_241 = vector.broadcast %max3A_240 : f32 to vector<16xf32>
          %max3A_242 = arith.maximumf %add3A_239, %max3A_241 : vector<16xf32>
          %swap3A_243 = arith.index_cast %scan3A_131 : i32 to index
          %swap3A_244 = arith.constant 96 : index
          %swap3A_245 = tpu.vector_load %arg17[%swap3A_243, %swap3A_244] {strides = array<i32>} : memref<80x128xf32, #tpu.memory_space<vmem>>, vector<1x16xf32>,
          %swap3A_246 = vector.shape_cast %swap3A_245 : vector<1x16xf32> to vector<16xf32>
          %swap3A_247 = vector.shape_cast %max3A_242 : vector<16xf32> to vector<1x16xf32>
          tpu.vector_store %arg17[%swap3A_243, %swap3A_244], %swap3A_247 {strides = array<i32>} : memref<80x128xf32, #tpu.memory_space<vmem>>, vector<1x16xf32>,
          %get3A_248 = arith.index_cast %scan3A_131 : i32 to index
          %get3A_249 = arith.constant 112 : index
          %get3A_250 = tpu.vector_load %arg17[%get3A_248, %get3A_249] {strides = array<i32>} : memref<80x128xf32, #tpu.memory_space<vmem>>, vector<1x16xf32>,
          %get3A_251 = vector.shape_cast %get3A_250 : vector<1x16xf32> to vector<16xf32>
          %get3A_252 = arith.index_cast %scan3A_131 : i32 to index
          %get3A_253 = arith.constant 112 : index
          %get3A_254 = tpu.vector_load %arg19[%get3A_252, %get3A_253] {strides = array<i32>} : memref<80x128xf32, #tpu.memory_space<vmem>>, vector<1x16xf32>,
          %get3A_255 = vector.shape_cast %get3A_254 : vector<1x16xf32> to vector<16xf32>
          %add3A_256 = arith.addf %get3A_251, %get3A_255 : vector<16xf32>
          %max3A_257 = arith.constant 0.000000e+00 : f32
          %max3A_258 = vector.broadcast %max3A_257 : f32 to vector<16xf32>
          %max3A_259 = arith.maximumf %add3A_256, %max3A_258 : vector<16xf32>
          %swap3A_260 = arith.index_cast %scan3A_131 : i32 to index
          %swap3A_261 = arith.constant 112 : index
          %swap3A_262 = tpu.vector_load %arg17[%swap3A_260, %swap3A_261] {strides = array<i32>} : memref<80x128xf32, #tpu.memory_space<vmem>>, vector<1x16xf32>,
          %swap3A_263 = vector.shape_cast %swap3A_262 : vector<1x16xf32> to vector<16xf32>
          %swap3A_264 = vector.shape_cast %max3A_259 : vector<16xf32> to vector<1x16xf32>
          tpu.vector_store %arg17[%swap3A_260, %swap3A_261], %swap3A_264 {strides = array<i32>} : memref<80x128xf32, #tpu.memory_space<vmem>>, vector<1x16xf32>,
        }
        %scan3A_124 = arith.constant 80 : i32
        %dma_wait3A_125 = arith.constant 0 : i32
        %dma_wait3A_126 = tpu.memref_slice %arg5[%add3A, %add3A_70, %dma_wait3A_125] : memref<32x125x80xi32, #tpu.memory_space<hbm>> -> memref<1x1x80xi32, #tpu.memory_space<hbm>>
        %dma_wait3A_127 = tpu.memref_squeeze %dma_wait3A_126 : memref<1x1x80xi32, #tpu.memory_space<hbm>> -> memref<80xi32, #tpu.memory_space<hbm>>
        %dma_wait3A_128 = arith.constant 0 : i32
        %dma_wait3A_129 = tpu.memref_slice %arg5[%add3A, %add3A_70, %dma_wait3A_128] : memref<32x125x80xi32, #tpu.memory_space<hbm>> -> memref<1x1x80xi32, #tpu.memory_space<hbm>>
        %dma_wait3A_130 = tpu.memref_squeeze %dma_wait3A_129 : memref<1x1x80xi32, #tpu.memory_space<hbm>> -> memref<80xi32, #tpu.memory_space<hbm>>
        tpu.wait_dma2 semaphore(%arg29 : memref<!tpu.dma_semaphore, #tpu.memory_space<semaphore_mem>>) src(%dma_wait3A_130 : memref<80xi32, #tpu.memory_space<hbm>>) dst(%arg13 : memref<80xi32, #tpu.memory_space<vmem>>)
        "tpu.region"() ({
          %run_scoped3A = tpu.sem_alloc : memref<!tpu.dma_semaphore, #tpu.memory_space<semaphore_mem>>
          %dma_start3A_131 = arith.constant 0 : i32
          %dma_start3A_132 = arith.constant 0 : i32
          %dma_start3A_133 = tpu.memref_slice %arg8[%dma_start3A_131, %dma_start3A_132] : memref<10000x128xf32, #tpu.memory_space<vmem_shared>> -> memref<10000x128xf32, #tpu.memory_space<vmem_shared>>
          tpu.enqueue_indirect_dma source(%arg17 : memref<80x128xf32, #tpu.memory_space<vmem>>) target(%dma_start3A_133 : memref<10000x128xf32, #tpu.memory_space<vmem_shared>>) offsets(%arg13 : memref<80xi32, #tpu.memory_space<vmem>>) semaphore(%run_scoped3A : memref<!tpu.dma_semaphore, #tpu.memory_space<semaphore_mem>>) {add = true}
          %dma_wait3A_134 = arith.constant 0 : i32
          %dma_wait3A_135 = arith.constant 0 : i32
          %dma_wait3A_136 = tpu.memref_slice %arg8[%dma_wait3A_134, %dma_wait3A_135] : memref<10000x128xf32, #tpu.memory_space<vmem_shared>> -> memref<10000x128xf32, #tpu.memory_space<vmem_shared>>
          tpu.wait_indirect_dma semaphore(%run_scoped3A : memref<!tpu.dma_semaphore, #tpu.memory_space<semaphore_mem>>) src(%arg17 : memref<80x128xf32, #tpu.memory_space<vmem>>) dst(%dma_wait3A_136 : memref<10000x128xf32, #tpu.memory_space<vmem_shared>>)
          tpu.yield
        }) : () -> ()
      } else {
      }
      %add3A_75 = arith.constant 1 : i32
      %add3A_76 = arith.addi %mul3A_68, %add3A_75 : i32
      %lt3A_77 = arith.constant 125 : i32
      %lt3A_78 = arith.cmpi slt, %add3A_76, %lt3A_77 : i32
      %convert_element_type3A_79 = arith.extui %lt3A_78 : i1 to i32
      %cond3A_80 = arith.constant 0 : i32
      %cond3A_81 = arith.cmpi ne, %convert_element_type3A_79, %cond3A_80 : i32
      scf.if %cond3A_81 {
        %add3A_96 = arith.constant 2 : i32
        %add3A_97 = arith.addi %add3A_76, %add3A_96 : i32
        %lt3A_98 = arith.constant 125 : i32
        %lt3A_99 = arith.cmpi slt, %add3A_97, %lt3A_98 : i32
        %convert_element_type3A_100 = arith.extui %lt3A_99 : i1 to i32
        %cond3A_101 = arith.constant 0 : i32
        %cond3A_102 = arith.cmpi ne, %convert_element_type3A_100, %cond3A_101 : i32
        scf.if %cond3A_102 {
          %add3A_131 = arith.constant 2 : i32
          %add3A_132 = arith.addi %add3A_76, %add3A_131 : i32
          %dma_start3A_133 = arith.constant 0 : i32
          %dma_start3A_134 = tpu.memref_slice %arg4[%add3A, %add3A_132, %dma_start3A_133] : memref<32x125x80xi32, #tpu.memory_space<hbm>> -> memref<1x1x80xi32, #tpu.memory_space<hbm>>
          %dma_start3A_135 = tpu.memref_squeeze %dma_start3A_134 : memref<1x1x80xi32, #tpu.memory_space<hbm>> -> memref<80xi32, #tpu.memory_space<hbm>>
          %dma_start3A_136 = arith.constant 0 : i32
          %dma_start3A_137 = tpu.memref_slice %arg4[%add3A, %add3A_132, %dma_start3A_136] : memref<32x125x80xi32, #tpu.memory_space<hbm>> -> memref<1x1x80xi32, #tpu.memory_space<hbm>>
          %dma_start3A_138 = tpu.memref_squeeze %dma_start3A_137 : memref<1x1x80xi32, #tpu.memory_space<hbm>> -> memref<80xi32, #tpu.memory_space<hbm>>
          tpu.enqueue_dma source(%dma_start3A_138 : memref<80xi32, #tpu.memory_space<hbm>>) target(%arg12 : memref<80xi32, #tpu.memory_space<vmem>>) target_semaphore(%arg28 : memref<!tpu.dma_semaphore, #tpu.memory_space<semaphore_mem>>)
          %dma_start3A_139 = arith.constant 0 : i32
          %dma_start3A_140 = tpu.memref_slice %arg5[%add3A, %add3A_132, %dma_start3A_139] : memref<32x125x80xi32, #tpu.memory_space<hbm>> -> memref<1x1x80xi32, #tpu.memory_space<hbm>>
          %dma_start3A_141 = tpu.memref_squeeze %dma_start3A_140 : memref<1x1x80xi32, #tpu.memory_space<hbm>> -> memref<80xi32, #tpu.memory_space<hbm>>
          %dma_start3A_142 = arith.constant 0 : i32
          %dma_start3A_143 = tpu.memref_slice %arg5[%add3A, %add3A_132, %dma_start3A_142] : memref<32x125x80xi32, #tpu.memory_space<hbm>> -> memref<1x1x80xi32, #tpu.memory_space<hbm>>
          %dma_start3A_144 = tpu.memref_squeeze %dma_start3A_143 : memref<1x1x80xi32, #tpu.memory_space<hbm>> -> memref<80xi32, #tpu.memory_space<hbm>>
          tpu.enqueue_dma source(%dma_start3A_144 : memref<80xi32, #tpu.memory_space<hbm>>) target(%arg16 : memref<80xi32, #tpu.memory_space<vmem>>) target_semaphore(%arg32 : memref<!tpu.dma_semaphore, #tpu.memory_space<semaphore_mem>>)
        } else {
        }
        %dma_wait3A_103 = arith.constant 0 : i32
        %dma_wait3A_104 = arith.constant 0 : i32
        %dma_wait3A_105 = tpu.memref_slice %arg2[%dma_wait3A_103, %dma_wait3A_104] : memref<10000x128xf32, #tpu.memory_space<hbm>> -> memref<10000x128xf32, #tpu.memory_space<hbm>>
        tpu.wait_indirect_dma semaphore(%arg22 : memref<!tpu.dma_semaphore, #tpu.memory_space<semaphore_mem>>) src(%dma_wait3A_105 : memref<10000x128xf32, #tpu.memory_space<hbm>>) dst(%arg18 : memref<80x128xf32, #tpu.memory_space<vmem>>)
        %dma_wait3A_106 = arith.constant 0 : i32
        %dma_wait3A_107 = arith.constant 0 : i32
        %dma_wait3A_108 = tpu.memref_slice %arg3[%dma_wait3A_106, %dma_wait3A_107] : memref<320000x128xf32, #tpu.memory_space<hbm>> -> memref<80x128xf32, #tpu.memory_space<hbm>>
        %dma_wait3A_109 = arith.constant 0 : i32
        %dma_wait3A_110 = arith.constant 0 : i32
        %dma_wait3A_111 = tpu.memref_slice %arg3[%dma_wait3A_109, %dma_wait3A_110] : memref<320000x128xf32, #tpu.memory_space<hbm>> -> memref<80x128xf32, #tpu.memory_space<hbm>>
        tpu.wait_dma2 semaphore(%arg24 : memref<!tpu.dma_semaphore, #tpu.memory_space<semaphore_mem>>) src(%dma_wait3A_111 : memref<80x128xf32, #tpu.memory_space<hbm>>) dst(%arg20 : memref<80x128xf32, #tpu.memory_space<vmem>>)
        %add3A_112 = arith.constant 1 : i32
        %add3A_113 = arith.addi %add3A_76, %add3A_112 : i32
        %lt3A_114 = arith.constant 125 : i32
        %lt3A_115 = arith.cmpi slt, %add3A_113, %lt3A_114 : i32
        %convert_element_type3A_116 = arith.extui %lt3A_115 : i1 to i32
        %cond3A_117 = arith.constant 0 : i32
        %cond3A_118 = arith.cmpi ne, %convert_element_type3A_116, %cond3A_117 : i32
        scf.if %cond3A_118 {
          %add3A_131 = arith.constant 1 : i32
          %add3A_132 = arith.addi %add3A_76, %add3A_131 : i32
          %dma_wait3A_133 = arith.constant 0 : i32
          %dma_wait3A_134 = tpu.memref_slice %arg4[%add3A, %add3A_132, %dma_wait3A_133] : memref<32x125x80xi32, #tpu.memory_space<hbm>> -> memref<1x1x80xi32, #tpu.memory_space<hbm>>
          %dma_wait3A_135 = tpu.memref_squeeze %dma_wait3A_134 : memref<1x1x80xi32, #tpu.memory_space<hbm>> -> memref<80xi32, #tpu.memory_space<hbm>>
          %dma_wait3A_136 = arith.constant 0 : i32
          %dma_wait3A_137 = tpu.memref_slice %arg4[%add3A, %add3A_132, %dma_wait3A_136] : memref<32x125x80xi32, #tpu.memory_space<hbm>> -> memref<1x1x80xi32, #tpu.memory_space<hbm>>
          %dma_wait3A_138 = tpu.memref_squeeze %dma_wait3A_137 : memref<1x1x80xi32, #tpu.memory_space<hbm>> -> memref<80xi32, #tpu.memory_space<hbm>>
          tpu.wait_dma2 semaphore(%arg27 : memref<!tpu.dma_semaphore, #tpu.memory_space<semaphore_mem>>) src(%dma_wait3A_138 : memref<80xi32, #tpu.memory_space<hbm>>) dst(%arg11 : memref<80xi32, #tpu.memory_space<vmem>>)
          %dma_start3A_139 = arith.constant 0 : i32
          %dma_start3A_140 = arith.constant 0 : i32
          %dma_start3A_141 = tpu.memref_slice %arg2[%dma_start3A_139, %dma_start3A_140] : memref<10000x128xf32, #tpu.memory_space<hbm>> -> memref<10000x128xf32, #tpu.memory_space<hbm>>
          tpu.enqueue_indirect_dma source(%dma_start3A_141 : memref<10000x128xf32, #tpu.memory_space<hbm>>) target(%arg17 : memref<80x128xf32, #tpu.memory_space<vmem>>) offsets(%arg11 : memref<80xi32, #tpu.memory_space<vmem>>) semaphore(%arg21 : memref<!tpu.dma_semaphore, #tpu.memory_space<semaphore_mem>>)
          %mul3A_142 = arith.constant 80 : i32
          %mul3A_143 = arith.muli %add3A_132, %mul3A_142 : i32
          %add3A_144 = arith.addi %mul3A_8, %mul3A_143 : i32
          %dma_start3A_145 = arith.constant 0 : i32
          %dma_start3A_146 = tpu.memref_slice %arg3[%add3A_144, %dma_start3A_145] : memref<320000x128xf32, #tpu.memory_space<hbm>> -> memref<80x128xf32, #tpu.memory_space<hbm>>
          %dma_start3A_147 = arith.constant 0 : i32
          %dma_start3A_148 = tpu.memref_slice %arg3[%add3A_144, %dma_start3A_147] : memref<320000x128xf32, #tpu.memory_space<hbm>> -> memref<80x128xf32, #tpu.memory_space<hbm>>
          tpu.enqueue_dma source(%dma_start3A_148 : memref<80x128xf32, #tpu.memory_space<hbm>>) target(%arg19 : memref<80x128xf32, #tpu.memory_space<vmem>>) target_semaphore(%arg23 : memref<!tpu.dma_semaphore, #tpu.memory_space<semaphore_mem>>)
        } else {
        }
        %scan3A_119 = arith.constant 0 : i32
        %scan3A_120 = arith.constant 0 : i32
        %scan3A_121 = arith.constant 80 : i32
        %scan3A_122 = arith.addi %scan3A_120, %scan3A_121 : i32
        %scan3A_123 = arith.constant 1 : i32
        scf.for %scan3A_131 = %scan3A_120 to %scan3A_122 step %scan3A_123  : i32 {
          %get3A = arith.index_cast %scan3A_131 : i32 to index
          %get3A_132 = arith.constant 0 : index
          %get3A_133 = tpu.vector_load %arg18[%get3A, %get3A_132] {strides = array<i32>} : memref<80x128xf32, #tpu.memory_space<vmem>>, vector<1x16xf32>,
          %get3A_134 = vector.shape_cast %get3A_133 : vector<1x16xf32> to vector<16xf32>
          %get3A_135 = arith.index_cast %scan3A_131 : i32 to index
          %get3A_136 = arith.constant 0 : index
          %get3A_137 = tpu.vector_load %arg20[%get3A_135, %get3A_136] {strides = array<i32>} : memref<80x128xf32, #tpu.memory_space<vmem>>, vector<1x16xf32>,
          %get3A_138 = vector.shape_cast %get3A_137 : vector<1x16xf32> to vector<16xf32>
          %add3A_139 = arith.addf %get3A_134, %get3A_138 : vector<16xf32>
          %max3A = arith.constant 0.000000e+00 : f32
          %max3A_140 = vector.broadcast %max3A : f32 to vector<16xf32>
          %max3A_141 = arith.maximumf %add3A_139, %max3A_140 : vector<16xf32>
          %swap3A = arith.index_cast %scan3A_131 : i32 to index
          %swap3A_142 = arith.constant 0 : index
          %swap3A_143 = tpu.vector_load %arg18[%swap3A, %swap3A_142] {strides = array<i32>} : memref<80x128xf32, #tpu.memory_space<vmem>>, vector<1x16xf32>,
          %swap3A_144 = vector.shape_cast %swap3A_143 : vector<1x16xf32> to vector<16xf32>
          %swap3A_145 = vector.shape_cast %max3A_141 : vector<16xf32> to vector<1x16xf32>
          tpu.vector_store %arg18[%swap3A, %swap3A_142], %swap3A_145 {strides = array<i32>} : memref<80x128xf32, #tpu.memory_space<vmem>>, vector<1x16xf32>,
          %get3A_146 = arith.index_cast %scan3A_131 : i32 to index
          %get3A_147 = arith.constant 16 : index
          %get3A_148 = tpu.vector_load %arg18[%get3A_146, %get3A_147] {strides = array<i32>} : memref<80x128xf32, #tpu.memory_space<vmem>>, vector<1x16xf32>,
          %get3A_149 = vector.shape_cast %get3A_148 : vector<1x16xf32> to vector<16xf32>
          %get3A_150 = arith.index_cast %scan3A_131 : i32 to index
          %get3A_151 = arith.constant 16 : index
          %get3A_152 = tpu.vector_load %arg20[%get3A_150, %get3A_151] {strides = array<i32>} : memref<80x128xf32, #tpu.memory_space<vmem>>, vector<1x16xf32>,
          %get3A_153 = vector.shape_cast %get3A_152 : vector<1x16xf32> to vector<16xf32>
          %add3A_154 = arith.addf %get3A_149, %get3A_153 : vector<16xf32>
          %max3A_155 = arith.constant 0.000000e+00 : f32
          %max3A_156 = vector.broadcast %max3A_155 : f32 to vector<16xf32>
          %max3A_157 = arith.maximumf %add3A_154, %max3A_156 : vector<16xf32>
          %swap3A_158 = arith.index_cast %scan3A_131 : i32 to index
          %swap3A_159 = arith.constant 16 : index
          %swap3A_160 = tpu.vector_load %arg18[%swap3A_158, %swap3A_159] {strides = array<i32>} : memref<80x128xf32, #tpu.memory_space<vmem>>, vector<1x16xf32>,
          %swap3A_161 = vector.shape_cast %swap3A_160 : vector<1x16xf32> to vector<16xf32>
          %swap3A_162 = vector.shape_cast %max3A_157 : vector<16xf32> to vector<1x16xf32>
          tpu.vector_store %arg18[%swap3A_158, %swap3A_159], %swap3A_162 {strides = array<i32>} : memref<80x128xf32, #tpu.memory_space<vmem>>, vector<1x16xf32>,
          %get3A_163 = arith.index_cast %scan3A_131 : i32 to index
          %get3A_164 = arith.constant 32 : index
          %get3A_165 = tpu.vector_load %arg18[%get3A_163, %get3A_164] {strides = array<i32>} : memref<80x128xf32, #tpu.memory_space<vmem>>, vector<1x16xf32>,
          %get3A_166 = vector.shape_cast %get3A_165 : vector<1x16xf32> to vector<16xf32>
          %get3A_167 = arith.index_cast %scan3A_131 : i32 to index
          %get3A_168 = arith.constant 32 : index
          %get3A_169 = tpu.vector_load %arg20[%get3A_167, %get3A_168] {strides = array<i32>} : memref<80x128xf32, #tpu.memory_space<vmem>>, vector<1x16xf32>,
          %get3A_170 = vector.shape_cast %get3A_169 : vector<1x16xf32> to vector<16xf32>
          %add3A_171 = arith.addf %get3A_166, %get3A_170 : vector<16xf32>
          %max3A_172 = arith.constant 0.000000e+00 : f32
          %max3A_173 = vector.broadcast %max3A_172 : f32 to vector<16xf32>
          %max3A_174 = arith.maximumf %add3A_171, %max3A_173 : vector<16xf32>
          %swap3A_175 = arith.index_cast %scan3A_131 : i32 to index
          %swap3A_176 = arith.constant 32 : index
          %swap3A_177 = tpu.vector_load %arg18[%swap3A_175, %swap3A_176] {strides = array<i32>} : memref<80x128xf32, #tpu.memory_space<vmem>>, vector<1x16xf32>,
          %swap3A_178 = vector.shape_cast %swap3A_177 : vector<1x16xf32> to vector<16xf32>
          %swap3A_179 = vector.shape_cast %max3A_174 : vector<16xf32> to vector<1x16xf32>
          tpu.vector_store %arg18[%swap3A_175, %swap3A_176], %swap3A_179 {strides = array<i32>} : memref<80x128xf32, #tpu.memory_space<vmem>>, vector<1x16xf32>,
          %get3A_180 = arith.index_cast %scan3A_131 : i32 to index
          %get3A_181 = arith.constant 48 : index
          %get3A_182 = tpu.vector_load %arg18[%get3A_180, %get3A_181] {strides = array<i32>} : memref<80x128xf32, #tpu.memory_space<vmem>>, vector<1x16xf32>,
          %get3A_183 = vector.shape_cast %get3A_182 : vector<1x16xf32> to vector<16xf32>
          %get3A_184 = arith.index_cast %scan3A_131 : i32 to index
          %get3A_185 = arith.constant 48 : index
          %get3A_186 = tpu.vector_load %arg20[%get3A_184, %get3A_185] {strides = array<i32>} : memref<80x128xf32, #tpu.memory_space<vmem>>, vector<1x16xf32>,
          %get3A_187 = vector.shape_cast %get3A_186 : vector<1x16xf32> to vector<16xf32>
          %add3A_188 = arith.addf %get3A_183, %get3A_187 : vector<16xf32>
          %max3A_189 = arith.constant 0.000000e+00 : f32
          %max3A_190 = vector.broadcast %max3A_189 : f32 to vector<16xf32>
          %max3A_191 = arith.maximumf %add3A_188, %max3A_190 : vector<16xf32>
          %swap3A_192 = arith.index_cast %scan3A_131 : i32 to index
          %swap3A_193 = arith.constant 48 : index
          %swap3A_194 = tpu.vector_load %arg18[%swap3A_192, %swap3A_193] {strides = array<i32>} : memref<80x128xf32, #tpu.memory_space<vmem>>, vector<1x16xf32>,
          %swap3A_195 = vector.shape_cast %swap3A_194 : vector<1x16xf32> to vector<16xf32>
          %swap3A_196 = vector.shape_cast %max3A_191 : vector<16xf32> to vector<1x16xf32>
          tpu.vector_store %arg18[%swap3A_192, %swap3A_193], %swap3A_196 {strides = array<i32>} : memref<80x128xf32, #tpu.memory_space<vmem>>, vector<1x16xf32>,
          %get3A_197 = arith.index_cast %scan3A_131 : i32 to index
          %get3A_198 = arith.constant 64 : index
          %get3A_199 = tpu.vector_load %arg18[%get3A_197, %get3A_198] {strides = array<i32>} : memref<80x128xf32, #tpu.memory_space<vmem>>, vector<1x16xf32>,
          %get3A_200 = vector.shape_cast %get3A_199 : vector<1x16xf32> to vector<16xf32>
          %get3A_201 = arith.index_cast %scan3A_131 : i32 to index
          %get3A_202 = arith.constant 64 : index
          %get3A_203 = tpu.vector_load %arg20[%get3A_201, %get3A_202] {strides = array<i32>} : memref<80x128xf32, #tpu.memory_space<vmem>>, vector<1x16xf32>,
          %get3A_204 = vector.shape_cast %get3A_203 : vector<1x16xf32> to vector<16xf32>
          %add3A_205 = arith.addf %get3A_200, %get3A_204 : vector<16xf32>
          %max3A_206 = arith.constant 0.000000e+00 : f32
          %max3A_207 = vector.broadcast %max3A_206 : f32 to vector<16xf32>
          %max3A_208 = arith.maximumf %add3A_205, %max3A_207 : vector<16xf32>
          %swap3A_209 = arith.index_cast %scan3A_131 : i32 to index
          %swap3A_210 = arith.constant 64 : index
          %swap3A_211 = tpu.vector_load %arg18[%swap3A_209, %swap3A_210] {strides = array<i32>} : memref<80x128xf32, #tpu.memory_space<vmem>>, vector<1x16xf32>,
          %swap3A_212 = vector.shape_cast %swap3A_211 : vector<1x16xf32> to vector<16xf32>
          %swap3A_213 = vector.shape_cast %max3A_208 : vector<16xf32> to vector<1x16xf32>
          tpu.vector_store %arg18[%swap3A_209, %swap3A_210], %swap3A_213 {strides = array<i32>} : memref<80x128xf32, #tpu.memory_space<vmem>>, vector<1x16xf32>,
          %get3A_214 = arith.index_cast %scan3A_131 : i32 to index
          %get3A_215 = arith.constant 80 : index
          %get3A_216 = tpu.vector_load %arg18[%get3A_214, %get3A_215] {strides = array<i32>} : memref<80x128xf32, #tpu.memory_space<vmem>>, vector<1x16xf32>,
          %get3A_217 = vector.shape_cast %get3A_216 : vector<1x16xf32> to vector<16xf32>
          %get3A_218 = arith.index_cast %scan3A_131 : i32 to index
          %get3A_219 = arith.constant 80 : index
          %get3A_220 = tpu.vector_load %arg20[%get3A_218, %get3A_219] {strides = array<i32>} : memref<80x128xf32, #tpu.memory_space<vmem>>, vector<1x16xf32>,
          %get3A_221 = vector.shape_cast %get3A_220 : vector<1x16xf32> to vector<16xf32>
          %add3A_222 = arith.addf %get3A_217, %get3A_221 : vector<16xf32>
          %max3A_223 = arith.constant 0.000000e+00 : f32
          %max3A_224 = vector.broadcast %max3A_223 : f32 to vector<16xf32>
          %max3A_225 = arith.maximumf %add3A_222, %max3A_224 : vector<16xf32>
          %swap3A_226 = arith.index_cast %scan3A_131 : i32 to index
          %swap3A_227 = arith.constant 80 : index
          %swap3A_228 = tpu.vector_load %arg18[%swap3A_226, %swap3A_227] {strides = array<i32>} : memref<80x128xf32, #tpu.memory_space<vmem>>, vector<1x16xf32>,
          %swap3A_229 = vector.shape_cast %swap3A_228 : vector<1x16xf32> to vector<16xf32>
          %swap3A_230 = vector.shape_cast %max3A_225 : vector<16xf32> to vector<1x16xf32>
          tpu.vector_store %arg18[%swap3A_226, %swap3A_227], %swap3A_230 {strides = array<i32>} : memref<80x128xf32, #tpu.memory_space<vmem>>, vector<1x16xf32>,
          %get3A_231 = arith.index_cast %scan3A_131 : i32 to index
          %get3A_232 = arith.constant 96 : index
          %get3A_233 = tpu.vector_load %arg18[%get3A_231, %get3A_232] {strides = array<i32>} : memref<80x128xf32, #tpu.memory_space<vmem>>, vector<1x16xf32>,
          %get3A_234 = vector.shape_cast %get3A_233 : vector<1x16xf32> to vector<16xf32>
          %get3A_235 = arith.index_cast %scan3A_131 : i32 to index
          %get3A_236 = arith.constant 96 : index
          %get3A_237 = tpu.vector_load %arg20[%get3A_235, %get3A_236] {strides = array<i32>} : memref<80x128xf32, #tpu.memory_space<vmem>>, vector<1x16xf32>,
          %get3A_238 = vector.shape_cast %get3A_237 : vector<1x16xf32> to vector<16xf32>
          %add3A_239 = arith.addf %get3A_234, %get3A_238 : vector<16xf32>
          %max3A_240 = arith.constant 0.000000e+00 : f32
          %max3A_241 = vector.broadcast %max3A_240 : f32 to vector<16xf32>
          %max3A_242 = arith.maximumf %add3A_239, %max3A_241 : vector<16xf32>
          %swap3A_243 = arith.index_cast %scan3A_131 : i32 to index
          %swap3A_244 = arith.constant 96 : index
          %swap3A_245 = tpu.vector_load %arg18[%swap3A_243, %swap3A_244] {strides = array<i32>} : memref<80x128xf32, #tpu.memory_space<vmem>>, vector<1x16xf32>,
          %swap3A_246 = vector.shape_cast %swap3A_245 : vector<1x16xf32> to vector<16xf32>
          %swap3A_247 = vector.shape_cast %max3A_242 : vector<16xf32> to vector<1x16xf32>
          tpu.vector_store %arg18[%swap3A_243, %swap3A_244], %swap3A_247 {strides = array<i32>} : memref<80x128xf32, #tpu.memory_space<vmem>>, vector<1x16xf32>,
          %get3A_248 = arith.index_cast %scan3A_131 : i32 to index
          %get3A_249 = arith.constant 112 : index
          %get3A_250 = tpu.vector_load %arg18[%get3A_248, %get3A_249] {strides = array<i32>} : memref<80x128xf32, #tpu.memory_space<vmem>>, vector<1x16xf32>,
          %get3A_251 = vector.shape_cast %get3A_250 : vector<1x16xf32> to vector<16xf32>
          %get3A_252 = arith.index_cast %scan3A_131 : i32 to index
          %get3A_253 = arith.constant 112 : index
          %get3A_254 = tpu.vector_load %arg20[%get3A_252, %get3A_253] {strides = array<i32>} : memref<80x128xf32, #tpu.memory_space<vmem>>, vector<1x16xf32>,
          %get3A_255 = vector.shape_cast %get3A_254 : vector<1x16xf32> to vector<16xf32>
          %add3A_256 = arith.addf %get3A_251, %get3A_255 : vector<16xf32>
          %max3A_257 = arith.constant 0.000000e+00 : f32
          %max3A_258 = vector.broadcast %max3A_257 : f32 to vector<16xf32>
          %max3A_259 = arith.maximumf %add3A_256, %max3A_258 : vector<16xf32>
          %swap3A_260 = arith.index_cast %scan3A_131 : i32 to index
          %swap3A_261 = arith.constant 112 : index
          %swap3A_262 = tpu.vector_load %arg18[%swap3A_260, %swap3A_261] {strides = array<i32>} : memref<80x128xf32, #tpu.memory_space<vmem>>, vector<1x16xf32>,
          %swap3A_263 = vector.shape_cast %swap3A_262 : vector<1x16xf32> to vector<16xf32>
          %swap3A_264 = vector.shape_cast %max3A_259 : vector<16xf32> to vector<1x16xf32>
          tpu.vector_store %arg18[%swap3A_260, %swap3A_261], %swap3A_264 {strides = array<i32>} : memref<80x128xf32, #tpu.memory_space<vmem>>, vector<1x16xf32>,
        }
        %scan3A_124 = arith.constant 80 : i32
        %dma_wait3A_125 = arith.constant 0 : i32
        %dma_wait3A_126 = tpu.memref_slice %arg5[%add3A, %add3A_76, %dma_wait3A_125] : memref<32x125x80xi32, #tpu.memory_space<hbm>> -> memref<1x1x80xi32, #tpu.memory_space<hbm>>
        %dma_wait3A_127 = tpu.memref_squeeze %dma_wait3A_126 : memref<1x1x80xi32, #tpu.memory_space<hbm>> -> memref<80xi32, #tpu.memory_space<hbm>>
        %dma_wait3A_128 = arith.constant 0 : i32
        %dma_wait3A_129 = tpu.memref_slice %arg5[%add3A, %add3A_76, %dma_wait3A_128] : memref<32x125x80xi32, #tpu.memory_space<hbm>> -> memref<1x1x80xi32, #tpu.memory_space<hbm>>
        %dma_wait3A_130 = tpu.memref_squeeze %dma_wait3A_129 : memref<1x1x80xi32, #tpu.memory_space<hbm>> -> memref<80xi32, #tpu.memory_space<hbm>>
        tpu.wait_dma2 semaphore(%arg30 : memref<!tpu.dma_semaphore, #tpu.memory_space<semaphore_mem>>) src(%dma_wait3A_130 : memref<80xi32, #tpu.memory_space<hbm>>) dst(%arg14 : memref<80xi32, #tpu.memory_space<vmem>>)
        "tpu.region"() ({
          %run_scoped3A = tpu.sem_alloc : memref<!tpu.dma_semaphore, #tpu.memory_space<semaphore_mem>>
          %dma_start3A_131 = arith.constant 0 : i32
          %dma_start3A_132 = arith.constant 0 : i32
          %dma_start3A_133 = tpu.memref_slice %arg8[%dma_start3A_131, %dma_start3A_132] : memref<10000x128xf32, #tpu.memory_space<vmem_shared>> -> memref<10000x128xf32, #tpu.memory_space<vmem_shared>>
          tpu.enqueue_indirect_dma source(%arg18 : memref<80x128xf32, #tpu.memory_space<vmem>>) target(%dma_start3A_133 : memref<10000x128xf32, #tpu.memory_space<vmem_shared>>) offsets(%arg14 : memref<80xi32, #tpu.memory_space<vmem>>) semaphore(%run_scoped3A : memref<!tpu.dma_semaphore, #tpu.memory_space<semaphore_mem>>) {add = true}
          %dma_wait3A_134 = arith.constant 0 : i32
          %dma_wait3A_135 = arith.constant 0 : i32
          %dma_wait3A_136 = tpu.memref_slice %arg8[%dma_wait3A_134, %dma_wait3A_135] : memref<10000x128xf32, #tpu.memory_space<vmem_shared>> -> memref<10000x128xf32, #tpu.memory_space<vmem_shared>>
          tpu.wait_indirect_dma semaphore(%run_scoped3A : memref<!tpu.dma_semaphore, #tpu.memory_space<semaphore_mem>>) src(%arg18 : memref<80x128xf32, #tpu.memory_space<vmem>>) dst(%dma_wait3A_136 : memref<10000x128xf32, #tpu.memory_space<vmem_shared>>)
          tpu.yield
        }) : () -> ()
      } else {
      }
      %add3A_82 = arith.constant 2 : i32
      %add3A_83 = arith.addi %mul3A_68, %add3A_82 : i32
      %lt3A_84 = arith.constant 125 : i32
      %lt3A_85 = arith.cmpi slt, %add3A_83, %lt3A_84 : i32
      %convert_element_type3A_86 = arith.extui %lt3A_85 : i1 to i32
      %cond3A_87 = arith.constant 0 : i32
      %cond3A_88 = arith.cmpi ne, %convert_element_type3A_86, %cond3A_87 : i32
      scf.if %cond3A_88 {
        %add3A_96 = arith.constant 2 : i32
        %add3A_97 = arith.addi %add3A_83, %add3A_96 : i32
        %lt3A_98 = arith.constant 125 : i32
        %lt3A_99 = arith.cmpi slt, %add3A_97, %lt3A_98 : i32
        %convert_element_type3A_100 = arith.extui %lt3A_99 : i1 to i32
        %cond3A_101 = arith.constant 0 : i32
        %cond3A_102 = arith.cmpi ne, %convert_element_type3A_100, %cond3A_101 : i32
        scf.if %cond3A_102 {
          %add3A_131 = arith.constant 2 : i32
          %add3A_132 = arith.addi %add3A_83, %add3A_131 : i32
          %dma_start3A_133 = arith.constant 0 : i32
          %dma_start3A_134 = tpu.memref_slice %arg4[%add3A, %add3A_132, %dma_start3A_133] : memref<32x125x80xi32, #tpu.memory_space<hbm>> -> memref<1x1x80xi32, #tpu.memory_space<hbm>>
          %dma_start3A_135 = tpu.memref_squeeze %dma_start3A_134 : memref<1x1x80xi32, #tpu.memory_space<hbm>> -> memref<80xi32, #tpu.memory_space<hbm>>
          %dma_start3A_136 = arith.constant 0 : i32
          %dma_start3A_137 = tpu.memref_slice %arg4[%add3A, %add3A_132, %dma_start3A_136] : memref<32x125x80xi32, #tpu.memory_space<hbm>> -> memref<1x1x80xi32, #tpu.memory_space<hbm>>
          %dma_start3A_138 = tpu.memref_squeeze %dma_start3A_137 : memref<1x1x80xi32, #tpu.memory_space<hbm>> -> memref<80xi32, #tpu.memory_space<hbm>>
          tpu.enqueue_dma source(%dma_start3A_138 : memref<80xi32, #tpu.memory_space<hbm>>) target(%arg9 : memref<80xi32, #tpu.memory_space<vmem>>) target_semaphore(%arg25 : memref<!tpu.dma_semaphore, #tpu.memory_space<semaphore_mem>>)
          %dma_start3A_139 = arith.constant 0 : i32
          %dma_start3A_140 = tpu.memref_slice %arg5[%add3A, %add3A_132, %dma_start3A_139] : memref<32x125x80xi32, #tpu.memory_space<hbm>> -> memref<1x1x80xi32, #tpu.memory_space<hbm>>
          %dma_start3A_141 = tpu.memref_squeeze %dma_start3A_140 : memref<1x1x80xi32, #tpu.memory_space<hbm>> -> memref<80xi32, #tpu.memory_space<hbm>>
          %dma_start3A_142 = arith.constant 0 : i32
          %dma_start3A_143 = tpu.memref_slice %arg5[%add3A, %add3A_132, %dma_start3A_142] : memref<32x125x80xi32, #tpu.memory_space<hbm>> -> memref<1x1x80xi32, #tpu.memory_space<hbm>>
          %dma_start3A_144 = tpu.memref_squeeze %dma_start3A_143 : memref<1x1x80xi32, #tpu.memory_space<hbm>> -> memref<80xi32, #tpu.memory_space<hbm>>
          tpu.enqueue_dma source(%dma_start3A_144 : memref<80xi32, #tpu.memory_space<hbm>>) target(%arg13 : memref<80xi32, #tpu.memory_space<vmem>>) target_semaphore(%arg29 : memref<!tpu.dma_semaphore, #tpu.memory_space<semaphore_mem>>)
        } else {
        }
        %dma_wait3A_103 = arith.constant 0 : i32
        %dma_wait3A_104 = arith.constant 0 : i32
        %dma_wait3A_105 = tpu.memref_slice %arg2[%dma_wait3A_103, %dma_wait3A_104] : memref<10000x128xf32, #tpu.memory_space<hbm>> -> memref<10000x128xf32, #tpu.memory_space<hbm>>
        tpu.wait_indirect_dma semaphore(%arg21 : memref<!tpu.dma_semaphore, #tpu.memory_space<semaphore_mem>>) src(%dma_wait3A_105 : memref<10000x128xf32, #tpu.memory_space<hbm>>) dst(%arg17 : memref<80x128xf32, #tpu.memory_space<vmem>>)
        %dma_wait3A_106 = arith.constant 0 : i32
        %dma_wait3A_107 = arith.constant 0 : i32
        %dma_wait3A_108 = tpu.memref_slice %arg3[%dma_wait3A_106, %dma_wait3A_107] : memref<320000x128xf32, #tpu.memory_space<hbm>> -> memref<80x128xf32, #tpu.memory_space<hbm>>
        %dma_wait3A_109 = arith.constant 0 : i32
        %dma_wait3A_110 = arith.constant 0 : i32
        %dma_wait3A_111 = tpu.memref_slice %arg3[%dma_wait3A_109, %dma_wait3A_110] : memref<320000x128xf32, #tpu.memory_space<hbm>> -> memref<80x128xf32, #tpu.memory_space<hbm>>
        tpu.wait_dma2 semaphore(%arg23 : memref<!tpu.dma_semaphore, #tpu.memory_space<semaphore_mem>>) src(%dma_wait3A_111 : memref<80x128xf32, #tpu.memory_space<hbm>>) dst(%arg19 : memref<80x128xf32, #tpu.memory_space<vmem>>)
        %add3A_112 = arith.constant 1 : i32
        %add3A_113 = arith.addi %add3A_83, %add3A_112 : i32
        %lt3A_114 = arith.constant 125 : i32
        %lt3A_115 = arith.cmpi slt, %add3A_113, %lt3A_114 : i32
        %convert_element_type3A_116 = arith.extui %lt3A_115 : i1 to i32
        %cond3A_117 = arith.constant 0 : i32
        %cond3A_118 = arith.cmpi ne, %convert_element_type3A_116, %cond3A_117 : i32
        scf.if %cond3A_118 {
          %add3A_131 = arith.constant 1 : i32
          %add3A_132 = arith.addi %add3A_83, %add3A_131 : i32
          %dma_wait3A_133 = arith.constant 0 : i32
          %dma_wait3A_134 = tpu.memref_slice %arg4[%add3A, %add3A_132, %dma_wait3A_133] : memref<32x125x80xi32, #tpu.memory_space<hbm>> -> memref<1x1x80xi32, #tpu.memory_space<hbm>>
          %dma_wait3A_135 = tpu.memref_squeeze %dma_wait3A_134 : memref<1x1x80xi32, #tpu.memory_space<hbm>> -> memref<80xi32, #tpu.memory_space<hbm>>
          %dma_wait3A_136 = arith.constant 0 : i32
          %dma_wait3A_137 = tpu.memref_slice %arg4[%add3A, %add3A_132, %dma_wait3A_136] : memref<32x125x80xi32, #tpu.memory_space<hbm>> -> memref<1x1x80xi32, #tpu.memory_space<hbm>>
          %dma_wait3A_138 = tpu.memref_squeeze %dma_wait3A_137 : memref<1x1x80xi32, #tpu.memory_space<hbm>> -> memref<80xi32, #tpu.memory_space<hbm>>
          tpu.wait_dma2 semaphore(%arg28 : memref<!tpu.dma_semaphore, #tpu.memory_space<semaphore_mem>>) src(%dma_wait3A_138 : memref<80xi32, #tpu.memory_space<hbm>>) dst(%arg12 : memref<80xi32, #tpu.memory_space<vmem>>)
          %dma_start3A_139 = arith.constant 0 : i32
          %dma_start3A_140 = arith.constant 0 : i32
          %dma_start3A_141 = tpu.memref_slice %arg2[%dma_start3A_139, %dma_start3A_140] : memref<10000x128xf32, #tpu.memory_space<hbm>> -> memref<10000x128xf32, #tpu.memory_space<hbm>>
          tpu.enqueue_indirect_dma source(%dma_start3A_141 : memref<10000x128xf32, #tpu.memory_space<hbm>>) target(%arg18 : memref<80x128xf32, #tpu.memory_space<vmem>>) offsets(%arg12 : memref<80xi32, #tpu.memory_space<vmem>>) semaphore(%arg22 : memref<!tpu.dma_semaphore, #tpu.memory_space<semaphore_mem>>)
          %mul3A_142 = arith.constant 80 : i32
          %mul3A_143 = arith.muli %add3A_132, %mul3A_142 : i32
          %add3A_144 = arith.addi %mul3A_8, %mul3A_143 : i32
          %dma_start3A_145 = arith.constant 0 : i32
          %dma_start3A_146 = tpu.memref_slice %arg3[%add3A_144, %dma_start3A_145] : memref<320000x128xf32, #tpu.memory_space<hbm>> -> memref<80x128xf32, #tpu.memory_space<hbm>>
          %dma_start3A_147 = arith.constant 0 : i32
          %dma_start3A_148 = tpu.memref_slice %arg3[%add3A_144, %dma_start3A_147] : memref<320000x128xf32, #tpu.memory_space<hbm>> -> memref<80x128xf32, #tpu.memory_space<hbm>>
          tpu.enqueue_dma source(%dma_start3A_148 : memref<80x128xf32, #tpu.memory_space<hbm>>) target(%arg20 : memref<80x128xf32, #tpu.memory_space<vmem>>) target_semaphore(%arg24 : memref<!tpu.dma_semaphore, #tpu.memory_space<semaphore_mem>>)
        } else {
        }
        %scan3A_119 = arith.constant 0 : i32
        %scan3A_120 = arith.constant 0 : i32
        %scan3A_121 = arith.constant 80 : i32
        %scan3A_122 = arith.addi %scan3A_120, %scan3A_121 : i32
        %scan3A_123 = arith.constant 1 : i32
        scf.for %scan3A_131 = %scan3A_120 to %scan3A_122 step %scan3A_123  : i32 {
          %get3A = arith.index_cast %scan3A_131 : i32 to index
          %get3A_132 = arith.constant 0 : index
          %get3A_133 = tpu.vector_load %arg17[%get3A, %get3A_132] {strides = array<i32>} : memref<80x128xf32, #tpu.memory_space<vmem>>, vector<1x16xf32>,
          %get3A_134 = vector.shape_cast %get3A_133 : vector<1x16xf32> to vector<16xf32>
          %get3A_135 = arith.index_cast %scan3A_131 : i32 to index
          %get3A_136 = arith.constant 0 : index
          %get3A_137 = tpu.vector_load %arg19[%get3A_135, %get3A_136] {strides = array<i32>} : memref<80x128xf32, #tpu.memory_space<vmem>>, vector<1x16xf32>,
          %get3A_138 = vector.shape_cast %get3A_137 : vector<1x16xf32> to vector<16xf32>
          %add3A_139 = arith.addf %get3A_134, %get3A_138 : vector<16xf32>
          %max3A = arith.constant 0.000000e+00 : f32
          %max3A_140 = vector.broadcast %max3A : f32 to vector<16xf32>
          %max3A_141 = arith.maximumf %add3A_139, %max3A_140 : vector<16xf32>
          %swap3A = arith.index_cast %scan3A_131 : i32 to index
          %swap3A_142 = arith.constant 0 : index
          %swap3A_143 = tpu.vector_load %arg17[%swap3A, %swap3A_142] {strides = array<i32>} : memref<80x128xf32, #tpu.memory_space<vmem>>, vector<1x16xf32>,
          %swap3A_144 = vector.shape_cast %swap3A_143 : vector<1x16xf32> to vector<16xf32>
          %swap3A_145 = vector.shape_cast %max3A_141 : vector<16xf32> to vector<1x16xf32>
          tpu.vector_store %arg17[%swap3A, %swap3A_142], %swap3A_145 {strides = array<i32>} : memref<80x128xf32, #tpu.memory_space<vmem>>, vector<1x16xf32>,
          %get3A_146 = arith.index_cast %scan3A_131 : i32 to index
          %get3A_147 = arith.constant 16 : index
          %get3A_148 = tpu.vector_load %arg17[%get3A_146, %get3A_147] {strides = array<i32>} : memref<80x128xf32, #tpu.memory_space<vmem>>, vector<1x16xf32>,
          %get3A_149 = vector.shape_cast %get3A_148 : vector<1x16xf32> to vector<16xf32>
          %get3A_150 = arith.index_cast %scan3A_131 : i32 to index
          %get3A_151 = arith.constant 16 : index
          %get3A_152 = tpu.vector_load %arg19[%get3A_150, %get3A_151] {strides = array<i32>} : memref<80x128xf32, #tpu.memory_space<vmem>>, vector<1x16xf32>,
          %get3A_153 = vector.shape_cast %get3A_152 : vector<1x16xf32> to vector<16xf32>
          %add3A_154 = arith.addf %get3A_149, %get3A_153 : vector<16xf32>
          %max3A_155 = arith.constant 0.000000e+00 : f32
          %max3A_156 = vector.broadcast %max3A_155 : f32 to vector<16xf32>
          %max3A_157 = arith.maximumf %add3A_154, %max3A_156 : vector<16xf32>
          %swap3A_158 = arith.index_cast %scan3A_131 : i32 to index
          %swap3A_159 = arith.constant 16 : index
          %swap3A_160 = tpu.vector_load %arg17[%swap3A_158, %swap3A_159] {strides = array<i32>} : memref<80x128xf32, #tpu.memory_space<vmem>>, vector<1x16xf32>,
          %swap3A_161 = vector.shape_cast %swap3A_160 : vector<1x16xf32> to vector<16xf32>
          %swap3A_162 = vector.shape_cast %max3A_157 : vector<16xf32> to vector<1x16xf32>
          tpu.vector_store %arg17[%swap3A_158, %swap3A_159], %swap3A_162 {strides = array<i32>} : memref<80x128xf32, #tpu.memory_space<vmem>>, vector<1x16xf32>,
          %get3A_163 = arith.index_cast %scan3A_131 : i32 to index
          %get3A_164 = arith.constant 32 : index
          %get3A_165 = tpu.vector_load %arg17[%get3A_163, %get3A_164] {strides = array<i32>} : memref<80x128xf32, #tpu.memory_space<vmem>>, vector<1x16xf32>,
          %get3A_166 = vector.shape_cast %get3A_165 : vector<1x16xf32> to vector<16xf32>
          %get3A_167 = arith.index_cast %scan3A_131 : i32 to index
          %get3A_168 = arith.constant 32 : index
          %get3A_169 = tpu.vector_load %arg19[%get3A_167, %get3A_168] {strides = array<i32>} : memref<80x128xf32, #tpu.memory_space<vmem>>, vector<1x16xf32>,
          %get3A_170 = vector.shape_cast %get3A_169 : vector<1x16xf32> to vector<16xf32>
          %add3A_171 = arith.addf %get3A_166, %get3A_170 : vector<16xf32>
          %max3A_172 = arith.constant 0.000000e+00 : f32
          %max3A_173 = vector.broadcast %max3A_172 : f32 to vector<16xf32>
          %max3A_174 = arith.maximumf %add3A_171, %max3A_173 : vector<16xf32>
          %swap3A_175 = arith.index_cast %scan3A_131 : i32 to index
          %swap3A_176 = arith.constant 32 : index
          %swap3A_177 = tpu.vector_load %arg17[%swap3A_175, %swap3A_176] {strides = array<i32>} : memref<80x128xf32, #tpu.memory_space<vmem>>, vector<1x16xf32>,
          %swap3A_178 = vector.shape_cast %swap3A_177 : vector<1x16xf32> to vector<16xf32>
          %swap3A_179 = vector.shape_cast %max3A_174 : vector<16xf32> to vector<1x16xf32>
          tpu.vector_store %arg17[%swap3A_175, %swap3A_176], %swap3A_179 {strides = array<i32>} : memref<80x128xf32, #tpu.memory_space<vmem>>, vector<1x16xf32>,
          %get3A_180 = arith.index_cast %scan3A_131 : i32 to index
          %get3A_181 = arith.constant 48 : index
          %get3A_182 = tpu.vector_load %arg17[%get3A_180, %get3A_181] {strides = array<i32>} : memref<80x128xf32, #tpu.memory_space<vmem>>, vector<1x16xf32>,
          %get3A_183 = vector.shape_cast %get3A_182 : vector<1x16xf32> to vector<16xf32>
          %get3A_184 = arith.index_cast %scan3A_131 : i32 to index
          %get3A_185 = arith.constant 48 : index
          %get3A_186 = tpu.vector_load %arg19[%get3A_184, %get3A_185] {strides = array<i32>} : memref<80x128xf32, #tpu.memory_space<vmem>>, vector<1x16xf32>,
          %get3A_187 = vector.shape_cast %get3A_186 : vector<1x16xf32> to vector<16xf32>
          %add3A_188 = arith.addf %get3A_183, %get3A_187 : vector<16xf32>
          %max3A_189 = arith.constant 0.000000e+00 : f32
          %max3A_190 = vector.broadcast %max3A_189 : f32 to vector<16xf32>
          %max3A_191 = arith.maximumf %add3A_188, %max3A_190 : vector<16xf32>
          %swap3A_192 = arith.index_cast %scan3A_131 : i32 to index
          %swap3A_193 = arith.constant 48 : index
          %swap3A_194 = tpu.vector_load %arg17[%swap3A_192, %swap3A_193] {strides = array<i32>} : memref<80x128xf32, #tpu.memory_space<vmem>>, vector<1x16xf32>,
          %swap3A_195 = vector.shape_cast %swap3A_194 : vector<1x16xf32> to vector<16xf32>
          %swap3A_196 = vector.shape_cast %max3A_191 : vector<16xf32> to vector<1x16xf32>
          tpu.vector_store %arg17[%swap3A_192, %swap3A_193], %swap3A_196 {strides = array<i32>} : memref<80x128xf32, #tpu.memory_space<vmem>>, vector<1x16xf32>,
          %get3A_197 = arith.index_cast %scan3A_131 : i32 to index
          %get3A_198 = arith.constant 64 : index
          %get3A_199 = tpu.vector_load %arg17[%get3A_197, %get3A_198] {strides = array<i32>} : memref<80x128xf32, #tpu.memory_space<vmem>>, vector<1x16xf32>,
          %get3A_200 = vector.shape_cast %get3A_199 : vector<1x16xf32> to vector<16xf32>
          %get3A_201 = arith.index_cast %scan3A_131 : i32 to index
          %get3A_202 = arith.constant 64 : index
          %get3A_203 = tpu.vector_load %arg19[%get3A_201, %get3A_202] {strides = array<i32>} : memref<80x128xf32, #tpu.memory_space<vmem>>, vector<1x16xf32>,
          %get3A_204 = vector.shape_cast %get3A_203 : vector<1x16xf32> to vector<16xf32>
          %add3A_205 = arith.addf %get3A_200, %get3A_204 : vector<16xf32>
          %max3A_206 = arith.constant 0.000000e+00 : f32
          %max3A_207 = vector.broadcast %max3A_206 : f32 to vector<16xf32>
          %max3A_208 = arith.maximumf %add3A_205, %max3A_207 : vector<16xf32>
          %swap3A_209 = arith.index_cast %scan3A_131 : i32 to index
          %swap3A_210 = arith.constant 64 : index
          %swap3A_211 = tpu.vector_load %arg17[%swap3A_209, %swap3A_210] {strides = array<i32>} : memref<80x128xf32, #tpu.memory_space<vmem>>, vector<1x16xf32>,
          %swap3A_212 = vector.shape_cast %swap3A_211 : vector<1x16xf32> to vector<16xf32>
          %swap3A_213 = vector.shape_cast %max3A_208 : vector<16xf32> to vector<1x16xf32>
          tpu.vector_store %arg17[%swap3A_209, %swap3A_210], %swap3A_213 {strides = array<i32>} : memref<80x128xf32, #tpu.memory_space<vmem>>, vector<1x16xf32>,
          %get3A_214 = arith.index_cast %scan3A_131 : i32 to index
          %get3A_215 = arith.constant 80 : index
          %get3A_216 = tpu.vector_load %arg17[%get3A_214, %get3A_215] {strides = array<i32>} : memref<80x128xf32, #tpu.memory_space<vmem>>, vector<1x16xf32>,
          %get3A_217 = vector.shape_cast %get3A_216 : vector<1x16xf32> to vector<16xf32>
          %get3A_218 = arith.index_cast %scan3A_131 : i32 to index
          %get3A_219 = arith.constant 80 : index
          %get3A_220 = tpu.vector_load %arg19[%get3A_218, %get3A_219] {strides = array<i32>} : memref<80x128xf32, #tpu.memory_space<vmem>>, vector<1x16xf32>,
          %get3A_221 = vector.shape_cast %get3A_220 : vector<1x16xf32> to vector<16xf32>
          %add3A_222 = arith.addf %get3A_217, %get3A_221 : vector<16xf32>
          %max3A_223 = arith.constant 0.000000e+00 : f32
          %max3A_224 = vector.broadcast %max3A_223 : f32 to vector<16xf32>
          %max3A_225 = arith.maximumf %add3A_222, %max3A_224 : vector<16xf32>
          %swap3A_226 = arith.index_cast %scan3A_131 : i32 to index
          %swap3A_227 = arith.constant 80 : index
          %swap3A_228 = tpu.vector_load %arg17[%swap3A_226, %swap3A_227] {strides = array<i32>} : memref<80x128xf32, #tpu.memory_space<vmem>>, vector<1x16xf32>,
          %swap3A_229 = vector.shape_cast %swap3A_228 : vector<1x16xf32> to vector<16xf32>
          %swap3A_230 = vector.shape_cast %max3A_225 : vector<16xf32> to vector<1x16xf32>
          tpu.vector_store %arg17[%swap3A_226, %swap3A_227], %swap3A_230 {strides = array<i32>} : memref<80x128xf32, #tpu.memory_space<vmem>>, vector<1x16xf32>,
          %get3A_231 = arith.index_cast %scan3A_131 : i32 to index
          %get3A_232 = arith.constant 96 : index
          %get3A_233 = tpu.vector_load %arg17[%get3A_231, %get3A_232] {strides = array<i32>} : memref<80x128xf32, #tpu.memory_space<vmem>>, vector<1x16xf32>,
          %get3A_234 = vector.shape_cast %get3A_233 : vector<1x16xf32> to vector<16xf32>
          %get3A_235 = arith.index_cast %scan3A_131 : i32 to index
          %get3A_236 = arith.constant 96 : index
          %get3A_237 = tpu.vector_load %arg19[%get3A_235, %get3A_236] {strides = array<i32>} : memref<80x128xf32, #tpu.memory_space<vmem>>, vector<1x16xf32>,
          %get3A_238 = vector.shape_cast %get3A_237 : vector<1x16xf32> to vector<16xf32>
          %add3A_239 = arith.addf %get3A_234, %get3A_238 : vector<16xf32>
          %max3A_240 = arith.constant 0.000000e+00 : f32
          %max3A_241 = vector.broadcast %max3A_240 : f32 to vector<16xf32>
          %max3A_242 = arith.maximumf %add3A_239, %max3A_241 : vector<16xf32>
          %swap3A_243 = arith.index_cast %scan3A_131 : i32 to index
          %swap3A_244 = arith.constant 96 : index
          %swap3A_245 = tpu.vector_load %arg17[%swap3A_243, %swap3A_244] {strides = array<i32>} : memref<80x128xf32, #tpu.memory_space<vmem>>, vector<1x16xf32>,
          %swap3A_246 = vector.shape_cast %swap3A_245 : vector<1x16xf32> to vector<16xf32>
          %swap3A_247 = vector.shape_cast %max3A_242 : vector<16xf32> to vector<1x16xf32>
          tpu.vector_store %arg17[%swap3A_243, %swap3A_244], %swap3A_247 {strides = array<i32>} : memref<80x128xf32, #tpu.memory_space<vmem>>, vector<1x16xf32>,
          %get3A_248 = arith.index_cast %scan3A_131 : i32 to index
          %get3A_249 = arith.constant 112 : index
          %get3A_250 = tpu.vector_load %arg17[%get3A_248, %get3A_249] {strides = array<i32>} : memref<80x128xf32, #tpu.memory_space<vmem>>, vector<1x16xf32>,
          %get3A_251 = vector.shape_cast %get3A_250 : vector<1x16xf32> to vector<16xf32>
          %get3A_252 = arith.index_cast %scan3A_131 : i32 to index
          %get3A_253 = arith.constant 112 : index
          %get3A_254 = tpu.vector_load %arg19[%get3A_252, %get3A_253] {strides = array<i32>} : memref<80x128xf32, #tpu.memory_space<vmem>>, vector<1x16xf32>,
          %get3A_255 = vector.shape_cast %get3A_254 : vector<1x16xf32> to vector<16xf32>
          %add3A_256 = arith.addf %get3A_251, %get3A_255 : vector<16xf32>
          %max3A_257 = arith.constant 0.000000e+00 : f32
          %max3A_258 = vector.broadcast %max3A_257 : f32 to vector<16xf32>
          %max3A_259 = arith.maximumf %add3A_256, %max3A_258 : vector<16xf32>
          %swap3A_260 = arith.index_cast %scan3A_131 : i32 to index
          %swap3A_261 = arith.constant 112 : index
          %swap3A_262 = tpu.vector_load %arg17[%swap3A_260, %swap3A_261] {strides = array<i32>} : memref<80x128xf32, #tpu.memory_space<vmem>>, vector<1x16xf32>,
          %swap3A_263 = vector.shape_cast %swap3A_262 : vector<1x16xf32> to vector<16xf32>
          %swap3A_264 = vector.shape_cast %max3A_259 : vector<16xf32> to vector<1x16xf32>
          tpu.vector_store %arg17[%swap3A_260, %swap3A_261], %swap3A_264 {strides = array<i32>} : memref<80x128xf32, #tpu.memory_space<vmem>>, vector<1x16xf32>,
        }
        %scan3A_124 = arith.constant 80 : i32
        %dma_wait3A_125 = arith.constant 0 : i32
        %dma_wait3A_126 = tpu.memref_slice %arg5[%add3A, %add3A_83, %dma_wait3A_125] : memref<32x125x80xi32, #tpu.memory_space<hbm>> -> memref<1x1x80xi32, #tpu.memory_space<hbm>>
        %dma_wait3A_127 = tpu.memref_squeeze %dma_wait3A_126 : memref<1x1x80xi32, #tpu.memory_space<hbm>> -> memref<80xi32, #tpu.memory_space<hbm>>
        %dma_wait3A_128 = arith.constant 0 : i32
        %dma_wait3A_129 = tpu.memref_slice %arg5[%add3A, %add3A_83, %dma_wait3A_128] : memref<32x125x80xi32, #tpu.memory_space<hbm>> -> memref<1x1x80xi32, #tpu.memory_space<hbm>>
        %dma_wait3A_130 = tpu.memref_squeeze %dma_wait3A_129 : memref<1x1x80xi32, #tpu.memory_space<hbm>> -> memref<80xi32, #tpu.memory_space<hbm>>
        tpu.wait_dma2 semaphore(%arg31 : memref<!tpu.dma_semaphore, #tpu.memory_space<semaphore_mem>>) src(%dma_wait3A_130 : memref<80xi32, #tpu.memory_space<hbm>>) dst(%arg15 : memref<80xi32, #tpu.memory_space<vmem>>)
        "tpu.region"() ({
          %run_scoped3A = tpu.sem_alloc : memref<!tpu.dma_semaphore, #tpu.memory_space<semaphore_mem>>
          %dma_start3A_131 = arith.constant 0 : i32
          %dma_start3A_132 = arith.constant 0 : i32
          %dma_start3A_133 = tpu.memref_slice %arg8[%dma_start3A_131, %dma_start3A_132] : memref<10000x128xf32, #tpu.memory_space<vmem_shared>> -> memref<10000x128xf32, #tpu.memory_space<vmem_shared>>
          tpu.enqueue_indirect_dma source(%arg17 : memref<80x128xf32, #tpu.memory_space<vmem>>) target(%dma_start3A_133 : memref<10000x128xf32, #tpu.memory_space<vmem_shared>>) offsets(%arg15 : memref<80xi32, #tpu.memory_space<vmem>>) semaphore(%run_scoped3A : memref<!tpu.dma_semaphore, #tpu.memory_space<semaphore_mem>>) {add = true}
          %dma_wait3A_134 = arith.constant 0 : i32
          %dma_wait3A_135 = arith.constant 0 : i32
          %dma_wait3A_136 = tpu.memref_slice %arg8[%dma_wait3A_134, %dma_wait3A_135] : memref<10000x128xf32, #tpu.memory_space<vmem_shared>> -> memref<10000x128xf32, #tpu.memory_space<vmem_shared>>
          tpu.wait_indirect_dma semaphore(%run_scoped3A : memref<!tpu.dma_semaphore, #tpu.memory_space<semaphore_mem>>) src(%arg17 : memref<80x128xf32, #tpu.memory_space<vmem>>) dst(%dma_wait3A_136 : memref<10000x128xf32, #tpu.memory_space<vmem_shared>>)
          tpu.yield
        }) : () -> ()
      } else {
      }
      %add3A_89 = arith.constant 3 : i32
      %add3A_90 = arith.addi %mul3A_68, %add3A_89 : i32
      %lt3A_91 = arith.constant 125 : i32
      %lt3A_92 = arith.cmpi slt, %add3A_90, %lt3A_91 : i32
      %convert_element_type3A_93 = arith.extui %lt3A_92 : i1 to i32
      %cond3A_94 = arith.constant 0 : i32
      %cond3A_95 = arith.cmpi ne, %convert_element_type3A_93, %cond3A_94 : i32
      scf.if %cond3A_95 {
        %add3A_96 = arith.constant 2 : i32
        %add3A_97 = arith.addi %add3A_90, %add3A_96 : i32
        %lt3A_98 = arith.constant 125 : i32
        %lt3A_99 = arith.cmpi slt, %add3A_97, %lt3A_98 : i32
        %convert_element_type3A_100 = arith.extui %lt3A_99 : i1 to i32
        %cond3A_101 = arith.constant 0 : i32
        %cond3A_102 = arith.cmpi ne, %convert_element_type3A_100, %cond3A_101 : i32
        scf.if %cond3A_102 {
          %add3A_131 = arith.constant 2 : i32
          %add3A_132 = arith.addi %add3A_90, %add3A_131 : i32
          %dma_start3A_133 = arith.constant 0 : i32
          %dma_start3A_134 = tpu.memref_slice %arg4[%add3A, %add3A_132, %dma_start3A_133] : memref<32x125x80xi32, #tpu.memory_space<hbm>> -> memref<1x1x80xi32, #tpu.memory_space<hbm>>
          %dma_start3A_135 = tpu.memref_squeeze %dma_start3A_134 : memref<1x1x80xi32, #tpu.memory_space<hbm>> -> memref<80xi32, #tpu.memory_space<hbm>>
          %dma_start3A_136 = arith.constant 0 : i32
          %dma_start3A_137 = tpu.memref_slice %arg4[%add3A, %add3A_132, %dma_start3A_136] : memref<32x125x80xi32, #tpu.memory_space<hbm>> -> memref<1x1x80xi32, #tpu.memory_space<hbm>>
          %dma_start3A_138 = tpu.memref_squeeze %dma_start3A_137 : memref<1x1x80xi32, #tpu.memory_space<hbm>> -> memref<80xi32, #tpu.memory_space<hbm>>
          tpu.enqueue_dma source(%dma_start3A_138 : memref<80xi32, #tpu.memory_space<hbm>>) target(%arg10 : memref<80xi32, #tpu.memory_space<vmem>>) target_semaphore(%arg26 : memref<!tpu.dma_semaphore, #tpu.memory_space<semaphore_mem>>)
          %dma_start3A_139 = arith.constant 0 : i32
          %dma_start3A_140 = tpu.memref_slice %arg5[%add3A, %add3A_132, %dma_start3A_139] : memref<32x125x80xi32, #tpu.memory_space<hbm>> -> memref<1x1x80xi32, #tpu.memory_space<hbm>>
          %dma_start3A_141 = tpu.memref_squeeze %dma_start3A_140 : memref<1x1x80xi32, #tpu.memory_space<hbm>> -> memref<80xi32, #tpu.memory_space<hbm>>
          %dma_start3A_142 = arith.constant 0 : i32
          %dma_start3A_143 = tpu.memref_slice %arg5[%add3A, %add3A_132, %dma_start3A_142] : memref<32x125x80xi32, #tpu.memory_space<hbm>> -> memref<1x1x80xi32, #tpu.memory_space<hbm>>
          %dma_start3A_144 = tpu.memref_squeeze %dma_start3A_143 : memref<1x1x80xi32, #tpu.memory_space<hbm>> -> memref<80xi32, #tpu.memory_space<hbm>>
          tpu.enqueue_dma source(%dma_start3A_144 : memref<80xi32, #tpu.memory_space<hbm>>) target(%arg14 : memref<80xi32, #tpu.memory_space<vmem>>) target_semaphore(%arg30 : memref<!tpu.dma_semaphore, #tpu.memory_space<semaphore_mem>>)
        } else {
        }
        %dma_wait3A_103 = arith.constant 0 : i32
        %dma_wait3A_104 = arith.constant 0 : i32
        %dma_wait3A_105 = tpu.memref_slice %arg2[%dma_wait3A_103, %dma_wait3A_104] : memref<10000x128xf32, #tpu.memory_space<hbm>> -> memref<10000x128xf32, #tpu.memory_space<hbm>>
        tpu.wait_indirect_dma semaphore(%arg22 : memref<!tpu.dma_semaphore, #tpu.memory_space<semaphore_mem>>) src(%dma_wait3A_105 : memref<10000x128xf32, #tpu.memory_space<hbm>>) dst(%arg18 : memref<80x128xf32, #tpu.memory_space<vmem>>)
        %dma_wait3A_106 = arith.constant 0 : i32
        %dma_wait3A_107 = arith.constant 0 : i32
        %dma_wait3A_108 = tpu.memref_slice %arg3[%dma_wait3A_106, %dma_wait3A_107] : memref<320000x128xf32, #tpu.memory_space<hbm>> -> memref<80x128xf32, #tpu.memory_space<hbm>>
        %dma_wait3A_109 = arith.constant 0 : i32
        %dma_wait3A_110 = arith.constant 0 : i32
        %dma_wait3A_111 = tpu.memref_slice %arg3[%dma_wait3A_109, %dma_wait3A_110] : memref<320000x128xf32, #tpu.memory_space<hbm>> -> memref<80x128xf32, #tpu.memory_space<hbm>>
        tpu.wait_dma2 semaphore(%arg24 : memref<!tpu.dma_semaphore, #tpu.memory_space<semaphore_mem>>) src(%dma_wait3A_111 : memref<80x128xf32, #tpu.memory_space<hbm>>) dst(%arg20 : memref<80x128xf32, #tpu.memory_space<vmem>>)
        %add3A_112 = arith.constant 1 : i32
        %add3A_113 = arith.addi %add3A_90, %add3A_112 : i32
        %lt3A_114 = arith.constant 125 : i32
        %lt3A_115 = arith.cmpi slt, %add3A_113, %lt3A_114 : i32
        %convert_element_type3A_116 = arith.extui %lt3A_115 : i1 to i32
        %cond3A_117 = arith.constant 0 : i32
        %cond3A_118 = arith.cmpi ne, %convert_element_type3A_116, %cond3A_117 : i32
        scf.if %cond3A_118 {
          %add3A_131 = arith.constant 1 : i32
          %add3A_132 = arith.addi %add3A_90, %add3A_131 : i32
          %dma_wait3A_133 = arith.constant 0 : i32
          %dma_wait3A_134 = tpu.memref_slice %arg4[%add3A, %add3A_132, %dma_wait3A_133] : memref<32x125x80xi32, #tpu.memory_space<hbm>> -> memref<1x1x80xi32, #tpu.memory_space<hbm>>
          %dma_wait3A_135 = tpu.memref_squeeze %dma_wait3A_134 : memref<1x1x80xi32, #tpu.memory_space<hbm>> -> memref<80xi32, #tpu.memory_space<hbm>>
          %dma_wait3A_136 = arith.constant 0 : i32
          %dma_wait3A_137 = tpu.memref_slice %arg4[%add3A, %add3A_132, %dma_wait3A_136] : memref<32x125x80xi32, #tpu.memory_space<hbm>> -> memref<1x1x80xi32, #tpu.memory_space<hbm>>
          %dma_wait3A_138 = tpu.memref_squeeze %dma_wait3A_137 : memref<1x1x80xi32, #tpu.memory_space<hbm>> -> memref<80xi32, #tpu.memory_space<hbm>>
          tpu.wait_dma2 semaphore(%arg25 : memref<!tpu.dma_semaphore, #tpu.memory_space<semaphore_mem>>) src(%dma_wait3A_138 : memref<80xi32, #tpu.memory_space<hbm>>) dst(%arg9 : memref<80xi32, #tpu.memory_space<vmem>>)
          %dma_start3A_139 = arith.constant 0 : i32
          %dma_start3A_140 = arith.constant 0 : i32
          %dma_start3A_141 = tpu.memref_slice %arg2[%dma_start3A_139, %dma_start3A_140] : memref<10000x128xf32, #tpu.memory_space<hbm>> -> memref<10000x128xf32, #tpu.memory_space<hbm>>
          tpu.enqueue_indirect_dma source(%dma_start3A_141 : memref<10000x128xf32, #tpu.memory_space<hbm>>) target(%arg17 : memref<80x128xf32, #tpu.memory_space<vmem>>) offsets(%arg9 : memref<80xi32, #tpu.memory_space<vmem>>) semaphore(%arg21 : memref<!tpu.dma_semaphore, #tpu.memory_space<semaphore_mem>>)
          %mul3A_142 = arith.constant 80 : i32
          %mul3A_143 = arith.muli %add3A_132, %mul3A_142 : i32
          %add3A_144 = arith.addi %mul3A_8, %mul3A_143 : i32
          %dma_start3A_145 = arith.constant 0 : i32
          %dma_start3A_146 = tpu.memref_slice %arg3[%add3A_144, %dma_start3A_145] : memref<320000x128xf32, #tpu.memory_space<hbm>> -> memref<80x128xf32, #tpu.memory_space<hbm>>
          %dma_start3A_147 = arith.constant 0 : i32
          %dma_start3A_148 = tpu.memref_slice %arg3[%add3A_144, %dma_start3A_147] : memref<320000x128xf32, #tpu.memory_space<hbm>> -> memref<80x128xf32, #tpu.memory_space<hbm>>
          tpu.enqueue_dma source(%dma_start3A_148 : memref<80x128xf32, #tpu.memory_space<hbm>>) target(%arg19 : memref<80x128xf32, #tpu.memory_space<vmem>>) target_semaphore(%arg23 : memref<!tpu.dma_semaphore, #tpu.memory_space<semaphore_mem>>)
        } else {
        }
        %scan3A_119 = arith.constant 0 : i32
        %scan3A_120 = arith.constant 0 : i32
        %scan3A_121 = arith.constant 80 : i32
        %scan3A_122 = arith.addi %scan3A_120, %scan3A_121 : i32
        %scan3A_123 = arith.constant 1 : i32
        scf.for %scan3A_131 = %scan3A_120 to %scan3A_122 step %scan3A_123  : i32 {
          %get3A = arith.index_cast %scan3A_131 : i32 to index
          %get3A_132 = arith.constant 0 : index
          %get3A_133 = tpu.vector_load %arg18[%get3A, %get3A_132] {strides = array<i32>} : memref<80x128xf32, #tpu.memory_space<vmem>>, vector<1x16xf32>,
          %get3A_134 = vector.shape_cast %get3A_133 : vector<1x16xf32> to vector<16xf32>
          %get3A_135 = arith.index_cast %scan3A_131 : i32 to index
          %get3A_136 = arith.constant 0 : index
          %get3A_137 = tpu.vector_load %arg20[%get3A_135, %get3A_136] {strides = array<i32>} : memref<80x128xf32, #tpu.memory_space<vmem>>, vector<1x16xf32>,
          %get3A_138 = vector.shape_cast %get3A_137 : vector<1x16xf32> to vector<16xf32>
          %add3A_139 = arith.addf %get3A_134, %get3A_138 : vector<16xf32>
          %max3A = arith.constant 0.000000e+00 : f32
          %max3A_140 = vector.broadcast %max3A : f32 to vector<16xf32>
          %max3A_141 = arith.maximumf %add3A_139, %max3A_140 : vector<16xf32>
          %swap3A = arith.index_cast %scan3A_131 : i32 to index
          %swap3A_142 = arith.constant 0 : index
          %swap3A_143 = tpu.vector_load %arg18[%swap3A, %swap3A_142] {strides = array<i32>} : memref<80x128xf32, #tpu.memory_space<vmem>>, vector<1x16xf32>,
          %swap3A_144 = vector.shape_cast %swap3A_143 : vector<1x16xf32> to vector<16xf32>
          %swap3A_145 = vector.shape_cast %max3A_141 : vector<16xf32> to vector<1x16xf32>
          tpu.vector_store %arg18[%swap3A, %swap3A_142], %swap3A_145 {strides = array<i32>} : memref<80x128xf32, #tpu.memory_space<vmem>>, vector<1x16xf32>,
          %get3A_146 = arith.index_cast %scan3A_131 : i32 to index
          %get3A_147 = arith.constant 16 : index
          %get3A_148 = tpu.vector_load %arg18[%get3A_146, %get3A_147] {strides = array<i32>} : memref<80x128xf32, #tpu.memory_space<vmem>>, vector<1x16xf32>,
          %get3A_149 = vector.shape_cast %get3A_148 : vector<1x16xf32> to vector<16xf32>
          %get3A_150 = arith.index_cast %scan3A_131 : i32 to index
          %get3A_151 = arith.constant 16 : index
          %get3A_152 = tpu.vector_load %arg20[%get3A_150, %get3A_151] {strides = array<i32>} : memref<80x128xf32, #tpu.memory_space<vmem>>, vector<1x16xf32>,
          %get3A_153 = vector.shape_cast %get3A_152 : vector<1x16xf32> to vector<16xf32>
          %add3A_154 = arith.addf %get3A_149, %get3A_153 : vector<16xf32>
          %max3A_155 = arith.constant 0.000000e+00 : f32
          %max3A_156 = vector.broadcast %max3A_155 : f32 to vector<16xf32>
          %max3A_157 = arith.maximumf %add3A_154, %max3A_156 : vector<16xf32>
          %swap3A_158 = arith.index_cast %scan3A_131 : i32 to index
          %swap3A_159 = arith.constant 16 : index
          %swap3A_160 = tpu.vector_load %arg18[%swap3A_158, %swap3A_159] {strides = array<i32>} : memref<80x128xf32, #tpu.memory_space<vmem>>, vector<1x16xf32>,
          %swap3A_161 = vector.shape_cast %swap3A_160 : vector<1x16xf32> to vector<16xf32>
          %swap3A_162 = vector.shape_cast %max3A_157 : vector<16xf32> to vector<1x16xf32>
          tpu.vector_store %arg18[%swap3A_158, %swap3A_159], %swap3A_162 {strides = array<i32>} : memref<80x128xf32, #tpu.memory_space<vmem>>, vector<1x16xf32>,
          %get3A_163 = arith.index_cast %scan3A_131 : i32 to index
          %get3A_164 = arith.constant 32 : index
          %get3A_165 = tpu.vector_load %arg18[%get3A_163, %get3A_164] {strides = array<i32>} : memref<80x128xf32, #tpu.memory_space<vmem>>, vector<1x16xf32>,
          %get3A_166 = vector.shape_cast %get3A_165 : vector<1x16xf32> to vector<16xf32>
          %get3A_167 = arith.index_cast %scan3A_131 : i32 to index
          %get3A_168 = arith.constant 32 : index
          %get3A_169 = tpu.vector_load %arg20[%get3A_167, %get3A_168] {strides = array<i32>} : memref<80x128xf32, #tpu.memory_space<vmem>>, vector<1x16xf32>,
          %get3A_170 = vector.shape_cast %get3A_169 : vector<1x16xf32> to vector<16xf32>
          %add3A_171 = arith.addf %get3A_166, %get3A_170 : vector<16xf32>
          %max3A_172 = arith.constant 0.000000e+00 : f32
          %max3A_173 = vector.broadcast %max3A_172 : f32 to vector<16xf32>
          %max3A_174 = arith.maximumf %add3A_171, %max3A_173 : vector<16xf32>
          %swap3A_175 = arith.index_cast %scan3A_131 : i32 to index
          %swap3A_176 = arith.constant 32 : index
          %swap3A_177 = tpu.vector_load %arg18[%swap3A_175, %swap3A_176] {strides = array<i32>} : memref<80x128xf32, #tpu.memory_space<vmem>>, vector<1x16xf32>,
          %swap3A_178 = vector.shape_cast %swap3A_177 : vector<1x16xf32> to vector<16xf32>
          %swap3A_179 = vector.shape_cast %max3A_174 : vector<16xf32> to vector<1x16xf32>
          tpu.vector_store %arg18[%swap3A_175, %swap3A_176], %swap3A_179 {strides = array<i32>} : memref<80x128xf32, #tpu.memory_space<vmem>>, vector<1x16xf32>,
          %get3A_180 = arith.index_cast %scan3A_131 : i32 to index
          %get3A_181 = arith.constant 48 : index
          %get3A_182 = tpu.vector_load %arg18[%get3A_180, %get3A_181] {strides = array<i32>} : memref<80x128xf32, #tpu.memory_space<vmem>>, vector<1x16xf32>,
          %get3A_183 = vector.shape_cast %get3A_182 : vector<1x16xf32> to vector<16xf32>
          %get3A_184 = arith.index_cast %scan3A_131 : i32 to index
          %get3A_185 = arith.constant 48 : index
          %get3A_186 = tpu.vector_load %arg20[%get3A_184, %get3A_185] {strides = array<i32>} : memref<80x128xf32, #tpu.memory_space<vmem>>, vector<1x16xf32>,
          %get3A_187 = vector.shape_cast %get3A_186 : vector<1x16xf32> to vector<16xf32>
          %add3A_188 = arith.addf %get3A_183, %get3A_187 : vector<16xf32>
          %max3A_189 = arith.constant 0.000000e+00 : f32
          %max3A_190 = vector.broadcast %max3A_189 : f32 to vector<16xf32>
          %max3A_191 = arith.maximumf %add3A_188, %max3A_190 : vector<16xf32>
          %swap3A_192 = arith.index_cast %scan3A_131 : i32 to index
          %swap3A_193 = arith.constant 48 : index
          %swap3A_194 = tpu.vector_load %arg18[%swap3A_192, %swap3A_193] {strides = array<i32>} : memref<80x128xf32, #tpu.memory_space<vmem>>, vector<1x16xf32>,
          %swap3A_195 = vector.shape_cast %swap3A_194 : vector<1x16xf32> to vector<16xf32>
          %swap3A_196 = vector.shape_cast %max3A_191 : vector<16xf32> to vector<1x16xf32>
          tpu.vector_store %arg18[%swap3A_192, %swap3A_193], %swap3A_196 {strides = array<i32>} : memref<80x128xf32, #tpu.memory_space<vmem>>, vector<1x16xf32>,
          %get3A_197 = arith.index_cast %scan3A_131 : i32 to index
          %get3A_198 = arith.constant 64 : index
          %get3A_199 = tpu.vector_load %arg18[%get3A_197, %get3A_198] {strides = array<i32>} : memref<80x128xf32, #tpu.memory_space<vmem>>, vector<1x16xf32>,
          %get3A_200 = vector.shape_cast %get3A_199 : vector<1x16xf32> to vector<16xf32>
          %get3A_201 = arith.index_cast %scan3A_131 : i32 to index
          %get3A_202 = arith.constant 64 : index
          %get3A_203 = tpu.vector_load %arg20[%get3A_201, %get3A_202] {strides = array<i32>} : memref<80x128xf32, #tpu.memory_space<vmem>>, vector<1x16xf32>,
          %get3A_204 = vector.shape_cast %get3A_203 : vector<1x16xf32> to vector<16xf32>
          %add3A_205 = arith.addf %get3A_200, %get3A_204 : vector<16xf32>
          %max3A_206 = arith.constant 0.000000e+00 : f32
          %max3A_207 = vector.broadcast %max3A_206 : f32 to vector<16xf32>
          %max3A_208 = arith.maximumf %add3A_205, %max3A_207 : vector<16xf32>
          %swap3A_209 = arith.index_cast %scan3A_131 : i32 to index
          %swap3A_210 = arith.constant 64 : index
          %swap3A_211 = tpu.vector_load %arg18[%swap3A_209, %swap3A_210] {strides = array<i32>} : memref<80x128xf32, #tpu.memory_space<vmem>>, vector<1x16xf32>,
          %swap3A_212 = vector.shape_cast %swap3A_211 : vector<1x16xf32> to vector<16xf32>
          %swap3A_213 = vector.shape_cast %max3A_208 : vector<16xf32> to vector<1x16xf32>
          tpu.vector_store %arg18[%swap3A_209, %swap3A_210], %swap3A_213 {strides = array<i32>} : memref<80x128xf32, #tpu.memory_space<vmem>>, vector<1x16xf32>,
          %get3A_214 = arith.index_cast %scan3A_131 : i32 to index
          %get3A_215 = arith.constant 80 : index
          %get3A_216 = tpu.vector_load %arg18[%get3A_214, %get3A_215] {strides = array<i32>} : memref<80x128xf32, #tpu.memory_space<vmem>>, vector<1x16xf32>,
          %get3A_217 = vector.shape_cast %get3A_216 : vector<1x16xf32> to vector<16xf32>
          %get3A_218 = arith.index_cast %scan3A_131 : i32 to index
          %get3A_219 = arith.constant 80 : index
          %get3A_220 = tpu.vector_load %arg20[%get3A_218, %get3A_219] {strides = array<i32>} : memref<80x128xf32, #tpu.memory_space<vmem>>, vector<1x16xf32>,
          %get3A_221 = vector.shape_cast %get3A_220 : vector<1x16xf32> to vector<16xf32>
          %add3A_222 = arith.addf %get3A_217, %get3A_221 : vector<16xf32>
          %max3A_223 = arith.constant 0.000000e+00 : f32
          %max3A_224 = vector.broadcast %max3A_223 : f32 to vector<16xf32>
          %max3A_225 = arith.maximumf %add3A_222, %max3A_224 : vector<16xf32>
          %swap3A_226 = arith.index_cast %scan3A_131 : i32 to index
          %swap3A_227 = arith.constant 80 : index
          %swap3A_228 = tpu.vector_load %arg18[%swap3A_226, %swap3A_227] {strides = array<i32>} : memref<80x128xf32, #tpu.memory_space<vmem>>, vector<1x16xf32>,
          %swap3A_229 = vector.shape_cast %swap3A_228 : vector<1x16xf32> to vector<16xf32>
          %swap3A_230 = vector.shape_cast %max3A_225 : vector<16xf32> to vector<1x16xf32>
          tpu.vector_store %arg18[%swap3A_226, %swap3A_227], %swap3A_230 {strides = array<i32>} : memref<80x128xf32, #tpu.memory_space<vmem>>, vector<1x16xf32>,
          %get3A_231 = arith.index_cast %scan3A_131 : i32 to index
          %get3A_232 = arith.constant 96 : index
          %get3A_233 = tpu.vector_load %arg18[%get3A_231, %get3A_232] {strides = array<i32>} : memref<80x128xf32, #tpu.memory_space<vmem>>, vector<1x16xf32>,
          %get3A_234 = vector.shape_cast %get3A_233 : vector<1x16xf32> to vector<16xf32>
          %get3A_235 = arith.index_cast %scan3A_131 : i32 to index
          %get3A_236 = arith.constant 96 : index
          %get3A_237 = tpu.vector_load %arg20[%get3A_235, %get3A_236] {strides = array<i32>} : memref<80x128xf32, #tpu.memory_space<vmem>>, vector<1x16xf32>,
          %get3A_238 = vector.shape_cast %get3A_237 : vector<1x16xf32> to vector<16xf32>
          %add3A_239 = arith.addf %get3A_234, %get3A_238 : vector<16xf32>
          %max3A_240 = arith.constant 0.000000e+00 : f32
          %max3A_241 = vector.broadcast %max3A_240 : f32 to vector<16xf32>
          %max3A_242 = arith.maximumf %add3A_239, %max3A_241 : vector<16xf32>
          %swap3A_243 = arith.index_cast %scan3A_131 : i32 to index
          %swap3A_244 = arith.constant 96 : index
          %swap3A_245 = tpu.vector_load %arg18[%swap3A_243, %swap3A_244] {strides = array<i32>} : memref<80x128xf32, #tpu.memory_space<vmem>>, vector<1x16xf32>,
          %swap3A_246 = vector.shape_cast %swap3A_245 : vector<1x16xf32> to vector<16xf32>
          %swap3A_247 = vector.shape_cast %max3A_242 : vector<16xf32> to vector<1x16xf32>
          tpu.vector_store %arg18[%swap3A_243, %swap3A_244], %swap3A_247 {strides = array<i32>} : memref<80x128xf32, #tpu.memory_space<vmem>>, vector<1x16xf32>,
          %get3A_248 = arith.index_cast %scan3A_131 : i32 to index
          %get3A_249 = arith.constant 112 : index
          %get3A_250 = tpu.vector_load %arg18[%get3A_248, %get3A_249] {strides = array<i32>} : memref<80x128xf32, #tpu.memory_space<vmem>>, vector<1x16xf32>,
          %get3A_251 = vector.shape_cast %get3A_250 : vector<1x16xf32> to vector<16xf32>
          %get3A_252 = arith.index_cast %scan3A_131 : i32 to index
          %get3A_253 = arith.constant 112 : index
          %get3A_254 = tpu.vector_load %arg20[%get3A_252, %get3A_253] {strides = array<i32>} : memref<80x128xf32, #tpu.memory_space<vmem>>, vector<1x16xf32>,
          %get3A_255 = vector.shape_cast %get3A_254 : vector<1x16xf32> to vector<16xf32>
          %add3A_256 = arith.addf %get3A_251, %get3A_255 : vector<16xf32>
          %max3A_257 = arith.constant 0.000000e+00 : f32
          %max3A_258 = vector.broadcast %max3A_257 : f32 to vector<16xf32>
          %max3A_259 = arith.maximumf %add3A_256, %max3A_258 : vector<16xf32>
          %swap3A_260 = arith.index_cast %scan3A_131 : i32 to index
          %swap3A_261 = arith.constant 112 : index
          %swap3A_262 = tpu.vector_load %arg18[%swap3A_260, %swap3A_261] {strides = array<i32>} : memref<80x128xf32, #tpu.memory_space<vmem>>, vector<1x16xf32>,
          %swap3A_263 = vector.shape_cast %swap3A_262 : vector<1x16xf32> to vector<16xf32>
          %swap3A_264 = vector.shape_cast %max3A_259 : vector<16xf32> to vector<1x16xf32>
          tpu.vector_store %arg18[%swap3A_260, %swap3A_261], %swap3A_264 {strides = array<i32>} : memref<80x128xf32, #tpu.memory_space<vmem>>, vector<1x16xf32>,
        }
        %scan3A_124 = arith.constant 80 : i32
        %dma_wait3A_125 = arith.constant 0 : i32
        %dma_wait3A_126 = tpu.memref_slice %arg5[%add3A, %add3A_90, %dma_wait3A_125] : memref<32x125x80xi32, #tpu.memory_space<hbm>> -> memref<1x1x80xi32, #tpu.memory_space<hbm>>
        %dma_wait3A_127 = tpu.memref_squeeze %dma_wait3A_126 : memref<1x1x80xi32, #tpu.memory_space<hbm>> -> memref<80xi32, #tpu.memory_space<hbm>>
        %dma_wait3A_128 = arith.constant 0 : i32
        %dma_wait3A_129 = tpu.memref_slice %arg5[%add3A, %add3A_90, %dma_wait3A_128] : memref<32x125x80xi32, #tpu.memory_space<hbm>> -> memref<1x1x80xi32, #tpu.memory_space<hbm>>
        %dma_wait3A_130 = tpu.memref_squeeze %dma_wait3A_129 : memref<1x1x80xi32, #tpu.memory_space<hbm>> -> memref<80xi32, #tpu.memory_space<hbm>>
        tpu.wait_dma2 semaphore(%arg32 : memref<!tpu.dma_semaphore, #tpu.memory_space<semaphore_mem>>) src(%dma_wait3A_130 : memref<80xi32, #tpu.memory_space<hbm>>) dst(%arg16 : memref<80xi32, #tpu.memory_space<vmem>>)
        "tpu.region"() ({
          %run_scoped3A = tpu.sem_alloc : memref<!tpu.dma_semaphore, #tpu.memory_space<semaphore_mem>>
          %dma_start3A_131 = arith.constant 0 : i32
          %dma_start3A_132 = arith.constant 0 : i32
          %dma_start3A_133 = tpu.memref_slice %arg8[%dma_start3A_131, %dma_start3A_132] : memref<10000x128xf32, #tpu.memory_space<vmem_shared>> -> memref<10000x128xf32, #tpu.memory_space<vmem_shared>>
          tpu.enqueue_indirect_dma source(%arg18 : memref<80x128xf32, #tpu.memory_space<vmem>>) target(%dma_start3A_133 : memref<10000x128xf32, #tpu.memory_space<vmem_shared>>) offsets(%arg16 : memref<80xi32, #tpu.memory_space<vmem>>) semaphore(%run_scoped3A : memref<!tpu.dma_semaphore, #tpu.memory_space<semaphore_mem>>) {add = true}
          %dma_wait3A_134 = arith.constant 0 : i32
          %dma_wait3A_135 = arith.constant 0 : i32
          %dma_wait3A_136 = tpu.memref_slice %arg8[%dma_wait3A_134, %dma_wait3A_135] : memref<10000x128xf32, #tpu.memory_space<vmem_shared>> -> memref<10000x128xf32, #tpu.memory_space<vmem_shared>>
          tpu.wait_indirect_dma semaphore(%run_scoped3A : memref<!tpu.dma_semaphore, #tpu.memory_space<semaphore_mem>>) src(%arg18 : memref<80x128xf32, #tpu.memory_space<vmem>>) dst(%dma_wait3A_136 : memref<10000x128xf32, #tpu.memory_space<vmem_shared>>)
          tpu.yield
        }) : () -> ()
      } else {
      }
    }
    %scan3A_55 = arith.constant 32 : i32
    %barrier3A_56 = arith.constant 0 : index
    tpu.barrier barrier_id(%barrier3A_56)
    %mul3A_57 = arith.constant 624 : i32
    %mul3A_58 = arith.muli %arg1, %mul3A_57 : i32
    %mul3A_59 = arith.constant 624 : i32
    %mul3A_60 = arith.muli %arg1, %mul3A_59 : i32
    "tpu.region"() ({
      %run_scoped3A = tpu.sem_alloc : memref<!tpu.dma_semaphore, #tpu.memory_space<semaphore_mem>>
      %dma_start3A_66 = arith.constant 0 : i32
      %dma_start3A_67 = tpu.memref_slice %arg7[%arg0, %mul3A_60, %dma_start3A_66] : memref<2x10000x128xf32, #tpu.memory_space<hbm>> -> memref<1x624x128xf32, #tpu.memory_space<hbm>>
      %dma_start3A_68 = tpu.memref_squeeze %dma_start3A_67 : memref<1x624x128xf32, #tpu.memory_space<hbm>> -> memref<624x128xf32, #tpu.memory_space<hbm>>
      %dma_start3A_69 = arith.constant 0 : i32
      %dma_start3A_70 = tpu.memref_slice %arg8[%mul3A_58, %dma_start3A_69] : memref<10000x128xf32, #tpu.memory_space<vmem_shared>> -> memref<624x128xf32, #tpu.memory_space<vmem_shared>>
      tpu.enqueue_dma source(%dma_start3A_70 : memref<624x128xf32, #tpu.memory_space<vmem_shared>>) target(%dma_start3A_68 : memref<624x128xf32, #tpu.memory_space<hbm>>) target_semaphore(%run_scoped3A : memref<!tpu.dma_semaphore, #tpu.memory_space<semaphore_mem>>)
      %dma_wait3A_71 = arith.constant 0 : i32
      %dma_wait3A_72 = tpu.memref_slice %arg7[%arg0, %mul3A_60, %dma_wait3A_71] : memref<2x10000x128xf32, #tpu.memory_space<hbm>> -> memref<1x624x128xf32, #tpu.memory_space<hbm>>
      %dma_wait3A_73 = tpu.memref_squeeze %dma_wait3A_72 : memref<1x624x128xf32, #tpu.memory_space<hbm>> -> memref<624x128xf32, #tpu.memory_space<hbm>>
      %dma_wait3A_74 = arith.constant 0 : i32
      %dma_wait3A_75 = tpu.memref_slice %arg8[%mul3A_58, %dma_wait3A_74] : memref<10000x128xf32, #tpu.memory_space<vmem_shared>> -> memref<624x128xf32, #tpu.memory_space<vmem_shared>>
      tpu.wait_dma2 semaphore(%run_scoped3A : memref<!tpu.dma_semaphore, #tpu.memory_space<semaphore_mem>>) src(%dma_wait3A_75 : memref<624x128xf32, #tpu.memory_space<vmem_shared>>) dst(%dma_wait3A_73 : memref<624x128xf32, #tpu.memory_space<hbm>>)
      tpu.yield
    }) : () -> ()
    %eq3A_61 = arith.constant 15 : i32
    %eq3A_62 = arith.cmpi eq, %arg1, %eq3A_61 : i32
    %convert_element_type3A_63 = arith.extui %eq3A_62 : i1 to i32
    %cond3A_64 = arith.constant 0 : i32
    %cond3A_65 = arith.cmpi ne, %convert_element_type3A_63, %cond3A_64 : i32
    scf.if %cond3A_65 {
      "tpu.region"() ({
        %run_scoped3A = tpu.sem_alloc : memref<!tpu.dma_semaphore, #tpu.memory_space<semaphore_mem>>
        %dma_start3A_66 = arith.constant 9984 : i32
        %dma_start3A_67 = arith.constant 0 : i32
        %dma_start3A_68 = tpu.memref_slice %arg7[%arg0, %dma_start3A_66, %dma_start3A_67] : memref<2x10000x128xf32, #tpu.memory_space<hbm>> -> memref<1x16x128xf32, #tpu.memory_space<hbm>>
        %dma_start3A_69 = tpu.memref_squeeze %dma_start3A_68 : memref<1x16x128xf32, #tpu.memory_space<hbm>> -> memref<16x128xf32, #tpu.memory_space<hbm>>
        %dma_start3A_70 = arith.constant 9984 : i32
        %dma_start3A_71 = arith.constant 0 : i32
        %dma_start3A_72 = tpu.memref_slice %arg8[%dma_start3A_70, %dma_start3A_71] : memref<10000x128xf32, #tpu.memory_space<vmem_shared>> -> memref<16x128xf32, #tpu.memory_space<vmem_shared>>
        tpu.enqueue_dma source(%dma_start3A_72 : memref<16x128xf32, #tpu.memory_space<vmem_shared>>) target(%dma_start3A_69 : memref<16x128xf32, #tpu.memory_space<hbm>>) target_semaphore(%run_scoped3A : memref<!tpu.dma_semaphore, #tpu.memory_space<semaphore_mem>>)
        %dma_wait3A_73 = arith.constant 9984 : i32
        %dma_wait3A_74 = arith.constant 0 : i32
        %dma_wait3A_75 = tpu.memref_slice %arg7[%arg0, %dma_wait3A_73, %dma_wait3A_74] : memref<2x10000x128xf32, #tpu.memory_space<hbm>> -> memref<1x16x128xf32, #tpu.memory_space<hbm>>
        %dma_wait3A_76 = tpu.memref_squeeze %dma_wait3A_75 : memref<1x16x128xf32, #tpu.memory_space<hbm>> -> memref<16x128xf32, #tpu.memory_space<hbm>>
        %dma_wait3A_77 = arith.constant 9984 : i32
        %dma_wait3A_78 = arith.constant 0 : i32
        %dma_wait3A_79 = tpu.memref_slice %arg8[%dma_wait3A_77, %dma_wait3A_78] : memref<10000x128xf32, #tpu.memory_space<vmem_shared>> -> memref<16x128xf32, #tpu.memory_space<vmem_shared>>
        tpu.wait_dma2 semaphore(%run_scoped3A : memref<!tpu.dma_semaphore, #tpu.memory_space<semaphore_mem>>) src(%dma_wait3A_79 : memref<16x128xf32, #tpu.memory_space<vmem_shared>>) dst(%dma_wait3A_76 : memref<16x128xf32, #tpu.memory_space<hbm>>)
        tpu.yield
      }) : () -> ()
    } else {
    }
    return
  }
}

module attributes {stable_mosaic.version = 14 : i64} {
  func.func @_eproj_body(%arg0: i32, %arg1: memref<4000x16xf32, #tpu.memory_space<vmem>>, %arg2: memref<16x128xf32, #tpu.memory_space<vmem>>, %arg3: memref<4000x128xf32, #tpu.memory_space<vmem>>) attributes {dimension_semantics = [#tpu.dimension_semantics<arbitrary>], iteration_bounds = array<i64: 80>, scalar_prefetch = 0 : i64, scratch_operands = 0 : i64, tpu.core_type = #tpu.core_type<tc>, window_params = [{transform_indices = @transform_0, window_bounds = array<i64: 4000, 16>}, {pipeline_mode = #tpu.pipeline_mode<synchronous>, transform_indices = @transform_1, window_bounds = array<i64: 16, 128>}, {transform_indices = @transform_2, window_bounds = array<i64: 4000, 128>}]} {
    %get3A = arith.constant 0 : index
    %get3A_0 = arith.constant 0 : index
    %get3A_1 = vector.load %arg1[%get3A, %get3A_0] : memref<4000x16xf32, #tpu.memory_space<vmem>>, vector<4000x16xf32>
    %get3A_2 = arith.constant 0 : index
    %get3A_3 = arith.constant 0 : index
    %get3A_4 = vector.load %arg2[%get3A_2, %get3A_3] : memref<16x128xf32, #tpu.memory_space<vmem>>, vector<16x128xf32>
    %dot_general3A = arith.constant dense<0.000000e+00> : vector<4000x128xf32>
    %dot_general3A_5 = tpu.matmul %get3A_1, %get3A_4, %dot_general3A {dimension_numbers = #tpu.dot_dimension_numbers<[1], [0], [0], [1], [0, 0, 1, 1], [], []>, transpose_lhs_hint = false} : vector<4000x16xf32>, vector<16x128xf32>, vector<4000x128xf32> -> vector<4000x128xf32>
    %swap3A = arith.constant 0 : index
    %swap3A_6 = arith.constant 0 : index
    %swap3A_7 = vector.load %arg3[%swap3A, %swap3A_6] : memref<4000x128xf32, #tpu.memory_space<vmem>>, vector<4000x128xf32>
    tpu.vector_store %arg3[%swap3A, %swap3A_6], %dot_general3A_5 {strides = array<i32>} : memref<4000x128xf32, #tpu.memory_space<vmem>>, vector<4000x128xf32>,
    return
  }
  func.func @transform_0(%arg0: i32) -> (i32, i32) {
    %c0_i32 = arith.constant 0 : i32
    %c0_i32_0 = arith.constant 0 : i32
    return %arg0, %c0_i32 : i32, i32
  }
  func.func @transform_1(%arg0: i32) -> (i32, i32) {
    %c0_i32 = arith.constant 0 : i32
    %c0_i32_0 = arith.constant 0 : i32
    %c0_i32_1 = arith.constant 0 : i32
    return %c0_i32, %c0_i32_0 : i32, i32
  }
  func.func @transform_2(%arg0: i32) -> (i32, i32) {
    %c0_i32 = arith.constant 0 : i32
    %c0_i32_0 = arith.constant 0 : i32
    return %arg0, %c0_i32 : i32, i32
  }
}

module attributes {stable_mosaic.version = 14 : i64} {
  func.func @_dense_body(%arg0: i32, %arg1: memref<1000x128xf32, #tpu.memory_space<vmem>>, %arg2: memref<2x1000x128xf32, #tpu.memory_space<vmem>>, %arg3: memref<128x128xf32, #tpu.memory_space<vmem>>, %arg4: memref<128x128xf32, #tpu.memory_space<vmem>>, %arg5: memref<1x128xf32, #tpu.memory_space<vmem>>, %arg6: memref<1x128xf32, #tpu.memory_space<vmem>>, %arg7: memref<1x128xf32, #tpu.memory_space<vmem>>, %arg8: memref<1000x128xf32, #tpu.memory_space<vmem>>) attributes {dimension_semantics = [#tpu.dimension_semantics<arbitrary>], iteration_bounds = array<i64: 10>, scalar_prefetch = 0 : i64, scratch_operands = 0 : i64, tpu.core_type = #tpu.core_type<tc>, window_params = [{transform_indices = @transform_0, window_bounds = array<i64: 1000, 128>}, {transform_indices = @transform_1, window_bounds = array<i64: 2, 1000, 128>}, {pipeline_mode = #tpu.pipeline_mode<synchronous>, transform_indices = @transform_2, window_bounds = array<i64: 128, 128>}, {pipeline_mode = #tpu.pipeline_mode<synchronous>, transform_indices = @transform_3, window_bounds = array<i64: 128, 128>}, {pipeline_mode = #tpu.pipeline_mode<synchronous>, transform_indices = @transform_4, window_bounds = array<i64: 1, 128>}, {pipeline_mode = #tpu.pipeline_mode<synchronous>, transform_indices = @transform_5, window_bounds = array<i64: 1, 128>}, {pipeline_mode = #tpu.pipeline_mode<synchronous>, transform_indices = @transform_6, window_bounds = array<i64: 1, 128>}, {transform_indices = @transform_7, window_bounds = array<i64: 1000, 128>}]} {
    %get3A = arith.constant 0 : index
    %get3A_0 = arith.constant 0 : index
    %get3A_1 = arith.constant 0 : index
    %get3A_2 = vector.load %arg2[%get3A, %get3A_0, %get3A_1] : memref<2x1000x128xf32, #tpu.memory_space<vmem>>, vector<1x1000x128xf32>
    %get3A_3 = vector.shape_cast %get3A_2 : vector<1x1000x128xf32> to vector<1000x128xf32>
    %get3A_4 = arith.constant 1 : index
    %get3A_5 = arith.constant 0 : index
    %get3A_6 = arith.constant 0 : index
    %get3A_7 = vector.load %arg2[%get3A_4, %get3A_5, %get3A_6] : memref<2x1000x128xf32, #tpu.memory_space<vmem>>, vector<1x1000x128xf32>
    %get3A_8 = vector.shape_cast %get3A_7 : vector<1x1000x128xf32> to vector<1000x128xf32>
    %add3A = arith.addf %get3A_3, %get3A_8 : vector<1000x128xf32>
    %get3A_9 = arith.constant 0 : index
    %get3A_10 = arith.constant 0 : index
    %get3A_11 = vector.load %arg1[%get3A_9, %get3A_10] : memref<1000x128xf32, #tpu.memory_space<vmem>>, vector<1000x128xf32>
    %get3A_12 = arith.constant 0 : index
    %get3A_13 = arith.constant 0 : index
    %get3A_14 = vector.load %arg3[%get3A_12, %get3A_13] : memref<128x128xf32, #tpu.memory_space<vmem>>, vector<128x128xf32>
    %dot_general3A = arith.constant dense<0.000000e+00> : vector<1000x128xf32>
    %dot_general3A_15 = tpu.matmul %get3A_11, %get3A_14, %dot_general3A {dimension_numbers = #tpu.dot_dimension_numbers<[1], [0], [0], [1], [0, 0, 1, 1], [], []>, transpose_lhs_hint = false} : vector<1000x128xf32>, vector<128x128xf32>, vector<1000x128xf32> -> vector<1000x128xf32>
    %get3A_16 = arith.constant 0 : index
    %get3A_17 = arith.constant 0 : index
    %get3A_18 = vector.load %arg4[%get3A_16, %get3A_17] : memref<128x128xf32, #tpu.memory_space<vmem>>, vector<128x128xf32>
    %dot_general3A_19 = arith.constant dense<0.000000e+00> : vector<1000x128xf32>
    %dot_general3A_20 = tpu.matmul %add3A, %get3A_18, %dot_general3A_19 {dimension_numbers = #tpu.dot_dimension_numbers<[1], [0], [0], [1], [0, 0, 1, 1], [], []>, transpose_lhs_hint = false} : vector<1000x128xf32>, vector<128x128xf32>, vector<1000x128xf32> -> vector<1000x128xf32>
    %add3A_21 = arith.addf %dot_general3A_15, %dot_general3A_20 : vector<1000x128xf32>
    %get3A_22 = arith.constant 0 : index
    %get3A_23 = arith.constant 0 : index
    %get3A_24 = vector.load %arg5[%get3A_22, %get3A_23] : memref<1x128xf32, #tpu.memory_space<vmem>>, vector<1x128xf32>
    %add3A_25 = vector.broadcast %get3A_24 : vector<1x128xf32> to vector<1000x128xf32>
    %add3A_26 = arith.addf %add3A_21, %add3A_25 : vector<1000x128xf32>
    %reduce_sum3A = arith.constant dense<0.000000e+00> : vector<1000xf32>
    %reduce_sum3A_27 = vector.multi_reduction <add>, %add3A_26, %reduce_sum3A [1] : vector<1000x128xf32> to vector<1000xf32>
    %broadcast_in_dim3A = vector.shape_cast %reduce_sum3A_27 : vector<1000xf32> to vector<1000x1xf32>
    %div3A = arith.constant 1.280000e+02 : f32
    %div3A_28 = vector.broadcast %div3A : f32 to vector<1000x1xf32>
    %div3A_29 = arith.divf %broadcast_in_dim3A, %div3A_28 : vector<1000x1xf32>
    %sub3A = vector.broadcast %div3A_29 : vector<1000x1xf32> to vector<1000x128xf32>
    %sub3A_30 = arith.subf %add3A_26, %sub3A : vector<1000x128xf32>
    %sub3A_31 = vector.broadcast %div3A_29 : vector<1000x1xf32> to vector<1000x128xf32>
    %sub3A_32 = arith.subf %add3A_26, %sub3A_31 : vector<1000x128xf32>
    %mul3A = arith.mulf %sub3A_30, %sub3A_32 : vector<1000x128xf32>
    %reduce_sum3A_33 = arith.constant dense<0.000000e+00> : vector<1000xf32>
    %reduce_sum3A_34 = vector.multi_reduction <add>, %mul3A, %reduce_sum3A_33 [1] : vector<1000x128xf32> to vector<1000xf32>
    %broadcast_in_dim3A_35 = vector.shape_cast %reduce_sum3A_34 : vector<1000xf32> to vector<1000x1xf32>
    %div3A_36 = arith.constant 1.280000e+02 : f32
    %div3A_37 = vector.broadcast %div3A_36 : f32 to vector<1000x1xf32>
    %div3A_38 = arith.divf %broadcast_in_dim3A_35, %div3A_37 : vector<1000x1xf32>
    %sub3A_39 = vector.broadcast %div3A_29 : vector<1000x1xf32> to vector<1000x128xf32>
    %sub3A_40 = arith.subf %add3A_26, %sub3A_39 : vector<1000x128xf32>
    %add3A_41 = arith.constant 9.99999974E-6 : f32
    %add3A_42 = vector.broadcast %add3A_41 : f32 to vector<1000x1xf32>
    %add3A_43 = arith.addf %div3A_38, %add3A_42 : vector<1000x1xf32>
    %rsqrt3A = math.rsqrt %add3A_43 : vector<1000x1xf32>
    %mul3A_44 = vector.broadcast %rsqrt3A : vector<1000x1xf32> to vector<1000x128xf32>
    %mul3A_45 = arith.mulf %sub3A_40, %mul3A_44 : vector<1000x128xf32>
    %get3A_46 = arith.constant 0 : index
    %get3A_47 = arith.constant 0 : index
    %get3A_48 = vector.load %arg6[%get3A_46, %get3A_47] : memref<1x128xf32, #tpu.memory_space<vmem>>, vector<1x128xf32>
    %mul3A_49 = vector.broadcast %get3A_48 : vector<1x128xf32> to vector<1000x128xf32>
    %mul3A_50 = arith.mulf %mul3A_45, %mul3A_49 : vector<1000x128xf32>
    %get3A_51 = arith.constant 0 : index
    %get3A_52 = arith.constant 0 : index
    %get3A_53 = vector.load %arg7[%get3A_51, %get3A_52] : memref<1x128xf32, #tpu.memory_space<vmem>>, vector<1x128xf32>
    %add3A_54 = vector.broadcast %get3A_53 : vector<1x128xf32> to vector<1000x128xf32>
    %add3A_55 = arith.addf %mul3A_50, %add3A_54 : vector<1000x128xf32>
    %max3A = arith.constant 0.000000e+00 : f32
    %max3A_56 = vector.broadcast %max3A : f32 to vector<1000x128xf32>
    %max3A_57 = arith.maximumf %add3A_55, %max3A_56 : vector<1000x128xf32>
    %swap3A = arith.constant 0 : index
    %swap3A_58 = arith.constant 0 : index
    %swap3A_59 = vector.load %arg8[%swap3A, %swap3A_58] : memref<1000x128xf32, #tpu.memory_space<vmem>>, vector<1000x128xf32>
    tpu.vector_store %arg8[%swap3A, %swap3A_58], %max3A_57 {strides = array<i32>} : memref<1000x128xf32, #tpu.memory_space<vmem>>, vector<1000x128xf32>,
    return
  }
  func.func @transform_0(%arg0: i32) -> (i32, i32) {
    %c0_i32 = arith.constant 0 : i32
    %c0_i32_0 = arith.constant 0 : i32
    return %arg0, %c0_i32 : i32, i32
  }
  func.func @transform_1(%arg0: i32) -> (i32, i32, i32) {
    %c0_i32 = arith.constant 0 : i32
    %c0_i32_0 = arith.constant 0 : i32
    %c0_i32_1 = arith.constant 0 : i32
    return %c0_i32, %arg0, %c0_i32_0 : i32, i32, i32
  }
  func.func @transform_2(%arg0: i32) -> (i32, i32) {
    %c0_i32 = arith.constant 0 : i32
    %c0_i32_0 = arith.constant 0 : i32
    %c0_i32_1 = arith.constant 0 : i32
    return %c0_i32, %c0_i32_0 : i32, i32
  }
  func.func @transform_3(%arg0: i32) -> (i32, i32) {
    %c0_i32 = arith.constant 0 : i32
    %c0_i32_0 = arith.constant 0 : i32
    %c0_i32_1 = arith.constant 0 : i32
    return %c0_i32, %c0_i32_0 : i32, i32
  }
  func.func @transform_4(%arg0: i32) -> (i32, i32) {
    %c0_i32 = arith.constant 0 : i32
    %c0_i32_0 = arith.constant 0 : i32
    %c0_i32_1 = arith.constant 0 : i32
    return %c0_i32, %c0_i32_0 : i32, i32
  }
  func.func @transform_5(%arg0: i32) -> (i32, i32) {
    %c0_i32 = arith.constant 0 : i32
    %c0_i32_0 = arith.constant 0 : i32
    %c0_i32_1 = arith.constant 0 : i32
    return %c0_i32, %c0_i32_0 : i32, i32
  }
  func.func @transform_6(%arg0: i32) -> (i32, i32) {
    %c0_i32 = arith.constant 0 : i32
    %c0_i32_0 = arith.constant 0 : i32
    %c0_i32_1 = arith.constant 0 : i32
    return %c0_i32, %c0_i32_0 : i32, i32
  }
  func.func @transform_7(%arg0: i32) -> (i32, i32) {
    %c0_i32 = arith.constant 0 : i32
    %c0_i32_0 = arith.constant 0 : i32
    return %arg0, %c0_i32 : i32, i32
  }
}

module attributes {stable_mosaic.version = 14 : i64} {
  func.func @_dense_final_body(%arg0: i32, %arg1: memref<1000x128xf32, #tpu.memory_space<vmem>>, %arg2: memref<2x1000x128xf32, #tpu.memory_space<vmem>>, %arg3: memref<128x128xf32, #tpu.memory_space<vmem>>, %arg4: memref<128x128xf32, #tpu.memory_space<vmem>>, %arg5: memref<1x128xf32, #tpu.memory_space<vmem>>, %arg6: memref<1000x128xf32, #tpu.memory_space<vmem>>) attributes {dimension_semantics = [#tpu.dimension_semantics<arbitrary>], iteration_bounds = array<i64: 10>, scalar_prefetch = 0 : i64, scratch_operands = 0 : i64, tpu.core_type = #tpu.core_type<tc>, window_params = [{transform_indices = @transform_0, window_bounds = array<i64: 1000, 128>}, {transform_indices = @transform_1, window_bounds = array<i64: 2, 1000, 128>}, {pipeline_mode = #tpu.pipeline_mode<synchronous>, transform_indices = @transform_2, window_bounds = array<i64: 128, 128>}, {pipeline_mode = #tpu.pipeline_mode<synchronous>, transform_indices = @transform_3, window_bounds = array<i64: 128, 128>}, {pipeline_mode = #tpu.pipeline_mode<synchronous>, transform_indices = @transform_4, window_bounds = array<i64: 1, 128>}, {transform_indices = @transform_5, window_bounds = array<i64: 1000, 128>}]} {
    %get3A = arith.constant 0 : index
    %get3A_0 = arith.constant 0 : index
    %get3A_1 = arith.constant 0 : index
    %get3A_2 = vector.load %arg2[%get3A, %get3A_0, %get3A_1] : memref<2x1000x128xf32, #tpu.memory_space<vmem>>, vector<1x1000x128xf32>
    %get3A_3 = vector.shape_cast %get3A_2 : vector<1x1000x128xf32> to vector<1000x128xf32>
    %get3A_4 = arith.constant 1 : index
    %get3A_5 = arith.constant 0 : index
    %get3A_6 = arith.constant 0 : index
    %get3A_7 = vector.load %arg2[%get3A_4, %get3A_5, %get3A_6] : memref<2x1000x128xf32, #tpu.memory_space<vmem>>, vector<1x1000x128xf32>
    %get3A_8 = vector.shape_cast %get3A_7 : vector<1x1000x128xf32> to vector<1000x128xf32>
    %add3A = arith.addf %get3A_3, %get3A_8 : vector<1000x128xf32>
    %get3A_9 = arith.constant 0 : index
    %get3A_10 = arith.constant 0 : index
    %get3A_11 = vector.load %arg1[%get3A_9, %get3A_10] : memref<1000x128xf32, #tpu.memory_space<vmem>>, vector<1000x128xf32>
    %get3A_12 = arith.constant 0 : index
    %get3A_13 = arith.constant 0 : index
    %get3A_14 = vector.load %arg3[%get3A_12, %get3A_13] : memref<128x128xf32, #tpu.memory_space<vmem>>, vector<128x128xf32>
    %dot_general3A = arith.constant dense<0.000000e+00> : vector<1000x128xf32>
    %dot_general3A_15 = tpu.matmul %get3A_11, %get3A_14, %dot_general3A {dimension_numbers = #tpu.dot_dimension_numbers<[1], [0], [0], [1], [0, 0, 1, 1], [], []>, transpose_lhs_hint = false} : vector<1000x128xf32>, vector<128x128xf32>, vector<1000x128xf32> -> vector<1000x128xf32>
    %get3A_16 = arith.constant 0 : index
    %get3A_17 = arith.constant 0 : index
    %get3A_18 = vector.load %arg4[%get3A_16, %get3A_17] : memref<128x128xf32, #tpu.memory_space<vmem>>, vector<128x128xf32>
    %dot_general3A_19 = arith.constant dense<0.000000e+00> : vector<1000x128xf32>
    %dot_general3A_20 = tpu.matmul %add3A, %get3A_18, %dot_general3A_19 {dimension_numbers = #tpu.dot_dimension_numbers<[1], [0], [0], [1], [0, 0, 1, 1], [], []>, transpose_lhs_hint = false} : vector<1000x128xf32>, vector<128x128xf32>, vector<1000x128xf32> -> vector<1000x128xf32>
    %add3A_21 = arith.addf %dot_general3A_15, %dot_general3A_20 : vector<1000x128xf32>
    %get3A_22 = arith.constant 0 : index
    %get3A_23 = arith.constant 0 : index
    %get3A_24 = vector.load %arg5[%get3A_22, %get3A_23] : memref<1x128xf32, #tpu.memory_space<vmem>>, vector<1x128xf32>
    %add3A_25 = vector.broadcast %get3A_24 : vector<1x128xf32> to vector<1000x128xf32>
    %add3A_26 = arith.addf %add3A_21, %add3A_25 : vector<1000x128xf32>
    %swap3A = arith.constant 0 : index
    %swap3A_27 = arith.constant 0 : index
    %swap3A_28 = vector.load %arg6[%swap3A, %swap3A_27] : memref<1000x128xf32, #tpu.memory_space<vmem>>, vector<1000x128xf32>
    tpu.vector_store %arg6[%swap3A, %swap3A_27], %add3A_26 {strides = array<i32>} : memref<1000x128xf32, #tpu.memory_space<vmem>>, vector<1000x128xf32>,
    return
  }
  func.func @transform_0(%arg0: i32) -> (i32, i32) {
    %c0_i32 = arith.constant 0 : i32
    %c0_i32_0 = arith.constant 0 : i32
    return %arg0, %c0_i32 : i32, i32
  }
  func.func @transform_1(%arg0: i32) -> (i32, i32, i32) {
    %c0_i32 = arith.constant 0 : i32
    %c0_i32_0 = arith.constant 0 : i32
    %c0_i32_1 = arith.constant 0 : i32
    return %c0_i32, %arg0, %c0_i32_0 : i32, i32, i32
  }
  func.func @transform_2(%arg0: i32) -> (i32, i32) {
    %c0_i32 = arith.constant 0 : i32
    %c0_i32_0 = arith.constant 0 : i32
    %c0_i32_1 = arith.constant 0 : i32
    return %c0_i32, %c0_i32_0 : i32, i32
  }
  func.func @transform_3(%arg0: i32) -> (i32, i32) {
    %c0_i32 = arith.constant 0 : i32
    %c0_i32_0 = arith.constant 0 : i32
    %c0_i32_1 = arith.constant 0 : i32
    return %c0_i32, %c0_i32_0 : i32, i32
  }
  func.func @transform_4(%arg0: i32) -> (i32, i32) {
    %c0_i32 = arith.constant 0 : i32
    %c0_i32_0 = arith.constant 0 : i32
    %c0_i32_1 = arith.constant 0 : i32
    return %c0_i32, %c0_i32_0 : i32, i32
  }
  func.func @transform_5(%arg0: i32) -> (i32, i32) {
    %c0_i32 = arith.constant 0 : i32
    %c0_i32_0 = arith.constant 0 : i32
    return %arg0, %c0_i32 : i32, i32
  }
}

</mosaic_0001>

<sc_bundles>
// kernel: kernel.11.cloned.1.call-start
scs
__scs_entry_jumppad:
0x0: {  	(pc) =	sbr.rel $0x88, $3  }
0x1: {  	(tag) =	ssettag $0x0;
	lr =	simm.s32 $0x1  }
0x2: {  	[smem:$0x3F8D] =	sst lr;
	_ =	strace $0xD0000000  }
0x3: {  	_ = 	snop  }
0x4: {  	_ = 	snop  }
0x5: {  	_ = 	snop  }
0x6: {  	_ = 	snop  }
0x7: {  	_ = 	snop  }
__scs_overlays_trampoline_lowered:
0x8: {  	[smem:$0x3F9C] =	sst s0  }
0x9: {  	[smem:$0x3F9D] =	sst s1  }
0xa: {  	[smem:$0x3F9E] =	sst s2  }
0xb: {  	[smem:$0x3F9F] =	sst s3  }
0xc: {  	[smem:$0x3FA0] =	sst s4  }
0xd: {  	[smem:$0x3FA1] =	sst s5  }
0xe: {  	[smem:$0x3FA2] =	sst s6  }
0xf: {  	[smem:$0x3FA3] =	sst s7  }
0x10: {  	[smem:$0x3FA4] =	sst s8  }
0x11: {  	[smem:$0x3FA5] =	sst s9;
	s0 =	simm.s32 @!p0 $0x0  }
0x12: {  	s1 =	sld [smem:$0x3F8B];
	s0 =	simm.s32 @p0 $0x1  }
0x13: {  	[smem:$0x3FA6] =	sst s0;
	s0 =	simm.s32 @!p1 $0x0  }
0x14: {  	s2 =	sld [smem:$0x3F8A];
	s0 =	simm.s32 @p1 $0x1  }
0x15: {  	[smem:$0x3FA7] =	sst s0;
	s0 =	simm.s32 @!p2 $0x0  }
0x16: {  	s3 =	sld [smem:$0x3FDB];
	s0 =	simm.s32 @p2 $0x1  }
0x17: {  	s4 =	simm.s32 $0x1BF5;
	[smem:$0x3FA9] =	sst s0  }
0x18: {  	s0 =	sld [smem:$0x3F8C];
	_ =	swait.ge [sflag:s4], $0x0  }
0x19: {  	s7 =	sld [smem:$0x3F8D]  }
0x1a: {  	s8 =	sadd.s32 $0xFFFFE003, lr  }
0x1b: {  	s9 =	sadd.s32 $0xFFFFFEF7, lr;
	s5 =	simm.s32 $0xFFFFFFFF;
	p2 =	slt.u32 s8, $0xFFFFF086  }
0x1c: {  	p1 =	slt.u32 s9, $0xF7A;
	s5 =	simm.s32 @!p2 $0x0  }
0x1d: {  	s5 =	simm.s32 @p1 $0x1;
	p0 =	seq.s32 s7, s2  }
0x1e: {  	s7 =	smul.u32 @!p0 $0xF7A, s2;
	p2 =	seq.s32 @!p0 s5, $0x0  }
0x1f: {  	s9 =	smul.u32 $0xF7A, s1;
	s8 =	simm.s32 @!p0 $0x1BF5;
	p2 =	por !p2, p0  }
0x20: {  	[sflag:s8] =	ssyncset.s32 @!p0 $0xFFFFF086;
	s6 =	sadd.s32 @!p0 s3, s7;
	s7 =	simm.s32 @!p0 $0x108  }
0x21: {  	s3 =	sadd.s32 s3, s9;
	s6 =	sadd.s32 @!p0 $0x88, s6;
	s7 =	simm.s32 @p2 $0x1082  }
0x22: {  	[simem:s7], [sflag:s8] =	dma.local @!p0 [hbm:s6], $0xF7A  }
0x23: {  	s9 =	sor.u32 $0xD0000000, s2;
	s6 =	simm.s32 $0x108;
	_ =	swait.ge @!p0 [sflag:s8], $0x0  }
0x24: {  	s3 =	sadd.s32 $0x88, s3;
	s6 =	simm.s32 @!p1 $0x1082;
	[sflag:s4] =	ssyncset.s32 $0xFFFFF086  }
0x25: {  	[simem:s6], [sflag:s4] =	dma.local [hbm:s3], $0xF7A  }
0x26: {  	[smem:$0x3F8D] =	sst s1;
	(tag) =	ssettag s2;
	_ =	strace s9  }
0x27: {  	s1 =	sld [smem:$0x3F9D]  }
0x28: {  	s2 =	sld [smem:$0x3F9E]  }
0x29: {  	s4 =	sld [smem:$0x3FA0]  }
0x2a: {  	p0 =	seq.s32 s5, $0x0;
	s5 =	sld [smem:$0x3FA1]  }
0x2b: {  	s6 =	sld [smem:$0x3FA2]  }
0x2c: {  	s7 =	sld [smem:$0x3FA3]  }
0x2d: {  	s3 =	simm.s32 $0x108;
	s8 =	sld [smem:$0x3FA4]  }
0x2e: {  	s3 =	simm.s32 @!p0 $0x1082;
	s9 =	sld [smem:$0x3FA5]  }
0x2f: {  	lr =	sadd.s32 s0, s3;
	s0 =	sld [smem:$0x3F9C]  }
0x30: {  	s3 =	sld [smem:$0x3F9F]  }
0x31: {  	[smem:$0x3FA8] =	sst s10  }
0x32: {  	s10 =	sld [smem:$0x3FA6];
	_ =	sdelay $0x3  }
0x33: {  	p0 =	seq.s32 s10, $0x1;
	s10 =	sld [smem:$0x3FA8];
	_ =	sdelay $0x3  }
0x34: {  	[smem:$0x3FA8] =	sst s10  }
0x35: {  	s10 =	sld [smem:$0x3FA7];
	_ =	sdelay $0x3  }
0x36: {  	p1 =	seq.s32 s10, $0x1;
	s10 =	sld [smem:$0x3FA8];
	_ =	sdelay $0x3  }
0x37: {  	[smem:$0x3FA8] =	sst s10  }
0x38: {  	s10 =	sld [smem:$0x3FA9]  }
0x39: {  	_ = 	snop;
	(pc) =	sbr.ind lr, $3  }
0x3a: {  	_ = 	snop  }
0x3b: {  	_ = 	snop  }
0x3c: {  	p2 =	seq.s32 s10, $0x1;
	s10 =	sld [smem:$0x3FA8]  }
0x3d: {  	_ =	shalt  }
0x3e: {  	_ =	shalt  }
0x3f: {  	_ =	shalt  }
0x40: {  	_ =	shalt  }
0x41: {  	_ =	shalt  }
0x42: {  	_ =	shalt  }
0x43: {  	_ =	shalt  }
0x44: {  	_ =	shalt  }
0x45: {  	_ =	shalt  }
0x46: {  	_ =	shalt  }
0x47: {  	_ =	shalt  }
0x48: {  	_ =	shalt  }
0x49: {  	_ =	shalt  }
0x4a: {  	_ =	shalt  }
0x4b: {  	_ =	shalt  }
0x4c: {  	_ =	shalt  }
0x4d: {  	_ =	shalt  }
0x4e: {  	_ =	shalt  }
0x4f: {  	_ =	shalt  }
0x50: {  	_ =	shalt  }
0x51: {  	_ =	shalt  }
0x52: {  	_ =	shalt  }
0x53: {  	_ =	shalt  }
0x54: {  	_ =	shalt  }
0x55: {  	_ =	shalt  }
0x56: {  	_ =	shalt  }
0x57: {  	_ =	shalt  }
0x58: {  	_ =	shalt  }
0x59: {  	_ =	shalt  }
0x5a: {  	_ =	shalt  }
0x5b: {  	_ =	shalt  }
0x5c: {  	_ =	shalt  }
0x5d: {  	_ =	shalt  }
0x5e: {  	_ =	shalt  }
0x5f: {  	_ =	shalt  }
0x60: {  	_ =	shalt  }
0x61: {  	_ =	shalt  }
0x62: {  	_ =	shalt  }
0x63: {  	_ =	shalt  }
0x64: {  	_ =	shalt  }
0x65: {  	_ =	shalt  }
0x66: {  	_ =	shalt  }
0x67: {  	_ =	shalt  }
0x68: {  	_ =	shalt  }
0x69: {  	_ =	shalt  }
0x6a: {  	_ =	shalt  }
0x6b: {  	_ =	shalt  }
0x6c: {  	_ =	shalt  }
0x6d: {  	_ =	shalt  }
0x6e: {  	_ =	shalt  }
0x6f: {  	_ =	shalt  }
0x70: {  	_ =	shalt  }
0x71: {  	_ =	shalt  }
0x72: {  	_ =	shalt  }
0x73: {  	_ =	shalt  }
0x74: {  	_ =	shalt  }
0x75: {  	_ =	shalt  }
0x76: {  	_ =	shalt  }
0x77: {  	_ =	shalt  }
0x78: {  	_ =	shalt  }
0x79: {  	_ =	shalt  }
0x7a: {  	_ =	shalt  }
0x7b: {  	_ =	shalt  }
0x7c: {  	_ =	shalt  }
0x7d: {  	_ =	shalt  }
0x7e: {  	_ =	shalt  }
0x7f: {  	_ =	shalt  }
0x80: {  	_ =	shalt  }
0x81: {  	_ =	shalt  }
0x82: {  	_ =	shalt  }
0x83: {  	_ =	shalt  }
0x84: {  	_ =	shalt  }
0x85: {  	_ =	shalt  }
0x86: {  	_ =	shalt  }
0x87: {  	_ =	shalt  }
.Lfunc_end0:
.L_simem_size_0:
called_computation_lowered:
.L_overlay_start_0:
0x88: {  	s2 =	sld [smem:$0x3FD9]  }
0x89: {  	s3 =	sld [smem:$0x3FFE];
	_ =	sdelay $0x1  }
0x8a: {  	s1 =	srdreg.scid  }
0x8b: {  	s0 =	sand.u32 $0x1, s1  }
0x8c: {  	s17 =	sshll.u32 s0, $0xA;
	s2 =	sadd.s32 s3, s2  }
0x8d: {  	s2 =	sadd.s32 s2, s17  }
0x8e: {  	[smem:$0x3FB4] =	sst s2  }
0x8f: {  	_ = 	snop  }
0x90: {  	s2 =	sld [smem:$0x3FC9]  }
0x91: {  	s18 =	sld [smem:$0x3FD0];
	(tm) =	ssettm $0x1  }
0x92: {  	s4 =	sld [smem:$0x3FFB];
	_ =	sdelay $0x3  }
0x93: {  	_ =	strace s4  }
0x94: {  	s4 =	sld [smem:$0x3FFC];
	_ =	sdelay $0x3  }
0x95: {  	_ =	strace s4  }
0x96: {  	s4 =	sld [smem:$0x3FFD];
	_ =	sdelay $0x3  }
0x97: {  	_ =	strace s4  }
0x98: {  	_ =	strace $0x8FFFFFFF  }
0x99: {  	s19 =	sld [smem:$0x3FDB];
	_ =	sdelay $0x1  }
0x9a: {  	s5 =	simm.s32 $_scs_section_size  }
0x9b: {  	s6 =	simm.s32 $_size__tile_overlayer_lowered;
	s7 =	simm.s32 $_tile_overlayer_lowered  }
0x9c: {  	s22 =	simm.s32 $0x1BFF;
	s21 =	sshll.u32 s7, $0x1;
	s4 =	sadd.s32 s5, s19  }
0x9d: {  	s8 =	simm.s32 $0x0;
	s20 =	sshll.u32 s6, $0x1;
	s6 =	sadd.s32 s21, s4  }
0x9e: {  	[timem:s8], [sflag:s22] =	dma.local [hbm:s6], s20  }
0x9f: {  	_ =	swait.ge [sflag:s22], s20  }
0xa0: {  	s5 =	ssub.s32 $0x0, s20;
	[sflag:s22] =	ssyncset.done $0x0  }
0xa1: {  	[sflag:s22] =	ssyncadd.s32 s5;
	_ =	sdelay $0x1  }
0xa2: {  	s23 =	simm.s32 $0x1B8B  }
0xa3: {  	_ =	swait.ge [sflag:s23], $0x1  }
0xa4: {  	[sflag:s23] =	ssyncset.done $0x0  }
0xa5: {  	s25 =	simm.s32 $0x1B8E;
	s24 =	sld [smem:$0x3FFE];
	[sflag:s23] =	ssyncadd.s32 $0xFFFFFFFF  }
0xa6: {  	s26 =	simm.s32 $execute0_lowered;
	[smem:$0x3FD2] =	sst s25  }
0xa7: {  	s6 =	sshll.u32 s26, $0x1;
	_ =	strace $0x80000046;
	[dreg:$0x1] =	wrdreg $0xFFFFFFFF  }
0xa8: {  	s28 =	simm.s32 $_size_execute0_lowered;
	s4 =	sadd.s32 s4, s6;
	[dreg:$0x0] =	wrdreg $0x0  }
0xa9: {  	s6 =	sshll.u32 s28, $0x1;
	[dreg:$0x2] =	wrdreg s4  }
0xaa: {  	[dreg:$0x3] =	wrdreg s6  }
0xab: {  	[dreg:$0x4] =	wrdreg $0xC0  }
0xac: {  	_ =	task [dreg:s8], $0x5FFFF  }
0xad: {  	[dreg:$0x1] =	wrdreg $0xFFFFFFFF  }
0xae: {  	[dreg:$0x0] =	wrdreg $0x60  }
0xaf: {  	[dreg:$0x2] =	wrdreg s2  }
0xb0: {  	[dreg:$0x3] =	wrdreg s24  }
0xb1: {  	[dreg:$0x4] =	wrdreg s18  }
0xb2: {  	[dreg:$0x5] =	wrdreg $0x0  }
0xb3: {  	[dreg:$0x6] =	wrdreg $0x9  }
0xb4: {  	_ =	task.clear_ibuf [dreg:s8], $0x7FFFF;
	_ =	strace $0x90000046  }
0xb5: {  	s29 =	simm.s32 $0x9;
	_ =	strace $0x80000048  }
0xb6: {  	_ =	swait.ge [sflag:s29], $0x1  }
0xb7: {  	[sflag:s29] =	ssyncadd.s32 $0xFFFFFFFF  }
0xb8: {  	_ =	strace $0x90000048  }
0xb9: {  	_ =	sfence  }
0xba: {  	s30 =	sld [smem:$0x0];
	_ =	sdelay $0x2  }
0xbb: {  	s31 =	sshll.u32 s1, $0xD;
	s1 =	sshrl.u32 s1, $0x2  }
0xbc: {  	s3 =	sand.u32 $0x4000, s31;
	s1 =	sadd.s32 s1, s30  }
0xbd: {  	s0 =	sor.u32 s3, s0;
	s1 =	sshll.u32 s1, $0x11  }
0xbe: {  	s0 =	sor.u32 s1, s0  }
0xbf: {  	s0 =	sadd.s32 $0x8F2B, s0  }
0xc0: {  	[sflag:s0] =	ssyncadd.remote.s32 $0x1  }
0xc1: {  	_ =	sfence.sel $0xFFFF  }
0xc2: {  	[dreg:$0x0] =	wrdreg $0xFFFFFFFF;
	(pc) =	sbr.abs _section_cstart, $3  }
0xc3: {  	[dreg:$0x1] =	wrdreg $0xFFFFFFFF  }
0xc4: {  	_ =	task.clear_ibuf [dreg:s8], $0x2FFFF;
	_ =	strace $0x9FFFFFFF  }
0xc5: {  	(tm) =	ssettm $0x7FFFFFFF  }
tec
execute0_lowered:
.L_overlay_start_1:
0x0: {  	(tag) =	ssettag $0x1  }
0x1: {  	s1 =	rddreg [dreg:$0x0]  }
0x2: {  	s0 =	rddreg [dreg:$0x1]  }
0x3: {  	s4 =	rddreg [dreg:$0x2]  }
0x4: {  	s2 =	rddreg [dreg:$0x3];
	s3 =	simm.s32 $0x0  }
0x5: {  	s7 =	srdreg.scid;
	s16 =	stileid.u32;
	s28 =	simm.s32 $0x13A80  }
0x6: {  	s31 =	simm.s32 $0x5;
	[smem:$0x7FF] =	sst s3;
	s5 =	sadd.s32 $0x505A00, s0  }
0x7: {  	s6 =	sadd.s32 $0x3A00, s0;
	s8 =	sand.u32 $0x1, s7;
	s10 =	smul.u32 $0x4E000, s16  }
0x8: {  	s7 =	sadd.s32 $0x13A00, s0;
	s12 =	sshll.u32 s16, $0x1;
	s15 =	smul.u32 $0x13800, s16  }
0x9: {  	s0 =	sadd.s32 $0x23A00, s0;
	s13 =	sshll.u32 s16, $0x6;
	s3 =	sadd.s32 $0x138000, s2  }
0xa: {  	p0 =	sne.s32 s16, $0xF;
	_ =	strace $0x80000047;
	s9 =	ssub.s32 $0x2, s8  }
0xb: {  	s26 =	sor.u32 s8, s12;
	s20 =	sor.u32 $0x1C0D, s13;
	[dreg:$0x8] =	wrdreg s3  }
0xc: {  	s8 =	smul.u32 $0x138800, s8;
	s3 =	simm.s32 $0x0;
	s11 =	sshrl.u32 s9, $0x1  }
0xd: {  	s10 =	sshrl.u32 s10, $0x2;
	s29 =	sshrl.u32 s15, $0x3;
	s13 =	smul.u32 $0x2710, s26  }
0xe: {  	s14 =	sshll.u32 s26, $0xE;
	s12 =	sshll.u32 s26, $0xB;
	s17 =	smul.u32 $0x27100, s26  }
0xf: {  	[dreg:$0x7] =	wrdreg s20;
	s9 =	ssub.s32 s9, s11;
	s10 =	sadd.s32 s10, s2  }
0x10: {  	s30 =	sadd.s32 s4, s29;
	s4 =	sadd.s32 $0x27000, s4;
	[dreg:$0x5] =	wrdreg s10  }
0x11: {  	s18 =	sadd.s32 s6, s12;
	s19 =	sor.u32 $0x10, s12;
	[dreg:$0x6] =	wrdreg s30  }
0x12: {  	s24 =	sadd.s32 s15, s8;
	s8 =	sshrl.u32 s8, $0x3;
	[dreg:$0x9] =	wrdreg s4  }
0x13: {  	s11 =	simm.s32 $0x9;
	[dreg:$0xa] =	wrdreg s18;
	s4 =	sadd.s32 s7, s12  }
0x14: {  	s21 =	sadd.s32 s6, s19;
	s22 =	sadd.s32 s7, s19;
	s23 =	sadd.s32 s5, s17  }
0x15: {  	s25 =	sadd.s32 $0x140, s13;
	s8 =	sadd.s32 s0, s8;
	[dreg:$0xb] =	wrdreg s4  }
0x16: {  	s29 =	smax.u32 s9, $0x1;
	s30 =	sadd.s32 $0xF0, s13;
	[dreg:$0xc] =	wrdreg s21  }
0x17: {  	s9 =	simm.s32 $0x3;
	s12 =	simm.s32 $0xE;
	[dreg:$0xd] =	wrdreg s22  }
0x18: {  	s17 =	simm.s32 $0x2;
	s18 =	simm.s32 $0x4;
	[dreg:$0xe] =	wrdreg s23  }
0x19: {  	s19 =	simm.s32 $0xA;
	s10 =	simm.s32 $0xB;
	[dreg:$0xf] =	wrdreg s25  }
.Ltmp0:
0x1a: {  	s4 =	sshrl.u32 s24, $0x3;
	[dreg:$0x12] =	wrdreg s29;
	(pc) =	sbr.rel .LBB2_1-.Ltmp0, $4  }
0x1b: {  	s26 =	sadd.s32 $0x27000, s8;
	[dreg:$0x13] =	wrdreg s30;
	s25 =	simm.s32 $0xD  }
0x1c: {  	s8 =	simm.s32 $0x1;
	s21 =	simm.s32 $0x16480;
	s22 =	simm.s32 $0x8  }
0x1d: {  	s23 =	simm.s32 $0xC;
	s0 =	sadd.s32 s0, s4;
	[dreg:$0x11] =	wrdreg s26  }
0x1e: {  	s4 =	simm.s32 $0x13C80;
	[dreg:$0x10] =	wrdreg s0;
	s0 =	simm.s32 $0x50  }
.LBB2_17:
0x1f: {  	[bflag:$0x0] =	sbarrier.arrive $0xFFFF  }
0x20: {  	s20 =	rddreg [dreg:$0x7]  }
0x21: {  	s15 =	rddreg [dreg:$0x10]  }
0x22: {  	s3 =	rddreg [dreg:$0x15]  }
0x23: {  	[hbm:s15], [sflag:s20] =	dma.local [spmem:s3], $0x2700  }
0x24: {  	_ =	swait.ge [sflag:s25], $0x2700  }
0x25: {  	[sflag:s25] =	ssyncset.done $0x0;
	s15 =	rddreg [dreg:$0x11]  }
0x26: {  	s3 =	rddreg [dreg:$0x16];
	[sflag:s25] =	ssyncadd.s32 $0xFFFFD900  }
0x27: {  	[hbm:s15], [sflag:s20] =	dma.local @!p0 [spmem:s3], $0x100  }
0x28: {  	s15 =	simm.s32 @!p0 $0xD  }
0x29: {  	_ =	swait.ge @!p0 [sflag:s15], $0x100  }
0x2a: {  	s30 =	rddreg [dreg:$0x14]  }
0x2b: {  	s16 =	rddreg [dreg:$0x12];
	s3 =	sadd.s32 $0x1, s30  }
0x2c: {  	p1 =	sne.s32 s3, s16  }
.Ltmp1:
0x2d: {  	_ = 	snop;
	(pc) =	sbr.rel @!p1 .LBB2_18-.Ltmp1, $3  }
0x2e: {  	_ =	sdelay $0x1  }
0x2f: {  	[sflag:s15] =	ssyncset.done @!p0 $0x0  }
0x30: {  	[sflag:s15] =	ssyncadd.s32 @!p0 $0xFFFFFF00  }
.LBB2_1:
0x31: {  	[dreg:$0x14] =	wrdreg s3  }
0x32: {  	s15 =	rddreg [dreg:$0x5]  }
0x33: {  	s29 =	rddreg [dreg:$0x6];
	s26 =	sshrl.u32 s15, $0x3  }
0x34: {  	[dreg:$0x15] =	wrdreg s26  }
0x35: {  	[spmem:s26], [sflag:s20] =	dma.local [hbm:s29], $0x2700  }
0x36: {  	_ =	swait.ge [sflag:s25], $0x2700  }
0x37: {  	s15 =	rddreg [dreg:$0x8]  }
0x38: {  	[sflag:s25] =	ssyncset.done $0x0;
	s3 =	sshrl.u32 @!p0 s15, $0x3;
	s15 =	rddreg [dreg:$0x9]  }
0x39: {  	[sflag:s25] =	ssyncadd.s32 $0xFFFFD900;
	[dreg:$0x16] =	wrdreg s3  }
0x3a: {  	[spmem:s3], [sflag:s20] =	dma.local @!p0 [hbm:s15], $0x100  }
0x3b: {  	s20 =	simm.s32 @!p0 $0xD  }
0x3c: {  	_ =	swait.ge @!p0 [sflag:s20], $0x100  }
0x3d: {  	[sflag:s20] =	ssyncset.done @!p0 $0x0  }
0x3e: {  	[sflag:s20] =	ssyncadd.s32 @!p0 $0xFFFFFF00  }
0x3f: {  	[bflag:$0x0] =	sbarrier.arrive $0xFFFF  }
0x40: {  	s16 =	simm.s32 $0x13880;
	s20 =	simm.s32 $0x0;
	s3 =	rddreg [dreg:$0xa]  }
0x41: {  	[tilespmem:s16], [sflag:$0x5] =	stream.linear.gather [hbm4b:s3+s20], $0x80, $0x38;
	[tilespmem:$0x1DC80] =	vst v63  }
0x42: {  	s24 =	rddreg [dreg:$0xb]  }
0x43: {  	[tilespmem:s28], [sflag:$0x9] =	stream.linear.gather [hbm4b:s24+s20], $0x80, $0x38;
	[tilespmem:$0x1DC80] =	vst v63  }
0x44: {  	s29 =	simm.s32 $0x13900;
	s26 =	rddreg [dreg:$0xc]  }
0x45: {  	[tilespmem:s29], [sflag:$0x6] =	stream.linear.gather [hbm4b:s26+s20], $0x80, $0x38;
	[tilespmem:$0x1DC80] =	vst v63  }
0x46: {  	s3 =	rddreg [dreg:$0xd];
	s24 =	simm.s32 $0x13B00  }
0x47: {  	[tilespmem:s24], [sflag:$0xA] =	stream.linear.gather [hbm4b:s3+s20], $0x80, $0x38;
	[tilespmem:$0x1DC80] =	vst v63  }
0x48: {  	_ =	swait.ge [sflag:s31], $0x80  }
.Ltmp2:
0x49: {  	[sflag:s31] =	ssyncset.done $0x0;
	(pc) =	sbr.rel .LBB2_2-.Ltmp2, $4  }
0x4a: {  	s30 =	simm.s32 $0x0;
	[sflag:s31] =	ssyncadd.s32 $0xFFFFFF80  }
0x4b: {  	[tilespmem:s4], [sflag:$0x1] =	stream.indirect.gather [hbm4b:s1+s0], $0x80, s16, s0, $0xb8;
	[tilespmem:$0x1DC80] =	vst v63  }
0x4c: {  	s29 =	simm.s32 $0x18C80;
	s3 =	simm.s32 $0x13880;
	s26 =	rddreg [dreg:$0xe]  }
0x4d: {  	[tilespmem:s29], [sflag:$0x3] =	stream.linear.gather [hbm4b:s26+s20], $0x2800, $0x38;
	[tilespmem:$0x1DC80] =	vst v63  }
.LBB2_16:
0x4e: {  	s30 =	sadd.s32 $0x1, s30  }
0x4f: {  	p1 =	sne.s32 s30, $0x20  }
.Ltmp3:
0x50: {  	_ = 	snop;
	(pc) =	sbr.rel @!p1 .LBB2_17-.Ltmp3, $1  }
0x51: {  	_ =	sdelay $0x3  }
.LBB2_2:
0x52: {  	s20 =	sshll.u32 s30, $0x2  }
0x53: {  	s29 =	sor.u32 $0x2, s20  }
0x54: {  	p1 =	sgt.u32 s29, $0x7C  }
0x55: {  	s24 =	sshll.u32 @!p1 s29, $0x7;
	s15 =	sshll.u32 @!p1 s30, $0x9  }
0x56: {  	s24 =	sand.u32 @!p1 $0x300, s24;
	s15 =	sand.u32 @!p1 $0x3C00, s15  }
0x57: {  	s15 =	sor.u32 @!p1 s24, s15  }
0x58: {  	s15 =	sor.u32 @!p1 s14, s15  }
0x59: {  	s15 =	sshrl.u32 @!p1 s15, $0x3  }
0x5a: {  	s16 =	simm.s32 @!p1 $0x0;
	s26 =	simm.s32 @!p1 $0x13980;
	s24 =	sadd.s32 @!p1 s6, s15  }
0x5b: {  	[tilespmem:s26], [sflag:$0x7] =	stream.linear.gather @!p1 [hbm4b:s24+s16], $0x80, $0x38;
	[tilespmem:$0x1DC80] =	vst v63  }
0x5c: {  	s15 =	sadd.s32 @!p1 s7, s15;
	s24 =	simm.s32 @!p1 $0x13B80  }
0x5d: {  	[tilespmem:s24], [sflag:$0xB] =	stream.linear.gather @!p1 [hbm4b:s15+s16], $0x80, $0x38;
	[tilespmem:$0x1DC80] =	vst v63  }
0x5e: {  	_ =	swait.ge [sflag:s8], $0x2800  }
0x5f: {  	[sflag:s8] =	ssyncset.done $0x0  }
0x60: {  	[sflag:s8] =	ssyncadd.s32 $0xFFFFD800  }
0x61: {  	s15 =	sor.u32 $0x1, s20;
	_ =	swait.ge [sflag:s9], $0x2800  }
0x62: {  	p2 =	sgt.u32 s15, $0x7C;
	[sflag:s9] =	ssyncset.done $0x0  }
0x63: {  	s16 =	simm.s32 @!p2 $0x6;
	s15 =	smul.u32 @!p2 $0x50, s15;
	[sflag:s9] =	ssyncadd.s32 $0xFFFFD800  }
0x64: {  	s20 =	simm.s32 @!p2 $0x13900;
	_ =	swait.ge @!p2 [sflag:s16], $0x80  }
0x65: {  	s24 =	simm.s32 @!p2 $0x16480;
	s15 =	sadd.s32 @!p2 s13, s15;
	[sflag:s16] =	ssyncset.done @!p2 $0x0  }
0x66: {  	s15 =	sshll.u32 @!p2 s15, $0x4;
	[sflag:s16] =	ssyncadd.s32 @!p2 $0xFFFFFF80;
	s16 =	simm.s32 @!p2 $0x50  }
0x67: {  	[tilespmem:s24], [sflag:$0x2] =	stream.indirect.gather @!p2 [hbm4b:s1+s16], $0x80, s20, s16, $0xb8;
	[tilespmem:$0x1DC80] =	vst v63  }
0x68: {  	s15 =	sadd.s32 @!p2 s5, s15;
	s16 =	simm.s32 @!p2 $0x0;
	s20 =	simm.s32 @!p2 $0x1B480  }
0x69: {  	[tilespmem:s20], [sflag:$0x4] =	stream.linear.gather @!p2 [hbm4b:s15+s16], $0x2800, $0x38;
	[tilespmem:$0x1DC80] =	vst v63  }
0x6a: {  	s20 =	simm.s32 $0x0  }
0x6b: {  	v6 =	vld [tilespmem:s20+$0x18C80]  }
0x6c: {  	v11 =	vld [tilespmem:s20+$0x18C90]  }
0x6d: {  	v5 =	vld [tilespmem:s20+$0x18CA0]  }
0x6e: {  	v4 =	vld [tilespmem:s20+$0x18CB0]  }
0x6f: {  	v3 =	vld [tilespmem:s20+$0x18CC0]  }
0x70: {  	v2 =	vld [tilespmem:s20+$0x18CD0]  }
0x71: {  	v1 =	vld [tilespmem:s20+$0x18CE0]  }
0x72: {  	v0 =	vld [tilespmem:s20+$0x18CF0]  }
0x73: {  	v12 =	vld [tilespmem:s20+$0x13C80]  }
0x74: {  	v13 =	vld [tilespmem:s20+$0x13C90]  }
0x75: {  	v10 =	vld [tilespmem:s20+$0x13CA0]  }
0x76: {  	v9 =	vld [tilespmem:s20+$0x13CB0]  }
0x77: {  	v8 =	vld [tilespmem:s20+$0x13CC0]  }
0x78: {  	v7 =	vld [tilespmem:s20+$0x13CD0];
	v12 =	vadd.f32 v6, v12  }
0x79: {  	s24 =	simm.s32 $0x200;
	v11 =	vadd.f32 v11, v13;
	v6 =	vld [tilespmem:s20+$0x13CE0]  }
.LBB2_3:
0x7a: {  	s15 =	sshra.s32 s24, $0x2;
	p3 =	sne.s32 s24, $0x9E00;
	v12 =	vmax.f32 v12, $0.0e+00;
	v5 =	vadd.f32 v5, v10;
	v10 =	vld [tilespmem:s20+$0x13CF0]  }
0x7b: {  	v13 =	vld [tilespmem:s15+$0x18C80];
	[tilespmem:s20+$0x13C80] =	vst v12;
	v11 =	vmax.f32 v11, $0.0e+00;
	v4 =	vadd.f32 v4, v9  }
0x7c: {  	v14 =	vld [tilespmem:s15+$0x18C90];
	[tilespmem:s20+$0x13C90] =	vst v11;
	v9 =	vmax.f32 v5, $0.0e+00;
	v3 =	vadd.f32 v3, v8  }
0x7d: {  	v5 =	vld [tilespmem:s15+$0x18CA0];
	[tilespmem:s20+$0x13CA0] =	vst v9;
	v8 =	vmax.f32 v4, $0.0e+00;
	v2 =	vadd.f32 v2, v7  }
0x7e: {  	v4 =	vld [tilespmem:s15+$0x18CB0];
	[tilespmem:s20+$0x13CB0] =	vst v8;
	v7 =	vmax.f32 v3, $0.0e+00;
	v1 =	vadd.f32 v1, v6  }
0x7f: {  	v3 =	vld [tilespmem:s15+$0x18CC0];
	[tilespmem:s20+$0x13CC0] =	vst v7;
	v6 =	vmax.f32 v2, $0.0e+00;
	v0 =	vadd.f32 v0, v10  }
0x80: {  	v2 =	vld [tilespmem:s15+$0x18CD0];
	[tilespmem:s20+$0x13CD0] =	vst v6;
	v6 =	vmax.f32 v1, $0.0e+00  }
0x81: {  	v1 =	vld [tilespmem:s15+$0x18CE0];
	[tilespmem:s20+$0x13CE0] =	vst v6;
	v6 =	vmax.f32 v0, $0.0e+00  }
0x82: {  	v0 =	vld [tilespmem:s15+$0x18CF0];
	[tilespmem:s20+$0x13CF0] =	vst v6;
	s20 =	smov.u32 s15  }
0x83: {  	v6 =	vld [tilespmem:s20+$0x13C80]  }
0x84: {  	v11 =	vld [tilespmem:s20+$0x13C90]  }
.Ltmp4:
0x85: {  	v10 =	vld [tilespmem:s20+$0x13CA0];
	(pc) =	sbr.rel @p3 .LBB2_3-.Ltmp4, $4  }
0x86: {  	v9 =	vld [tilespmem:s20+$0x13CB0]  }
0x87: {  	v8 =	vld [tilespmem:s20+$0x13CC0]  }
0x88: {  	v12 =	vadd.f32 v13, v6;
	v7 =	vld [tilespmem:s20+$0x13CD0]  }
0x89: {  	s24 =	sadd.s32 $0x200, s24;
	v11 =	vadd.f32 v14, v11;
	v6 =	vld [tilespmem:s20+$0x13CE0]  }
0x8a: {  	v12 =	vmax.f32 v12, $0.0e+00;
	v5 =	vadd.f32 v5, v10;
	v63 =	vld [tilespmem:s20+$0x13CF0]  }
0x8b: {  	[tilespmem:s20+$0x13C80] =	vst v12;
	v11 =	vmax.f32 v11, $0.0e+00;
	v4 =	vadd.f32 v4, v9  }
0x8c: {  	[tilespmem:s20+$0x13C90] =	vst v11;
	v5 =	vmax.f32 v5, $0.0e+00;
	v3 =	vadd.f32 v3, v8  }
0x8d: {  	[tilespmem:s20+$0x13CA0] =	vst v5;
	v4 =	vmax.f32 v4, $0.0e+00;
	v2 =	vadd.f32 v2, v7  }
0x8e: {  	[tilespmem:s20+$0x13CB0] =	vst v4;
	v3 =	vmax.f32 v3, $0.0e+00;
	v1 =	vadd.f32 v1, v6  }
0x8f: {  	[tilespmem:s20+$0x13CC0] =	vst v3;
	v2 =	vmax.f32 v2, $0.0e+00;
	v0 =	vadd.f32 v0, v63  }
0x90: {  	[tilespmem:s20+$0x13CD0] =	vst v2;
	v1 =	vmax.f32 v1, $0.0e+00  }
0x91: {  	[tilespmem:s20+$0x13CE0] =	vst v1;
	v0 =	vmax.f32 v0, $0.0e+00  }
0x92: {  	[tilespmem:s20+$0x13CF0] =	vst v0  }
0x93: {  	_ =	swait.ge [sflag:s11], $0x80  }
0x94: {  	[sflag:s11] =	ssyncset.done $0x0  }
.Ltmp5:
0x95: {  	[sflag:s11] =	ssyncadd.s32 $0xFFFFFF80;
	(pc) =	sbr.rel @p2 .LBB2_8-.Ltmp5, $4  }
0x96: {  	[spmem:s2] =	stream.indirect.scatter.add.f32 [tilespmem:s4], [sflag:$0xE], $0x80, s28, s0, $0xb8;
	[tilespmem:$0x1DC80] =	vst v63  }
0x97: {  	_ =	swait.ge [sflag:s12], $0x2800  }
0x98: {  	[sflag:s12] =	ssyncset.done $0x0  }
0x99: {  	s20 =	sshll.u32 s30, $0x9;
	[sflag:s12] =	ssyncadd.s32 $0xFFFFD800  }
0x9a: {  	s15 =	sand.u32 $0x3E00, s20  }
0x9b: {  	s15 =	sor.u32 s14, s15  }
0x9c: {  	s15 =	sshrl.u32 s15, $0x3  }
0x9d: {  	s15 =	sor.u32 $0x30, s15  }
0x9e: {  	s24 =	simm.s32 $0x0;
	s26 =	simm.s32 $0x13A00;
	s16 =	sadd.s32 s6, s15  }
0x9f: {  	[tilespmem:s26], [sflag:$0x8] =	stream.linear.gather [hbm4b:s16+s24], $0x80, $0x38;
	[tilespmem:$0x1DC80] =	vst v63  }
0xa0: {  	s15 =	sadd.s32 s7, s15;
	s26 =	simm.s32 $0x13C00  }
0xa1: {  	[tilespmem:s26], [sflag:$0xC] =	stream.linear.gather [hbm4b:s15+s24], $0x80, $0x38;
	[tilespmem:$0x1DC80] =	vst v63  }
0xa2: {  	_ =	swait.ge [sflag:s17], $0x2800  }
0xa3: {  	[sflag:s17] =	ssyncset.done $0x0  }
0xa4: {  	[sflag:s17] =	ssyncadd.s32 $0xFFFFD800  }
0xa5: {  	_ =	swait.ge [sflag:s18], $0x2800  }
0xa6: {  	[sflag:s18] =	ssyncset.done $0x0  }
0xa7: {  	s15 =	simm.s32 @!p1 $0x7;
	[sflag:s18] =	ssyncadd.s32 $0xFFFFD800  }
0xa8: {  	_ =	swait.ge @!p1 [sflag:s15], $0x80  }
0xa9: {  	s16 =	simm.s32 @!p1 $0x13980;
	s24 =	simm.s32 @!p1 $0x13C80;
	[sflag:s15] =	ssyncset.done @!p1 $0x0  }
0xaa: {  	s26 =	smul.u32 @!p1 $0x50, s29;
	[sflag:s15] =	ssyncadd.s32 @!p1 $0xFFFFFF80;
	s15 =	simm.s32 @!p1 $0x50  }
0xab: {  	[tilespmem:s24], [sflag:$0x1] =	stream.indirect.gather @!p1 [hbm4b:s1+s15], $0x80, s16, s15, $0xb8;
	[tilespmem:$0x1DC80] =	vst v63  }
0xac: {  	s15 =	sadd.s32 @!p1 s13, s26  }
0xad: {  	s29 =	simm.s32 $0x0;
	s15 =	sshll.u32 @!p1 s15, $0x4  }
0xae: {  	s16 =	simm.s32 @!p1 $0x0;
	s24 =	simm.s32 @!p1 $0x18C80;
	s15 =	sadd.s32 @!p1 s5, s15  }
0xaf: {  	[tilespmem:s24], [sflag:$0x3] =	stream.linear.gather @!p1 [hbm4b:s15+s16], $0x2800, $0x38;
	[tilespmem:$0x1DC80] =	vst v63  }
0xb0: {  	v6 =	vld [tilespmem:s29+$0x1B480]  }
0xb1: {  	v11 =	vld [tilespmem:s29+$0x1B490]  }
0xb2: {  	v5 =	vld [tilespmem:s29+$0x1B4A0]  }
0xb3: {  	v4 =	vld [tilespmem:s29+$0x1B4B0]  }
0xb4: {  	v3 =	vld [tilespmem:s29+$0x1B4C0]  }
0xb5: {  	v2 =	vld [tilespmem:s29+$0x1B4D0]  }
0xb6: {  	v1 =	vld [tilespmem:s29+$0x1B4E0]  }
0xb7: {  	v0 =	vld [tilespmem:s29+$0x1B4F0]  }
0xb8: {  	v12 =	vld [tilespmem:s29+$0x16480]  }
0xb9: {  	v13 =	vld [tilespmem:s29+$0x16490]  }
0xba: {  	v10 =	vld [tilespmem:s29+$0x164A0]  }
0xbb: {  	v9 =	vld [tilespmem:s29+$0x164B0]  }
0xbc: {  	v8 =	vld [tilespmem:s29+$0x164C0]  }
0xbd: {  	v7 =	vld [tilespmem:s29+$0x164D0];
	v12 =	vadd.f32 v6, v12  }
0xbe: {  	s24 =	simm.s32 $0x200;
	v11 =	vadd.f32 v11, v13;
	v6 =	vld [tilespmem:s29+$0x164E0]  }
.LBB2_6:
0xbf: {  	s15 =	sshra.s32 s24, $0x2;
	p2 =	sne.s32 s24, $0x9E00;
	v12 =	vmax.f32 v12, $0.0e+00;
	v5 =	vadd.f32 v5, v10;
	v10 =	vld [tilespmem:s29+$0x164F0]  }
0xc0: {  	v13 =	vld [tilespmem:s15+$0x1B480];
	[tilespmem:s29+$0x16480] =	vst v12;
	v11 =	vmax.f32 v11, $0.0e+00;
	v4 =	vadd.f32 v4, v9  }
0xc1: {  	v14 =	vld [tilespmem:s15+$0x1B490];
	[tilespmem:s29+$0x16490] =	vst v11;
	v9 =	vmax.f32 v5, $0.0e+00;
	v3 =	vadd.f32 v3, v8  }
0xc2: {  	v5 =	vld [tilespmem:s15+$0x1B4A0];
	[tilespmem:s29+$0x164A0] =	vst v9;
	v8 =	vmax.f32 v4, $0.0e+00;
	v2 =	vadd.f32 v2, v7  }
0xc3: {  	v4 =	vld [tilespmem:s15+$0x1B4B0];
	[tilespmem:s29+$0x164B0] =	vst v8;
	v7 =	vmax.f32 v3, $0.0e+00;
	v1 =	vadd.f32 v1, v6  }
0xc4: {  	v3 =	vld [tilespmem:s15+$0x1B4C0];
	[tilespmem:s29+$0x164C0] =	vst v7;
	v6 =	vmax.f32 v2, $0.0e+00;
	v0 =	vadd.f32 v0, v10  }
0xc5: {  	v2 =	vld [tilespmem:s15+$0x1B4D0];
	[tilespmem:s29+$0x164D0] =	vst v6;
	v6 =	vmax.f32 v1, $0.0e+00  }
0xc6: {  	v1 =	vld [tilespmem:s15+$0x1B4E0];
	[tilespmem:s29+$0x164E0] =	vst v6;
	v6 =	vmax.f32 v0, $0.0e+00  }
0xc7: {  	v0 =	vld [tilespmem:s15+$0x1B4F0];
	[tilespmem:s29+$0x164F0] =	vst v6;
	s29 =	smov.u32 s15  }
0xc8: {  	v6 =	vld [tilespmem:s29+$0x16480]  }
0xc9: {  	v11 =	vld [tilespmem:s29+$0x16490]  }
.Ltmp6:
0xca: {  	v10 =	vld [tilespmem:s29+$0x164A0];
	(pc) =	sbr.rel @p2 .LBB2_6-.Ltmp6, $4  }
0xcb: {  	v9 =	vld [tilespmem:s29+$0x164B0]  }
0xcc: {  	v8 =	vld [tilespmem:s29+$0x164C0]  }
0xcd: {  	v12 =	vadd.f32 v13, v6;
	v7 =	vld [tilespmem:s29+$0x164D0]  }
0xce: {  	s24 =	sadd.s32 $0x200, s24;
	v11 =	vadd.f32 v14, v11;
	v6 =	vld [tilespmem:s29+$0x164E0]  }
0xcf: {  	v12 =	vmax.f32 v12, $0.0e+00;
	v5 =	vadd.f32 v5, v10;
	v63 =	vld [tilespmem:s29+$0x164F0]  }
0xd0: {  	[tilespmem:s29+$0x16480] =	vst v12;
	v11 =	vmax.f32 v11, $0.0e+00;
	v4 =	vadd.f32 v4, v9  }
0xd1: {  	[tilespmem:s29+$0x16490] =	vst v11;
	v5 =	vmax.f32 v5, $0.0e+00;
	v3 =	vadd.f32 v3, v8  }
0xd2: {  	[tilespmem:s29+$0x164A0] =	vst v5;
	v4 =	vmax.f32 v4, $0.0e+00;
	v2 =	vadd.f32 v2, v7  }
0xd3: {  	[tilespmem:s29+$0x164B0] =	vst v4;
	v3 =	vmax.f32 v3, $0.0e+00;
	v1 =	vadd.f32 v1, v6  }
0xd4: {  	[tilespmem:s29+$0x164C0] =	vst v3;
	v2 =	vmax.f32 v2, $0.0e+00;
	v0 =	vadd.f32 v0, v63  }
0xd5: {  	[tilespmem:s29+$0x164D0] =	vst v2;
	v1 =	vmax.f32 v1, $0.0e+00  }
0xd6: {  	[tilespmem:s29+$0x164E0] =	vst v1;
	v0 =	vmax.f32 v0, $0.0e+00  }
0xd7: {  	[tilespmem:s29+$0x164F0] =	vst v0  }
0xd8: {  	_ =	swait.ge [sflag:s19], $0x80  }
0xd9: {  	[sflag:s19] =	ssyncset.done $0x0  }
0xda: {  	s15 =	simm.s32 $0x13B00;
	[sflag:s19] =	ssyncadd.s32 $0xFFFFFF80  }
0xdb: {  	[spmem:s2] =	stream.indirect.scatter.add.f32 [tilespmem:s21], [sflag:$0xE], $0x80, s15, s0, $0xb8;
	[tilespmem:$0x1DC80] =	vst v63  }
0xdc: {  	_ =	swait.ge [sflag:s12], $0x2800  }
0xdd: {  	[sflag:s12] =	ssyncset.done $0x0  }
0xde: {  	[sflag:s12] =	ssyncadd.s32 $0xFFFFD800  }
.LBB2_8:
.Ltmp7:
0xdf: {  	(pc) =	sbr.rel @p1 .LBB2_12-.Ltmp7, $1  }
0xe0: {  	_ =	sdelay $0x3  }
0xe1: {  	s15 =	sadd.s32 $0x200, s20  }
0xe2: {  	s16 =	sand.u32 $0x7C00, s15  }
0xe3: {  	s15 =	sand.u32 $0x200, s15;
	s16 =	sadd.s32 s14, s16  }
0xe4: {  	s15 =	sor.u32 s15, s16  }
0xe5: {  	s15 =	sshrl.u32 s15, $0x3  }
0xe6: {  	s20 =	simm.s32 $0x0;
	s26 =	sadd.s32 s6, s15  }
0xe7: {  	[tilespmem:s3], [sflag:$0x5] =	stream.linear.gather [hbm4b:s26+s20], $0x80, $0x38;
	[tilespmem:$0x1DC80] =	vst v63  }
0xe8: {  	s15 =	sadd.s32 s7, s15  }
0xe9: {  	[tilespmem:s28], [sflag:$0x9] =	stream.linear.gather [hbm4b:s15+s20], $0x80, $0x38;
	[tilespmem:$0x1DC80] =	vst v63  }
0xea: {  	_ =	swait.ge [sflag:s8], $0x2800  }
0xeb: {  	[sflag:s8] =	ssyncset.done $0x0  }
0xec: {  	[sflag:s8] =	ssyncadd.s32 $0xFFFFD800  }
0xed: {  	_ =	swait.ge [sflag:s9], $0x2800  }
0xee: {  	[sflag:s9] =	ssyncset.done $0x0  }
0xef: {  	[sflag:s9] =	ssyncadd.s32 $0xFFFFD800  }
0xf0: {  	s29 =	smul.u32 $0x140, s30;
	_ =	swait.ge [sflag:s22], $0x80  }
0xf1: {  	[sflag:s22] =	ssyncset.done $0x0;
	s26 =	rddreg [dreg:$0x13]  }
0xf2: {  	s24 =	simm.s32 $0x13A00;
	[sflag:s22] =	ssyncadd.s32 $0xFFFFFF80;
	s15 =	sadd.s32 s26, s29  }
0xf3: {  	[tilespmem:s21], [sflag:$0x2] =	stream.indirect.gather [hbm4b:s1+s0], $0x80, s24, s0, $0xb8;
	[tilespmem:$0x1DC80] =	vst v63  }
0xf4: {  	s15 =	sshll.u32 s15, $0x4  }
0xf5: {  	s29 =	simm.s32 $0x1B480;
	s15 =	sadd.s32 s5, s15  }
0xf6: {  	[tilespmem:s29], [sflag:$0x4] =	stream.linear.gather [hbm4b:s15+s20], $0x2800, $0x38;
	[tilespmem:$0x1DC80] =	vst v63  }
0xf7: {  	s20 =	simm.s32 $0x0  }
0xf8: {  	v6 =	vld [tilespmem:s20+$0x18C80]  }
0xf9: {  	v11 =	vld [tilespmem:s20+$0x18C90]  }
0xfa: {  	v5 =	vld [tilespmem:s20+$0x18CA0]  }
0xfb: {  	v4 =	vld [tilespmem:s20+$0x18CB0]  }
0xfc: {  	v3 =	vld [tilespmem:s20+$0x18CC0]  }
0xfd: {  	v2 =	vld [tilespmem:s20+$0x18CD0]  }
0xfe: {  	v1 =	vld [tilespmem:s20+$0x18CE0]  }
0xff: {  	v0 =	vld [tilespmem:s20+$0x18CF0]  }
0x100: {  	v12 =	vld [tilespmem:s20+$0x13C80]  }
0x101: {  	v13 =	vld [tilespmem:s20+$0x13C90]  }
0x102: {  	v10 =	vld [tilespmem:s20+$0x13CA0]  }
0x103: {  	v9 =	vld [tilespmem:s20+$0x13CB0]  }
0x104: {  	v8 =	vld [tilespmem:s20+$0x13CC0]  }
0x105: {  	v7 =	vld [tilespmem:s20+$0x13CD0];
	v12 =	vadd.f32 v6, v12  }
0x106: {  	s24 =	simm.s32 $0x200;
	v11 =	vadd.f32 v11, v13;
	v6 =	vld [tilespmem:s20+$0x13CE0]  }
.LBB2_10:
0x107: {  	s15 =	sshra.s32 s24, $0x2;
	p1 =	sne.s32 s24, $0x9E00;
	v12 =	vmax.f32 v12, $0.0e+00;
	v5 =	vadd.f32 v5, v10;
	v10 =	vld [tilespmem:s20+$0x13CF0]  }
0x108: {  	v13 =	vld [tilespmem:s15+$0x18C80];
	[tilespmem:s20+$0x13C80] =	vst v12;
	v11 =	vmax.f32 v11, $0.0e+00;
	v4 =	vadd.f32 v4, v9  }
0x109: {  	v14 =	vld [tilespmem:s15+$0x18C90];
	[tilespmem:s20+$0x13C90] =	vst v11;
	v9 =	vmax.f32 v5, $0.0e+00;
	v3 =	vadd.f32 v3, v8  }
0x10a: {  	v5 =	vld [tilespmem:s15+$0x18CA0];
	[tilespmem:s20+$0x13CA0] =	vst v9;
	v8 =	vmax.f32 v4, $0.0e+00;
	v2 =	vadd.f32 v2, v7  }
0x10b: {  	v4 =	vld [tilespmem:s15+$0x18CB0];
	[tilespmem:s20+$0x13CB0] =	vst v8;
	v7 =	vmax.f32 v3, $0.0e+00;
	v1 =	vadd.f32 v1, v6  }
0x10c: {  	v3 =	vld [tilespmem:s15+$0x18CC0];
	[tilespmem:s20+$0x13CC0] =	vst v7;
	v6 =	vmax.f32 v2, $0.0e+00;
	v0 =	vadd.f32 v0, v10  }
0x10d: {  	v2 =	vld [tilespmem:s15+$0x18CD0];
	[tilespmem:s20+$0x13CD0] =	vst v6;
	v6 =	vmax.f32 v1, $0.0e+00  }
0x10e: {  	v1 =	vld [tilespmem:s15+$0x18CE0];
	[tilespmem:s20+$0x13CE0] =	vst v6;
	v6 =	vmax.f32 v0, $0.0e+00  }
0x10f: {  	v0 =	vld [tilespmem:s15+$0x18CF0];
	[tilespmem:s20+$0x13CF0] =	vst v6;
	s20 =	smov.u32 s15  }
0x110: {  	v6 =	vld [tilespmem:s20+$0x13C80]  }
0x111: {  	v11 =	vld [tilespmem:s20+$0x13C90]  }
.Ltmp8:
0x112: {  	v10 =	vld [tilespmem:s20+$0x13CA0];
	(pc) =	sbr.rel @p1 .LBB2_10-.Ltmp8, $4  }
0x113: {  	v9 =	vld [tilespmem:s20+$0x13CB0]  }
0x114: {  	v8 =	vld [tilespmem:s20+$0x13CC0]  }
0x115: {  	v12 =	vadd.f32 v13, v6;
	v7 =	vld [tilespmem:s20+$0x13CD0]  }
0x116: {  	s24 =	sadd.s32 $0x200, s24;
	v11 =	vadd.f32 v14, v11;
	v6 =	vld [tilespmem:s20+$0x13CE0]  }
0x117: {  	v12 =	vmax.f32 v12, $0.0e+00;
	v5 =	vadd.f32 v5, v10;
	v63 =	vld [tilespmem:s20+$0x13CF0]  }
0x118: {  	[tilespmem:s20+$0x13C80] =	vst v12;
	v11 =	vmax.f32 v11, $0.0e+00;
	v4 =	vadd.f32 v4, v9  }
0x119: {  	[tilespmem:s20+$0x13C90] =	vst v11;
	v5 =	vmax.f32 v5, $0.0e+00;
	v3 =	vadd.f32 v3, v8  }
0x11a: {  	[tilespmem:s20+$0x13CA0] =	vst v5;
	v4 =	vmax.f32 v4, $0.0e+00;
	v2 =	vadd.f32 v2, v7  }
0x11b: {  	[tilespmem:s20+$0x13CB0] =	vst v4;
	v3 =	vmax.f32 v3, $0.0e+00;
	v1 =	vadd.f32 v1, v6  }
0x11c: {  	[tilespmem:s20+$0x13CC0] =	vst v3;
	v2 =	vmax.f32 v2, $0.0e+00;
	v0 =	vadd.f32 v0, v63  }
0x11d: {  	[tilespmem:s20+$0x13CD0] =	vst v2;
	v1 =	vmax.f32 v1, $0.0e+00  }
0x11e: {  	[tilespmem:s20+$0x13CE0] =	vst v1;
	v0 =	vmax.f32 v0, $0.0e+00  }
0x11f: {  	[tilespmem:s20+$0x13CF0] =	vst v0  }
0x120: {  	_ =	swait.ge [sflag:s10], $0x80  }
0x121: {  	[sflag:s10] =	ssyncset.done $0x0  }
0x122: {  	s15 =	simm.s32 $0x13B80;
	[sflag:s10] =	ssyncadd.s32 $0xFFFFFF80  }
0x123: {  	[spmem:s2] =	stream.indirect.scatter.add.f32 [tilespmem:s4], [sflag:$0xE], $0x80, s15, s0, $0xb8;
	[tilespmem:$0x1DC80] =	vst v63  }
0x124: {  	_ =	swait.ge [sflag:s12], $0x2800  }
0x125: {  	[sflag:s12] =	ssyncset.done $0x0  }
0x126: {  	[sflag:s12] =	ssyncadd.s32 $0xFFFFD800  }
.LBB2_12:
0x127: {  	p1 =	sgt.u32 s30, $0x1E  }
.Ltmp9:
0x128: {  	_ = 	snop;
	(pc) =	sbr.rel @p1 .LBB2_16-.Ltmp9, $1  }
0x129: {  	_ =	sdelay $0x3  }
0x12a: {  	p1 =	seq.s32 s30, $0x1E  }
0x12b: {  	s15 =	sshll.u32 @!p1 s30, $0x9  }
0x12c: {  	s15 =	sadd.s32 @!p1 $0x280, s15  }
0x12d: {  	s16 =	sand.u32 @!p1 $0x7C00, s15  }
0x12e: {  	s15 =	sand.u32 @!p1 $0x280, s15;
	s16 =	sadd.s32 @!p1 s14, s16  }
0x12f: {  	s15 =	sor.u32 @!p1 s15, s16  }
0x130: {  	s15 =	sshrl.u32 @!p1 s15, $0x3  }
0x131: {  	s20 =	simm.s32 @!p1 $0x0;
	s24 =	simm.s32 @!p1 $0x13900;
	s16 =	sadd.s32 @!p1 s6, s15  }
0x132: {  	[tilespmem:s24], [sflag:$0x6] =	stream.linear.gather @!p1 [hbm4b:s16+s20], $0x80, $0x38;
	[tilespmem:$0x1DC80] =	vst v63  }
0x133: {  	s15 =	sadd.s32 @!p1 s7, s15;
	s16 =	simm.s32 @!p1 $0x13B00  }
0x134: {  	[tilespmem:s16], [sflag:$0xA] =	stream.linear.gather @!p1 [hbm4b:s15+s20], $0x80, $0x38;
	[tilespmem:$0x1DC80] =	vst v63  }
0x135: {  	_ =	swait.ge [sflag:s17], $0x2800  }
0x136: {  	[sflag:s17] =	ssyncset.done $0x0  }
0x137: {  	[sflag:s17] =	ssyncadd.s32 $0xFFFFD800  }
0x138: {  	_ =	swait.ge [sflag:s18], $0x2800  }
0x139: {  	[sflag:s18] =	ssyncset.done $0x0  }
0x13a: {  	[sflag:s18] =	ssyncadd.s32 $0xFFFFD800  }
0x13b: {  	s20 =	smul.u32 $0x140, s30;
	_ =	swait.ge [sflag:s31], $0x80  }
0x13c: {  	[sflag:s31] =	ssyncset.done $0x0;
	s24 =	rddreg [dreg:$0xf]  }
0x13d: {  	[sflag:s31] =	ssyncadd.s32 $0xFFFFFF80;
	s15 =	sadd.s32 s20, s24  }
0x13e: {  	[tilespmem:s4], [sflag:$0x1] =	stream.indirect.gather [hbm4b:s1+s0], $0x80, s3, s0, $0xb8;
	[tilespmem:$0x1DC80] =	vst v63  }
0x13f: {  	s26 =	simm.s32 $0x0;
	s15 =	sshll.u32 s15, $0x4  }
0x140: {  	s29 =	simm.s32 $0x18C80;
	s20 =	simm.s32 $0x0;
	s15 =	sadd.s32 s5, s15  }
0x141: {  	[tilespmem:s29], [sflag:$0x3] =	stream.linear.gather [hbm4b:s15+s26], $0x2800, $0x38;
	[tilespmem:$0x1DC80] =	vst v63  }
0x142: {  	v6 =	vld [tilespmem:s20+$0x1B480]  }
0x143: {  	v11 =	vld [tilespmem:s20+$0x1B490]  }
0x144: {  	v5 =	vld [tilespmem:s20+$0x1B4A0]  }
0x145: {  	v4 =	vld [tilespmem:s20+$0x1B4B0]  }
0x146: {  	v3 =	vld [tilespmem:s20+$0x1B4C0]  }
0x147: {  	v2 =	vld [tilespmem:s20+$0x1B4D0]  }
0x148: {  	v1 =	vld [tilespmem:s20+$0x1B4E0]  }
0x149: {  	v0 =	vld [tilespmem:s20+$0x1B4F0]  }
0x14a: {  	v12 =	vld [tilespmem:s20+$0x16480]  }
0x14b: {  	v13 =	vld [tilespmem:s20+$0x16490]  }
0x14c: {  	v10 =	vld [tilespmem:s20+$0x164A0]  }
0x14d: {  	v9 =	vld [tilespmem:s20+$0x164B0]  }
0x14e: {  	v8 =	vld [tilespmem:s20+$0x164C0]  }
0x14f: {  	v7 =	vld [tilespmem:s20+$0x164D0];
	v12 =	vadd.f32 v6, v12  }
0x150: {  	s24 =	simm.s32 $0x200;
	v11 =	vadd.f32 v11, v13;
	v6 =	vld [tilespmem:s20+$0x164E0]  }
.LBB2_14:
0x151: {  	s15 =	sshra.s32 s24, $0x2;
	p1 =	sne.s32 s24, $0x9E00;
	v12 =	vmax.f32 v12, $0.0e+00;
	v5 =	vadd.f32 v5, v10;
	v10 =	vld [tilespmem:s20+$0x164F0]  }
0x152: {  	v13 =	vld [tilespmem:s15+$0x1B480];
	[tilespmem:s20+$0x16480] =	vst v12;
	v11 =	vmax.f32 v11, $0.0e+00;
	v4 =	vadd.f32 v4, v9  }
0x153: {  	v14 =	vld [tilespmem:s15+$0x1B490];
	[tilespmem:s20+$0x16490] =	vst v11;
	v9 =	vmax.f32 v5, $0.0e+00;
	v3 =	vadd.f32 v3, v8  }
0x154: {  	v5 =	vld [tilespmem:s15+$0x1B4A0];
	[tilespmem:s20+$0x164A0] =	vst v9;
	v8 =	vmax.f32 v4, $0.0e+00;
	v2 =	vadd.f32 v2, v7  }
0x155: {  	v4 =	vld [tilespmem:s15+$0x1B4B0];
	[tilespmem:s20+$0x164B0] =	vst v8;
	v7 =	vmax.f32 v3, $0.0e+00;
	v1 =	vadd.f32 v1, v6  }
0x156: {  	v3 =	vld [tilespmem:s15+$0x1B4C0];
	[tilespmem:s20+$0x164C0] =	vst v7;
	v6 =	vmax.f32 v2, $0.0e+00;
	v0 =	vadd.f32 v0, v10  }
0x157: {  	v2 =	vld [tilespmem:s15+$0x1B4D0];
	[tilespmem:s20+$0x164D0] =	vst v6;
	v6 =	vmax.f32 v1, $0.0e+00  }
0x158: {  	v1 =	vld [tilespmem:s15+$0x1B4E0];
	[tilespmem:s20+$0x164E0] =	vst v6;
	v6 =	vmax.f32 v0, $0.0e+00  }
0x159: {  	v0 =	vld [tilespmem:s15+$0x1B4F0];
	[tilespmem:s20+$0x164F0] =	vst v6;
	s20 =	smov.u32 s15  }
0x15a: {  	v6 =	vld [tilespmem:s20+$0x16480]  }
0x15b: {  	v11 =	vld [tilespmem:s20+$0x16490]  }
.Ltmp10:
0x15c: {  	v10 =	vld [tilespmem:s20+$0x164A0];
	(pc) =	sbr.rel @p1 .LBB2_14-.Ltmp10, $4  }
0x15d: {  	v9 =	vld [tilespmem:s20+$0x164B0]  }
0x15e: {  	v8 =	vld [tilespmem:s20+$0x164C0]  }
0x15f: {  	v12 =	vadd.f32 v13, v6;
	v7 =	vld [tilespmem:s20+$0x164D0]  }
0x160: {  	s24 =	sadd.s32 $0x200, s24;
	v11 =	vadd.f32 v14, v11;
	v6 =	vld [tilespmem:s20+$0x164E0]  }
0x161: {  	v12 =	vmax.f32 v12, $0.0e+00;
	v5 =	vadd.f32 v5, v10;
	v63 =	vld [tilespmem:s20+$0x164F0]  }
0x162: {  	[tilespmem:s20+$0x16480] =	vst v12;
	v11 =	vmax.f32 v11, $0.0e+00;
	v4 =	vadd.f32 v4, v9  }
0x163: {  	[tilespmem:s20+$0x16490] =	vst v11;
	v5 =	vmax.f32 v5, $0.0e+00;
	v3 =	vadd.f32 v3, v8  }
0x164: {  	[tilespmem:s20+$0x164A0] =	vst v5;
	v4 =	vmax.f32 v4, $0.0e+00;
	v2 =	vadd.f32 v2, v7  }
0x165: {  	[tilespmem:s20+$0x164B0] =	vst v4;
	v3 =	vmax.f32 v3, $0.0e+00;
	v1 =	vadd.f32 v1, v6  }
0x166: {  	[tilespmem:s20+$0x164C0] =	vst v3;
	v2 =	vmax.f32 v2, $0.0e+00;
	v0 =	vadd.f32 v0, v63  }
0x167: {  	[tilespmem:s20+$0x164D0] =	vst v2;
	v1 =	vmax.f32 v1, $0.0e+00  }
0x168: {  	[tilespmem:s20+$0x164E0] =	vst v1;
	v0 =	vmax.f32 v0, $0.0e+00  }
0x169: {  	[tilespmem:s20+$0x164F0] =	vst v0  }
0x16a: {  	_ =	swait.ge [sflag:s23], $0x80  }
0x16b: {  	[sflag:s23] =	ssyncset.done $0x0  }
.Ltmp11:
0x16c: {  	s15 =	simm.s32 $0x13C00;
	[sflag:s23] =	ssyncadd.s32 $0xFFFFFF80;
	(pc) =	sbr.rel .LBB2_16-.Ltmp11, $4  }
0x16d: {  	[spmem:s2] =	stream.indirect.scatter.add.f32 [tilespmem:s21], [sflag:$0xD], $0x80, s15, s0, $0xb8;
	[tilespmem:$0x1DC80] =	vst v63  }
0x16e: {  	_ =	swait.ge [sflag:s25], $0x2800  }
0x16f: {  	[sflag:s25] =	ssyncset.done $0x0  }
0x170: {  	[sflag:s25] =	ssyncadd.s32 $0xFFFFD800  }
.LBB2_18:
0x171: {  	_ =	sfence.sel $0x180000  }
0x172: {  	[bflag:$0x0] =	sbarrier.arrive $0xFFFF  }
0x173: {  	_ =	strace $0x90000047  }
0x174: {  	s0 =	stileid.u32;
	[bflag:$0x2] =	sbarrier.arrive $0xFFFF  }
0x175: {  	p0 =	sne.s32 s0, $0x0;
	s0 =	rddreg [dreg:$0x4]  }
0x176: {  	s0 =	sadd.s32 @!p0 $0x100000, s0  }
0x177: {  	[sflag:s0] =	ssyncadd.tile.s32 @!p0 $0x1;
	_ =	shalt  }
.Lfunc_end2:
_tile_overlayer_lowered:
.L_overlay_start_2:
0x178: {  	(tag) =	ssettag $0x2  }
0x179: {  	s0 =	rddreg [dreg:$0x0];
	s2 =	stileid.u32  }
0x17a: {  	s1 =	rddreg [dreg:$0x1];
	p0 =	sne.s32 s2, $0x0  }
0x17b: {  	s3 =	rddreg [dreg:$0x2];
	[bflag:$0x3] =	sbarrier.arrive $0xFFFF;
	s2 =	simm.s32 @!p0 $0x1C0D  }
0x17c: {  	[timem:s3], [sflag:s2] =	dma.local @!p0 [hbm:s0], s1  }
0x17d: {  	s0 =	simm.s32 @!p0 $0xD  }
0x17e: {  	_ =	swait.ge @!p0 [sflag:s0], s1  }
0x17f: {  	s1 =	ssub.s32 @!p0 $0x0, s1;
	[sflag:s0] =	ssyncset.done @!p0 $0x0  }
0x180: {  	[sflag:s0] =	ssyncadd.s32 @!p0 s1  }
0x181: {  	[bflag:$0x3] =	sbarrier.arrive $0xFFFF  }
0x182: {  	_ =	shalt  }

// kernel: kernel.14.cloned.1.call-start
scs
__scs_entry_jumppad:
0x0: {  	(pc) =	sbr.rel $0x88, $3  }
0x1: {  	(tag) =	ssettag $0x0;
	lr =	simm.s32 $0x1  }
0x2: {  	[smem:$0x3F8D] =	sst lr;
	_ =	strace $0xD0000000  }
0x3: {  	_ = 	snop  }
0x4: {  	_ = 	snop  }
0x5: {  	_ = 	snop  }
0x6: {  	_ = 	snop  }
0x7: {  	_ = 	snop  }
__scs_overlays_trampoline_lowered:
0x8: {  	[smem:$0x3F9C] =	sst s0  }
0x9: {  	[smem:$0x3F9D] =	sst s1  }
0xa: {  	[smem:$0x3F9E] =	sst s2  }
0xb: {  	[smem:$0x3F9F] =	sst s3  }
0xc: {  	[smem:$0x3FA0] =	sst s4  }
0xd: {  	[smem:$0x3FA1] =	sst s5  }
0xe: {  	[smem:$0x3FA2] =	sst s6  }
0xf: {  	[smem:$0x3FA3] =	sst s7  }
0x10: {  	[smem:$0x3FA4] =	sst s8  }
0x11: {  	[smem:$0x3FA5] =	sst s9;
	s0 =	simm.s32 @!p0 $0x0  }
0x12: {  	s1 =	sld [smem:$0x3F8B];
	s0 =	simm.s32 @p0 $0x1  }
0x13: {  	[smem:$0x3FA6] =	sst s0;
	s0 =	simm.s32 @!p1 $0x0  }
0x14: {  	s2 =	sld [smem:$0x3F8A];
	s0 =	simm.s32 @p1 $0x1  }
0x15: {  	[smem:$0x3FA7] =	sst s0;
	s0 =	simm.s32 @!p2 $0x0  }
0x16: {  	s3 =	sld [smem:$0x3FDB];
	s0 =	simm.s32 @p2 $0x1  }
0x17: {  	s4 =	simm.s32 $0x1BF5;
	[smem:$0x3FA9] =	sst s0  }
0x18: {  	s0 =	sld [smem:$0x3F8C];
	_ =	swait.ge [sflag:s4], $0x0  }
0x19: {  	s7 =	sld [smem:$0x3F8D]  }
0x1a: {  	s8 =	sadd.s32 $0xFFFFE003, lr  }
0x1b: {  	s9 =	sadd.s32 $0xFFFFFEF7, lr;
	s5 =	simm.s32 $0xFFFFFFFF;
	p2 =	slt.u32 s8, $0xFFFFF086  }
0x1c: {  	p1 =	slt.u32 s9, $0xF7A;
	s5 =	simm.s32 @!p2 $0x0  }
0x1d: {  	s5 =	simm.s32 @p1 $0x1;
	p0 =	seq.s32 s7, s2  }
0x1e: {  	s7 =	smul.u32 @!p0 $0xF7A, s2;
	p2 =	seq.s32 @!p0 s5, $0x0  }
0x1f: {  	s9 =	smul.u32 $0xF7A, s1;
	s8 =	simm.s32 @!p0 $0x1BF5;
	p2 =	por !p2, p0  }
0x20: {  	[sflag:s8] =	ssyncset.s32 @!p0 $0xFFFFF086;
	s6 =	sadd.s32 @!p0 s3, s7;
	s7 =	simm.s32 @!p0 $0x108  }
0x21: {  	s3 =	sadd.s32 s3, s9;
	s6 =	sadd.s32 @!p0 $0x88, s6;
	s7 =	simm.s32 @p2 $0x1082  }
0x22: {  	[simem:s7], [sflag:s8] =	dma.local @!p0 [hbm:s6], $0xF7A  }
0x23: {  	s9 =	sor.u32 $0xD0000000, s2;
	s6 =	simm.s32 $0x108;
	_ =	swait.ge @!p0 [sflag:s8], $0x0  }
0x24: {  	s3 =	sadd.s32 $0x88, s3;
	s6 =	simm.s32 @!p1 $0x1082;
	[sflag:s4] =	ssyncset.s32 $0xFFFFF086  }
0x25: {  	[simem:s6], [sflag:s4] =	dma.local [hbm:s3], $0xF7A  }
0x26: {  	[smem:$0x3F8D] =	sst s1;
	(tag) =	ssettag s2;
	_ =	strace s9  }
0x27: {  	s1 =	sld [smem:$0x3F9D]  }
0x28: {  	s2 =	sld [smem:$0x3F9E]  }
0x29: {  	s4 =	sld [smem:$0x3FA0]  }
0x2a: {  	p0 =	seq.s32 s5, $0x0;
	s5 =	sld [smem:$0x3FA1]  }
0x2b: {  	s6 =	sld [smem:$0x3FA2]  }
0x2c: {  	s7 =	sld [smem:$0x3FA3]  }
0x2d: {  	s3 =	simm.s32 $0x108;
	s8 =	sld [smem:$0x3FA4]  }
0x2e: {  	s3 =	simm.s32 @!p0 $0x1082;
	s9 =	sld [smem:$0x3FA5]  }
0x2f: {  	lr =	sadd.s32 s0, s3;
	s0 =	sld [smem:$0x3F9C]  }
0x30: {  	s3 =	sld [smem:$0x3F9F]  }
0x31: {  	[smem:$0x3FA8] =	sst s10  }
0x32: {  	s10 =	sld [smem:$0x3FA6];
	_ =	sdelay $0x3  }
0x33: {  	p0 =	seq.s32 s10, $0x1;
	s10 =	sld [smem:$0x3FA8];
	_ =	sdelay $0x3  }
0x34: {  	[smem:$0x3FA8] =	sst s10  }
0x35: {  	s10 =	sld [smem:$0x3FA7];
	_ =	sdelay $0x3  }
0x36: {  	p1 =	seq.s32 s10, $0x1;
	s10 =	sld [smem:$0x3FA8];
	_ =	sdelay $0x3  }
0x37: {  	[smem:$0x3FA8] =	sst s10  }
0x38: {  	s10 =	sld [smem:$0x3FA9]  }
0x39: {  	_ = 	snop;
	(pc) =	sbr.ind lr, $3  }
0x3a: {  	_ = 	snop  }
0x3b: {  	_ = 	snop  }
0x3c: {  	p2 =	seq.s32 s10, $0x1;
	s10 =	sld [smem:$0x3FA8]  }
0x3d: {  	_ =	shalt  }
0x3e: {  	_ =	shalt  }
0x3f: {  	_ =	shalt  }
0x40: {  	_ =	shalt  }
0x41: {  	_ =	shalt  }
0x42: {  	_ =	shalt  }
0x43: {  	_ =	shalt  }
0x44: {  	_ =	shalt  }
0x45: {  	_ =	shalt  }
0x46: {  	_ =	shalt  }
0x47: {  	_ =	shalt  }
0x48: {  	_ =	shalt  }
0x49: {  	_ =	shalt  }
0x4a: {  	_ =	shalt  }
0x4b: {  	_ =	shalt  }
0x4c: {  	_ =	shalt  }
0x4d: {  	_ =	shalt  }
0x4e: {  	_ =	shalt  }
0x4f: {  	_ =	shalt  }
0x50: {  	_ =	shalt  }
0x51: {  	_ =	shalt  }
0x52: {  	_ =	shalt  }
0x53: {  	_ =	shalt  }
0x54: {  	_ =	shalt  }
0x55: {  	_ =	shalt  }
0x56: {  	_ =	shalt  }
0x57: {  	_ =	shalt  }
0x58: {  	_ =	shalt  }
0x59: {  	_ =	shalt  }
0x5a: {  	_ =	shalt  }
0x5b: {  	_ =	shalt  }
0x5c: {  	_ =	shalt  }
0x5d: {  	_ =	shalt  }
0x5e: {  	_ =	shalt  }
0x5f: {  	_ =	shalt  }
0x60: {  	_ =	shalt  }
0x61: {  	_ =	shalt  }
0x62: {  	_ =	shalt  }
0x63: {  	_ =	shalt  }
0x64: {  	_ =	shalt  }
0x65: {  	_ =	shalt  }
0x66: {  	_ =	shalt  }
0x67: {  	_ =	shalt  }
0x68: {  	_ =	shalt  }
0x69: {  	_ =	shalt  }
0x6a: {  	_ =	shalt  }
0x6b: {  	_ =	shalt  }
0x6c: {  	_ =	shalt  }
0x6d: {  	_ =	shalt  }
0x6e: {  	_ =	shalt  }
0x6f: {  	_ =	shalt  }
0x70: {  	_ =	shalt  }
0x71: {  	_ =	shalt  }
0x72: {  	_ =	shalt  }
0x73: {  	_ =	shalt  }
0x74: {  	_ =	shalt  }
0x75: {  	_ =	shalt  }
0x76: {  	_ =	shalt  }
0x77: {  	_ =	shalt  }
0x78: {  	_ =	shalt  }
0x79: {  	_ =	shalt  }
0x7a: {  	_ =	shalt  }
0x7b: {  	_ =	shalt  }
0x7c: {  	_ =	shalt  }
0x7d: {  	_ =	shalt  }
0x7e: {  	_ =	shalt  }
0x7f: {  	_ =	shalt  }
0x80: {  	_ =	shalt  }
0x81: {  	_ =	shalt  }
0x82: {  	_ =	shalt  }
0x83: {  	_ =	shalt  }
0x84: {  	_ =	shalt  }
0x85: {  	_ =	shalt  }
0x86: {  	_ =	shalt  }
0x87: {  	_ =	shalt  }
.Lfunc_end0:
.L_simem_size_0:
called_computation.1_lowered:
.L_overlay_start_0:
0x88: {  	s2 =	sld [smem:$0x3FD9]  }
0x89: {  	s3 =	sld [smem:$0x3FFE];
	_ =	sdelay $0x1  }
0x8a: {  	s1 =	srdreg.scid  }
0x8b: {  	s0 =	sand.u32 $0x1, s1  }
0x8c: {  	s17 =	sshll.u32 s0, $0xA;
	s2 =	sadd.s32 s3, s2  }
0x8d: {  	s2 =	sadd.s32 s2, s17  }
0x8e: {  	[smem:$0x3FB4] =	sst s2  }
0x8f: {  	_ = 	snop  }
0x90: {  	s2 =	sld [smem:$0x3FD0];
	(tm) =	ssettm $0x1  }
0x91: {  	s18 =	sld [smem:$0x3FFB];
	_ =	sdelay $0x3  }
0x92: {  	_ =	strace s18  }
0x93: {  	s3 =	sld [smem:$0x3FFC];
	_ =	sdelay $0x3  }
0x94: {  	_ =	strace s3  }
0x95: {  	s3 =	sld [smem:$0x3FFD];
	_ =	sdelay $0x3  }
0x96: {  	_ =	strace s3  }
0x97: {  	_ =	strace $0x8FFFFFFF  }
0x98: {  	s19 =	sld [smem:$0x3FDB];
	_ =	sdelay $0x1  }
0x99: {  	s4 =	simm.s32 $_scs_section_size  }
0x9a: {  	s5 =	simm.s32 $_size__tile_overlayer_lowered;
	s6 =	simm.s32 $_tile_overlayer_lowered  }
0x9b: {  	s22 =	simm.s32 $0x1BFF;
	s21 =	sshll.u32 s6, $0x1;
	s3 =	sadd.s32 s4, s19  }
0x9c: {  	s7 =	simm.s32 $0x0;
	s20 =	sshll.u32 s5, $0x1;
	s5 =	sadd.s32 s21, s3  }
0x9d: {  	[timem:s7], [sflag:s22] =	dma.local [hbm:s5], s20  }
0x9e: {  	_ =	swait.ge [sflag:s22], s20  }
0x9f: {  	s4 =	ssub.s32 $0x0, s20;
	[sflag:s22] =	ssyncset.done $0x0  }
0xa0: {  	[sflag:s22] =	ssyncadd.s32 s4;
	_ =	sdelay $0x1  }
0xa1: {  	s23 =	simm.s32 $0x1B8B  }
0xa2: {  	_ =	swait.ge [sflag:s23], $0x1  }
0xa3: {  	[sflag:s23] =	ssyncset.done $0x0  }
0xa4: {  	s25 =	simm.s32 $0x1B8E;
	s24 =	sld [smem:$0x3FFE];
	[sflag:s23] =	ssyncadd.s32 $0xFFFFFFFF  }
0xa5: {  	s26 =	simm.s32 $execute0_lowered;
	[smem:$0x3FD2] =	sst s25  }
0xa6: {  	s5 =	sshll.u32 s26, $0x1;
	_ =	strace $0x80000049;
	[dreg:$0x1] =	wrdreg $0xFFFFFFFF  }
0xa7: {  	s28 =	simm.s32 $_size_execute0_lowered;
	s3 =	sadd.s32 s3, s5;
	[dreg:$0x0] =	wrdreg $0x0  }
0xa8: {  	s5 =	sshll.u32 s28, $0x1;
	[dreg:$0x2] =	wrdreg s3  }
0xa9: {  	[dreg:$0x3] =	wrdreg s5  }
0xaa: {  	[dreg:$0x4] =	wrdreg $0xC0  }
0xab: {  	_ =	task [dreg:s7], $0x5FFFF  }
0xac: {  	[dreg:$0x1] =	wrdreg $0xFFFFFFFF  }
0xad: {  	[dreg:$0x0] =	wrdreg $0x60  }
0xae: {  	[dreg:$0x2] =	wrdreg s24  }
0xaf: {  	[dreg:$0x3] =	wrdreg s2  }
0xb0: {  	[dreg:$0x4] =	wrdreg $0x0  }
0xb1: {  	[dreg:$0x5] =	wrdreg $0x9  }
0xb2: {  	_ =	task.clear_ibuf [dreg:s7], $0x6FFFF;
	_ =	strace $0x90000049  }
0xb3: {  	s29 =	simm.s32 $0x9;
	_ =	strace $0x8000004B  }
0xb4: {  	_ =	swait.ge [sflag:s29], $0x1  }
0xb5: {  	[sflag:s29] =	ssyncadd.s32 $0xFFFFFFFF  }
0xb6: {  	_ =	strace $0x9000004B  }
0xb7: {  	_ =	sfence  }
0xb8: {  	s30 =	sld [smem:$0x0];
	_ =	sdelay $0x2  }
0xb9: {  	s31 =	sshll.u32 s1, $0xD;
	s1 =	sshrl.u32 s1, $0x2  }
0xba: {  	s3 =	sand.u32 $0x4000, s31;
	s1 =	sadd.s32 s1, s30  }
0xbb: {  	s0 =	sor.u32 s3, s0;
	s1 =	sshll.u32 s1, $0x11  }
0xbc: {  	s0 =	sor.u32 s1, s0  }
0xbd: {  	s0 =	sadd.s32 $0x8F2B, s0  }
0xbe: {  	[sflag:s0] =	ssyncadd.remote.s32 $0x1  }
0xbf: {  	_ =	sfence.sel $0xFFFF  }
0xc0: {  	[dreg:$0x0] =	wrdreg $0xFFFFFFFF;
	(pc) =	sbr.abs _section_cstart, $3  }
0xc1: {  	[dreg:$0x1] =	wrdreg $0xFFFFFFFF  }
0xc2: {  	_ =	task.clear_ibuf [dreg:s7], $0x2FFFF;
	_ =	strace $0x9FFFFFFF  }
0xc3: {  	(tm) =	ssettm $0x7FFFFFFF  }
tec
execute0_lowered:
.L_overlay_start_1:
0x0: {  	(tag) =	ssettag $0x1  }
0x1: {  	s0 =	rddreg [dreg:$0x0]  }
0x2: {  	s3 =	rddreg [dreg:$0x1]  }
0x3: {  	s1 =	rddreg [dreg:$0x2];
	s2 =	simm.s32 $0x0;
	s7 =	srdreg.scid  }
0x4: {  	s16 =	stileid.u32;
	s28 =	simm.s32 $0x13A80;
	s31 =	simm.s32 $0x5  }
0x5: {  	[smem:$0x7FF] =	sst s2;
	s4 =	sadd.s32 $0x23A00, s0;
	s5 =	sadd.s32 $0xEC9A00, s0  }
0x6: {  	s6 =	sadd.s32 $0x3A00, s0;
	s8 =	sand.u32 $0x1, s7;
	s10 =	smul.u32 $0x4E000, s16  }
0x7: {  	s7 =	sadd.s32 $0x13A00, s0;
	s12 =	sshll.u32 s16, $0x1;
	s15 =	smul.u32 $0x13800, s16  }
0x8: {  	s0 =	sadd.s32 $0x4AC00, s0;
	s13 =	sshll.u32 s16, $0x6;
	s2 =	sadd.s32 $0x138000, s1  }
0x9: {  	p0 =	sne.s32 s16, $0xF;
	_ =	strace $0x8000004A;
	s9 =	ssub.s32 $0x2, s8  }
0xa: {  	s26 =	sor.u32 s8, s12;
	s20 =	sor.u32 $0x1C0D, s13;
	[dreg:$0x7] =	wrdreg s2  }
0xb: {  	s8 =	smul.u32 $0x138800, s8;
	s2 =	simm.s32 $0x0;
	s11 =	sshrl.u32 s9, $0x1  }
0xc: {  	s10 =	sshrl.u32 s10, $0x2;
	s29 =	sshrl.u32 s15, $0x3;
	s13 =	smul.u32 $0x2710, s26  }
0xd: {  	s14 =	sshll.u32 s26, $0xE;
	s12 =	sshll.u32 s26, $0xB;
	s17 =	smul.u32 $0x27100, s26  }
0xe: {  	[dreg:$0x6] =	wrdreg s20;
	s9 =	ssub.s32 s9, s11;
	s10 =	sadd.s32 s10, s1  }
0xf: {  	s30 =	sadd.s32 s3, s29;
	s3 =	sadd.s32 $0x27000, s3;
	[dreg:$0x4] =	wrdreg s10  }
0x10: {  	s18 =	sadd.s32 s6, s12;
	s19 =	sor.u32 $0x10, s12;
	[dreg:$0x5] =	wrdreg s30  }
0x11: {  	s24 =	sadd.s32 s15, s8;
	s8 =	sshrl.u32 s8, $0x3;
	[dreg:$0x8] =	wrdreg s3  }
0x12: {  	s11 =	simm.s32 $0x9;
	[dreg:$0x9] =	wrdreg s18;
	s3 =	sadd.s32 s7, s12  }
0x13: {  	s21 =	sadd.s32 s6, s19;
	s22 =	sadd.s32 s7, s19;
	s23 =	sadd.s32 s5, s17  }
0x14: {  	s25 =	sadd.s32 $0x140, s13;
	s8 =	sadd.s32 s0, s8;
	[dreg:$0xa] =	wrdreg s3  }
0x15: {  	s29 =	smax.u32 s9, $0x1;
	s30 =	sadd.s32 $0xF0, s13;
	[dreg:$0xb] =	wrdreg s21  }
0x16: {  	s9 =	simm.s32 $0x3;
	s12 =	simm.s32 $0xE;
	[dreg:$0xc] =	wrdreg s22  }
0x17: {  	s17 =	simm.s32 $0x2;
	s18 =	simm.s32 $0x4;
	[dreg:$0xd] =	wrdreg s23  }
0x18: {  	s19 =	simm.s32 $0xA;
	s10 =	simm.s32 $0xB;
	[dreg:$0xe] =	wrdreg s25  }
.Ltmp0:
0x19: {  	s3 =	sshrl.u32 s24, $0x3;
	[dreg:$0x11] =	wrdreg s29;
	(pc) =	sbr.rel .LBB2_1-.Ltmp0, $4  }
0x1a: {  	s26 =	sadd.s32 $0x27000, s8;
	[dreg:$0x12] =	wrdreg s30;
	s25 =	simm.s32 $0xD  }
0x1b: {  	s8 =	simm.s32 $0x1;
	s21 =	simm.s32 $0x16480;
	s22 =	simm.s32 $0x8  }
0x1c: {  	s23 =	simm.s32 $0xC;
	s0 =	sadd.s32 s0, s3;
	[dreg:$0x10] =	wrdreg s26  }
0x1d: {  	s3 =	simm.s32 $0x13C80;
	[dreg:$0xf] =	wrdreg s0;
	s0 =	simm.s32 $0x50  }
.LBB2_17:
0x1e: {  	[bflag:$0x0] =	sbarrier.arrive $0xFFFF  }
0x1f: {  	s20 =	rddreg [dreg:$0x6]  }
0x20: {  	s15 =	rddreg [dreg:$0xf]  }
0x21: {  	s2 =	rddreg [dreg:$0x14]  }
0x22: {  	[hbm:s15], [sflag:s20] =	dma.local [spmem:s2], $0x2700  }
0x23: {  	_ =	swait.ge [sflag:s25], $0x2700  }
0x24: {  	[sflag:s25] =	ssyncset.done $0x0;
	s15 =	rddreg [dreg:$0x10]  }
0x25: {  	s2 =	rddreg [dreg:$0x15];
	[sflag:s25] =	ssyncadd.s32 $0xFFFFD900  }
0x26: {  	[hbm:s15], [sflag:s20] =	dma.local @!p0 [spmem:s2], $0x100  }
0x27: {  	s15 =	simm.s32 @!p0 $0xD  }
0x28: {  	_ =	swait.ge @!p0 [sflag:s15], $0x100  }
0x29: {  	s30 =	rddreg [dreg:$0x13]  }
0x2a: {  	s16 =	rddreg [dreg:$0x11];
	s2 =	sadd.s32 $0x1, s30  }
0x2b: {  	p1 =	sne.s32 s2, s16  }
.Ltmp1:
0x2c: {  	_ = 	snop;
	(pc) =	sbr.rel @!p1 .LBB2_18-.Ltmp1, $3  }
0x2d: {  	_ =	sdelay $0x1  }
0x2e: {  	[sflag:s15] =	ssyncset.done @!p0 $0x0  }
0x2f: {  	[sflag:s15] =	ssyncadd.s32 @!p0 $0xFFFFFF00  }
.LBB2_1:
0x30: {  	[dreg:$0x13] =	wrdreg s2  }
0x31: {  	s15 =	rddreg [dreg:$0x4]  }
0x32: {  	s29 =	rddreg [dreg:$0x5];
	s26 =	sshrl.u32 s15, $0x3  }
0x33: {  	[dreg:$0x14] =	wrdreg s26  }
0x34: {  	[spmem:s26], [sflag:s20] =	dma.local [hbm:s29], $0x2700  }
0x35: {  	_ =	swait.ge [sflag:s25], $0x2700  }
0x36: {  	s15 =	rddreg [dreg:$0x7]  }
0x37: {  	[sflag:s25] =	ssyncset.done $0x0;
	s2 =	sshrl.u32 @!p0 s15, $0x3;
	s15 =	rddreg [dreg:$0x8]  }
0x38: {  	[sflag:s25] =	ssyncadd.s32 $0xFFFFD900;
	[dreg:$0x15] =	wrdreg s2  }
0x39: {  	[spmem:s2], [sflag:s20] =	dma.local @!p0 [hbm:s15], $0x100  }
0x3a: {  	s20 =	simm.s32 @!p0 $0xD  }
0x3b: {  	_ =	swait.ge @!p0 [sflag:s20], $0x100  }
0x3c: {  	[sflag:s20] =	ssyncset.done @!p0 $0x0  }
0x3d: {  	[sflag:s20] =	ssyncadd.s32 @!p0 $0xFFFFFF00  }
0x3e: {  	[bflag:$0x0] =	sbarrier.arrive $0xFFFF  }
0x3f: {  	s16 =	simm.s32 $0x13880;
	s20 =	simm.s32 $0x0;
	s2 =	rddreg [dreg:$0x9]  }
0x40: {  	[tilespmem:s16], [sflag:$0x5] =	stream.linear.gather [hbm4b:s2+s20], $0x80, $0x38;
	[tilespmem:$0x1DC80] =	vst v63  }
0x41: {  	s24 =	rddreg [dreg:$0xa]  }
0x42: {  	[tilespmem:s28], [sflag:$0x9] =	stream.linear.gather [hbm4b:s24+s20], $0x80, $0x38;
	[tilespmem:$0x1DC80] =	vst v63  }
0x43: {  	s29 =	simm.s32 $0x13900;
	s26 =	rddreg [dreg:$0xb]  }
0x44: {  	[tilespmem:s29], [sflag:$0x6] =	stream.linear.gather [hbm4b:s26+s20], $0x80, $0x38;
	[tilespmem:$0x1DC80] =	vst v63  }
0x45: {  	s2 =	rddreg [dreg:$0xc];
	s24 =	simm.s32 $0x13B00  }
0x46: {  	[tilespmem:s24], [sflag:$0xA] =	stream.linear.gather [hbm4b:s2+s20], $0x80, $0x38;
	[tilespmem:$0x1DC80] =	vst v63  }
0x47: {  	_ =	swait.ge [sflag:s31], $0x80  }
.Ltmp2:
0x48: {  	[sflag:s31] =	ssyncset.done $0x0;
	(pc) =	sbr.rel .LBB2_2-.Ltmp2, $4  }
0x49: {  	s30 =	simm.s32 $0x0;
	[sflag:s31] =	ssyncadd.s32 $0xFFFFFF80  }
0x4a: {  	[tilespmem:s3], [sflag:$0x1] =	stream.indirect.gather [hbm4b:s4+s0], $0x80, s16, s0, $0xb8;
	[tilespmem:$0x1DC80] =	vst v63  }
0x4b: {  	s29 =	simm.s32 $0x18C80;
	s2 =	simm.s32 $0x13880;
	s26 =	rddreg [dreg:$0xd]  }
0x4c: {  	[tilespmem:s29], [sflag:$0x3] =	stream.linear.gather [hbm4b:s26+s20], $0x2800, $0x38;
	[tilespmem:$0x1DC80] =	vst v63  }
.LBB2_16:
0x4d: {  	s30 =	sadd.s32 $0x1, s30  }
0x4e: {  	p1 =	sne.s32 s30, $0x20  }
.Ltmp3:
0x4f: {  	_ = 	snop;
	(pc) =	sbr.rel @!p1 .LBB2_17-.Ltmp3, $1  }
0x50: {  	_ =	sdelay $0x3  }
.LBB2_2:
0x51: {  	s20 =	sshll.u32 s30, $0x2  }
0x52: {  	s29 =	sor.u32 $0x2, s20  }
0x53: {  	p1 =	sgt.u32 s29, $0x7C  }
0x54: {  	s24 =	sshll.u32 @!p1 s29, $0x7;
	s15 =	sshll.u32 @!p1 s30, $0x9  }
0x55: {  	s24 =	sand.u32 @!p1 $0x300, s24;
	s15 =	sand.u32 @!p1 $0x3C00, s15  }
0x56: {  	s15 =	sor.u32 @!p1 s24, s15  }
0x57: {  	s15 =	sor.u32 @!p1 s14, s15  }
0x58: {  	s15 =	sshrl.u32 @!p1 s15, $0x3  }
0x59: {  	s16 =	simm.s32 @!p1 $0x0;
	s26 =	simm.s32 @!p1 $0x13980;
	s24 =	sadd.s32 @!p1 s6, s15  }
0x5a: {  	[tilespmem:s26], [sflag:$0x7] =	stream.linear.gather @!p1 [hbm4b:s24+s16], $0x80, $0x38;
	[tilespmem:$0x1DC80] =	vst v63  }
0x5b: {  	s15 =	sadd.s32 @!p1 s7, s15;
	s24 =	simm.s32 @!p1 $0x13B80  }
0x5c: {  	[tilespmem:s24], [sflag:$0xB] =	stream.linear.gather @!p1 [hbm4b:s15+s16], $0x80, $0x38;
	[tilespmem:$0x1DC80] =	vst v63  }
0x5d: {  	_ =	swait.ge [sflag:s8], $0x2800  }
0x5e: {  	[sflag:s8] =	ssyncset.done $0x0  }
0x5f: {  	[sflag:s8] =	ssyncadd.s32 $0xFFFFD800  }
0x60: {  	s15 =	sor.u32 $0x1, s20;
	_ =	swait.ge [sflag:s9], $0x2800  }
0x61: {  	p2 =	sgt.u32 s15, $0x7C;
	[sflag:s9] =	ssyncset.done $0x0  }
0x62: {  	s16 =	simm.s32 @!p2 $0x6;
	s15 =	smul.u32 @!p2 $0x50, s15;
	[sflag:s9] =	ssyncadd.s32 $0xFFFFD800  }
0x63: {  	s20 =	simm.s32 @!p2 $0x13900;
	_ =	swait.ge @!p2 [sflag:s16], $0x80  }
0x64: {  	s24 =	simm.s32 @!p2 $0x16480;
	s15 =	sadd.s32 @!p2 s13, s15;
	[sflag:s16] =	ssyncset.done @!p2 $0x0  }
0x65: {  	s15 =	sshll.u32 @!p2 s15, $0x4;
	[sflag:s16] =	ssyncadd.s32 @!p2 $0xFFFFFF80;
	s16 =	simm.s32 @!p2 $0x50  }
0x66: {  	[tilespmem:s24], [sflag:$0x2] =	stream.indirect.gather @!p2 [hbm4b:s4+s16], $0x80, s20, s16, $0xb8;
	[tilespmem:$0x1DC80] =	vst v63  }
0x67: {  	s15 =	sadd.s32 @!p2 s5, s15;
	s16 =	simm.s32 @!p2 $0x0;
	s20 =	simm.s32 @!p2 $0x1B480  }
0x68: {  	[tilespmem:s20], [sflag:$0x4] =	stream.linear.gather @!p2 [hbm4b:s15+s16], $0x2800, $0x38;
	[tilespmem:$0x1DC80] =	vst v63  }
0x69: {  	s20 =	simm.s32 $0x0  }
0x6a: {  	v6 =	vld [tilespmem:s20+$0x18C80]  }
0x6b: {  	v11 =	vld [tilespmem:s20+$0x18C90]  }
0x6c: {  	v5 =	vld [tilespmem:s20+$0x18CA0]  }
0x6d: {  	v4 =	vld [tilespmem:s20+$0x18CB0]  }
0x6e: {  	v3 =	vld [tilespmem:s20+$0x18CC0]  }
0x6f: {  	v2 =	vld [tilespmem:s20+$0x18CD0]  }
0x70: {  	v1 =	vld [tilespmem:s20+$0x18CE0]  }
0x71: {  	v0 =	vld [tilespmem:s20+$0x18CF0]  }
0x72: {  	v12 =	vld [tilespmem:s20+$0x13C80]  }
0x73: {  	v13 =	vld [tilespmem:s20+$0x13C90]  }
0x74: {  	v10 =	vld [tilespmem:s20+$0x13CA0]  }
0x75: {  	v9 =	vld [tilespmem:s20+$0x13CB0]  }
0x76: {  	v8 =	vld [tilespmem:s20+$0x13CC0]  }
0x77: {  	v7 =	vld [tilespmem:s20+$0x13CD0];
	v12 =	vadd.f32 v6, v12  }
0x78: {  	s24 =	simm.s32 $0x200;
	v11 =	vadd.f32 v11, v13;
	v6 =	vld [tilespmem:s20+$0x13CE0]  }
.LBB2_3:
0x79: {  	s15 =	sshra.s32 s24, $0x2;
	p3 =	sne.s32 s24, $0x9E00;
	v12 =	vmax.f32 v12, $0.0e+00;
	v5 =	vadd.f32 v5, v10;
	v10 =	vld [tilespmem:s20+$0x13CF0]  }
0x7a: {  	v13 =	vld [tilespmem:s15+$0x18C80];
	[tilespmem:s20+$0x13C80] =	vst v12;
	v11 =	vmax.f32 v11, $0.0e+00;
	v4 =	vadd.f32 v4, v9  }
0x7b: {  	v14 =	vld [tilespmem:s15+$0x18C90];
	[tilespmem:s20+$0x13C90] =	vst v11;
	v9 =	vmax.f32 v5, $0.0e+00;
	v3 =	vadd.f32 v3, v8  }
0x7c: {  	v5 =	vld [tilespmem:s15+$0x18CA0];
	[tilespmem:s20+$0x13CA0] =	vst v9;
	v8 =	vmax.f32 v4, $0.0e+00;
	v2 =	vadd.f32 v2, v7  }
0x7d: {  	v4 =	vld [tilespmem:s15+$0x18CB0];
	[tilespmem:s20+$0x13CB0] =	vst v8;
	v7 =	vmax.f32 v3, $0.0e+00;
	v1 =	vadd.f32 v1, v6  }
0x7e: {  	v3 =	vld [tilespmem:s15+$0x18CC0];
	[tilespmem:s20+$0x13CC0] =	vst v7;
	v6 =	vmax.f32 v2, $0.0e+00;
	v0 =	vadd.f32 v0, v10  }
0x7f: {  	v2 =	vld [tilespmem:s15+$0x18CD0];
	[tilespmem:s20+$0x13CD0] =	vst v6;
	v6 =	vmax.f32 v1, $0.0e+00  }
0x80: {  	v1 =	vld [tilespmem:s15+$0x18CE0];
	[tilespmem:s20+$0x13CE0] =	vst v6;
	v6 =	vmax.f32 v0, $0.0e+00  }
0x81: {  	v0 =	vld [tilespmem:s15+$0x18CF0];
	[tilespmem:s20+$0x13CF0] =	vst v6;
	s20 =	smov.u32 s15  }
0x82: {  	v6 =	vld [tilespmem:s20+$0x13C80]  }
0x83: {  	v11 =	vld [tilespmem:s20+$0x13C90]  }
.Ltmp4:
0x84: {  	v10 =	vld [tilespmem:s20+$0x13CA0];
	(pc) =	sbr.rel @p3 .LBB2_3-.Ltmp4, $4  }
0x85: {  	v9 =	vld [tilespmem:s20+$0x13CB0]  }
0x86: {  	v8 =	vld [tilespmem:s20+$0x13CC0]  }
0x87: {  	v12 =	vadd.f32 v13, v6;
	v7 =	vld [tilespmem:s20+$0x13CD0]  }
0x88: {  	s24 =	sadd.s32 $0x200, s24;
	v11 =	vadd.f32 v14, v11;
	v6 =	vld [tilespmem:s20+$0x13CE0]  }
0x89: {  	v12 =	vmax.f32 v12, $0.0e+00;
	v5 =	vadd.f32 v5, v10;
	v63 =	vld [tilespmem:s20+$0x13CF0]  }
0x8a: {  	[tilespmem:s20+$0x13C80] =	vst v12;
	v11 =	vmax.f32 v11, $0.0e+00;
	v4 =	vadd.f32 v4, v9  }
0x8b: {  	[tilespmem:s20+$0x13C90] =	vst v11;
	v5 =	vmax.f32 v5, $0.0e+00;
	v3 =	vadd.f32 v3, v8  }
0x8c: {  	[tilespmem:s20+$0x13CA0] =	vst v5;
	v4 =	vmax.f32 v4, $0.0e+00;
	v2 =	vadd.f32 v2, v7  }
0x8d: {  	[tilespmem:s20+$0x13CB0] =	vst v4;
	v3 =	vmax.f32 v3, $0.0e+00;
	v1 =	vadd.f32 v1, v6  }
0x8e: {  	[tilespmem:s20+$0x13CC0] =	vst v3;
	v2 =	vmax.f32 v2, $0.0e+00;
	v0 =	vadd.f32 v0, v63  }
0x8f: {  	[tilespmem:s20+$0x13CD0] =	vst v2;
	v1 =	vmax.f32 v1, $0.0e+00  }
0x90: {  	[tilespmem:s20+$0x13CE0] =	vst v1;
	v0 =	vmax.f32 v0, $0.0e+00  }
0x91: {  	[tilespmem:s20+$0x13CF0] =	vst v0  }
0x92: {  	_ =	swait.ge [sflag:s11], $0x80  }
0x93: {  	[sflag:s11] =	ssyncset.done $0x0  }
.Ltmp5:
0x94: {  	[sflag:s11] =	ssyncadd.s32 $0xFFFFFF80;
	(pc) =	sbr.rel @p2 .LBB2_8-.Ltmp5, $4  }
0x95: {  	[spmem:s1] =	stream.indirect.scatter.add.f32 [tilespmem:s3], [sflag:$0xE], $0x80, s28, s0, $0xb8;
	[tilespmem:$0x1DC80] =	vst v63  }
0x96: {  	_ =	swait.ge [sflag:s12], $0x2800  }
0x97: {  	[sflag:s12] =	ssyncset.done $0x0  }
0x98: {  	s20 =	sshll.u32 s30, $0x9;
	[sflag:s12] =	ssyncadd.s32 $0xFFFFD800  }
0x99: {  	s15 =	sand.u32 $0x3E00, s20  }
0x9a: {  	s15 =	sor.u32 s14, s15  }
0x9b: {  	s15 =	sshrl.u32 s15, $0x3  }
0x9c: {  	s15 =	sor.u32 $0x30, s15  }
0x9d: {  	s24 =	simm.s32 $0x0;
	s26 =	simm.s32 $0x13A00;
	s16 =	sadd.s32 s6, s15  }
0x9e: {  	[tilespmem:s26], [sflag:$0x8] =	stream.linear.gather [hbm4b:s16+s24], $0x80, $0x38;
	[tilespmem:$0x1DC80] =	vst v63  }
0x9f: {  	s15 =	sadd.s32 s7, s15;
	s26 =	simm.s32 $0x13C00  }
0xa0: {  	[tilespmem:s26], [sflag:$0xC] =	stream.linear.gather [hbm4b:s15+s24], $0x80, $0x38;
	[tilespmem:$0x1DC80] =	vst v63  }
0xa1: {  	_ =	swait.ge [sflag:s17], $0x2800  }
0xa2: {  	[sflag:s17] =	ssyncset.done $0x0  }
0xa3: {  	[sflag:s17] =	ssyncadd.s32 $0xFFFFD800  }
0xa4: {  	_ =	swait.ge [sflag:s18], $0x2800  }
0xa5: {  	[sflag:s18] =	ssyncset.done $0x0  }
0xa6: {  	s15 =	simm.s32 @!p1 $0x7;
	[sflag:s18] =	ssyncadd.s32 $0xFFFFD800  }
0xa7: {  	_ =	swait.ge @!p1 [sflag:s15], $0x80  }
0xa8: {  	s16 =	simm.s32 @!p1 $0x13980;
	s24 =	simm.s32 @!p1 $0x13C80;
	[sflag:s15] =	ssyncset.done @!p1 $0x0  }
0xa9: {  	s26 =	smul.u32 @!p1 $0x50, s29;
	[sflag:s15] =	ssyncadd.s32 @!p1 $0xFFFFFF80;
	s15 =	simm.s32 @!p1 $0x50  }
0xaa: {  	[tilespmem:s24], [sflag:$0x1] =	stream.indirect.gather @!p1 [hbm4b:s4+s15], $0x80, s16, s15, $0xb8;
	[tilespmem:$0x1DC80] =	vst v63  }
0xab: {  	s15 =	sadd.s32 @!p1 s13, s26  }
0xac: {  	s29 =	simm.s32 $0x0;
	s15 =	sshll.u32 @!p1 s15, $0x4  }
0xad: {  	s16 =	simm.s32 @!p1 $0x0;
	s24 =	simm.s32 @!p1 $0x18C80;
	s15 =	sadd.s32 @!p1 s5, s15  }
0xae: {  	[tilespmem:s24], [sflag:$0x3] =	stream.linear.gather @!p1 [hbm4b:s15+s16], $0x2800, $0x38;
	[tilespmem:$0x1DC80] =	vst v63  }
0xaf: {  	v6 =	vld [tilespmem:s29+$0x1B480]  }
0xb0: {  	v11 =	vld [tilespmem:s29+$0x1B490]  }
0xb1: {  	v5 =	vld [tilespmem:s29+$0x1B4A0]  }
0xb2: {  	v4 =	vld [tilespmem:s29+$0x1B4B0]  }
0xb3: {  	v3 =	vld [tilespmem:s29+$0x1B4C0]  }
0xb4: {  	v2 =	vld [tilespmem:s29+$0x1B4D0]  }
0xb5: {  	v1 =	vld [tilespmem:s29+$0x1B4E0]  }
0xb6: {  	v0 =	vld [tilespmem:s29+$0x1B4F0]  }
0xb7: {  	v12 =	vld [tilespmem:s29+$0x16480]  }
0xb8: {  	v13 =	vld [tilespmem:s29+$0x16490]  }
0xb9: {  	v10 =	vld [tilespmem:s29+$0x164A0]  }
0xba: {  	v9 =	vld [tilespmem:s29+$0x164B0]  }
0xbb: {  	v8 =	vld [tilespmem:s29+$0x164C0]  }
0xbc: {  	v7 =	vld [tilespmem:s29+$0x164D0];
	v12 =	vadd.f32 v6, v12  }
0xbd: {  	s24 =	simm.s32 $0x200;
	v11 =	vadd.f32 v11, v13;
	v6 =	vld [tilespmem:s29+$0x164E0]  }
.LBB2_6:
0xbe: {  	s15 =	sshra.s32 s24, $0x2;
	p2 =	sne.s32 s24, $0x9E00;
	v12 =	vmax.f32 v12, $0.0e+00;
	v5 =	vadd.f32 v5, v10;
	v10 =	vld [tilespmem:s29+$0x164F0]  }
0xbf: {  	v13 =	vld [tilespmem:s15+$0x1B480];
	[tilespmem:s29+$0x16480] =	vst v12;
	v11 =	vmax.f32 v11, $0.0e+00;
	v4 =	vadd.f32 v4, v9  }
0xc0: {  	v14 =	vld [tilespmem:s15+$0x1B490];
	[tilespmem:s29+$0x16490] =	vst v11;
	v9 =	vmax.f32 v5, $0.0e+00;
	v3 =	vadd.f32 v3, v8  }
0xc1: {  	v5 =	vld [tilespmem:s15+$0x1B4A0];
	[tilespmem:s29+$0x164A0] =	vst v9;
	v8 =	vmax.f32 v4, $0.0e+00;
	v2 =	vadd.f32 v2, v7  }
0xc2: {  	v4 =	vld [tilespmem:s15+$0x1B4B0];
	[tilespmem:s29+$0x164B0] =	vst v8;
	v7 =	vmax.f32 v3, $0.0e+00;
	v1 =	vadd.f32 v1, v6  }
0xc3: {  	v3 =	vld [tilespmem:s15+$0x1B4C0];
	[tilespmem:s29+$0x164C0] =	vst v7;
	v6 =	vmax.f32 v2, $0.0e+00;
	v0 =	vadd.f32 v0, v10  }
0xc4: {  	v2 =	vld [tilespmem:s15+$0x1B4D0];
	[tilespmem:s29+$0x164D0] =	vst v6;
	v6 =	vmax.f32 v1, $0.0e+00  }
0xc5: {  	v1 =	vld [tilespmem:s15+$0x1B4E0];
	[tilespmem:s29+$0x164E0] =	vst v6;
	v6 =	vmax.f32 v0, $0.0e+00  }
0xc6: {  	v0 =	vld [tilespmem:s15+$0x1B4F0];
	[tilespmem:s29+$0x164F0] =	vst v6;
	s29 =	smov.u32 s15  }
0xc7: {  	v6 =	vld [tilespmem:s29+$0x16480]  }
0xc8: {  	v11 =	vld [tilespmem:s29+$0x16490]  }
.Ltmp6:
0xc9: {  	v10 =	vld [tilespmem:s29+$0x164A0];
	(pc) =	sbr.rel @p2 .LBB2_6-.Ltmp6, $4  }
0xca: {  	v9 =	vld [tilespmem:s29+$0x164B0]  }
0xcb: {  	v8 =	vld [tilespmem:s29+$0x164C0]  }
0xcc: {  	v12 =	vadd.f32 v13, v6;
	v7 =	vld [tilespmem:s29+$0x164D0]  }
0xcd: {  	s24 =	sadd.s32 $0x200, s24;
	v11 =	vadd.f32 v14, v11;
	v6 =	vld [tilespmem:s29+$0x164E0]  }
0xce: {  	v12 =	vmax.f32 v12, $0.0e+00;
	v5 =	vadd.f32 v5, v10;
	v63 =	vld [tilespmem:s29+$0x164F0]  }
0xcf: {  	[tilespmem:s29+$0x16480] =	vst v12;
	v11 =	vmax.f32 v11, $0.0e+00;
	v4 =	vadd.f32 v4, v9  }
0xd0: {  	[tilespmem:s29+$0x16490] =	vst v11;
	v5 =	vmax.f32 v5, $0.0e+00;
	v3 =	vadd.f32 v3, v8  }
0xd1: {  	[tilespmem:s29+$0x164A0] =	vst v5;
	v4 =	vmax.f32 v4, $0.0e+00;
	v2 =	vadd.f32 v2, v7  }
0xd2: {  	[tilespmem:s29+$0x164B0] =	vst v4;
	v3 =	vmax.f32 v3, $0.0e+00;
	v1 =	vadd.f32 v1, v6  }
0xd3: {  	[tilespmem:s29+$0x164C0] =	vst v3;
	v2 =	vmax.f32 v2, $0.0e+00;
	v0 =	vadd.f32 v0, v63  }
0xd4: {  	[tilespmem:s29+$0x164D0] =	vst v2;
	v1 =	vmax.f32 v1, $0.0e+00  }
0xd5: {  	[tilespmem:s29+$0x164E0] =	vst v1;
	v0 =	vmax.f32 v0, $0.0e+00  }
0xd6: {  	[tilespmem:s29+$0x164F0] =	vst v0  }
0xd7: {  	_ =	swait.ge [sflag:s19], $0x80  }
0xd8: {  	[sflag:s19] =	ssyncset.done $0x0  }
0xd9: {  	s15 =	simm.s32 $0x13B00;
	[sflag:s19] =	ssyncadd.s32 $0xFFFFFF80  }
0xda: {  	[spmem:s1] =	stream.indirect.scatter.add.f32 [tilespmem:s21], [sflag:$0xE], $0x80, s15, s0, $0xb8;
	[tilespmem:$0x1DC80] =	vst v63  }
0xdb: {  	_ =	swait.ge [sflag:s12], $0x2800  }
0xdc: {  	[sflag:s12] =	ssyncset.done $0x0  }
0xdd: {  	[sflag:s12] =	ssyncadd.s32 $0xFFFFD800  }
.LBB2_8:
.Ltmp7:
0xde: {  	(pc) =	sbr.rel @p1 .LBB2_12-.Ltmp7, $1  }
0xdf: {  	_ =	sdelay $0x3  }
0xe0: {  	s15 =	sadd.s32 $0x200, s20  }
0xe1: {  	s16 =	sand.u32 $0x7C00, s15  }
0xe2: {  	s15 =	sand.u32 $0x200, s15;
	s16 =	sadd.s32 s14, s16  }
0xe3: {  	s15 =	sor.u32 s15, s16  }
0xe4: {  	s15 =	sshrl.u32 s15, $0x3  }
0xe5: {  	s20 =	simm.s32 $0x0;
	s26 =	sadd.s32 s6, s15  }
0xe6: {  	[tilespmem:s2], [sflag:$0x5] =	stream.linear.gather [hbm4b:s26+s20], $0x80, $0x38;
	[tilespmem:$0x1DC80] =	vst v63  }
0xe7: {  	s15 =	sadd.s32 s7, s15  }
0xe8: {  	[tilespmem:s28], [sflag:$0x9] =	stream.linear.gather [hbm4b:s15+s20], $0x80, $0x38;
	[tilespmem:$0x1DC80] =	vst v63  }
0xe9: {  	_ =	swait.ge [sflag:s8], $0x2800  }
0xea: {  	[sflag:s8] =	ssyncset.done $0x0  }
0xeb: {  	[sflag:s8] =	ssyncadd.s32 $0xFFFFD800  }
0xec: {  	_ =	swait.ge [sflag:s9], $0x2800  }
0xed: {  	[sflag:s9] =	ssyncset.done $0x0  }
0xee: {  	[sflag:s9] =	ssyncadd.s32 $0xFFFFD800  }
0xef: {  	s29 =	smul.u32 $0x140, s30;
	_ =	swait.ge [sflag:s22], $0x80  }
0xf0: {  	[sflag:s22] =	ssyncset.done $0x0;
	s26 =	rddreg [dreg:$0x12]  }
0xf1: {  	s24 =	simm.s32 $0x13A00;
	[sflag:s22] =	ssyncadd.s32 $0xFFFFFF80;
	s15 =	sadd.s32 s26, s29  }
0xf2: {  	[tilespmem:s21], [sflag:$0x2] =	stream.indirect.gather [hbm4b:s4+s0], $0x80, s24, s0, $0xb8;
	[tilespmem:$0x1DC80] =	vst v63  }
0xf3: {  	s15 =	sshll.u32 s15, $0x4  }
0xf4: {  	s29 =	simm.s32 $0x1B480;
	s15 =	sadd.s32 s5, s15  }
0xf5: {  	[tilespmem:s29], [sflag:$0x4] =	stream.linear.gather [hbm4b:s15+s20], $0x2800, $0x38;
	[tilespmem:$0x1DC80] =	vst v63  }
0xf6: {  	s20 =	simm.s32 $0x0  }
0xf7: {  	v6 =	vld [tilespmem:s20+$0x18C80]  }
0xf8: {  	v11 =	vld [tilespmem:s20+$0x18C90]  }
0xf9: {  	v5 =	vld [tilespmem:s20+$0x18CA0]  }
0xfa: {  	v4 =	vld [tilespmem:s20+$0x18CB0]  }
0xfb: {  	v3 =	vld [tilespmem:s20+$0x18CC0]  }
0xfc: {  	v2 =	vld [tilespmem:s20+$0x18CD0]  }
0xfd: {  	v1 =	vld [tilespmem:s20+$0x18CE0]  }
0xfe: {  	v0 =	vld [tilespmem:s20+$0x18CF0]  }
0xff: {  	v12 =	vld [tilespmem:s20+$0x13C80]  }
0x100: {  	v13 =	vld [tilespmem:s20+$0x13C90]  }
0x101: {  	v10 =	vld [tilespmem:s20+$0x13CA0]  }
0x102: {  	v9 =	vld [tilespmem:s20+$0x13CB0]  }
0x103: {  	v8 =	vld [tilespmem:s20+$0x13CC0]  }
0x104: {  	v7 =	vld [tilespmem:s20+$0x13CD0];
	v12 =	vadd.f32 v6, v12  }
0x105: {  	s24 =	simm.s32 $0x200;
	v11 =	vadd.f32 v11, v13;
	v6 =	vld [tilespmem:s20+$0x13CE0]  }
.LBB2_10:
0x106: {  	s15 =	sshra.s32 s24, $0x2;
	p1 =	sne.s32 s24, $0x9E00;
	v12 =	vmax.f32 v12, $0.0e+00;
	v5 =	vadd.f32 v5, v10;
	v10 =	vld [tilespmem:s20+$0x13CF0]  }
0x107: {  	v13 =	vld [tilespmem:s15+$0x18C80];
	[tilespmem:s20+$0x13C80] =	vst v12;
	v11 =	vmax.f32 v11, $0.0e+00;
	v4 =	vadd.f32 v4, v9  }
0x108: {  	v14 =	vld [tilespmem:s15+$0x18C90];
	[tilespmem:s20+$0x13C90] =	vst v11;
	v9 =	vmax.f32 v5, $0.0e+00;
	v3 =	vadd.f32 v3, v8  }
0x109: {  	v5 =	vld [tilespmem:s15+$0x18CA0];
	[tilespmem:s20+$0x13CA0] =	vst v9;
	v8 =	vmax.f32 v4, $0.0e+00;
	v2 =	vadd.f32 v2, v7  }
0x10a: {  	v4 =	vld [tilespmem:s15+$0x18CB0];
	[tilespmem:s20+$0x13CB0] =	vst v8;
	v7 =	vmax.f32 v3, $0.0e+00;
	v1 =	vadd.f32 v1, v6  }
0x10b: {  	v3 =	vld [tilespmem:s15+$0x18CC0];
	[tilespmem:s20+$0x13CC0] =	vst v7;
	v6 =	vmax.f32 v2, $0.0e+00;
	v0 =	vadd.f32 v0, v10  }
0x10c: {  	v2 =	vld [tilespmem:s15+$0x18CD0];
	[tilespmem:s20+$0x13CD0] =	vst v6;
	v6 =	vmax.f32 v1, $0.0e+00  }
0x10d: {  	v1 =	vld [tilespmem:s15+$0x18CE0];
	[tilespmem:s20+$0x13CE0] =	vst v6;
	v6 =	vmax.f32 v0, $0.0e+00  }
0x10e: {  	v0 =	vld [tilespmem:s15+$0x18CF0];
	[tilespmem:s20+$0x13CF0] =	vst v6;
	s20 =	smov.u32 s15  }
0x10f: {  	v6 =	vld [tilespmem:s20+$0x13C80]  }
0x110: {  	v11 =	vld [tilespmem:s20+$0x13C90]  }
.Ltmp8:
0x111: {  	v10 =	vld [tilespmem:s20+$0x13CA0];
	(pc) =	sbr.rel @p1 .LBB2_10-.Ltmp8, $4  }
0x112: {  	v9 =	vld [tilespmem:s20+$0x13CB0]  }
0x113: {  	v8 =	vld [tilespmem:s20+$0x13CC0]  }
0x114: {  	v12 =	vadd.f32 v13, v6;
	v7 =	vld [tilespmem:s20+$0x13CD0]  }
0x115: {  	s24 =	sadd.s32 $0x200, s24;
	v11 =	vadd.f32 v14, v11;
	v6 =	vld [tilespmem:s20+$0x13CE0]  }
0x116: {  	v12 =	vmax.f32 v12, $0.0e+00;
	v5 =	vadd.f32 v5, v10;
	v63 =	vld [tilespmem:s20+$0x13CF0]  }
0x117: {  	[tilespmem:s20+$0x13C80] =	vst v12;
	v11 =	vmax.f32 v11, $0.0e+00;
	v4 =	vadd.f32 v4, v9  }
0x118: {  	[tilespmem:s20+$0x13C90] =	vst v11;
	v5 =	vmax.f32 v5, $0.0e+00;
	v3 =	vadd.f32 v3, v8  }
0x119: {  	[tilespmem:s20+$0x13CA0] =	vst v5;
	v4 =	vmax.f32 v4, $0.0e+00;
	v2 =	vadd.f32 v2, v7  }
0x11a: {  	[tilespmem:s20+$0x13CB0] =	vst v4;
	v3 =	vmax.f32 v3, $0.0e+00;
	v1 =	vadd.f32 v1, v6  }
0x11b: {  	[tilespmem:s20+$0x13CC0] =	vst v3;
	v2 =	vmax.f32 v2, $0.0e+00;
	v0 =	vadd.f32 v0, v63  }
0x11c: {  	[tilespmem:s20+$0x13CD0] =	vst v2;
	v1 =	vmax.f32 v1, $0.0e+00  }
0x11d: {  	[tilespmem:s20+$0x13CE0] =	vst v1;
	v0 =	vmax.f32 v0, $0.0e+00  }
0x11e: {  	[tilespmem:s20+$0x13CF0] =	vst v0  }
0x11f: {  	_ =	swait.ge [sflag:s10], $0x80  }
0x120: {  	[sflag:s10] =	ssyncset.done $0x0  }
0x121: {  	s15 =	simm.s32 $0x13B80;
	[sflag:s10] =	ssyncadd.s32 $0xFFFFFF80  }
0x122: {  	[spmem:s1] =	stream.indirect.scatter.add.f32 [tilespmem:s3], [sflag:$0xE], $0x80, s15, s0, $0xb8;
	[tilespmem:$0x1DC80] =	vst v63  }
0x123: {  	_ =	swait.ge [sflag:s12], $0x2800  }
0x124: {  	[sflag:s12] =	ssyncset.done $0x0  }
0x125: {  	[sflag:s12] =	ssyncadd.s32 $0xFFFFD800  }
.LBB2_12:
0x126: {  	p1 =	sgt.u32 s30, $0x1E  }
.Ltmp9:
0x127: {  	_ = 	snop;
	(pc) =	sbr.rel @p1 .LBB2_16-.Ltmp9, $1  }
0x128: {  	_ =	sdelay $0x3  }
0x129: {  	p1 =	seq.s32 s30, $0x1E  }
0x12a: {  	s15 =	sshll.u32 @!p1 s30, $0x9  }
0x12b: {  	s15 =	sadd.s32 @!p1 $0x280, s15  }
0x12c: {  	s16 =	sand.u32 @!p1 $0x7C00, s15  }
0x12d: {  	s15 =	sand.u32 @!p1 $0x280, s15;
	s16 =	sadd.s32 @!p1 s14, s16  }
0x12e: {  	s15 =	sor.u32 @!p1 s15, s16  }
0x12f: {  	s15 =	sshrl.u32 @!p1 s15, $0x3  }
0x130: {  	s20 =	simm.s32 @!p1 $0x0;
	s24 =	simm.s32 @!p1 $0x13900;
	s16 =	sadd.s32 @!p1 s6, s15  }
0x131: {  	[tilespmem:s24], [sflag:$0x6] =	stream.linear.gather @!p1 [hbm4b:s16+s20], $0x80, $0x38;
	[tilespmem:$0x1DC80] =	vst v63  }
0x132: {  	s15 =	sadd.s32 @!p1 s7, s15;
	s16 =	simm.s32 @!p1 $0x13B00  }
0x133: {  	[tilespmem:s16], [sflag:$0xA] =	stream.linear.gather @!p1 [hbm4b:s15+s20], $0x80, $0x38;
	[tilespmem:$0x1DC80] =	vst v63  }
0x134: {  	_ =	swait.ge [sflag:s17], $0x2800  }
0x135: {  	[sflag:s17] =	ssyncset.done $0x0  }
0x136: {  	[sflag:s17] =	ssyncadd.s32 $0xFFFFD800  }
0x137: {  	_ =	swait.ge [sflag:s18], $0x2800  }
0x138: {  	[sflag:s18] =	ssyncset.done $0x0  }
0x139: {  	[sflag:s18] =	ssyncadd.s32 $0xFFFFD800  }
0x13a: {  	s20 =	smul.u32 $0x140, s30;
	_ =	swait.ge [sflag:s31], $0x80  }
0x13b: {  	[sflag:s31] =	ssyncset.done $0x0;
	s24 =	rddreg [dreg:$0xe]  }
0x13c: {  	[sflag:s31] =	ssyncadd.s32 $0xFFFFFF80;
	s15 =	sadd.s32 s20, s24  }
0x13d: {  	[tilespmem:s3], [sflag:$0x1] =	stream.indirect.gather [hbm4b:s4+s0], $0x80, s2, s0, $0xb8;
	[tilespmem:$0x1DC80] =	vst v63  }
0x13e: {  	s26 =	simm.s32 $0x0;
	s15 =	sshll.u32 s15, $0x4  }
0x13f: {  	s29 =	simm.s32 $0x18C80;
	s20 =	simm.s32 $0x0;
	s15 =	sadd.s32 s5, s15  }
0x140: {  	[tilespmem:s29], [sflag:$0x3] =	stream.linear.gather [hbm4b:s15+s26], $0x2800, $0x38;
	[tilespmem:$0x1DC80] =	vst v63  }
0x141: {  	v6 =	vld [tilespmem:s20+$0x1B480]  }
0x142: {  	v11 =	vld [tilespmem:s20+$0x1B490]  }
0x143: {  	v5 =	vld [tilespmem:s20+$0x1B4A0]  }
0x144: {  	v4 =	vld [tilespmem:s20+$0x1B4B0]  }
0x145: {  	v3 =	vld [tilespmem:s20+$0x1B4C0]  }
0x146: {  	v2 =	vld [tilespmem:s20+$0x1B4D0]  }
0x147: {  	v1 =	vld [tilespmem:s20+$0x1B4E0]  }
0x148: {  	v0 =	vld [tilespmem:s20+$0x1B4F0]  }
0x149: {  	v12 =	vld [tilespmem:s20+$0x16480]  }
0x14a: {  	v13 =	vld [tilespmem:s20+$0x16490]  }
0x14b: {  	v10 =	vld [tilespmem:s20+$0x164A0]  }
0x14c: {  	v9 =	vld [tilespmem:s20+$0x164B0]  }
0x14d: {  	v8 =	vld [tilespmem:s20+$0x164C0]  }
0x14e: {  	v7 =	vld [tilespmem:s20+$0x164D0];
	v12 =	vadd.f32 v6, v12  }
0x14f: {  	s24 =	simm.s32 $0x200;
	v11 =	vadd.f32 v11, v13;
	v6 =	vld [tilespmem:s20+$0x164E0]  }
.LBB2_14:
0x150: {  	s15 =	sshra.s32 s24, $0x2;
	p1 =	sne.s32 s24, $0x9E00;
	v12 =	vmax.f32 v12, $0.0e+00;
	v5 =	vadd.f32 v5, v10;
	v10 =	vld [tilespmem:s20+$0x164F0]  }
0x151: {  	v13 =	vld [tilespmem:s15+$0x1B480];
	[tilespmem:s20+$0x16480] =	vst v12;
	v11 =	vmax.f32 v11, $0.0e+00;
	v4 =	vadd.f32 v4, v9  }
0x152: {  	v14 =	vld [tilespmem:s15+$0x1B490];
	[tilespmem:s20+$0x16490] =	vst v11;
	v9 =	vmax.f32 v5, $0.0e+00;
	v3 =	vadd.f32 v3, v8  }
0x153: {  	v5 =	vld [tilespmem:s15+$0x1B4A0];
	[tilespmem:s20+$0x164A0] =	vst v9;
	v8 =	vmax.f32 v4, $0.0e+00;
	v2 =	vadd.f32 v2, v7  }
0x154: {  	v4 =	vld [tilespmem:s15+$0x1B4B0];
	[tilespmem:s20+$0x164B0] =	vst v8;
	v7 =	vmax.f32 v3, $0.0e+00;
	v1 =	vadd.f32 v1, v6  }
0x155: {  	v3 =	vld [tilespmem:s15+$0x1B4C0];
	[tilespmem:s20+$0x164C0] =	vst v7;
	v6 =	vmax.f32 v2, $0.0e+00;
	v0 =	vadd.f32 v0, v10  }
0x156: {  	v2 =	vld [tilespmem:s15+$0x1B4D0];
	[tilespmem:s20+$0x164D0] =	vst v6;
	v6 =	vmax.f32 v1, $0.0e+00  }
0x157: {  	v1 =	vld [tilespmem:s15+$0x1B4E0];
	[tilespmem:s20+$0x164E0] =	vst v6;
	v6 =	vmax.f32 v0, $0.0e+00  }
0x158: {  	v0 =	vld [tilespmem:s15+$0x1B4F0];
	[tilespmem:s20+$0x164F0] =	vst v6;
	s20 =	smov.u32 s15  }
0x159: {  	v6 =	vld [tilespmem:s20+$0x16480]  }
0x15a: {  	v11 =	vld [tilespmem:s20+$0x16490]  }
.Ltmp10:
0x15b: {  	v10 =	vld [tilespmem:s20+$0x164A0];
	(pc) =	sbr.rel @p1 .LBB2_14-.Ltmp10, $4  }
0x15c: {  	v9 =	vld [tilespmem:s20+$0x164B0]  }
0x15d: {  	v8 =	vld [tilespmem:s20+$0x164C0]  }
0x15e: {  	v12 =	vadd.f32 v13, v6;
	v7 =	vld [tilespmem:s20+$0x164D0]  }
0x15f: {  	s24 =	sadd.s32 $0x200, s24;
	v11 =	vadd.f32 v14, v11;
	v6 =	vld [tilespmem:s20+$0x164E0]  }
0x160: {  	v12 =	vmax.f32 v12, $0.0e+00;
	v5 =	vadd.f32 v5, v10;
	v63 =	vld [tilespmem:s20+$0x164F0]  }
0x161: {  	[tilespmem:s20+$0x16480] =	vst v12;
	v11 =	vmax.f32 v11, $0.0e+00;
	v4 =	vadd.f32 v4, v9  }
0x162: {  	[tilespmem:s20+$0x16490] =	vst v11;
	v5 =	vmax.f32 v5, $0.0e+00;
	v3 =	vadd.f32 v3, v8  }
0x163: {  	[tilespmem:s20+$0x164A0] =	vst v5;
	v4 =	vmax.f32 v4, $0.0e+00;
	v2 =	vadd.f32 v2, v7  }
0x164: {  	[tilespmem:s20+$0x164B0] =	vst v4;
	v3 =	vmax.f32 v3, $0.0e+00;
	v1 =	vadd.f32 v1, v6  }
0x165: {  	[tilespmem:s20+$0x164C0] =	vst v3;
	v2 =	vmax.f32 v2, $0.0e+00;
	v0 =	vadd.f32 v0, v63  }
0x166: {  	[tilespmem:s20+$0x164D0] =	vst v2;
	v1 =	vmax.f32 v1, $0.0e+00  }
0x167: {  	[tilespmem:s20+$0x164E0] =	vst v1;
	v0 =	vmax.f32 v0, $0.0e+00  }
0x168: {  	[tilespmem:s20+$0x164F0] =	vst v0  }
0x169: {  	_ =	swait.ge [sflag:s23], $0x80  }
0x16a: {  	[sflag:s23] =	ssyncset.done $0x0  }
.Ltmp11:
0x16b: {  	s15 =	simm.s32 $0x13C00;
	[sflag:s23] =	ssyncadd.s32 $0xFFFFFF80;
	(pc) =	sbr.rel .LBB2_16-.Ltmp11, $4  }
0x16c: {  	[spmem:s1] =	stream.indirect.scatter.add.f32 [tilespmem:s21], [sflag:$0xD], $0x80, s15, s0, $0xb8;
	[tilespmem:$0x1DC80] =	vst v63  }
0x16d: {  	_ =	swait.ge [sflag:s25], $0x2800  }
0x16e: {  	[sflag:s25] =	ssyncset.done $0x0  }
0x16f: {  	[sflag:s25] =	ssyncadd.s32 $0xFFFFD800  }
.LBB2_18:
0x170: {  	_ =	sfence.sel $0x180000  }
0x171: {  	[bflag:$0x0] =	sbarrier.arrive $0xFFFF  }
0x172: {  	_ =	strace $0x9000004A  }
0x173: {  	s0 =	stileid.u32;
	[bflag:$0x2] =	sbarrier.arrive $0xFFFF  }
0x174: {  	p0 =	sne.s32 s0, $0x0;
	s0 =	rddreg [dreg:$0x3]  }
0x175: {  	s0 =	sadd.s32 @!p0 $0x100000, s0  }
0x176: {  	[sflag:s0] =	ssyncadd.tile.s32 @!p0 $0x1;
	_ =	shalt  }
.Lfunc_end2:
_tile_overlayer_lowered:
.L_overlay_start_2:
0x177: {  	(tag) =	ssettag $0x2  }
0x178: {  	s0 =	rddreg [dreg:$0x0];
	s2 =	stileid.u32  }
0x179: {  	s1 =	rddreg [dreg:$0x1];
	p0 =	sne.s32 s2, $0x0  }
0x17a: {  	s3 =	rddreg [dreg:$0x2];
	[bflag:$0x3] =	sbarrier.arrive $0xFFFF;
	s2 =	simm.s32 @!p0 $0x1C0D  }
0x17b: {  	[timem:s3], [sflag:s2] =	dma.local @!p0 [hbm:s0], s1  }
0x17c: {  	s0 =	simm.s32 @!p0 $0xD  }
0x17d: {  	_ =	swait.ge @!p0 [sflag:s0], s1  }
0x17e: {  	s1 =	ssub.s32 @!p0 $0x0, s1;
	[sflag:s0] =	ssyncset.done @!p0 $0x0  }
0x17f: {  	[sflag:s0] =	ssyncadd.s32 @!p0 s1  }
0x180: {  	[bflag:$0x3] =	sbarrier.arrive $0xFFFF  }
0x181: {  	_ =	shalt  }

// kernel: kernel.17.cloned.1.call-start
scs
__scs_entry_jumppad:
0x0: {  	(pc) =	sbr.rel $0x88, $3  }
0x1: {  	(tag) =	ssettag $0x0;
	lr =	simm.s32 $0x1  }
0x2: {  	[smem:$0x3F8D] =	sst lr;
	_ =	strace $0xD0000000  }
0x3: {  	_ = 	snop  }
0x4: {  	_ = 	snop  }
0x5: {  	_ = 	snop  }
0x6: {  	_ = 	snop  }
0x7: {  	_ = 	snop  }
__scs_overlays_trampoline_lowered:
0x8: {  	[smem:$0x3F9C] =	sst s0  }
0x9: {  	[smem:$0x3F9D] =	sst s1  }
0xa: {  	[smem:$0x3F9E] =	sst s2  }
0xb: {  	[smem:$0x3F9F] =	sst s3  }
0xc: {  	[smem:$0x3FA0] =	sst s4  }
0xd: {  	[smem:$0x3FA1] =	sst s5  }
0xe: {  	[smem:$0x3FA2] =	sst s6  }
0xf: {  	[smem:$0x3FA3] =	sst s7  }
0x10: {  	[smem:$0x3FA4] =	sst s8  }
0x11: {  	[smem:$0x3FA5] =	sst s9;
	s0 =	simm.s32 @!p0 $0x0  }
0x12: {  	s1 =	sld [smem:$0x3F8B];
	s0 =	simm.s32 @p0 $0x1  }
0x13: {  	[smem:$0x3FA6] =	sst s0;
	s0 =	simm.s32 @!p1 $0x0  }
0x14: {  	s2 =	sld [smem:$0x3F8A];
	s0 =	simm.s32 @p1 $0x1  }
0x15: {  	[smem:$0x3FA7] =	sst s0;
	s0 =	simm.s32 @!p2 $0x0  }
0x16: {  	s3 =	sld [smem:$0x3FDB];
	s0 =	simm.s32 @p2 $0x1  }
0x17: {  	s4 =	simm.s32 $0x1BF5;
	[smem:$0x3FA9] =	sst s0  }
0x18: {  	s0 =	sld [smem:$0x3F8C];
	_ =	swait.ge [sflag:s4], $0x0  }
0x19: {  	s7 =	sld [smem:$0x3F8D]  }
0x1a: {  	s8 =	sadd.s32 $0xFFFFE003, lr  }
0x1b: {  	s9 =	sadd.s32 $0xFFFFFEF7, lr;
	s5 =	simm.s32 $0xFFFFFFFF;
	p2 =	slt.u32 s8, $0xFFFFF086  }
0x1c: {  	p1 =	slt.u32 s9, $0xF7A;
	s5 =	simm.s32 @!p2 $0x0  }
0x1d: {  	s5 =	simm.s32 @p1 $0x1;
	p0 =	seq.s32 s7, s2  }
0x1e: {  	s7 =	smul.u32 @!p0 $0xF7A, s2;
	p2 =	seq.s32 @!p0 s5, $0x0  }
0x1f: {  	s9 =	smul.u32 $0xF7A, s1;
	s8 =	simm.s32 @!p0 $0x1BF5;
	p2 =	por !p2, p0  }
0x20: {  	[sflag:s8] =	ssyncset.s32 @!p0 $0xFFFFF086;
	s6 =	sadd.s32 @!p0 s3, s7;
	s7 =	simm.s32 @!p0 $0x108  }
0x21: {  	s3 =	sadd.s32 s3, s9;
	s6 =	sadd.s32 @!p0 $0x88, s6;
	s7 =	simm.s32 @p2 $0x1082  }
0x22: {  	[simem:s7], [sflag:s8] =	dma.local @!p0 [hbm:s6], $0xF7A  }
0x23: {  	s9 =	sor.u32 $0xD0000000, s2;
	s6 =	simm.s32 $0x108;
	_ =	swait.ge @!p0 [sflag:s8], $0x0  }
0x24: {  	s3 =	sadd.s32 $0x88, s3;
	s6 =	simm.s32 @!p1 $0x1082;
	[sflag:s4] =	ssyncset.s32 $0xFFFFF086  }
0x25: {  	[simem:s6], [sflag:s4] =	dma.local [hbm:s3], $0xF7A  }
0x26: {  	[smem:$0x3F8D] =	sst s1;
	(tag) =	ssettag s2;
	_ =	strace s9  }
0x27: {  	s1 =	sld [smem:$0x3F9D]  }
0x28: {  	s2 =	sld [smem:$0x3F9E]  }
0x29: {  	s4 =	sld [smem:$0x3FA0]  }
0x2a: {  	p0 =	seq.s32 s5, $0x0;
	s5 =	sld [smem:$0x3FA1]  }
0x2b: {  	s6 =	sld [smem:$0x3FA2]  }
0x2c: {  	s7 =	sld [smem:$0x3FA3]  }
0x2d: {  	s3 =	simm.s32 $0x108;
	s8 =	sld [smem:$0x3FA4]  }
0x2e: {  	s3 =	simm.s32 @!p0 $0x1082;
	s9 =	sld [smem:$0x3FA5]  }
0x2f: {  	lr =	sadd.s32 s0, s3;
	s0 =	sld [smem:$0x3F9C]  }
0x30: {  	s3 =	sld [smem:$0x3F9F]  }
0x31: {  	[smem:$0x3FA8] =	sst s10  }
0x32: {  	s10 =	sld [smem:$0x3FA6];
	_ =	sdelay $0x3  }
0x33: {  	p0 =	seq.s32 s10, $0x1;
	s10 =	sld [smem:$0x3FA8];
	_ =	sdelay $0x3  }
0x34: {  	[smem:$0x3FA8] =	sst s10  }
0x35: {  	s10 =	sld [smem:$0x3FA7];
	_ =	sdelay $0x3  }
0x36: {  	p1 =	seq.s32 s10, $0x1;
	s10 =	sld [smem:$0x3FA8];
	_ =	sdelay $0x3  }
0x37: {  	[smem:$0x3FA8] =	sst s10  }
0x38: {  	s10 =	sld [smem:$0x3FA9]  }
0x39: {  	_ = 	snop;
	(pc) =	sbr.ind lr, $3  }
0x3a: {  	_ = 	snop  }
0x3b: {  	_ = 	snop  }
0x3c: {  	p2 =	seq.s32 s10, $0x1;
	s10 =	sld [smem:$0x3FA8]  }
0x3d: {  	_ =	shalt  }
0x3e: {  	_ =	shalt  }
0x3f: {  	_ =	shalt  }
0x40: {  	_ =	shalt  }
0x41: {  	_ =	shalt  }
0x42: {  	_ =	shalt  }
0x43: {  	_ =	shalt  }
0x44: {  	_ =	shalt  }
0x45: {  	_ =	shalt  }
0x46: {  	_ =	shalt  }
0x47: {  	_ =	shalt  }
0x48: {  	_ =	shalt  }
0x49: {  	_ =	shalt  }
0x4a: {  	_ =	shalt  }
0x4b: {  	_ =	shalt  }
0x4c: {  	_ =	shalt  }
0x4d: {  	_ =	shalt  }
0x4e: {  	_ =	shalt  }
0x4f: {  	_ =	shalt  }
0x50: {  	_ =	shalt  }
0x51: {  	_ =	shalt  }
0x52: {  	_ =	shalt  }
0x53: {  	_ =	shalt  }
0x54: {  	_ =	shalt  }
0x55: {  	_ =	shalt  }
0x56: {  	_ =	shalt  }
0x57: {  	_ =	shalt  }
0x58: {  	_ =	shalt  }
0x59: {  	_ =	shalt  }
0x5a: {  	_ =	shalt  }
0x5b: {  	_ =	shalt  }
0x5c: {  	_ =	shalt  }
0x5d: {  	_ =	shalt  }
0x5e: {  	_ =	shalt  }
0x5f: {  	_ =	shalt  }
0x60: {  	_ =	shalt  }
0x61: {  	_ =	shalt  }
0x62: {  	_ =	shalt  }
0x63: {  	_ =	shalt  }
0x64: {  	_ =	shalt  }
0x65: {  	_ =	shalt  }
0x66: {  	_ =	shalt  }
0x67: {  	_ =	shalt  }
0x68: {  	_ =	shalt  }
0x69: {  	_ =	shalt  }
0x6a: {  	_ =	shalt  }
0x6b: {  	_ =	shalt  }
0x6c: {  	_ =	shalt  }
0x6d: {  	_ =	shalt  }
0x6e: {  	_ =	shalt  }
0x6f: {  	_ =	shalt  }
0x70: {  	_ =	shalt  }
0x71: {  	_ =	shalt  }
0x72: {  	_ =	shalt  }
0x73: {  	_ =	shalt  }
0x74: {  	_ =	shalt  }
0x75: {  	_ =	shalt  }
0x76: {  	_ =	shalt  }
0x77: {  	_ =	shalt  }
0x78: {  	_ =	shalt  }
0x79: {  	_ =	shalt  }
0x7a: {  	_ =	shalt  }
0x7b: {  	_ =	shalt  }
0x7c: {  	_ =	shalt  }
0x7d: {  	_ =	shalt  }
0x7e: {  	_ =	shalt  }
0x7f: {  	_ =	shalt  }
0x80: {  	_ =	shalt  }
0x81: {  	_ =	shalt  }
0x82: {  	_ =	shalt  }
0x83: {  	_ =	shalt  }
0x84: {  	_ =	shalt  }
0x85: {  	_ =	shalt  }
0x86: {  	_ =	shalt  }
0x87: {  	_ =	shalt  }
.Lfunc_end0:
.L_simem_size_0:
called_computation.2_lowered:
.L_overlay_start_0:
0x88: {  	s2 =	sld [smem:$0x3FD9]  }
0x89: {  	s3 =	sld [smem:$0x3FFE];
	_ =	sdelay $0x1  }
0x8a: {  	s1 =	srdreg.scid  }
0x8b: {  	s0 =	sand.u32 $0x1, s1  }
0x8c: {  	s17 =	sshll.u32 s0, $0xA;
	s2 =	sadd.s32 s3, s2  }
0x8d: {  	s2 =	sadd.s32 s2, s17  }
0x8e: {  	[smem:$0x3FB4] =	sst s2  }
0x8f: {  	_ = 	snop  }
0x90: {  	s2 =	sld [smem:$0x3FD0];
	(tm) =	ssettm $0x1  }
0x91: {  	s18 =	sld [smem:$0x3FFB];
	_ =	sdelay $0x3  }
0x92: {  	_ =	strace s18  }
0x93: {  	s3 =	sld [smem:$0x3FFC];
	_ =	sdelay $0x3  }
0x94: {  	_ =	strace s3  }
0x95: {  	s3 =	sld [smem:$0x3FFD];
	_ =	sdelay $0x3  }
0x96: {  	_ =	strace s3  }
0x97: {  	_ =	strace $0x8FFFFFFF  }
0x98: {  	s19 =	sld [smem:$0x3FDB];
	_ =	sdelay $0x1  }
0x99: {  	s4 =	simm.s32 $_scs_section_size  }
0x9a: {  	s5 =	simm.s32 $_size__tile_overlayer_lowered;
	s6 =	simm.s32 $_tile_overlayer_lowered  }
0x9b: {  	s22 =	simm.s32 $0x1BFF;
	s21 =	sshll.u32 s6, $0x1;
	s3 =	sadd.s32 s4, s19  }
0x9c: {  	s7 =	simm.s32 $0x0;
	s20 =	sshll.u32 s5, $0x1;
	s5 =	sadd.s32 s21, s3  }
0x9d: {  	[timem:s7], [sflag:s22] =	dma.local [hbm:s5], s20  }
0x9e: {  	_ =	swait.ge [sflag:s22], s20  }
0x9f: {  	s4 =	ssub.s32 $0x0, s20;
	[sflag:s22] =	ssyncset.done $0x0  }
0xa0: {  	[sflag:s22] =	ssyncadd.s32 s4;
	_ =	sdelay $0x1  }
0xa1: {  	s23 =	simm.s32 $0x1B8B  }
0xa2: {  	_ =	swait.ge [sflag:s23], $0x1  }
0xa3: {  	[sflag:s23] =	ssyncset.done $0x0  }
0xa4: {  	s25 =	simm.s32 $0x1B8E;
	s24 =	sld [smem:$0x3FFE];
	[sflag:s23] =	ssyncadd.s32 $0xFFFFFFFF  }
0xa5: {  	s26 =	simm.s32 $execute0_lowered;
	[smem:$0x3FD2] =	sst s25  }
0xa6: {  	s5 =	sshll.u32 s26, $0x1;
	_ =	strace $0x8000004C;
	[dreg:$0x1] =	wrdreg $0xFFFFFFFF  }
0xa7: {  	s28 =	simm.s32 $_size_execute0_lowered;
	s3 =	sadd.s32 s3, s5;
	[dreg:$0x0] =	wrdreg $0x0  }
0xa8: {  	s5 =	sshll.u32 s28, $0x1;
	[dreg:$0x2] =	wrdreg s3  }
0xa9: {  	[dreg:$0x3] =	wrdreg s5  }
0xaa: {  	[dreg:$0x4] =	wrdreg $0xC0  }
0xab: {  	_ =	task [dreg:s7], $0x5FFFF  }
0xac: {  	[dreg:$0x1] =	wrdreg $0xFFFFFFFF  }
0xad: {  	[dreg:$0x0] =	wrdreg $0x60  }
0xae: {  	[dreg:$0x2] =	wrdreg s24  }
0xaf: {  	[dreg:$0x3] =	wrdreg s2  }
0xb0: {  	[dreg:$0x4] =	wrdreg $0x0  }
0xb1: {  	[dreg:$0x5] =	wrdreg $0x9  }
0xb2: {  	_ =	task.clear_ibuf [dreg:s7], $0x6FFFF;
	_ =	strace $0x9000004C  }
0xb3: {  	s29 =	simm.s32 $0x9;
	_ =	strace $0x8000004E  }
0xb4: {  	_ =	swait.ge [sflag:s29], $0x1  }
0xb5: {  	[sflag:s29] =	ssyncadd.s32 $0xFFFFFFFF  }
0xb6: {  	_ =	strace $0x9000004E  }
0xb7: {  	_ =	sfence  }
0xb8: {  	s30 =	sld [smem:$0x0];
	_ =	sdelay $0x2  }
0xb9: {  	s31 =	sshll.u32 s1, $0xD;
	s1 =	sshrl.u32 s1, $0x2  }
0xba: {  	s3 =	sand.u32 $0x4000, s31;
	s1 =	sadd.s32 s1, s30  }
0xbb: {  	s0 =	sor.u32 s3, s0;
	s1 =	sshll.u32 s1, $0x11  }
0xbc: {  	s0 =	sor.u32 s1, s0  }
0xbd: {  	s0 =	sadd.s32 $0x8F2B, s0  }
0xbe: {  	[sflag:s0] =	ssyncadd.remote.s32 $0x1  }
0xbf: {  	_ =	sfence.sel $0xFFFF  }
0xc0: {  	[dreg:$0x0] =	wrdreg $0xFFFFFFFF;
	(pc) =	sbr.abs _section_cstart, $3  }
0xc1: {  	[dreg:$0x1] =	wrdreg $0xFFFFFFFF  }
0xc2: {  	_ =	task.clear_ibuf [dreg:s7], $0x2FFFF;
	_ =	strace $0x9FFFFFFF  }
0xc3: {  	(tm) =	ssettm $0x7FFFFFFF  }
tec
execute0_lowered:
.L_overlay_start_1:
0x0: {  	(tag) =	ssettag $0x1  }
0x1: {  	s0 =	rddreg [dreg:$0x0]  }
0x2: {  	s3 =	rddreg [dreg:$0x1]  }
0x3: {  	s1 =	rddreg [dreg:$0x2];
	s2 =	simm.s32 $0x0;
	s7 =	srdreg.scid  }
0x4: {  	s16 =	stileid.u32;
	s28 =	simm.s32 $0x13A80;
	s31 =	simm.s32 $0x5  }
0x5: {  	[smem:$0x7FF] =	sst s2;
	s4 =	sadd.s32 $0x23A00, s0;
	s5 =	sadd.s32 $0x98E00, s0  }
0x6: {  	s6 =	sadd.s32 $0x3A00, s0;
	s8 =	sand.u32 $0x1, s7;
	s10 =	smul.u32 $0x4E000, s16  }
0x7: {  	s7 =	sadd.s32 $0x13A00, s0;
	s12 =	sshll.u32 s16, $0x1;
	s15 =	smul.u32 $0x13800, s16  }
0x8: {  	s0 =	sadd.s32 $0x4AC00, s0;
	s13 =	sshll.u32 s16, $0x6;
	s2 =	sadd.s32 $0x138000, s1  }
0x9: {  	p0 =	sne.s32 s16, $0xF;
	_ =	strace $0x8000004D;
	s9 =	ssub.s32 $0x2, s8  }
0xa: {  	s26 =	sor.u32 s8, s12;
	s20 =	sor.u32 $0x1C0D, s13;
	[dreg:$0x7] =	wrdreg s2  }
0xb: {  	s8 =	smul.u32 $0x138800, s8;
	s2 =	simm.s32 $0x0;
	s11 =	sshrl.u32 s9, $0x1  }
0xc: {  	s10 =	sshrl.u32 s10, $0x2;
	s29 =	sshrl.u32 s15, $0x3;
	s13 =	smul.u32 $0x2710, s26  }
0xd: {  	s14 =	sshll.u32 s26, $0xE;
	s12 =	sshll.u32 s26, $0xB;
	s17 =	smul.u32 $0x27100, s26  }
0xe: {  	[dreg:$0x6] =	wrdreg s20;
	s9 =	ssub.s32 s9, s11;
	s10 =	sadd.s32 s10, s1  }
0xf: {  	s30 =	sadd.s32 s3, s29;
	s3 =	sadd.s32 $0x27000, s3;
	[dreg:$0x4] =	wrdreg s10  }
0x10: {  	s18 =	sadd.s32 s6, s12;
	s19 =	sor.u32 $0x10, s12;
	[dreg:$0x5] =	wrdreg s30  }
0x11: {  	s24 =	sadd.s32 s15, s8;
	s8 =	sshrl.u32 s8, $0x3;
	[dreg:$0x8] =	wrdreg s3  }
0x12: {  	s11 =	simm.s32 $0x9;
	[dreg:$0x9] =	wrdreg s18;
	s3 =	sadd.s32 s7, s12  }
0x13: {  	s21 =	sadd.s32 s6, s19;
	s22 =	sadd.s32 s7, s19;
	s23 =	sadd.s32 s5, s17  }
0x14: {  	s25 =	sadd.s32 $0x140, s13;
	s8 =	sadd.s32 s0, s8;
	[dreg:$0xa] =	wrdreg s3  }
0x15: {  	s29 =	smax.u32 s9, $0x1;
	s30 =	sadd.s32 $0xF0, s13;
	[dreg:$0xb] =	wrdreg s21  }
0x16: {  	s9 =	simm.s32 $0x3;
	s12 =	simm.s32 $0xE;
	[dreg:$0xc] =	wrdreg s22  }
0x17: {  	s17 =	simm.s32 $0x2;
	s18 =	simm.s32 $0x4;
	[dreg:$0xd] =	wrdreg s23  }
0x18: {  	s19 =	simm.s32 $0xA;
	s10 =	simm.s32 $0xB;
	[dreg:$0xe] =	wrdreg s25  }
.Ltmp0:
0x19: {  	s3 =	sshrl.u32 s24, $0x3;
	[dreg:$0x11] =	wrdreg s29;
	(pc) =	sbr.rel .LBB2_1-.Ltmp0, $4  }
0x1a: {  	s26 =	sadd.s32 $0x27000, s8;
	[dreg:$0x12] =	wrdreg s30;
	s25 =	simm.s32 $0xD  }
0x1b: {  	s8 =	simm.s32 $0x1;
	s21 =	simm.s32 $0x16480;
	s22 =	simm.s32 $0x8  }
0x1c: {  	s23 =	simm.s32 $0xC;
	s0 =	sadd.s32 s0, s3;
	[dreg:$0x10] =	wrdreg s26  }
0x1d: {  	s3 =	simm.s32 $0x13C80;
	[dreg:$0xf] =	wrdreg s0;
	s0 =	simm.s32 $0x50  }
.LBB2_17:
0x1e: {  	[bflag:$0x0] =	sbarrier.arrive $0xFFFF  }
0x1f: {  	s20 =	rddreg [dreg:$0x6]  }
0x20: {  	s15 =	rddreg [dreg:$0xf]  }
0x21: {  	s2 =	rddreg [dreg:$0x14]  }
0x22: {  	[hbm:s15], [sflag:s20] =	dma.local [spmem:s2], $0x2700  }
0x23: {  	_ =	swait.ge [sflag:s25], $0x2700  }
0x24: {  	[sflag:s25] =	ssyncset.done $0x0;
	s15 =	rddreg [dreg:$0x10]  }
0x25: {  	s2 =	rddreg [dreg:$0x15];
	[sflag:s25] =	ssyncadd.s32 $0xFFFFD900  }
0x26: {  	[hbm:s15], [sflag:s20] =	dma.local @!p0 [spmem:s2], $0x100  }
0x27: {  	s15 =	simm.s32 @!p0 $0xD  }
0x28: {  	_ =	swait.ge @!p0 [sflag:s15], $0x100  }
0x29: {  	s30 =	rddreg [dreg:$0x13]  }
0x2a: {  	s16 =	rddreg [dreg:$0x11];
	s2 =	sadd.s32 $0x1, s30  }
0x2b: {  	p1 =	sne.s32 s2, s16  }
.Ltmp1:
0x2c: {  	_ = 	snop;
	(pc) =	sbr.rel @!p1 .LBB2_18-.Ltmp1, $3  }
0x2d: {  	_ =	sdelay $0x1  }
0x2e: {  	[sflag:s15] =	ssyncset.done @!p0 $0x0  }
0x2f: {  	[sflag:s15] =	ssyncadd.s32 @!p0 $0xFFFFFF00  }
.LBB2_1:
0x30: {  	[dreg:$0x13] =	wrdreg s2  }
0x31: {  	s15 =	rddreg [dreg:$0x4]  }
0x32: {  	s29 =	rddreg [dreg:$0x5];
	s26 =	sshrl.u32 s15, $0x3  }
0x33: {  	[dreg:$0x14] =	wrdreg s26  }
0x34: {  	[spmem:s26], [sflag:s20] =	dma.local [hbm:s29], $0x2700  }
0x35: {  	_ =	swait.ge [sflag:s25], $0x2700  }
0x36: {  	s15 =	rddreg [dreg:$0x7]  }
0x37: {  	[sflag:s25] =	ssyncset.done $0x0;
	s2 =	sshrl.u32 @!p0 s15, $0x3;
	s15 =	rddreg [dreg:$0x8]  }
0x38: {  	[sflag:s25] =	ssyncadd.s32 $0xFFFFD900;
	[dreg:$0x15] =	wrdreg s2  }
0x39: {  	[spmem:s2], [sflag:s20] =	dma.local @!p0 [hbm:s15], $0x100  }
0x3a: {  	s20 =	simm.s32 @!p0 $0xD  }
0x3b: {  	_ =	swait.ge @!p0 [sflag:s20], $0x100  }
0x3c: {  	[sflag:s20] =	ssyncset.done @!p0 $0x0  }
0x3d: {  	[sflag:s20] =	ssyncadd.s32 @!p0 $0xFFFFFF00  }
0x3e: {  	[bflag:$0x0] =	sbarrier.arrive $0xFFFF  }
0x3f: {  	s16 =	simm.s32 $0x13880;
	s20 =	simm.s32 $0x0;
	s2 =	rddreg [dreg:$0x9]  }
0x40: {  	[tilespmem:s16], [sflag:$0x5] =	stream.linear.gather [hbm4b:s2+s20], $0x80, $0x38;
	[tilespmem:$0x1DC80] =	vst v63  }
0x41: {  	s24 =	rddreg [dreg:$0xa]  }
0x42: {  	[tilespmem:s28], [sflag:$0x9] =	stream.linear.gather [hbm4b:s24+s20], $0x80, $0x38;
	[tilespmem:$0x1DC80] =	vst v63  }
0x43: {  	s29 =	simm.s32 $0x13900;
	s26 =	rddreg [dreg:$0xb]  }
0x44: {  	[tilespmem:s29], [sflag:$0x6] =	stream.linear.gather [hbm4b:s26+s20], $0x80, $0x38;
	[tilespmem:$0x1DC80] =	vst v63  }
0x45: {  	s2 =	rddreg [dreg:$0xc];
	s24 =	simm.s32 $0x13B00  }
0x46: {  	[tilespmem:s24], [sflag:$0xA] =	stream.linear.gather [hbm4b:s2+s20], $0x80, $0x38;
	[tilespmem:$0x1DC80] =	vst v63  }
0x47: {  	_ =	swait.ge [sflag:s31], $0x80  }
.Ltmp2:
0x48: {  	[sflag:s31] =	ssyncset.done $0x0;
	(pc) =	sbr.rel .LBB2_2-.Ltmp2, $4  }
0x49: {  	s30 =	simm.s32 $0x0;
	[sflag:s31] =	ssyncadd.s32 $0xFFFFFF80  }
0x4a: {  	[tilespmem:s3], [sflag:$0x1] =	stream.indirect.gather [hbm4b:s4+s0], $0x80, s16, s0, $0xb8;
	[tilespmem:$0x1DC80] =	vst v63  }
0x4b: {  	s29 =	simm.s32 $0x18C80;
	s2 =	simm.s32 $0x13880;
	s26 =	rddreg [dreg:$0xd]  }
0x4c: {  	[tilespmem:s29], [sflag:$0x3] =	stream.linear.gather [hbm4b:s26+s20], $0x2800, $0x38;
	[tilespmem:$0x1DC80] =	vst v63  }
.LBB2_16:
0x4d: {  	s30 =	sadd.s32 $0x1, s30  }
0x4e: {  	p1 =	sne.s32 s30, $0x20  }
.Ltmp3:
0x4f: {  	_ = 	snop;
	(pc) =	sbr.rel @!p1 .LBB2_17-.Ltmp3, $1  }
0x50: {  	_ =	sdelay $0x3  }
.LBB2_2:
0x51: {  	s20 =	sshll.u32 s30, $0x2  }
0x52: {  	s29 =	sor.u32 $0x2, s20  }
0x53: {  	p1 =	sgt.u32 s29, $0x7C  }
0x54: {  	s24 =	sshll.u32 @!p1 s29, $0x7;
	s15 =	sshll.u32 @!p1 s30, $0x9  }
0x55: {  	s24 =	sand.u32 @!p1 $0x300, s24;
	s15 =	sand.u32 @!p1 $0x3C00, s15  }
0x56: {  	s15 =	sor.u32 @!p1 s24, s15  }
0x57: {  	s15 =	sor.u32 @!p1 s14, s15  }
0x58: {  	s15 =	sshrl.u32 @!p1 s15, $0x3  }
0x59: {  	s16 =	simm.s32 @!p1 $0x0;
	s26 =	simm.s32 @!p1 $0x13980;
	s24 =	sadd.s32 @!p1 s6, s15  }
0x5a: {  	[tilespmem:s26], [sflag:$0x7] =	stream.linear.gather @!p1 [hbm4b:s24+s16], $0x80, $0x38;
	[tilespmem:$0x1DC80] =	vst v63  }
0x5b: {  	s15 =	sadd.s32 @!p1 s7, s15;
	s24 =	simm.s32 @!p1 $0x13B80  }
0x5c: {  	[tilespmem:s24], [sflag:$0xB] =	stream.linear.gather @!p1 [hbm4b:s15+s16], $0x80, $0x38;
	[tilespmem:$0x1DC80] =	vst v63  }
0x5d: {  	_ =	swait.ge [sflag:s8], $0x2800  }
0x5e: {  	[sflag:s8] =	ssyncset.done $0x0  }
0x5f: {  	[sflag:s8] =	ssyncadd.s32 $0xFFFFD800  }
0x60: {  	s15 =	sor.u32 $0x1, s20;
	_ =	swait.ge [sflag:s9], $0x2800  }
0x61: {  	p2 =	sgt.u32 s15, $0x7C;
	[sflag:s9] =	ssyncset.done $0x0  }
0x62: {  	s16 =	simm.s32 @!p2 $0x6;
	s15 =	smul.u32 @!p2 $0x50, s15;
	[sflag:s9] =	ssyncadd.s32 $0xFFFFD800  }
0x63: {  	s20 =	simm.s32 @!p2 $0x13900;
	_ =	swait.ge @!p2 [sflag:s16], $0x80  }
0x64: {  	s24 =	simm.s32 @!p2 $0x16480;
	s15 =	sadd.s32 @!p2 s13, s15;
	[sflag:s16] =	ssyncset.done @!p2 $0x0  }
0x65: {  	s15 =	sshll.u32 @!p2 s15, $0x4;
	[sflag:s16] =	ssyncadd.s32 @!p2 $0xFFFFFF80;
	s16 =	simm.s32 @!p2 $0x50  }
0x66: {  	[tilespmem:s24], [sflag:$0x2] =	stream.indirect.gather @!p2 [hbm4b:s4+s16], $0x80, s20, s16, $0xb8;
	[tilespmem:$0x1DC80] =	vst v63  }
0x67: {  	s15 =	sadd.s32 @!p2 s5, s15;
	s16 =	simm.s32 @!p2 $0x0;
	s20 =	simm.s32 @!p2 $0x1B480  }
0x68: {  	[tilespmem:s20], [sflag:$0x4] =	stream.linear.gather @!p2 [hbm4b:s15+s16], $0x2800, $0x38;
	[tilespmem:$0x1DC80] =	vst v63  }
0x69: {  	s20 =	simm.s32 $0x0  }
0x6a: {  	v6 =	vld [tilespmem:s20+$0x18C80]  }
0x6b: {  	v11 =	vld [tilespmem:s20+$0x18C90]  }
0x6c: {  	v5 =	vld [tilespmem:s20+$0x18CA0]  }
0x6d: {  	v4 =	vld [tilespmem:s20+$0x18CB0]  }
0x6e: {  	v3 =	vld [tilespmem:s20+$0x18CC0]  }
0x6f: {  	v2 =	vld [tilespmem:s20+$0x18CD0]  }
0x70: {  	v1 =	vld [tilespmem:s20+$0x18CE0]  }
0x71: {  	v0 =	vld [tilespmem:s20+$0x18CF0]  }
0x72: {  	v12 =	vld [tilespmem:s20+$0x13C80]  }
0x73: {  	v13 =	vld [tilespmem:s20+$0x13C90]  }
0x74: {  	v10 =	vld [tilespmem:s20+$0x13CA0]  }
0x75: {  	v9 =	vld [tilespmem:s20+$0x13CB0]  }
0x76: {  	v8 =	vld [tilespmem:s20+$0x13CC0]  }
0x77: {  	v7 =	vld [tilespmem:s20+$0x13CD0];
	v12 =	vadd.f32 v6, v12  }
0x78: {  	s24 =	simm.s32 $0x200;
	v11 =	vadd.f32 v11, v13;
	v6 =	vld [tilespmem:s20+$0x13CE0]  }
.LBB2_3:
0x79: {  	s15 =	sshra.s32 s24, $0x2;
	p3 =	sne.s32 s24, $0x9E00;
	v12 =	vmax.f32 v12, $0.0e+00;
	v5 =	vadd.f32 v5, v10;
	v10 =	vld [tilespmem:s20+$0x13CF0]  }
0x7a: {  	v13 =	vld [tilespmem:s15+$0x18C80];
	[tilespmem:s20+$0x13C80] =	vst v12;
	v11 =	vmax.f32 v11, $0.0e+00;
	v4 =	vadd.f32 v4, v9  }
0x7b: {  	v14 =	vld [tilespmem:s15+$0x18C90];
	[tilespmem:s20+$0x13C90] =	vst v11;
	v9 =	vmax.f32 v5, $0.0e+00;
	v3 =	vadd.f32 v3, v8  }
0x7c: {  	v5 =	vld [tilespmem:s15+$0x18CA0];
	[tilespmem:s20+$0x13CA0] =	vst v9;
	v8 =	vmax.f32 v4, $0.0e+00;
	v2 =	vadd.f32 v2, v7  }
0x7d: {  	v4 =	vld [tilespmem:s15+$0x18CB0];
	[tilespmem:s20+$0x13CB0] =	vst v8;
	v7 =	vmax.f32 v3, $0.0e+00;
	v1 =	vadd.f32 v1, v6  }
0x7e: {  	v3 =	vld [tilespmem:s15+$0x18CC0];
	[tilespmem:s20+$0x13CC0] =	vst v7;
	v6 =	vmax.f32 v2, $0.0e+00;
	v0 =	vadd.f32 v0, v10  }
0x7f: {  	v2 =	vld [tilespmem:s15+$0x18CD0];
	[tilespmem:s20+$0x13CD0] =	vst v6;
	v6 =	vmax.f32 v1, $0.0e+00  }
0x80: {  	v1 =	vld [tilespmem:s15+$0x18CE0];
	[tilespmem:s20+$0x13CE0] =	vst v6;
	v6 =	vmax.f32 v0, $0.0e+00  }
0x81: {  	v0 =	vld [tilespmem:s15+$0x18CF0];
	[tilespmem:s20+$0x13CF0] =	vst v6;
	s20 =	smov.u32 s15  }
0x82: {  	v6 =	vld [tilespmem:s20+$0x13C80]  }
0x83: {  	v11 =	vld [tilespmem:s20+$0x13C90]  }
.Ltmp4:
0x84: {  	v10 =	vld [tilespmem:s20+$0x13CA0];
	(pc) =	sbr.rel @p3 .LBB2_3-.Ltmp4, $4  }
0x85: {  	v9 =	vld [tilespmem:s20+$0x13CB0]  }
0x86: {  	v8 =	vld [tilespmem:s20+$0x13CC0]  }
0x87: {  	v12 =	vadd.f32 v13, v6;
	v7 =	vld [tilespmem:s20+$0x13CD0]  }
0x88: {  	s24 =	sadd.s32 $0x200, s24;
	v11 =	vadd.f32 v14, v11;
	v6 =	vld [tilespmem:s20+$0x13CE0]  }
0x89: {  	v12 =	vmax.f32 v12, $0.0e+00;
	v5 =	vadd.f32 v5, v10;
	v63 =	vld [tilespmem:s20+$0x13CF0]  }
0x8a: {  	[tilespmem:s20+$0x13C80] =	vst v12;
	v11 =	vmax.f32 v11, $0.0e+00;
	v4 =	vadd.f32 v4, v9  }
0x8b: {  	[tilespmem:s20+$0x13C90] =	vst v11;
	v5 =	vmax.f32 v5, $0.0e+00;
	v3 =	vadd.f32 v3, v8  }
0x8c: {  	[tilespmem:s20+$0x13CA0] =	vst v5;
	v4 =	vmax.f32 v4, $0.0e+00;
	v2 =	vadd.f32 v2, v7  }
0x8d: {  	[tilespmem:s20+$0x13CB0] =	vst v4;
	v3 =	vmax.f32 v3, $0.0e+00;
	v1 =	vadd.f32 v1, v6  }
0x8e: {  	[tilespmem:s20+$0x13CC0] =	vst v3;
	v2 =	vmax.f32 v2, $0.0e+00;
	v0 =	vadd.f32 v0, v63  }
0x8f: {  	[tilespmem:s20+$0x13CD0] =	vst v2;
	v1 =	vmax.f32 v1, $0.0e+00  }
0x90: {  	[tilespmem:s20+$0x13CE0] =	vst v1;
	v0 =	vmax.f32 v0, $0.0e+00  }
0x91: {  	[tilespmem:s20+$0x13CF0] =	vst v0  }
0x92: {  	_ =	swait.ge [sflag:s11], $0x80  }
0x93: {  	[sflag:s11] =	ssyncset.done $0x0  }
.Ltmp5:
0x94: {  	[sflag:s11] =	ssyncadd.s32 $0xFFFFFF80;
	(pc) =	sbr.rel @p2 .LBB2_8-.Ltmp5, $4  }
0x95: {  	[spmem:s1] =	stream.indirect.scatter.add.f32 [tilespmem:s3], [sflag:$0xE], $0x80, s28, s0, $0xb8;
	[tilespmem:$0x1DC80] =	vst v63  }
0x96: {  	_ =	swait.ge [sflag:s12], $0x2800  }
0x97: {  	[sflag:s12] =	ssyncset.done $0x0  }
0x98: {  	s20 =	sshll.u32 s30, $0x9;
	[sflag:s12] =	ssyncadd.s32 $0xFFFFD800  }
0x99: {  	s15 =	sand.u32 $0x3E00, s20  }
0x9a: {  	s15 =	sor.u32 s14, s15  }
0x9b: {  	s15 =	sshrl.u32 s15, $0x3  }
0x9c: {  	s15 =	sor.u32 $0x30, s15  }
0x9d: {  	s24 =	simm.s32 $0x0;
	s26 =	simm.s32 $0x13A00;
	s16 =	sadd.s32 s6, s15  }
0x9e: {  	[tilespmem:s26], [sflag:$0x8] =	stream.linear.gather [hbm4b:s16+s24], $0x80, $0x38;
	[tilespmem:$0x1DC80] =	vst v63  }
0x9f: {  	s15 =	sadd.s32 s7, s15;
	s26 =	simm.s32 $0x13C00  }
0xa0: {  	[tilespmem:s26], [sflag:$0xC] =	stream.linear.gather [hbm4b:s15+s24], $0x80, $0x38;
	[tilespmem:$0x1DC80] =	vst v63  }
0xa1: {  	_ =	swait.ge [sflag:s17], $0x2800  }
0xa2: {  	[sflag:s17] =	ssyncset.done $0x0  }
0xa3: {  	[sflag:s17] =	ssyncadd.s32 $0xFFFFD800  }
0xa4: {  	_ =	swait.ge [sflag:s18], $0x2800  }
0xa5: {  	[sflag:s18] =	ssyncset.done $0x0  }
0xa6: {  	s15 =	simm.s32 @!p1 $0x7;
	[sflag:s18] =	ssyncadd.s32 $0xFFFFD800  }
0xa7: {  	_ =	swait.ge @!p1 [sflag:s15], $0x80  }
0xa8: {  	s16 =	simm.s32 @!p1 $0x13980;
	s24 =	simm.s32 @!p1 $0x13C80;
	[sflag:s15] =	ssyncset.done @!p1 $0x0  }
0xa9: {  	s26 =	smul.u32 @!p1 $0x50, s29;
	[sflag:s15] =	ssyncadd.s32 @!p1 $0xFFFFFF80;
	s15 =	simm.s32 @!p1 $0x50  }
0xaa: {  	[tilespmem:s24], [sflag:$0x1] =	stream.indirect.gather @!p1 [hbm4b:s4+s15], $0x80, s16, s15, $0xb8;
	[tilespmem:$0x1DC80] =	vst v63  }
0xab: {  	s15 =	sadd.s32 @!p1 s13, s26  }
0xac: {  	s29 =	simm.s32 $0x0;
	s15 =	sshll.u32 @!p1 s15, $0x4  }
0xad: {  	s16 =	simm.s32 @!p1 $0x0;
	s24 =	simm.s32 @!p1 $0x18C80;
	s15 =	sadd.s32 @!p1 s5, s15  }
0xae: {  	[tilespmem:s24], [sflag:$0x3] =	stream.linear.gather @!p1 [hbm4b:s15+s16], $0x2800, $0x38;
	[tilespmem:$0x1DC80] =	vst v63  }
0xaf: {  	v6 =	vld [tilespmem:s29+$0x1B480]  }
0xb0: {  	v11 =	vld [tilespmem:s29+$0x1B490]  }
0xb1: {  	v5 =	vld [tilespmem:s29+$0x1B4A0]  }
0xb2: {  	v4 =	vld [tilespmem:s29+$0x1B4B0]  }
0xb3: {  	v3 =	vld [tilespmem:s29+$0x1B4C0]  }
0xb4: {  	v2 =	vld [tilespmem:s29+$0x1B4D0]  }
0xb5: {  	v1 =	vld [tilespmem:s29+$0x1B4E0]  }
0xb6: {  	v0 =	vld [tilespmem:s29+$0x1B4F0]  }
0xb7: {  	v12 =	vld [tilespmem:s29+$0x16480]  }
0xb8: {  	v13 =	vld [tilespmem:s29+$0x16490]  }
0xb9: {  	v10 =	vld [tilespmem:s29+$0x164A0]  }
0xba: {  	v9 =	vld [tilespmem:s29+$0x164B0]  }
0xbb: {  	v8 =	vld [tilespmem:s29+$0x164C0]  }
0xbc: {  	v7 =	vld [tilespmem:s29+$0x164D0];
	v12 =	vadd.f32 v6, v12  }
0xbd: {  	s24 =	simm.s32 $0x200;
	v11 =	vadd.f32 v11, v13;
	v6 =	vld [tilespmem:s29+$0x164E0]  }
.LBB2_6:
0xbe: {  	s15 =	sshra.s32 s24, $0x2;
	p2 =	sne.s32 s24, $0x9E00;
	v12 =	vmax.f32 v12, $0.0e+00;
	v5 =	vadd.f32 v5, v10;
	v10 =	vld [tilespmem:s29+$0x164F0]  }
0xbf: {  	v13 =	vld [tilespmem:s15+$0x1B480];
	[tilespmem:s29+$0x16480] =	vst v12;
	v11 =	vmax.f32 v11, $0.0e+00;
	v4 =	vadd.f32 v4, v9  }
0xc0: {  	v14 =	vld [tilespmem:s15+$0x1B490];
	[tilespmem:s29+$0x16490] =	vst v11;
	v9 =	vmax.f32 v5, $0.0e+00;
	v3 =	vadd.f32 v3, v8  }
0xc1: {  	v5 =	vld [tilespmem:s15+$0x1B4A0];
	[tilespmem:s29+$0x164A0] =	vst v9;
	v8 =	vmax.f32 v4, $0.0e+00;
	v2 =	vadd.f32 v2, v7  }
0xc2: {  	v4 =	vld [tilespmem:s15+$0x1B4B0];
	[tilespmem:s29+$0x164B0] =	vst v8;
	v7 =	vmax.f32 v3, $0.0e+00;
	v1 =	vadd.f32 v1, v6  }
0xc3: {  	v3 =	vld [tilespmem:s15+$0x1B4C0];
	[tilespmem:s29+$0x164C0] =	vst v7;
	v6 =	vmax.f32 v2, $0.0e+00;
	v0 =	vadd.f32 v0, v10  }
0xc4: {  	v2 =	vld [tilespmem:s15+$0x1B4D0];
	[tilespmem:s29+$0x164D0] =	vst v6;
	v6 =	vmax.f32 v1, $0.0e+00  }
0xc5: {  	v1 =	vld [tilespmem:s15+$0x1B4E0];
	[tilespmem:s29+$0x164E0] =	vst v6;
	v6 =	vmax.f32 v0, $0.0e+00  }
0xc6: {  	v0 =	vld [tilespmem:s15+$0x1B4F0];
	[tilespmem:s29+$0x164F0] =	vst v6;
	s29 =	smov.u32 s15  }
0xc7: {  	v6 =	vld [tilespmem:s29+$0x16480]  }
0xc8: {  	v11 =	vld [tilespmem:s29+$0x16490]  }
.Ltmp6:
0xc9: {  	v10 =	vld [tilespmem:s29+$0x164A0];
	(pc) =	sbr.rel @p2 .LBB2_6-.Ltmp6, $4  }
0xca: {  	v9 =	vld [tilespmem:s29+$0x164B0]  }
0xcb: {  	v8 =	vld [tilespmem:s29+$0x164C0]  }
0xcc: {  	v12 =	vadd.f32 v13, v6;
	v7 =	vld [tilespmem:s29+$0x164D0]  }
0xcd: {  	s24 =	sadd.s32 $0x200, s24;
	v11 =	vadd.f32 v14, v11;
	v6 =	vld [tilespmem:s29+$0x164E0]  }
0xce: {  	v12 =	vmax.f32 v12, $0.0e+00;
	v5 =	vadd.f32 v5, v10;
	v63 =	vld [tilespmem:s29+$0x164F0]  }
0xcf: {  	[tilespmem:s29+$0x16480] =	vst v12;
	v11 =	vmax.f32 v11, $0.0e+00;
	v4 =	vadd.f32 v4, v9  }
0xd0: {  	[tilespmem:s29+$0x16490] =	vst v11;
	v5 =	vmax.f32 v5, $0.0e+00;
	v3 =	vadd.f32 v3, v8  }
0xd1: {  	[tilespmem:s29+$0x164A0] =	vst v5;
	v4 =	vmax.f32 v4, $0.0e+00;
	v2 =	vadd.f32 v2, v7  }
0xd2: {  	[tilespmem:s29+$0x164B0] =	vst v4;
	v3 =	vmax.f32 v3, $0.0e+00;
	v1 =	vadd.f32 v1, v6  }
0xd3: {  	[tilespmem:s29+$0x164C0] =	vst v3;
	v2 =	vmax.f32 v2, $0.0e+00;
	v0 =	vadd.f32 v0, v63  }
0xd4: {  	[tilespmem:s29+$0x164D0] =	vst v2;
	v1 =	vmax.f32 v1, $0.0e+00  }
0xd5: {  	[tilespmem:s29+$0x164E0] =	vst v1;
	v0 =	vmax.f32 v0, $0.0e+00  }
0xd6: {  	[tilespmem:s29+$0x164F0] =	vst v0  }
0xd7: {  	_ =	swait.ge [sflag:s19], $0x80  }
0xd8: {  	[sflag:s19] =	ssyncset.done $0x0  }
0xd9: {  	s15 =	simm.s32 $0x13B00;
	[sflag:s19] =	ssyncadd.s32 $0xFFFFFF80  }
0xda: {  	[spmem:s1] =	stream.indirect.scatter.add.f32 [tilespmem:s21], [sflag:$0xE], $0x80, s15, s0, $0xb8;
	[tilespmem:$0x1DC80] =	vst v63  }
0xdb: {  	_ =	swait.ge [sflag:s12], $0x2800  }
0xdc: {  	[sflag:s12] =	ssyncset.done $0x0  }
0xdd: {  	[sflag:s12] =	ssyncadd.s32 $0xFFFFD800  }
.LBB2_8:
.Ltmp7:
0xde: {  	(pc) =	sbr.rel @p1 .LBB2_12-.Ltmp7, $1  }
0xdf: {  	_ =	sdelay $0x3  }
0xe0: {  	s15 =	sadd.s32 $0x200, s20  }
0xe1: {  	s16 =	sand.u32 $0x7C00, s15  }
0xe2: {  	s15 =	sand.u32 $0x200, s15;
	s16 =	sadd.s32 s14, s16  }
0xe3: {  	s15 =	sor.u32 s15, s16  }
0xe4: {  	s15 =	sshrl.u32 s15, $0x3  }
0xe5: {  	s20 =	simm.s32 $0x0;
	s26 =	sadd.s32 s6, s15  }
0xe6: {  	[tilespmem:s2], [sflag:$0x5] =	stream.linear.gather [hbm4b:s26+s20], $0x80, $0x38;
	[tilespmem:$0x1DC80] =	vst v63  }
0xe7: {  	s15 =	sadd.s32 s7, s15  }
0xe8: {  	[tilespmem:s28], [sflag:$0x9] =	stream.linear.gather [hbm4b:s15+s20], $0x80, $0x38;
	[tilespmem:$0x1DC80] =	vst v63  }
0xe9: {  	_ =	swait.ge [sflag:s8], $0x2800  }
0xea: {  	[sflag:s8] =	ssyncset.done $0x0  }
0xeb: {  	[sflag:s8] =	ssyncadd.s32 $0xFFFFD800  }
0xec: {  	_ =	swait.ge [sflag:s9], $0x2800  }
0xed: {  	[sflag:s9] =	ssyncset.done $0x0  }
0xee: {  	[sflag:s9] =	ssyncadd.s32 $0xFFFFD800  }
0xef: {  	s29 =	smul.u32 $0x140, s30;
	_ =	swait.ge [sflag:s22], $0x80  }
0xf0: {  	[sflag:s22] =	ssyncset.done $0x0;
	s26 =	rddreg [dreg:$0x12]  }
0xf1: {  	s24 =	simm.s32 $0x13A00;
	[sflag:s22] =	ssyncadd.s32 $0xFFFFFF80;
	s15 =	sadd.s32 s26, s29  }
0xf2: {  	[tilespmem:s21], [sflag:$0x2] =	stream.indirect.gather [hbm4b:s4+s0], $0x80, s24, s0, $0xb8;
	[tilespmem:$0x1DC80] =	vst v63  }
0xf3: {  	s15 =	sshll.u32 s15, $0x4  }
0xf4: {  	s29 =	simm.s32 $0x1B480;
	s15 =	sadd.s32 s5, s15  }
0xf5: {  	[tilespmem:s29], [sflag:$0x4] =	stream.linear.gather [hbm4b:s15+s20], $0x2800, $0x38;
	[tilespmem:$0x1DC80] =	vst v63  }
0xf6: {  	s20 =	simm.s32 $0x0  }
0xf7: {  	v6 =	vld [tilespmem:s20+$0x18C80]  }
0xf8: {  	v11 =	vld [tilespmem:s20+$0x18C90]  }
0xf9: {  	v5 =	vld [tilespmem:s20+$0x18CA0]  }
0xfa: {  	v4 =	vld [tilespmem:s20+$0x18CB0]  }
0xfb: {  	v3 =	vld [tilespmem:s20+$0x18CC0]  }
0xfc: {  	v2 =	vld [tilespmem:s20+$0x18CD0]  }
0xfd: {  	v1 =	vld [tilespmem:s20+$0x18CE0]  }
0xfe: {  	v0 =	vld [tilespmem:s20+$0x18CF0]  }
0xff: {  	v12 =	vld [tilespmem:s20+$0x13C80]  }
0x100: {  	v13 =	vld [tilespmem:s20+$0x13C90]  }
0x101: {  	v10 =	vld [tilespmem:s20+$0x13CA0]  }
0x102: {  	v9 =	vld [tilespmem:s20+$0x13CB0]  }
0x103: {  	v8 =	vld [tilespmem:s20+$0x13CC0]  }
0x104: {  	v7 =	vld [tilespmem:s20+$0x13CD0];
	v12 =	vadd.f32 v6, v12  }
0x105: {  	s24 =	simm.s32 $0x200;
	v11 =	vadd.f32 v11, v13;
	v6 =	vld [tilespmem:s20+$0x13CE0]  }
.LBB2_10:
0x106: {  	s15 =	sshra.s32 s24, $0x2;
	p1 =	sne.s32 s24, $0x9E00;
	v12 =	vmax.f32 v12, $0.0e+00;
	v5 =	vadd.f32 v5, v10;
	v10 =	vld [tilespmem:s20+$0x13CF0]  }
0x107: {  	v13 =	vld [tilespmem:s15+$0x18C80];
	[tilespmem:s20+$0x13C80] =	vst v12;
	v11 =	vmax.f32 v11, $0.0e+00;
	v4 =	vadd.f32 v4, v9  }
0x108: {  	v14 =	vld [tilespmem:s15+$0x18C90];
	[tilespmem:s20+$0x13C90] =	vst v11;
	v9 =	vmax.f32 v5, $0.0e+00;
	v3 =	vadd.f32 v3, v8  }
0x109: {  	v5 =	vld [tilespmem:s15+$0x18CA0];
	[tilespmem:s20+$0x13CA0] =	vst v9;
	v8 =	vmax.f32 v4, $0.0e+00;
	v2 =	vadd.f32 v2, v7  }
0x10a: {  	v4 =	vld [tilespmem:s15+$0x18CB0];
	[tilespmem:s20+$0x13CB0] =	vst v8;
	v7 =	vmax.f32 v3, $0.0e+00;
	v1 =	vadd.f32 v1, v6  }
0x10b: {  	v3 =	vld [tilespmem:s15+$0x18CC0];
	[tilespmem:s20+$0x13CC0] =	vst v7;
	v6 =	vmax.f32 v2, $0.0e+00;
	v0 =	vadd.f32 v0, v10  }
0x10c: {  	v2 =	vld [tilespmem:s15+$0x18CD0];
	[tilespmem:s20+$0x13CD0] =	vst v6;
	v6 =	vmax.f32 v1, $0.0e+00  }
0x10d: {  	v1 =	vld [tilespmem:s15+$0x18CE0];
	[tilespmem:s20+$0x13CE0] =	vst v6;
	v6 =	vmax.f32 v0, $0.0e+00  }
0x10e: {  	v0 =	vld [tilespmem:s15+$0x18CF0];
	[tilespmem:s20+$0x13CF0] =	vst v6;
	s20 =	smov.u32 s15  }
0x10f: {  	v6 =	vld [tilespmem:s20+$0x13C80]  }
0x110: {  	v11 =	vld [tilespmem:s20+$0x13C90]  }
.Ltmp8:
0x111: {  	v10 =	vld [tilespmem:s20+$0x13CA0];
	(pc) =	sbr.rel @p1 .LBB2_10-.Ltmp8, $4  }
0x112: {  	v9 =	vld [tilespmem:s20+$0x13CB0]  }
0x113: {  	v8 =	vld [tilespmem:s20+$0x13CC0]  }
0x114: {  	v12 =	vadd.f32 v13, v6;
	v7 =	vld [tilespmem:s20+$0x13CD0]  }
0x115: {  	s24 =	sadd.s32 $0x200, s24;
	v11 =	vadd.f32 v14, v11;
	v6 =	vld [tilespmem:s20+$0x13CE0]  }
0x116: {  	v12 =	vmax.f32 v12, $0.0e+00;
	v5 =	vadd.f32 v5, v10;
	v63 =	vld [tilespmem:s20+$0x13CF0]  }
0x117: {  	[tilespmem:s20+$0x13C80] =	vst v12;
	v11 =	vmax.f32 v11, $0.0e+00;
	v4 =	vadd.f32 v4, v9  }
0x118: {  	[tilespmem:s20+$0x13C90] =	vst v11;
	v5 =	vmax.f32 v5, $0.0e+00;
	v3 =	vadd.f32 v3, v8  }
0x119: {  	[tilespmem:s20+$0x13CA0] =	vst v5;
	v4 =	vmax.f32 v4, $0.0e+00;
	v2 =	vadd.f32 v2, v7  }
0x11a: {  	[tilespmem:s20+$0x13CB0] =	vst v4;
	v3 =	vmax.f32 v3, $0.0e+00;
	v1 =	vadd.f32 v1, v6  }
0x11b: {  	[tilespmem:s20+$0x13CC0] =	vst v3;
	v2 =	vmax.f32 v2, $0.0e+00;
	v0 =	vadd.f32 v0, v63  }
0x11c: {  	[tilespmem:s20+$0x13CD0] =	vst v2;
	v1 =	vmax.f32 v1, $0.0e+00  }
0x11d: {  	[tilespmem:s20+$0x13CE0] =	vst v1;
	v0 =	vmax.f32 v0, $0.0e+00  }
0x11e: {  	[tilespmem:s20+$0x13CF0] =	vst v0  }
0x11f: {  	_ =	swait.ge [sflag:s10], $0x80  }
0x120: {  	[sflag:s10] =	ssyncset.done $0x0  }
0x121: {  	s15 =	simm.s32 $0x13B80;
	[sflag:s10] =	ssyncadd.s32 $0xFFFFFF80  }
0x122: {  	[spmem:s1] =	stream.indirect.scatter.add.f32 [tilespmem:s3], [sflag:$0xE], $0x80, s15, s0, $0xb8;
	[tilespmem:$0x1DC80] =	vst v63  }
0x123: {  	_ =	swait.ge [sflag:s12], $0x2800  }
0x124: {  	[sflag:s12] =	ssyncset.done $0x0  }
0x125: {  	[sflag:s12] =	ssyncadd.s32 $0xFFFFD800  }
.LBB2_12:
0x126: {  	p1 =	sgt.u32 s30, $0x1E  }
.Ltmp9:
0x127: {  	_ = 	snop;
	(pc) =	sbr.rel @p1 .LBB2_16-.Ltmp9, $1  }
0x128: {  	_ =	sdelay $0x3  }
0x129: {  	p1 =	seq.s32 s30, $0x1E  }
0x12a: {  	s15 =	sshll.u32 @!p1 s30, $0x9  }
0x12b: {  	s15 =	sadd.s32 @!p1 $0x280, s15  }
0x12c: {  	s16 =	sand.u32 @!p1 $0x7C00, s15  }
0x12d: {  	s15 =	sand.u32 @!p1 $0x280, s15;
	s16 =	sadd.s32 @!p1 s14, s16  }
0x12e: {  	s15 =	sor.u32 @!p1 s15, s16  }
0x12f: {  	s15 =	sshrl.u32 @!p1 s15, $0x3  }
0x130: {  	s20 =	simm.s32 @!p1 $0x0;
	s24 =	simm.s32 @!p1 $0x13900;
	s16 =	sadd.s32 @!p1 s6, s15  }
0x131: {  	[tilespmem:s24], [sflag:$0x6] =	stream.linear.gather @!p1 [hbm4b:s16+s20], $0x80, $0x38;
	[tilespmem:$0x1DC80] =	vst v63  }
0x132: {  	s15 =	sadd.s32 @!p1 s7, s15;
	s16 =	simm.s32 @!p1 $0x13B00  }
0x133: {  	[tilespmem:s16], [sflag:$0xA] =	stream.linear.gather @!p1 [hbm4b:s15+s20], $0x80, $0x38;
	[tilespmem:$0x1DC80] =	vst v63  }
0x134: {  	_ =	swait.ge [sflag:s17], $0x2800  }
0x135: {  	[sflag:s17] =	ssyncset.done $0x0  }
0x136: {  	[sflag:s17] =	ssyncadd.s32 $0xFFFFD800  }
0x137: {  	_ =	swait.ge [sflag:s18], $0x2800  }
0x138: {  	[sflag:s18] =	ssyncset.done $0x0  }
0x139: {  	[sflag:s18] =	ssyncadd.s32 $0xFFFFD800  }
0x13a: {  	s20 =	smul.u32 $0x140, s30;
	_ =	swait.ge [sflag:s31], $0x80  }
0x13b: {  	[sflag:s31] =	ssyncset.done $0x0;
	s24 =	rddreg [dreg:$0xe]  }
0x13c: {  	[sflag:s31] =	ssyncadd.s32 $0xFFFFFF80;
	s15 =	sadd.s32 s20, s24  }
0x13d: {  	[tilespmem:s3], [sflag:$0x1] =	stream.indirect.gather [hbm4b:s4+s0], $0x80, s2, s0, $0xb8;
	[tilespmem:$0x1DC80] =	vst v63  }
0x13e: {  	s26 =	simm.s32 $0x0;
	s15 =	sshll.u32 s15, $0x4  }
0x13f: {  	s29 =	simm.s32 $0x18C80;
	s20 =	simm.s32 $0x0;
	s15 =	sadd.s32 s5, s15  }
0x140: {  	[tilespmem:s29], [sflag:$0x3] =	stream.linear.gather [hbm4b:s15+s26], $0x2800, $0x38;
	[tilespmem:$0x1DC80] =	vst v63  }
0x141: {  	v6 =	vld [tilespmem:s20+$0x1B480]  }
0x142: {  	v11 =	vld [tilespmem:s20+$0x1B490]  }
0x143: {  	v5 =	vld [tilespmem:s20+$0x1B4A0]  }
0x144: {  	v4 =	vld [tilespmem:s20+$0x1B4B0]  }
0x145: {  	v3 =	vld [tilespmem:s20+$0x1B4C0]  }
0x146: {  	v2 =	vld [tilespmem:s20+$0x1B4D0]  }
0x147: {  	v1 =	vld [tilespmem:s20+$0x1B4E0]  }
0x148: {  	v0 =	vld [tilespmem:s20+$0x1B4F0]  }
0x149: {  	v12 =	vld [tilespmem:s20+$0x16480]  }
0x14a: {  	v13 =	vld [tilespmem:s20+$0x16490]  }
0x14b: {  	v10 =	vld [tilespmem:s20+$0x164A0]  }
0x14c: {  	v9 =	vld [tilespmem:s20+$0x164B0]  }
0x14d: {  	v8 =	vld [tilespmem:s20+$0x164C0]  }
0x14e: {  	v7 =	vld [tilespmem:s20+$0x164D0];
	v12 =	vadd.f32 v6, v12  }
0x14f: {  	s24 =	simm.s32 $0x200;
	v11 =	vadd.f32 v11, v13;
	v6 =	vld [tilespmem:s20+$0x164E0]  }
.LBB2_14:
0x150: {  	s15 =	sshra.s32 s24, $0x2;
	p1 =	sne.s32 s24, $0x9E00;
	v12 =	vmax.f32 v12, $0.0e+00;
	v5 =	vadd.f32 v5, v10;
	v10 =	vld [tilespmem:s20+$0x164F0]  }
0x151: {  	v13 =	vld [tilespmem:s15+$0x1B480];
	[tilespmem:s20+$0x16480] =	vst v12;
	v11 =	vmax.f32 v11, $0.0e+00;
	v4 =	vadd.f32 v4, v9  }
0x152: {  	v14 =	vld [tilespmem:s15+$0x1B490];
	[tilespmem:s20+$0x16490] =	vst v11;
	v9 =	vmax.f32 v5, $0.0e+00;
	v3 =	vadd.f32 v3, v8  }
0x153: {  	v5 =	vld [tilespmem:s15+$0x1B4A0];
	[tilespmem:s20+$0x164A0] =	vst v9;
	v8 =	vmax.f32 v4, $0.0e+00;
	v2 =	vadd.f32 v2, v7  }
0x154: {  	v4 =	vld [tilespmem:s15+$0x1B4B0];
	[tilespmem:s20+$0x164B0] =	vst v8;
	v7 =	vmax.f32 v3, $0.0e+00;
	v1 =	vadd.f32 v1, v6  }
0x155: {  	v3 =	vld [tilespmem:s15+$0x1B4C0];
	[tilespmem:s20+$0x164C0] =	vst v7;
	v6 =	vmax.f32 v2, $0.0e+00;
	v0 =	vadd.f32 v0, v10  }
0x156: {  	v2 =	vld [tilespmem:s15+$0x1B4D0];
	[tilespmem:s20+$0x164D0] =	vst v6;
	v6 =	vmax.f32 v1, $0.0e+00  }
0x157: {  	v1 =	vld [tilespmem:s15+$0x1B4E0];
	[tilespmem:s20+$0x164E0] =	vst v6;
	v6 =	vmax.f32 v0, $0.0e+00  }
0x158: {  	v0 =	vld [tilespmem:s15+$0x1B4F0];
	[tilespmem:s20+$0x164F0] =	vst v6;
	s20 =	smov.u32 s15  }
0x159: {  	v6 =	vld [tilespmem:s20+$0x16480]  }
0x15a: {  	v11 =	vld [tilespmem:s20+$0x16490]  }
.Ltmp10:
0x15b: {  	v10 =	vld [tilespmem:s20+$0x164A0];
	(pc) =	sbr.rel @p1 .LBB2_14-.Ltmp10, $4  }
0x15c: {  	v9 =	vld [tilespmem:s20+$0x164B0]  }
0x15d: {  	v8 =	vld [tilespmem:s20+$0x164C0]  }
0x15e: {  	v12 =	vadd.f32 v13, v6;
	v7 =	vld [tilespmem:s20+$0x164D0]  }
0x15f: {  	s24 =	sadd.s32 $0x200, s24;
	v11 =	vadd.f32 v14, v11;
	v6 =	vld [tilespmem:s20+$0x164E0]  }
0x160: {  	v12 =	vmax.f32 v12, $0.0e+00;
	v5 =	vadd.f32 v5, v10;
	v63 =	vld [tilespmem:s20+$0x164F0]  }
0x161: {  	[tilespmem:s20+$0x16480] =	vst v12;
	v11 =	vmax.f32 v11, $0.0e+00;
	v4 =	vadd.f32 v4, v9  }
0x162: {  	[tilespmem:s20+$0x16490] =	vst v11;
	v5 =	vmax.f32 v5, $0.0e+00;
	v3 =	vadd.f32 v3, v8  }
0x163: {  	[tilespmem:s20+$0x164A0] =	vst v5;
	v4 =	vmax.f32 v4, $0.0e+00;
	v2 =	vadd.f32 v2, v7  }
0x164: {  	[tilespmem:s20+$0x164B0] =	vst v4;
	v3 =	vmax.f32 v3, $0.0e+00;
	v1 =	vadd.f32 v1, v6  }
0x165: {  	[tilespmem:s20+$0x164C0] =	vst v3;
	v2 =	vmax.f32 v2, $0.0e+00;
	v0 =	vadd.f32 v0, v63  }
0x166: {  	[tilespmem:s20+$0x164D0] =	vst v2;
	v1 =	vmax.f32 v1, $0.0e+00  }
0x167: {  	[tilespmem:s20+$0x164E0] =	vst v1;
	v0 =	vmax.f32 v0, $0.0e+00  }
0x168: {  	[tilespmem:s20+$0x164F0] =	vst v0  }
0x169: {  	_ =	swait.ge [sflag:s23], $0x80  }
0x16a: {  	[sflag:s23] =	ssyncset.done $0x0  }
.Ltmp11:
0x16b: {  	s15 =	simm.s32 $0x13C00;
	[sflag:s23] =	ssyncadd.s32 $0xFFFFFF80;
	(pc) =	sbr.rel .LBB2_16-.Ltmp11, $4  }
0x16c: {  	[spmem:s1] =	stream.indirect.scatter.add.f32 [tilespmem:s21], [sflag:$0xD], $0x80, s15, s0, $0xb8;
	[tilespmem:$0x1DC80] =	vst v63  }
0x16d: {  	_ =	swait.ge [sflag:s25], $0x2800  }
0x16e: {  	[sflag:s25] =	ssyncset.done $0x0  }
0x16f: {  	[sflag:s25] =	ssyncadd.s32 $0xFFFFD800  }
.LBB2_18:
0x170: {  	_ =	sfence.sel $0x180000  }
0x171: {  	[bflag:$0x0] =	sbarrier.arrive $0xFFFF  }
0x172: {  	_ =	strace $0x9000004D  }
0x173: {  	s0 =	stileid.u32;
	[bflag:$0x2] =	sbarrier.arrive $0xFFFF  }
0x174: {  	p0 =	sne.s32 s0, $0x0;
	s0 =	rddreg [dreg:$0x3]  }
0x175: {  	s0 =	sadd.s32 @!p0 $0x100000, s0  }
0x176: {  	[sflag:s0] =	ssyncadd.tile.s32 @!p0 $0x1;
	_ =	shalt  }
.Lfunc_end2:
_tile_overlayer_lowered:
.L_overlay_start_2:
0x177: {  	(tag) =	ssettag $0x2  }
0x178: {  	s0 =	rddreg [dreg:$0x0];
	s2 =	stileid.u32  }
0x179: {  	s1 =	rddreg [dreg:$0x1];
	p0 =	sne.s32 s2, $0x0  }
0x17a: {  	s3 =	rddreg [dreg:$0x2];
	[bflag:$0x3] =	sbarrier.arrive $0xFFFF;
	s2 =	simm.s32 @!p0 $0x1C0D  }
0x17b: {  	[timem:s3], [sflag:s2] =	dma.local @!p0 [hbm:s0], s1  }
0x17c: {  	s0 =	simm.s32 @!p0 $0xD  }
0x17d: {  	_ =	swait.ge @!p0 [sflag:s0], s1  }
0x17e: {  	s1 =	ssub.s32 @!p0 $0x0, s1;
	[sflag:s0] =	ssyncset.done @!p0 $0x0  }
0x17f: {  	[sflag:s0] =	ssyncadd.s32 @!p0 s1  }
0x180: {  	[bflag:$0x3] =	sbarrier.arrive $0xFFFF  }
0x181: {  	_ =	shalt  }

</sc_bundles>
